<compile_context>
chip_gen: v7x
topology: tpu7x:2x2x1
jax: 0.10.2.dev20260603
libtpu: 0.0.44.dev20260713+nightly
codegen_flags: <defaults>
</compile_context>

<pallas_src>
import functools

import jax
import jax.numpy as jnp
from jax import lax
from jax.experimental import pallas as pl
from jax.experimental.pallas import tpu as pltpu
from jax.experimental.pallas import tpu_sc as plsc

N = 10000
E = 320000
D = 128
NC = 2
NS = 16
NW = NC * NS
CE = 128
NCHUNK = E // CE
KFULL = NCHUNK // NW
NEXTRA = NCHUNK - KFULL * NW
RPT = 624
RPT_LAST = N - RPT * (NS - 1)
LANES = 16
SUB = 64
NR = 3
NG = KFULL // NR
NXT = [(1, 1), (2, 0), (2, 1), (0, 0), (0, 1), (1, 0)]


def _mm_body(x_ref, w_ref, o_ref):
    o_ref[...] = jnp.dot(x_ref[...], w_ref[...],
                         preferred_element_type=jnp.float32)


def _matmul(X, W):
    bm = 2000
    return pl.pallas_call(
        _mm_body,
        grid=(N // bm,),
        in_specs=[
            pl.BlockSpec((bm, D), lambda i: (i, 0)),
            pl.BlockSpec((D, D), lambda i: (0, 0)),
        ],
        out_specs=pl.BlockSpec((bm, D), lambda i: (i, 0)),
        out_shape=jax.ShapeDtypeStruct((N, D), jnp.float32),
    )(X, W)


def _spmm_body(hw_hbm, adj_hbm, vals_hbm, part0_hbm, part1_hbm,
               acc, *bufs):
    rcbufs = bufs[0:NR]
    vbufs = bufs[NR:2 * NR]
    rbufs = bufs[2 * NR:3 * NR]
    gbufs = bufs[3 * NR:4 * NR]
    sbufs = bufs[4 * NR:5 * NR]
    rcsems = bufs[5 * NR:6 * NR]
    vsems = bufs[6 * NR:7 * NR]
    gsems = bufs[7 * NR:8 * NR]
    ssems = bufs[8 * NR:9 * NR]

    c = lax.axis_index("c")
    s = lax.axis_index("s")
    wid = c * NS + s

    def off_of(k):
        return jnp.minimum((k * NW + wid) * CE, E - CE)

    def pf_rc(m, k):
        pltpu.async_copy(adj_hbm.at[pl.ds(0, 2), pl.ds(off_of(k), CE)],
                         rcbufs[m], rcsems[m])

    def pf_vals(m, k):
        pltpu.async_copy(vals_hbm.at[pl.ds(off_of(k), CE)],
                         vbufs[m], vsems[m])

    def wait_rc(m):
        pltpu.make_async_copy(adj_hbm.at[pl.ds(0, 2), pl.ds(0, CE)],
                              rcbufs[m], rcsems[m]).wait()

    def wait_vals(m):
        pltpu.make_async_copy(vals_hbm.at[pl.ds(0, CE)],
                              vbufs[m], vsems[m]).wait()

    def issue_gather(a, m, h):
        pltpu.async_copy(hw_hbm.at[rcbufs[m].at[1, pl.ds(h * SUB, SUB)]],
                         gbufs[a], gsems[a])

    def wait_gather(a):
        pltpu.make_async_copy(hw_hbm.at[rcbufs[0].at[1, pl.ds(0, SUB)]],
                              gbufs[a], gsems[a]).wait()

    def issue_scatter(a):
        pltpu.async_copy(sbufs[a], acc.at[rbufs[a]], ssems[a], add=True)

    def wait_scatter(a):
        pltpu.make_async_copy(sbufs[a], acc.at[rbufs[a]], ssems[a]).wait()

    def copy_rows(a, m, h):
        for t in range(SUB // LANES):
            rbufs[a][pl.ds(LANES * t, LANES)] = (
                rcbufs[m][0, pl.ds(h * SUB + LANES * t, LANES)])

    def scale_rows(a, m, h):
        @plsc.parallel_loop(0, SUB, step=1, unroll=8)
        def _(e):
            v = plsc.load_gather(vbufs[m],
                                 [lax.broadcast(h * SUB + e, (LANES,))])
            for f in range(D // LANES):
                sl = pl.ds(LANES * f, LANES)
                sbufs[a][e, sl] = gbufs[a][e, sl] * v

    for m in range(NR):
        pf_rc(m, m)
        pf_vals(m, m)

    zeros16 = jnp.zeros((LANES,), jnp.float32)

    @plsc.parallel_loop(0, SUB, step=1, unroll=4)
    def _(e):
        for f in range(D // LANES):
            sbufs[0][e, pl.ds(LANES * f, LANES)] = zeros16

    def copy_zero(r0, nr):
        nfull = nr // SUB
        for j in range(nfull):
            pltpu.sync_copy(sbufs[0], acc.at[pl.ds(r0 + j * SUB, SUB)])
        rem = nr - nfull * SUB
        if rem:
            pltpu.sync_copy(sbufs[0].at[pl.ds(0, rem)],
                            acc.at[pl.ds(r0 + nfull * SUB, rem)])

    @pl.when(s < NS - 1)
    def _():
        copy_zero(s * RPT, RPT)

    @pl.when(s == NS - 1)
    def _():
        copy_zero((NS - 1) * RPT, RPT_LAST)

    plsc.subcore_barrier()

    wait_rc(0)
    issue_gather(0, 0, 0)
    issue_gather(1, 0, 1)
    wait_rc(1)
    issue_gather(2, 1, 0)

    def group(g, carry):
        for j in range(6):
            a = j % 3
            m = j // 2
            h = j % 2
            wait_gather(a)
            if j < 3:
                @pl.when(g > 0)
                def _(a=a):
                    wait_scatter(a)
            else:
                wait_scatter(a)
            copy_rows(a, m, h)
            if h == 0:
                wait_vals(m)
            scale_rows(a, m, h)
            issue_scatter(a)
            if h == 1:
                wait_rc(NXT[j][0])
            issue_gather(a, NXT[j][0], NXT[j][1])
            if h == 1:
                pf_rc(m, 3 * g + m + 3)
                pf_vals(m, 3 * g + m + 3)
        return carry

    lax.fori_loop(0, NG, group, 0)

    @pl.when(wid < NEXTRA)
    def _():
        wait_gather(0)
        wait_scatter(0)
        copy_rows(0, 0, 0)
        wait_vals(0)
        scale_rows(0, 0, 0)
        issue_scatter(0)
        wait_gather(1)
        wait_scatter(1)
        copy_rows(1, 0, 1)
        scale_rows(1, 0, 1)
        issue_scatter(1)
        wait_gather(2)
        wait_scatter(2)
        wait_scatter(0)
        wait_scatter(1)
        wait_rc(2)
        wait_vals(1)
        wait_vals(2)

    @pl.when(wid >= NEXTRA)
    def _():
        for a in range(NR):
            wait_gather(a)
            wait_scatter(a)
        wait_rc(2)
        for m in range(NR):
            wait_vals(m)

    plsc.subcore_barrier()

    def write_out(r0, nr):
        @pl.when(c == 0)
        def _():
            pltpu.sync_copy(acc.at[pl.ds(r0, nr)],
                            part0_hbm.at[pl.ds(r0, nr)])

        @pl.when(c == 1)
        def _():
            pltpu.sync_copy(acc.at[pl.ds(r0, nr)],
                            part1_hbm.at[pl.ds(r0, nr)])

    @pl.when(s < NS - 1)
    def _():
        write_out(s * RPT, RPT)

    @pl.when(s == NS - 1)
    def _():
        write_out((NS - 1) * RPT, RPT_LAST)


def _spmm(HW, adj_indices, vals):
    mesh = plsc.VectorSubcoreMesh(core_axis_name="c", subcore_axis_name="s")
    f = functools.partial(
        pl.kernel,
        out_type=(jax.ShapeDtypeStruct((N, D), jnp.float32),
                  jax.ShapeDtypeStruct((N, D), jnp.float32)),
        mesh=mesh,
        compiler_params=pltpu.CompilerParams(needs_layout_passes=False),
        scratch_types=(
            [pltpu.VMEM_SHARED((N, D), jnp.float32)]
            + [pltpu.VMEM((2, CE), jnp.int32)] * NR
            + [pltpu.VMEM((CE,), jnp.float32)] * NR
            + [pltpu.VMEM((SUB,), jnp.int32)] * NR
            + [pltpu.VMEM((SUB, D), jnp.float32)] * NR
            + [pltpu.VMEM((SUB, D), jnp.float32)] * NR
            + [pltpu.SemaphoreType.DMA] * (4 * NR)
        ),
    )(_spmm_body)
    return f(HW, adj_indices, vals)


def _comb_body(p0_ref, p1_ref, b_ref, o_ref):
    o_ref[...] = p0_ref[...] + p1_ref[...] + b_ref[...]


def _combine(p0, p1, b2d):
    bm = 2000
    return pl.pallas_call(
        _comb_body,
        grid=(N // bm,),
        in_specs=[
            pl.BlockSpec((bm, D), lambda i: (i, 0)),
            pl.BlockSpec((bm, D), lambda i: (i, 0)),
            pl.BlockSpec((1, D), lambda i: (0, 0)),
        ],
        out_specs=pl.BlockSpec((bm, D), lambda i: (i, 0)),
        out_shape=jax.ShapeDtypeStruct((N, D), jnp.float32),
    )(p0, p1, b2d)


def kernel(X, adj_indices, adj_values, W, b, mediators):
    HW = _matmul(X, W)
    p0, p1 = _spmm(HW, adj_indices, adj_values)
    return _combine(p0, p1, b.reshape(1, D))

# --- scband reference (transcript-rebuilt; emitter-appended) ---
"""Pipeline reference for scband-hyper-graph-convolution-73598559584819 (READ-ONLY COPY).

The authoritative reference and input builder live on the scoring server;
editing this copy changes nothing except your own understanding.
"""

import jax, jax.numpy as jnp
import numpy as np

N_NODES = 10000
N_EDGES = 320000
D_IN = 128
D_OUT = 128


def setup_inputs(seed: int = 0) -> dict:
    key = jax.random.key(seed)
    k1, k2, k3, k4, k5 = jax.random.split(key, 5)
    X = jax.random.normal(k1, (N_NODES, D_IN), dtype=jnp.float32)
    adj_indices = jax.random.randint(k2, (2, N_EDGES), 0, N_NODES, dtype=jnp.int64 if jax.config.jax_enable_x64 else jnp.int32).astype(jnp.int32)
    adj_values = jax.random.uniform(k3, (N_EDGES,), dtype=jnp.float32)
    std = 1.0 / np.sqrt(D_OUT)
    W = jax.random.uniform(k4, (D_IN, D_OUT), dtype=jnp.float32, minval=-std, maxval=std)
    b = jax.random.uniform(k5, (D_OUT,), dtype=jnp.float32, minval=-std, maxval=std)
    mediators = 0  # unused when reapproximate=False
    return {"X": X, "adj_indices": adj_indices, "adj_values": adj_values, "W": W, "b": b, "mediators": mediators}


def reference(X, adj_indices, adj_values, W, b, mediators=0):
    # HW = X @ weight
    HW = X @ W
    # AX = SparseMM(A, HW): sparse (COO) matmul implemented as gather + scatter-add
    rows = adj_indices[0]
    cols = adj_indices[1]
    gathered = HW[cols] * adj_values[:, None]
    AX = jnp.zeros((X.shape[0], W.shape[1]), dtype=HW.dtype).at[rows].add(gathered)
    return AX + b

if __name__ == "__main__":
    import jax
    _d = setup_inputs()
    print(jax.jit(kernel)(*tuple(_d.values())))

</pallas_src>

<mosaic_0001>
#map = affine_map<(d0, d1) -> (0, 0)>
#map1 = affine_map<(d0, d1) -> (0)>
module attributes {stable_mosaic.version = 14 : i64} {
  func.func @_spmm_body(%arg0: i32, %arg1: i32, %arg2: memref<10000x128xf32, #tpu.memory_space<hbm>>, %arg3: memref<2x320000xi32, #tpu.memory_space<hbm>>, %arg4: memref<320000xf32, #tpu.memory_space<hbm>>, %arg5: memref<10000x128xf32, #tpu.memory_space<hbm>>, %arg6: memref<10000x128xf32, #tpu.memory_space<hbm>>, %arg7: memref<10000x128xf32, #tpu.memory_space<vmem_shared>>, %arg8: memref<2x128xi32, #tpu.memory_space<vmem>>, %arg9: memref<2x128xi32, #tpu.memory_space<vmem>>, %arg10: memref<2x128xi32, #tpu.memory_space<vmem>>, %arg11: memref<128xf32, #tpu.memory_space<vmem>>, %arg12: memref<128xf32, #tpu.memory_space<vmem>>, %arg13: memref<128xf32, #tpu.memory_space<vmem>>, %arg14: memref<64xi32, #tpu.memory_space<vmem>>, %arg15: memref<64xi32, #tpu.memory_space<vmem>>, %arg16: memref<64xi32, #tpu.memory_space<vmem>>, %arg17: memref<64x128xf32, #tpu.memory_space<vmem>>, %arg18: memref<64x128xf32, #tpu.memory_space<vmem>>, %arg19: memref<64x128xf32, #tpu.memory_space<vmem>>, %arg20: memref<64x128xf32, #tpu.memory_space<vmem>>, %arg21: memref<64x128xf32, #tpu.memory_space<vmem>>, %arg22: memref<64x128xf32, #tpu.memory_space<vmem>>, %arg23: memref<!tpu.dma_semaphore, #tpu.memory_space<semaphore_mem>>, %arg24: memref<!tpu.dma_semaphore, #tpu.memory_space<semaphore_mem>>, %arg25: memref<!tpu.dma_semaphore, #tpu.memory_space<semaphore_mem>>, %arg26: memref<!tpu.dma_semaphore, #tpu.memory_space<semaphore_mem>>, %arg27: memref<!tpu.dma_semaphore, #tpu.memory_space<semaphore_mem>>, %arg28: memref<!tpu.dma_semaphore, #tpu.memory_space<semaphore_mem>>, %arg29: memref<!tpu.dma_semaphore, #tpu.memory_space<semaphore_mem>>, %arg30: memref<!tpu.dma_semaphore, #tpu.memory_space<semaphore_mem>>, %arg31: memref<!tpu.dma_semaphore, #tpu.memory_space<semaphore_mem>>, %arg32: memref<!tpu.dma_semaphore, #tpu.memory_space<semaphore_mem>>, %arg33: memref<!tpu.dma_semaphore, #tpu.memory_space<semaphore_mem>>, %arg34: memref<!tpu.dma_semaphore, #tpu.memory_space<semaphore_mem>>) attributes {dimension_semantics = [#tpu.dimension_semantics<core_parallel>, #tpu.dimension_semantics<subcore_parallel>], iteration_bounds = array<i64: 2, 16>, scalar_prefetch = 0 : i64, scratch_operands = 28 : i64, tpu.core_type = #tpu.core_type<sc_vector_subcore>, window_params = [{transform_indices = #map}, {transform_indices = #map}, {transform_indices = #map1}, {transform_indices = #map}, {transform_indices = #map}]} {
    %mul3A = arith.constant 16 : i32
    %mul3A_0 = arith.muli %arg0, %mul3A : i32
    %add3A = arith.addi %mul3A_0, %arg1 : i32
    %add3A_1 = arith.constant 0 : i32
    %add3A_2 = arith.addi %add3A_1, %add3A : i32
    %mul3A_3 = arith.constant 128 : i32
    %mul3A_4 = arith.muli %add3A_2, %mul3A_3 : i32
    %min3A = arith.constant 319872 : i32
    %min3A_5 = arith.minsi %mul3A_4, %min3A : i32
    %dma_start3A = arith.constant 0 : i32
    %dma_start3A_6 = tpu.memref_slice %arg3[%dma_start3A, %min3A_5] : memref<2x320000xi32, #tpu.memory_space<hbm>> -> memref<2x128xi32, #tpu.memory_space<hbm>>
    %dma_start3A_7 = arith.constant 0 : i32
    %dma_start3A_8 = tpu.memref_slice %arg3[%dma_start3A_7, %min3A_5] : memref<2x320000xi32, #tpu.memory_space<hbm>> -> memref<2x128xi32, #tpu.memory_space<hbm>>
    tpu.enqueue_dma source(%dma_start3A_8 : memref<2x128xi32, #tpu.memory_space<hbm>>) target(%arg8 : memref<2x128xi32, #tpu.memory_space<vmem>>) target_semaphore(%arg23 : memref<!tpu.dma_semaphore, #tpu.memory_space<semaphore_mem>>)
    %add3A_9 = arith.constant 0 : i32
    %add3A_10 = arith.addi %add3A_9, %add3A : i32
    %mul3A_11 = arith.constant 128 : i32
    %mul3A_12 = arith.muli %add3A_10, %mul3A_11 : i32
    %min3A_13 = arith.constant 319872 : i32
    %min3A_14 = arith.minsi %mul3A_12, %min3A_13 : i32
    %dma_start3A_15 = tpu.memref_slice %arg4[%min3A_14] : memref<320000xf32, #tpu.memory_space<hbm>> -> memref<128xf32, #tpu.memory_space<hbm>>
    %dma_start3A_16 = tpu.memref_slice %arg4[%min3A_14] : memref<320000xf32, #tpu.memory_space<hbm>> -> memref<128xf32, #tpu.memory_space<hbm>>
    tpu.enqueue_dma source(%dma_start3A_16 : memref<128xf32, #tpu.memory_space<hbm>>) target(%arg11 : memref<128xf32, #tpu.memory_space<vmem>>) target_semaphore(%arg26 : memref<!tpu.dma_semaphore, #tpu.memory_space<semaphore_mem>>)
    %add3A_17 = arith.constant 32 : i32
    %add3A_18 = arith.addi %add3A_17, %add3A : i32
    %mul3A_19 = arith.constant 128 : i32
    %mul3A_20 = arith.muli %add3A_18, %mul3A_19 : i32
    %min3A_21 = arith.constant 319872 : i32
    %min3A_22 = arith.minsi %mul3A_20, %min3A_21 : i32
    %dma_start3A_23 = arith.constant 0 : i32
    %dma_start3A_24 = tpu.memref_slice %arg3[%dma_start3A_23, %min3A_22] : memref<2x320000xi32, #tpu.memory_space<hbm>> -> memref<2x128xi32, #tpu.memory_space<hbm>>
    %dma_start3A_25 = arith.constant 0 : i32
    %dma_start3A_26 = tpu.memref_slice %arg3[%dma_start3A_25, %min3A_22] : memref<2x320000xi32, #tpu.memory_space<hbm>> -> memref<2x128xi32, #tpu.memory_space<hbm>>
    tpu.enqueue_dma source(%dma_start3A_26 : memref<2x128xi32, #tpu.memory_space<hbm>>) target(%arg9 : memref<2x128xi32, #tpu.memory_space<vmem>>) target_semaphore(%arg24 : memref<!tpu.dma_semaphore, #tpu.memory_space<semaphore_mem>>)
    %add3A_27 = arith.constant 32 : i32
    %add3A_28 = arith.addi %add3A_27, %add3A : i32
    %mul3A_29 = arith.constant 128 : i32
    %mul3A_30 = arith.muli %add3A_28, %mul3A_29 : i32
    %min3A_31 = arith.constant 319872 : i32
    %min3A_32 = arith.minsi %mul3A_30, %min3A_31 : i32
    %dma_start3A_33 = tpu.memref_slice %arg4[%min3A_32] : memref<320000xf32, #tpu.memory_space<hbm>> -> memref<128xf32, #tpu.memory_space<hbm>>
    %dma_start3A_34 = tpu.memref_slice %arg4[%min3A_32] : memref<320000xf32, #tpu.memory_space<hbm>> -> memref<128xf32, #tpu.memory_space<hbm>>
    tpu.enqueue_dma source(%dma_start3A_34 : memref<128xf32, #tpu.memory_space<hbm>>) target(%arg12 : memref<128xf32, #tpu.memory_space<vmem>>) target_semaphore(%arg27 : memref<!tpu.dma_semaphore, #tpu.memory_space<semaphore_mem>>)
    %add3A_35 = arith.constant 64 : i32
    %add3A_36 = arith.addi %add3A_35, %add3A : i32
    %mul3A_37 = arith.constant 128 : i32
    %mul3A_38 = arith.muli %add3A_36, %mul3A_37 : i32
    %min3A_39 = arith.constant 319872 : i32
    %min3A_40 = arith.minsi %mul3A_38, %min3A_39 : i32
    %dma_start3A_41 = arith.constant 0 : i32
    %dma_start3A_42 = tpu.memref_slice %arg3[%dma_start3A_41, %min3A_40] : memref<2x320000xi32, #tpu.memory_space<hbm>> -> memref<2x128xi32, #tpu.memory_space<hbm>>
    %dma_start3A_43 = arith.constant 0 : i32
    %dma_start3A_44 = tpu.memref_slice %arg3[%dma_start3A_43, %min3A_40] : memref<2x320000xi32, #tpu.memory_space<hbm>> -> memref<2x128xi32, #tpu.memory_space<hbm>>
    tpu.enqueue_dma source(%dma_start3A_44 : memref<2x128xi32, #tpu.memory_space<hbm>>) target(%arg10 : memref<2x128xi32, #tpu.memory_space<vmem>>) target_semaphore(%arg25 : memref<!tpu.dma_semaphore, #tpu.memory_space<semaphore_mem>>)
    %add3A_45 = arith.constant 64 : i32
    %add3A_46 = arith.addi %add3A_45, %add3A : i32
    %mul3A_47 = arith.constant 128 : i32
    %mul3A_48 = arith.muli %add3A_46, %mul3A_47 : i32
    %min3A_49 = arith.constant 319872 : i32
    %min3A_50 = arith.minsi %mul3A_48, %min3A_49 : i32
    %dma_start3A_51 = tpu.memref_slice %arg4[%min3A_50] : memref<320000xf32, #tpu.memory_space<hbm>> -> memref<128xf32, #tpu.memory_space<hbm>>
    %dma_start3A_52 = tpu.memref_slice %arg4[%min3A_50] : memref<320000xf32, #tpu.memory_space<hbm>> -> memref<128xf32, #tpu.memory_space<hbm>>
    tpu.enqueue_dma source(%dma_start3A_52 : memref<128xf32, #tpu.memory_space<hbm>>) target(%arg13 : memref<128xf32, #tpu.memory_space<vmem>>) target_semaphore(%arg28 : memref<!tpu.dma_semaphore, #tpu.memory_space<semaphore_mem>>)
    %broadcast_in_dim3A = arith.constant 0.000000e+00 : f32
    %broadcast_in_dim3A_53 = vector.broadcast %broadcast_in_dim3A : f32 to vector<16xf32>
    %parallel_loop3A = arith.constant 0 : i32
    %parallel_loop3A_54 = arith.constant 64 : i32
    %parallel_loop3A_55 = arith.constant 1 : i32
    scf.for %parallel_loop3A_119 = %parallel_loop3A to %parallel_loop3A_54 step %parallel_loop3A_55  : i32 {
      %parallel_loop3A_120 = arith.index_cast %parallel_loop3A_119 : i32 to index
      %parallel_loop3A_121 = arith.constant 0 : index
      %parallel_loop3A_122 = tpu.vector_load %arg20[%parallel_loop3A_120, %parallel_loop3A_121] {strides = array<i32>} : memref<64x128xf32, #tpu.memory_space<vmem>>, vector<16xf32>,
      tpu.vector_store %arg20[%parallel_loop3A_120, %parallel_loop3A_121], %broadcast_in_dim3A_53 {strides = array<i32>} : memref<64x128xf32, #tpu.memory_space<vmem>>, vector<16xf32>,
      %parallel_loop3A_123 = arith.index_cast %parallel_loop3A_119 : i32 to index
      %parallel_loop3A_124 = arith.constant 16 : index
      %parallel_loop3A_125 = tpu.vector_load %arg20[%parallel_loop3A_123, %parallel_loop3A_124] {strides = array<i32>} : memref<64x128xf32, #tpu.memory_space<vmem>>, vector<16xf32>,
      tpu.vector_store %arg20[%parallel_loop3A_123, %parallel_loop3A_124], %broadcast_in_dim3A_53 {strides = array<i32>} : memref<64x128xf32, #tpu.memory_space<vmem>>, vector<16xf32>,
      %parallel_loop3A_126 = arith.index_cast %parallel_loop3A_119 : i32 to index
      %parallel_loop3A_127 = arith.constant 32 : index
      %parallel_loop3A_128 = tpu.vector_load %arg20[%parallel_loop3A_126, %parallel_loop3A_127] {strides = array<i32>} : memref<64x128xf32, #tpu.memory_space<vmem>>, vector<16xf32>,
      tpu.vector_store %arg20[%parallel_loop3A_126, %parallel_loop3A_127], %broadcast_in_dim3A_53 {strides = array<i32>} : memref<64x128xf32, #tpu.memory_space<vmem>>, vector<16xf32>,
      %parallel_loop3A_129 = arith.index_cast %parallel_loop3A_119 : i32 to index
      %parallel_loop3A_130 = arith.constant 48 : index
      %parallel_loop3A_131 = tpu.vector_load %arg20[%parallel_loop3A_129, %parallel_loop3A_130] {strides = array<i32>} : memref<64x128xf32, #tpu.memory_space<vmem>>, vector<16xf32>,
      tpu.vector_store %arg20[%parallel_loop3A_129, %parallel_loop3A_130], %broadcast_in_dim3A_53 {strides = array<i32>} : memref<64x128xf32, #tpu.memory_space<vmem>>, vector<16xf32>,
      %parallel_loop3A_132 = arith.index_cast %parallel_loop3A_119 : i32 to index
      %parallel_loop3A_133 = arith.constant 64 : index
      %parallel_loop3A_134 = tpu.vector_load %arg20[%parallel_loop3A_132, %parallel_loop3A_133] {strides = array<i32>} : memref<64x128xf32, #tpu.memory_space<vmem>>, vector<16xf32>,
      tpu.vector_store %arg20[%parallel_loop3A_132, %parallel_loop3A_133], %broadcast_in_dim3A_53 {strides = array<i32>} : memref<64x128xf32, #tpu.memory_space<vmem>>, vector<16xf32>,
      %parallel_loop3A_135 = arith.index_cast %parallel_loop3A_119 : i32 to index
      %parallel_loop3A_136 = arith.constant 80 : index
      %parallel_loop3A_137 = tpu.vector_load %arg20[%parallel_loop3A_135, %parallel_loop3A_136] {strides = array<i32>} : memref<64x128xf32, #tpu.memory_space<vmem>>, vector<16xf32>,
      tpu.vector_store %arg20[%parallel_loop3A_135, %parallel_loop3A_136], %broadcast_in_dim3A_53 {strides = array<i32>} : memref<64x128xf32, #tpu.memory_space<vmem>>, vector<16xf32>,
      %parallel_loop3A_138 = arith.index_cast %parallel_loop3A_119 : i32 to index
      %parallel_loop3A_139 = arith.constant 96 : index
      %parallel_loop3A_140 = tpu.vector_load %arg20[%parallel_loop3A_138, %parallel_loop3A_139] {strides = array<i32>} : memref<64x128xf32, #tpu.memory_space<vmem>>, vector<16xf32>,
      tpu.vector_store %arg20[%parallel_loop3A_138, %parallel_loop3A_139], %broadcast_in_dim3A_53 {strides = array<i32>} : memref<64x128xf32, #tpu.memory_space<vmem>>, vector<16xf32>,
      %parallel_loop3A_141 = arith.index_cast %parallel_loop3A_119 : i32 to index
      %parallel_loop3A_142 = arith.constant 112 : index
      %parallel_loop3A_143 = tpu.vector_load %arg20[%parallel_loop3A_141, %parallel_loop3A_142] {strides = array<i32>} : memref<64x128xf32, #tpu.memory_space<vmem>>, vector<16xf32>,
      tpu.vector_store %arg20[%parallel_loop3A_141, %parallel_loop3A_142], %broadcast_in_dim3A_53 {strides = array<i32>} : memref<64x128xf32, #tpu.memory_space<vmem>>, vector<16xf32>,
    } {sc.loop_unroll_factor = 4 : i64, sc.parallel_access}
    %lt3A = arith.constant 15 : i32
    %lt3A_56 = arith.cmpi slt, %arg1, %lt3A : i32
    %convert_element_type3A = arith.extui %lt3A_56 : i1 to i32
    %cond3A = arith.constant 0 : i32
    %cond3A_57 = arith.cmpi ne, %convert_element_type3A, %cond3A : i32
    scf.if %cond3A_57 {
      %mul3A_119 = arith.constant 624 : i32
      %mul3A_120 = arith.muli %arg1, %mul3A_119 : i32
      %add3A_121 = arith.constant 0 : i32
      %add3A_122 = arith.addi %mul3A_120, %add3A_121 : i32
      "tpu.region"() ({
        %run_scoped3A = tpu.sem_alloc : memref<!tpu.dma_semaphore, #tpu.memory_space<semaphore_mem>>
        %dma_start3A_141 = arith.constant 0 : i32
        %dma_start3A_142 = tpu.memref_slice %arg7[%add3A_122, %dma_start3A_141] : memref<10000x128xf32, #tpu.memory_space<vmem_shared>> -> memref<64x128xf32, #tpu.memory_space<vmem_shared>>
        %dma_start3A_143 = arith.constant 0 : i32
        %dma_start3A_144 = tpu.memref_slice %arg7[%add3A_122, %dma_start3A_143] : memref<10000x128xf32, #tpu.memory_space<vmem_shared>> -> memref<64x128xf32, #tpu.memory_space<vmem_shared>>
        tpu.enqueue_dma source(%arg20 : memref<64x128xf32, #tpu.memory_space<vmem>>) target(%dma_start3A_144 : memref<64x128xf32, #tpu.memory_space<vmem_shared>>) target_semaphore(%run_scoped3A : memref<!tpu.dma_semaphore, #tpu.memory_space<semaphore_mem>>)
        %dma_wait3A_145 = arith.constant 0 : i32
        %dma_wait3A_146 = tpu.memref_slice %arg7[%add3A_122, %dma_wait3A_145] : memref<10000x128xf32, #tpu.memory_space<vmem_shared>> -> memref<64x128xf32, #tpu.memory_space<vmem_shared>>
        %dma_wait3A_147 = arith.constant 0 : i32
        %dma_wait3A_148 = tpu.memref_slice %arg7[%add3A_122, %dma_wait3A_147] : memref<10000x128xf32, #tpu.memory_space<vmem_shared>> -> memref<64x128xf32, #tpu.memory_space<vmem_shared>>
        tpu.wait_dma2 semaphore(%run_scoped3A : memref<!tpu.dma_semaphore, #tpu.memory_space<semaphore_mem>>) src(%arg20 : memref<64x128xf32, #tpu.memory_space<vmem>>) dst(%dma_wait3A_148 : memref<64x128xf32, #tpu.memory_space<vmem_shared>>)
        tpu.yield
      }) : () -> ()
      %add3A_123 = arith.constant 64 : i32
      %add3A_124 = arith.addi %mul3A_120, %add3A_123 : i32
      "tpu.region"() ({
        %run_scoped3A = tpu.sem_alloc : memref<!tpu.dma_semaphore, #tpu.memory_space<semaphore_mem>>
        %dma_start3A_141 = arith.constant 0 : i32
        %dma_start3A_142 = tpu.memref_slice %arg7[%add3A_124, %dma_start3A_141] : memref<10000x128xf32, #tpu.memory_space<vmem_shared>> -> memref<64x128xf32, #tpu.memory_space<vmem_shared>>
        %dma_start3A_143 = arith.constant 0 : i32
        %dma_start3A_144 = tpu.memref_slice %arg7[%add3A_124, %dma_start3A_143] : memref<10000x128xf32, #tpu.memory_space<vmem_shared>> -> memref<64x128xf32, #tpu.memory_space<vmem_shared>>
        tpu.enqueue_dma source(%arg20 : memref<64x128xf32, #tpu.memory_space<vmem>>) target(%dma_start3A_144 : memref<64x128xf32, #tpu.memory_space<vmem_shared>>) target_semaphore(%run_scoped3A : memref<!tpu.dma_semaphore, #tpu.memory_space<semaphore_mem>>)
        %dma_wait3A_145 = arith.constant 0 : i32
        %dma_wait3A_146 = tpu.memref_slice %arg7[%add3A_124, %dma_wait3A_145] : memref<10000x128xf32, #tpu.memory_space<vmem_shared>> -> memref<64x128xf32, #tpu.memory_space<vmem_shared>>
        %dma_wait3A_147 = arith.constant 0 : i32
        %dma_wait3A_148 = tpu.memref_slice %arg7[%add3A_124, %dma_wait3A_147] : memref<10000x128xf32, #tpu.memory_space<vmem_shared>> -> memref<64x128xf32, #tpu.memory_space<vmem_shared>>
        tpu.wait_dma2 semaphore(%run_scoped3A : memref<!tpu.dma_semaphore, #tpu.memory_space<semaphore_mem>>) src(%arg20 : memref<64x128xf32, #tpu.memory_space<vmem>>) dst(%dma_wait3A_148 : memref<64x128xf32, #tpu.memory_space<vmem_shared>>)
        tpu.yield
      }) : () -> ()
      %add3A_125 = arith.constant 128 : i32
      %add3A_126 = arith.addi %mul3A_120, %add3A_125 : i32
      "tpu.region"() ({
        %run_scoped3A = tpu.sem_alloc : memref<!tpu.dma_semaphore, #tpu.memory_space<semaphore_mem>>
        %dma_start3A_141 = arith.constant 0 : i32
        %dma_start3A_142 = tpu.memref_slice %arg7[%add3A_126, %dma_start3A_141] : memref<10000x128xf32, #tpu.memory_space<vmem_shared>> -> memref<64x128xf32, #tpu.memory_space<vmem_shared>>
        %dma_start3A_143 = arith.constant 0 : i32
        %dma_start3A_144 = tpu.memref_slice %arg7[%add3A_126, %dma_start3A_143] : memref<10000x128xf32, #tpu.memory_space<vmem_shared>> -> memref<64x128xf32, #tpu.memory_space<vmem_shared>>
        tpu.enqueue_dma source(%arg20 : memref<64x128xf32, #tpu.memory_space<vmem>>) target(%dma_start3A_144 : memref<64x128xf32, #tpu.memory_space<vmem_shared>>) target_semaphore(%run_scoped3A : memref<!tpu.dma_semaphore, #tpu.memory_space<semaphore_mem>>)
        %dma_wait3A_145 = arith.constant 0 : i32
        %dma_wait3A_146 = tpu.memref_slice %arg7[%add3A_126, %dma_wait3A_145] : memref<10000x128xf32, #tpu.memory_space<vmem_shared>> -> memref<64x128xf32, #tpu.memory_space<vmem_shared>>
        %dma_wait3A_147 = arith.constant 0 : i32
        %dma_wait3A_148 = tpu.memref_slice %arg7[%add3A_126, %dma_wait3A_147] : memref<10000x128xf32, #tpu.memory_space<vmem_shared>> -> memref<64x128xf32, #tpu.memory_space<vmem_shared>>
        tpu.wait_dma2 semaphore(%run_scoped3A : memref<!tpu.dma_semaphore, #tpu.memory_space<semaphore_mem>>) src(%arg20 : memref<64x128xf32, #tpu.memory_space<vmem>>) dst(%dma_wait3A_148 : memref<64x128xf32, #tpu.memory_space<vmem_shared>>)
        tpu.yield
      }) : () -> ()
      %add3A_127 = arith.constant 192 : i32
      %add3A_128 = arith.addi %mul3A_120, %add3A_127 : i32
      "tpu.region"() ({
        %run_scoped3A = tpu.sem_alloc : memref<!tpu.dma_semaphore, #tpu.memory_space<semaphore_mem>>
        %dma_start3A_141 = arith.constant 0 : i32
        %dma_start3A_142 = tpu.memref_slice %arg7[%add3A_128, %dma_start3A_141] : memref<10000x128xf32, #tpu.memory_space<vmem_shared>> -> memref<64x128xf32, #tpu.memory_space<vmem_shared>>
        %dma_start3A_143 = arith.constant 0 : i32
        %dma_start3A_144 = tpu.memref_slice %arg7[%add3A_128, %dma_start3A_143] : memref<10000x128xf32, #tpu.memory_space<vmem_shared>> -> memref<64x128xf32, #tpu.memory_space<vmem_shared>>
        tpu.enqueue_dma source(%arg20 : memref<64x128xf32, #tpu.memory_space<vmem>>) target(%dma_start3A_144 : memref<64x128xf32, #tpu.memory_space<vmem_shared>>) target_semaphore(%run_scoped3A : memref<!tpu.dma_semaphore, #tpu.memory_space<semaphore_mem>>)
        %dma_wait3A_145 = arith.constant 0 : i32
        %dma_wait3A_146 = tpu.memref_slice %arg7[%add3A_128, %dma_wait3A_145] : memref<10000x128xf32, #tpu.memory_space<vmem_shared>> -> memref<64x128xf32, #tpu.memory_space<vmem_shared>>
        %dma_wait3A_147 = arith.constant 0 : i32
        %dma_wait3A_148 = tpu.memref_slice %arg7[%add3A_128, %dma_wait3A_147] : memref<10000x128xf32, #tpu.memory_space<vmem_shared>> -> memref<64x128xf32, #tpu.memory_space<vmem_shared>>
        tpu.wait_dma2 semaphore(%run_scoped3A : memref<!tpu.dma_semaphore, #tpu.memory_space<semaphore_mem>>) src(%arg20 : memref<64x128xf32, #tpu.memory_space<vmem>>) dst(%dma_wait3A_148 : memref<64x128xf32, #tpu.memory_space<vmem_shared>>)
        tpu.yield
      }) : () -> ()
      %add3A_129 = arith.constant 256 : i32
      %add3A_130 = arith.addi %mul3A_120, %add3A_129 : i32
      "tpu.region"() ({
        %run_scoped3A = tpu.sem_alloc : memref<!tpu.dma_semaphore, #tpu.memory_space<semaphore_mem>>
        %dma_start3A_141 = arith.constant 0 : i32
        %dma_start3A_142 = tpu.memref_slice %arg7[%add3A_130, %dma_start3A_141] : memref<10000x128xf32, #tpu.memory_space<vmem_shared>> -> memref<64x128xf32, #tpu.memory_space<vmem_shared>>
        %dma_start3A_143 = arith.constant 0 : i32
        %dma_start3A_144 = tpu.memref_slice %arg7[%add3A_130, %dma_start3A_143] : memref<10000x128xf32, #tpu.memory_space<vmem_shared>> -> memref<64x128xf32, #tpu.memory_space<vmem_shared>>
        tpu.enqueue_dma source(%arg20 : memref<64x128xf32, #tpu.memory_space<vmem>>) target(%dma_start3A_144 : memref<64x128xf32, #tpu.memory_space<vmem_shared>>) target_semaphore(%run_scoped3A : memref<!tpu.dma_semaphore, #tpu.memory_space<semaphore_mem>>)
        %dma_wait3A_145 = arith.constant 0 : i32
        %dma_wait3A_146 = tpu.memref_slice %arg7[%add3A_130, %dma_wait3A_145] : memref<10000x128xf32, #tpu.memory_space<vmem_shared>> -> memref<64x128xf32, #tpu.memory_space<vmem_shared>>
        %dma_wait3A_147 = arith.constant 0 : i32
        %dma_wait3A_148 = tpu.memref_slice %arg7[%add3A_130, %dma_wait3A_147] : memref<10000x128xf32, #tpu.memory_space<vmem_shared>> -> memref<64x128xf32, #tpu.memory_space<vmem_shared>>
        tpu.wait_dma2 semaphore(%run_scoped3A : memref<!tpu.dma_semaphore, #tpu.memory_space<semaphore_mem>>) src(%arg20 : memref<64x128xf32, #tpu.memory_space<vmem>>) dst(%dma_wait3A_148 : memref<64x128xf32, #tpu.memory_space<vmem_shared>>)
        tpu.yield
      }) : () -> ()
      %add3A_131 = arith.constant 320 : i32
      %add3A_132 = arith.addi %mul3A_120, %add3A_131 : i32
      "tpu.region"() ({
        %run_scoped3A = tpu.sem_alloc : memref<!tpu.dma_semaphore, #tpu.memory_space<semaphore_mem>>
        %dma_start3A_141 = arith.constant 0 : i32
        %dma_start3A_142 = tpu.memref_slice %arg7[%add3A_132, %dma_start3A_141] : memref<10000x128xf32, #tpu.memory_space<vmem_shared>> -> memref<64x128xf32, #tpu.memory_space<vmem_shared>>
        %dma_start3A_143 = arith.constant 0 : i32
        %dma_start3A_144 = tpu.memref_slice %arg7[%add3A_132, %dma_start3A_143] : memref<10000x128xf32, #tpu.memory_space<vmem_shared>> -> memref<64x128xf32, #tpu.memory_space<vmem_shared>>
        tpu.enqueue_dma source(%arg20 : memref<64x128xf32, #tpu.memory_space<vmem>>) target(%dma_start3A_144 : memref<64x128xf32, #tpu.memory_space<vmem_shared>>) target_semaphore(%run_scoped3A : memref<!tpu.dma_semaphore, #tpu.memory_space<semaphore_mem>>)
        %dma_wait3A_145 = arith.constant 0 : i32
        %dma_wait3A_146 = tpu.memref_slice %arg7[%add3A_132, %dma_wait3A_145] : memref<10000x128xf32, #tpu.memory_space<vmem_shared>> -> memref<64x128xf32, #tpu.memory_space<vmem_shared>>
        %dma_wait3A_147 = arith.constant 0 : i32
        %dma_wait3A_148 = tpu.memref_slice %arg7[%add3A_132, %dma_wait3A_147] : memref<10000x128xf32, #tpu.memory_space<vmem_shared>> -> memref<64x128xf32, #tpu.memory_space<vmem_shared>>
        tpu.wait_dma2 semaphore(%run_scoped3A : memref<!tpu.dma_semaphore, #tpu.memory_space<semaphore_mem>>) src(%arg20 : memref<64x128xf32, #tpu.memory_space<vmem>>) dst(%dma_wait3A_148 : memref<64x128xf32, #tpu.memory_space<vmem_shared>>)
        tpu.yield
      }) : () -> ()
      %add3A_133 = arith.constant 384 : i32
      %add3A_134 = arith.addi %mul3A_120, %add3A_133 : i32
      "tpu.region"() ({
        %run_scoped3A = tpu.sem_alloc : memref<!tpu.dma_semaphore, #tpu.memory_space<semaphore_mem>>
        %dma_start3A_141 = arith.constant 0 : i32
        %dma_start3A_142 = tpu.memref_slice %arg7[%add3A_134, %dma_start3A_141] : memref<10000x128xf32, #tpu.memory_space<vmem_shared>> -> memref<64x128xf32, #tpu.memory_space<vmem_shared>>
        %dma_start3A_143 = arith.constant 0 : i32
        %dma_start3A_144 = tpu.memref_slice %arg7[%add3A_134, %dma_start3A_143] : memref<10000x128xf32, #tpu.memory_space<vmem_shared>> -> memref<64x128xf32, #tpu.memory_space<vmem_shared>>
        tpu.enqueue_dma source(%arg20 : memref<64x128xf32, #tpu.memory_space<vmem>>) target(%dma_start3A_144 : memref<64x128xf32, #tpu.memory_space<vmem_shared>>) target_semaphore(%run_scoped3A : memref<!tpu.dma_semaphore, #tpu.memory_space<semaphore_mem>>)
        %dma_wait3A_145 = arith.constant 0 : i32
        %dma_wait3A_146 = tpu.memref_slice %arg7[%add3A_134, %dma_wait3A_145] : memref<10000x128xf32, #tpu.memory_space<vmem_shared>> -> memref<64x128xf32, #tpu.memory_space<vmem_shared>>
        %dma_wait3A_147 = arith.constant 0 : i32
        %dma_wait3A_148 = tpu.memref_slice %arg7[%add3A_134, %dma_wait3A_147] : memref<10000x128xf32, #tpu.memory_space<vmem_shared>> -> memref<64x128xf32, #tpu.memory_space<vmem_shared>>
        tpu.wait_dma2 semaphore(%run_scoped3A : memref<!tpu.dma_semaphore, #tpu.memory_space<semaphore_mem>>) src(%arg20 : memref<64x128xf32, #tpu.memory_space<vmem>>) dst(%dma_wait3A_148 : memref<64x128xf32, #tpu.memory_space<vmem_shared>>)
        tpu.yield
      }) : () -> ()
      %add3A_135 = arith.constant 448 : i32
      %add3A_136 = arith.addi %mul3A_120, %add3A_135 : i32
      "tpu.region"() ({
        %run_scoped3A = tpu.sem_alloc : memref<!tpu.dma_semaphore, #tpu.memory_space<semaphore_mem>>
        %dma_start3A_141 = arith.constant 0 : i32
        %dma_start3A_142 = tpu.memref_slice %arg7[%add3A_136, %dma_start3A_141] : memref<10000x128xf32, #tpu.memory_space<vmem_shared>> -> memref<64x128xf32, #tpu.memory_space<vmem_shared>>
        %dma_start3A_143 = arith.constant 0 : i32
        %dma_start3A_144 = tpu.memref_slice %arg7[%add3A_136, %dma_start3A_143] : memref<10000x128xf32, #tpu.memory_space<vmem_shared>> -> memref<64x128xf32, #tpu.memory_space<vmem_shared>>
        tpu.enqueue_dma source(%arg20 : memref<64x128xf32, #tpu.memory_space<vmem>>) target(%dma_start3A_144 : memref<64x128xf32, #tpu.memory_space<vmem_shared>>) target_semaphore(%run_scoped3A : memref<!tpu.dma_semaphore, #tpu.memory_space<semaphore_mem>>)
        %dma_wait3A_145 = arith.constant 0 : i32
        %dma_wait3A_146 = tpu.memref_slice %arg7[%add3A_136, %dma_wait3A_145] : memref<10000x128xf32, #tpu.memory_space<vmem_shared>> -> memref<64x128xf32, #tpu.memory_space<vmem_shared>>
        %dma_wait3A_147 = arith.constant 0 : i32
        %dma_wait3A_148 = tpu.memref_slice %arg7[%add3A_136, %dma_wait3A_147] : memref<10000x128xf32, #tpu.memory_space<vmem_shared>> -> memref<64x128xf32, #tpu.memory_space<vmem_shared>>
        tpu.wait_dma2 semaphore(%run_scoped3A : memref<!tpu.dma_semaphore, #tpu.memory_space<semaphore_mem>>) src(%arg20 : memref<64x128xf32, #tpu.memory_space<vmem>>) dst(%dma_wait3A_148 : memref<64x128xf32, #tpu.memory_space<vmem_shared>>)
        tpu.yield
      }) : () -> ()
      %add3A_137 = arith.constant 512 : i32
      %add3A_138 = arith.addi %mul3A_120, %add3A_137 : i32
      "tpu.region"() ({
        %run_scoped3A = tpu.sem_alloc : memref<!tpu.dma_semaphore, #tpu.memory_space<semaphore_mem>>
        %dma_start3A_141 = arith.constant 0 : i32
        %dma_start3A_142 = tpu.memref_slice %arg7[%add3A_138, %dma_start3A_141] : memref<10000x128xf32, #tpu.memory_space<vmem_shared>> -> memref<64x128xf32, #tpu.memory_space<vmem_shared>>
        %dma_start3A_143 = arith.constant 0 : i32
        %dma_start3A_144 = tpu.memref_slice %arg7[%add3A_138, %dma_start3A_143] : memref<10000x128xf32, #tpu.memory_space<vmem_shared>> -> memref<64x128xf32, #tpu.memory_space<vmem_shared>>
        tpu.enqueue_dma source(%arg20 : memref<64x128xf32, #tpu.memory_space<vmem>>) target(%dma_start3A_144 : memref<64x128xf32, #tpu.memory_space<vmem_shared>>) target_semaphore(%run_scoped3A : memref<!tpu.dma_semaphore, #tpu.memory_space<semaphore_mem>>)
        %dma_wait3A_145 = arith.constant 0 : i32
        %dma_wait3A_146 = tpu.memref_slice %arg7[%add3A_138, %dma_wait3A_145] : memref<10000x128xf32, #tpu.memory_space<vmem_shared>> -> memref<64x128xf32, #tpu.memory_space<vmem_shared>>
        %dma_wait3A_147 = arith.constant 0 : i32
        %dma_wait3A_148 = tpu.memref_slice %arg7[%add3A_138, %dma_wait3A_147] : memref<10000x128xf32, #tpu.memory_space<vmem_shared>> -> memref<64x128xf32, #tpu.memory_space<vmem_shared>>
        tpu.wait_dma2 semaphore(%run_scoped3A : memref<!tpu.dma_semaphore, #tpu.memory_space<semaphore_mem>>) src(%arg20 : memref<64x128xf32, #tpu.memory_space<vmem>>) dst(%dma_wait3A_148 : memref<64x128xf32, #tpu.memory_space<vmem_shared>>)
        tpu.yield
      }) : () -> ()
      %add3A_139 = arith.constant 576 : i32
      %add3A_140 = arith.addi %mul3A_120, %add3A_139 : i32
      "tpu.region"() ({
        %run_scoped3A = tpu.sem_alloc : memref<!tpu.dma_semaphore, #tpu.memory_space<semaphore_mem>>
        %dma_start3A_141 = arith.constant 0 : i32
        %dma_start3A_142 = arith.constant 0 : i32
        %dma_start3A_143 = tpu.memref_slice %arg20[%dma_start3A_141, %dma_start3A_142] : memref<64x128xf32, #tpu.memory_space<vmem>> -> memref<48x128xf32, #tpu.memory_space<vmem>>
        %dma_start3A_144 = arith.constant 0 : i32
        %dma_start3A_145 = tpu.memref_slice %arg7[%add3A_140, %dma_start3A_144] : memref<10000x128xf32, #tpu.memory_space<vmem_shared>> -> memref<48x128xf32, #tpu.memory_space<vmem_shared>>
        %dma_start3A_146 = arith.constant 0 : i32
        %dma_start3A_147 = tpu.memref_slice %arg7[%add3A_140, %dma_start3A_146] : memref<10000x128xf32, #tpu.memory_space<vmem_shared>> -> memref<48x128xf32, #tpu.memory_space<vmem_shared>>
        %dma_start3A_148 = arith.constant 0 : i32
        %dma_start3A_149 = arith.constant 0 : i32
        %dma_start3A_150 = tpu.memref_slice %arg20[%dma_start3A_148, %dma_start3A_149] : memref<64x128xf32, #tpu.memory_space<vmem>> -> memref<48x128xf32, #tpu.memory_space<vmem>>
        tpu.enqueue_dma source(%dma_start3A_150 : memref<48x128xf32, #tpu.memory_space<vmem>>) target(%dma_start3A_147 : memref<48x128xf32, #tpu.memory_space<vmem_shared>>) target_semaphore(%run_scoped3A : memref<!tpu.dma_semaphore, #tpu.memory_space<semaphore_mem>>)
        %dma_wait3A_151 = arith.constant 0 : i32
        %dma_wait3A_152 = arith.constant 0 : i32
        %dma_wait3A_153 = tpu.memref_slice %arg20[%dma_wait3A_151, %dma_wait3A_152] : memref<64x128xf32, #tpu.memory_space<vmem>> -> memref<48x128xf32, #tpu.memory_space<vmem>>
        %dma_wait3A_154 = arith.constant 0 : i32
        %dma_wait3A_155 = tpu.memref_slice %arg7[%add3A_140, %dma_wait3A_154] : memref<10000x128xf32, #tpu.memory_space<vmem_shared>> -> memref<48x128xf32, #tpu.memory_space<vmem_shared>>
        %dma_wait3A_156 = arith.constant 0 : i32
        %dma_wait3A_157 = tpu.memref_slice %arg7[%add3A_140, %dma_wait3A_156] : memref<10000x128xf32, #tpu.memory_space<vmem_shared>> -> memref<48x128xf32, #tpu.memory_space<vmem_shared>>
        %dma_wait3A_158 = arith.constant 0 : i32
        %dma_wait3A_159 = arith.constant 0 : i32
        %dma_wait3A_160 = tpu.memref_slice %arg20[%dma_wait3A_158, %dma_wait3A_159] : memref<64x128xf32, #tpu.memory_space<vmem>> -> memref<48x128xf32, #tpu.memory_space<vmem>>
        tpu.wait_dma2 semaphore(%run_scoped3A : memref<!tpu.dma_semaphore, #tpu.memory_space<semaphore_mem>>) src(%dma_wait3A_160 : memref<48x128xf32, #tpu.memory_space<vmem>>) dst(%dma_wait3A_157 : memref<48x128xf32, #tpu.memory_space<vmem_shared>>)
        tpu.yield
      }) : () -> ()
    } else {
    }
    %eq3A = arith.constant 15 : i32
    %eq3A_58 = arith.cmpi eq, %arg1, %eq3A : i32
    %convert_element_type3A_59 = arith.extui %eq3A_58 : i1 to i32
    %cond3A_60 = arith.constant 0 : i32
    %cond3A_61 = arith.cmpi ne, %convert_element_type3A_59, %cond3A_60 : i32
    scf.if %cond3A_61 {
      "tpu.region"() ({
        %run_scoped3A = tpu.sem_alloc : memref<!tpu.dma_semaphore, #tpu.memory_space<semaphore_mem>>
        %dma_start3A_119 = arith.constant 9360 : i32
        %dma_start3A_120 = arith.constant 0 : i32
        %dma_start3A_121 = tpu.memref_slice %arg7[%dma_start3A_119, %dma_start3A_120] : memref<10000x128xf32, #tpu.memory_space<vmem_shared>> -> memref<64x128xf32, #tpu.memory_space<vmem_shared>>
        %dma_start3A_122 = arith.constant 9360 : i32
        %dma_start3A_123 = arith.constant 0 : i32
        %dma_start3A_124 = tpu.memref_slice %arg7[%dma_start3A_122, %dma_start3A_123] : memref<10000x128xf32, #tpu.memory_space<vmem_shared>> -> memref<64x128xf32, #tpu.memory_space<vmem_shared>>
        tpu.enqueue_dma source(%arg20 : memref<64x128xf32, #tpu.memory_space<vmem>>) target(%dma_start3A_124 : memref<64x128xf32, #tpu.memory_space<vmem_shared>>) target_semaphore(%run_scoped3A : memref<!tpu.dma_semaphore, #tpu.memory_space<semaphore_mem>>)
        %dma_wait3A_125 = arith.constant 9360 : i32
        %dma_wait3A_126 = arith.constant 0 : i32
        %dma_wait3A_127 = tpu.memref_slice %arg7[%dma_wait3A_125, %dma_wait3A_126] : memref<10000x128xf32, #tpu.memory_space<vmem_shared>> -> memref<64x128xf32, #tpu.memory_space<vmem_shared>>
        %dma_wait3A_128 = arith.constant 9360 : i32
        %dma_wait3A_129 = arith.constant 0 : i32
        %dma_wait3A_130 = tpu.memref_slice %arg7[%dma_wait3A_128, %dma_wait3A_129] : memref<10000x128xf32, #tpu.memory_space<vmem_shared>> -> memref<64x128xf32, #tpu.memory_space<vmem_shared>>
        tpu.wait_dma2 semaphore(%run_scoped3A : memref<!tpu.dma_semaphore, #tpu.memory_space<semaphore_mem>>) src(%arg20 : memref<64x128xf32, #tpu.memory_space<vmem>>) dst(%dma_wait3A_130 : memref<64x128xf32, #tpu.memory_space<vmem_shared>>)
        tpu.yield
      }) : () -> ()
      "tpu.region"() ({
        %run_scoped3A = tpu.sem_alloc : memref<!tpu.dma_semaphore, #tpu.memory_space<semaphore_mem>>
        %dma_start3A_119 = arith.constant 9424 : i32
        %dma_start3A_120 = arith.constant 0 : i32
        %dma_start3A_121 = tpu.memref_slice %arg7[%dma_start3A_119, %dma_start3A_120] : memref<10000x128xf32, #tpu.memory_space<vmem_shared>> -> memref<64x128xf32, #tpu.memory_space<vmem_shared>>
        %dma_start3A_122 = arith.constant 9424 : i32
        %dma_start3A_123 = arith.constant 0 : i32
        %dma_start3A_124 = tpu.memref_slice %arg7[%dma_start3A_122, %dma_start3A_123] : memref<10000x128xf32, #tpu.memory_space<vmem_shared>> -> memref<64x128xf32, #tpu.memory_space<vmem_shared>>
        tpu.enqueue_dma source(%arg20 : memref<64x128xf32, #tpu.memory_space<vmem>>) target(%dma_start3A_124 : memref<64x128xf32, #tpu.memory_space<vmem_shared>>) target_semaphore(%run_scoped3A : memref<!tpu.dma_semaphore, #tpu.memory_space<semaphore_mem>>)
        %dma_wait3A_125 = arith.constant 9424 : i32
        %dma_wait3A_126 = arith.constant 0 : i32
        %dma_wait3A_127 = tpu.memref_slice %arg7[%dma_wait3A_125, %dma_wait3A_126] : memref<10000x128xf32, #tpu.memory_space<vmem_shared>> -> memref<64x128xf32, #tpu.memory_space<vmem_shared>>
        %dma_wait3A_128 = arith.constant 9424 : i32
        %dma_wait3A_129 = arith.constant 0 : i32
        %dma_wait3A_130 = tpu.memref_slice %arg7[%dma_wait3A_128, %dma_wait3A_129] : memref<10000x128xf32, #tpu.memory_space<vmem_shared>> -> memref<64x128xf32, #tpu.memory_space<vmem_shared>>
        tpu.wait_dma2 semaphore(%run_scoped3A : memref<!tpu.dma_semaphore, #tpu.memory_space<semaphore_mem>>) src(%arg20 : memref<64x128xf32, #tpu.memory_space<vmem>>) dst(%dma_wait3A_130 : memref<64x128xf32, #tpu.memory_space<vmem_shared>>)
        tpu.yield
      }) : () -> ()
      "tpu.region"() ({
        %run_scoped3A = tpu.sem_alloc : memref<!tpu.dma_semaphore, #tpu.memory_space<semaphore_mem>>
        %dma_start3A_119 = arith.constant 9488 : i32
        %dma_start3A_120 = arith.constant 0 : i32
        %dma_start3A_121 = tpu.memref_slice %arg7[%dma_start3A_119, %dma_start3A_120] : memref<10000x128xf32, #tpu.memory_space<vmem_shared>> -> memref<64x128xf32, #tpu.memory_space<vmem_shared>>
        %dma_start3A_122 = arith.constant 9488 : i32
        %dma_start3A_123 = arith.constant 0 : i32
        %dma_start3A_124 = tpu.memref_slice %arg7[%dma_start3A_122, %dma_start3A_123] : memref<10000x128xf32, #tpu.memory_space<vmem_shared>> -> memref<64x128xf32, #tpu.memory_space<vmem_shared>>
        tpu.enqueue_dma source(%arg20 : memref<64x128xf32, #tpu.memory_space<vmem>>) target(%dma_start3A_124 : memref<64x128xf32, #tpu.memory_space<vmem_shared>>) target_semaphore(%run_scoped3A : memref<!tpu.dma_semaphore, #tpu.memory_space<semaphore_mem>>)
        %dma_wait3A_125 = arith.constant 9488 : i32
        %dma_wait3A_126 = arith.constant 0 : i32
        %dma_wait3A_127 = tpu.memref_slice %arg7[%dma_wait3A_125, %dma_wait3A_126] : memref<10000x128xf32, #tpu.memory_space<vmem_shared>> -> memref<64x128xf32, #tpu.memory_space<vmem_shared>>
        %dma_wait3A_128 = arith.constant 9488 : i32
        %dma_wait3A_129 = arith.constant 0 : i32
        %dma_wait3A_130 = tpu.memref_slice %arg7[%dma_wait3A_128, %dma_wait3A_129] : memref<10000x128xf32, #tpu.memory_space<vmem_shared>> -> memref<64x128xf32, #tpu.memory_space<vmem_shared>>
        tpu.wait_dma2 semaphore(%run_scoped3A : memref<!tpu.dma_semaphore, #tpu.memory_space<semaphore_mem>>) src(%arg20 : memref<64x128xf32, #tpu.memory_space<vmem>>) dst(%dma_wait3A_130 : memref<64x128xf32, #tpu.memory_space<vmem_shared>>)
        tpu.yield
      }) : () -> ()
      "tpu.region"() ({
        %run_scoped3A = tpu.sem_alloc : memref<!tpu.dma_semaphore, #tpu.memory_space<semaphore_mem>>
        %dma_start3A_119 = arith.constant 9552 : i32
        %dma_start3A_120 = arith.constant 0 : i32
        %dma_start3A_121 = tpu.memref_slice %arg7[%dma_start3A_119, %dma_start3A_120] : memref<10000x128xf32, #tpu.memory_space<vmem_shared>> -> memref<64x128xf32, #tpu.memory_space<vmem_shared>>
        %dma_start3A_122 = arith.constant 9552 : i32
        %dma_start3A_123 = arith.constant 0 : i32
        %dma_start3A_124 = tpu.memref_slice %arg7[%dma_start3A_122, %dma_start3A_123] : memref<10000x128xf32, #tpu.memory_space<vmem_shared>> -> memref<64x128xf32, #tpu.memory_space<vmem_shared>>
        tpu.enqueue_dma source(%arg20 : memref<64x128xf32, #tpu.memory_space<vmem>>) target(%dma_start3A_124 : memref<64x128xf32, #tpu.memory_space<vmem_shared>>) target_semaphore(%run_scoped3A : memref<!tpu.dma_semaphore, #tpu.memory_space<semaphore_mem>>)
        %dma_wait3A_125 = arith.constant 9552 : i32
        %dma_wait3A_126 = arith.constant 0 : i32
        %dma_wait3A_127 = tpu.memref_slice %arg7[%dma_wait3A_125, %dma_wait3A_126] : memref<10000x128xf32, #tpu.memory_space<vmem_shared>> -> memref<64x128xf32, #tpu.memory_space<vmem_shared>>
        %dma_wait3A_128 = arith.constant 9552 : i32
        %dma_wait3A_129 = arith.constant 0 : i32
        %dma_wait3A_130 = tpu.memref_slice %arg7[%dma_wait3A_128, %dma_wait3A_129] : memref<10000x128xf32, #tpu.memory_space<vmem_shared>> -> memref<64x128xf32, #tpu.memory_space<vmem_shared>>
        tpu.wait_dma2 semaphore(%run_scoped3A : memref<!tpu.dma_semaphore, #tpu.memory_space<semaphore_mem>>) src(%arg20 : memref<64x128xf32, #tpu.memory_space<vmem>>) dst(%dma_wait3A_130 : memref<64x128xf32, #tpu.memory_space<vmem_shared>>)
        tpu.yield
      }) : () -> ()
      "tpu.region"() ({
        %run_scoped3A = tpu.sem_alloc : memref<!tpu.dma_semaphore, #tpu.memory_space<semaphore_mem>>
        %dma_start3A_119 = arith.constant 9616 : i32
        %dma_start3A_120 = arith.constant 0 : i32
        %dma_start3A_121 = tpu.memref_slice %arg7[%dma_start3A_119, %dma_start3A_120] : memref<10000x128xf32, #tpu.memory_space<vmem_shared>> -> memref<64x128xf32, #tpu.memory_space<vmem_shared>>
        %dma_start3A_122 = arith.constant 9616 : i32
        %dma_start3A_123 = arith.constant 0 : i32
        %dma_start3A_124 = tpu.memref_slice %arg7[%dma_start3A_122, %dma_start3A_123] : memref<10000x128xf32, #tpu.memory_space<vmem_shared>> -> memref<64x128xf32, #tpu.memory_space<vmem_shared>>
        tpu.enqueue_dma source(%arg20 : memref<64x128xf32, #tpu.memory_space<vmem>>) target(%dma_start3A_124 : memref<64x128xf32, #tpu.memory_space<vmem_shared>>) target_semaphore(%run_scoped3A : memref<!tpu.dma_semaphore, #tpu.memory_space<semaphore_mem>>)
        %dma_wait3A_125 = arith.constant 9616 : i32
        %dma_wait3A_126 = arith.constant 0 : i32
        %dma_wait3A_127 = tpu.memref_slice %arg7[%dma_wait3A_125, %dma_wait3A_126] : memref<10000x128xf32, #tpu.memory_space<vmem_shared>> -> memref<64x128xf32, #tpu.memory_space<vmem_shared>>
        %dma_wait3A_128 = arith.constant 9616 : i32
        %dma_wait3A_129 = arith.constant 0 : i32
        %dma_wait3A_130 = tpu.memref_slice %arg7[%dma_wait3A_128, %dma_wait3A_129] : memref<10000x128xf32, #tpu.memory_space<vmem_shared>> -> memref<64x128xf32, #tpu.memory_space<vmem_shared>>
        tpu.wait_dma2 semaphore(%run_scoped3A : memref<!tpu.dma_semaphore, #tpu.memory_space<semaphore_mem>>) src(%arg20 : memref<64x128xf32, #tpu.memory_space<vmem>>) dst(%dma_wait3A_130 : memref<64x128xf32, #tpu.memory_space<vmem_shared>>)
        tpu.yield
      }) : () -> ()
      "tpu.region"() ({
        %run_scoped3A = tpu.sem_alloc : memref<!tpu.dma_semaphore, #tpu.memory_space<semaphore_mem>>
        %dma_start3A_119 = arith.constant 9680 : i32
        %dma_start3A_120 = arith.constant 0 : i32
        %dma_start3A_121 = tpu.memref_slice %arg7[%dma_start3A_119, %dma_start3A_120] : memref<10000x128xf32, #tpu.memory_space<vmem_shared>> -> memref<64x128xf32, #tpu.memory_space<vmem_shared>>
        %dma_start3A_122 = arith.constant 9680 : i32
        %dma_start3A_123 = arith.constant 0 : i32
        %dma_start3A_124 = tpu.memref_slice %arg7[%dma_start3A_122, %dma_start3A_123] : memref<10000x128xf32, #tpu.memory_space<vmem_shared>> -> memref<64x128xf32, #tpu.memory_space<vmem_shared>>
        tpu.enqueue_dma source(%arg20 : memref<64x128xf32, #tpu.memory_space<vmem>>) target(%dma_start3A_124 : memref<64x128xf32, #tpu.memory_space<vmem_shared>>) target_semaphore(%run_scoped3A : memref<!tpu.dma_semaphore, #tpu.memory_space<semaphore_mem>>)
        %dma_wait3A_125 = arith.constant 9680 : i32
        %dma_wait3A_126 = arith.constant 0 : i32
        %dma_wait3A_127 = tpu.memref_slice %arg7[%dma_wait3A_125, %dma_wait3A_126] : memref<10000x128xf32, #tpu.memory_space<vmem_shared>> -> memref<64x128xf32, #tpu.memory_space<vmem_shared>>
        %dma_wait3A_128 = arith.constant 9680 : i32
        %dma_wait3A_129 = arith.constant 0 : i32
        %dma_wait3A_130 = tpu.memref_slice %arg7[%dma_wait3A_128, %dma_wait3A_129] : memref<10000x128xf32, #tpu.memory_space<vmem_shared>> -> memref<64x128xf32, #tpu.memory_space<vmem_shared>>
        tpu.wait_dma2 semaphore(%run_scoped3A : memref<!tpu.dma_semaphore, #tpu.memory_space<semaphore_mem>>) src(%arg20 : memref<64x128xf32, #tpu.memory_space<vmem>>) dst(%dma_wait3A_130 : memref<64x128xf32, #tpu.memory_space<vmem_shared>>)
        tpu.yield
      }) : () -> ()
      "tpu.region"() ({
        %run_scoped3A = tpu.sem_alloc : memref<!tpu.dma_semaphore, #tpu.memory_space<semaphore_mem>>
        %dma_start3A_119 = arith.constant 9744 : i32
        %dma_start3A_120 = arith.constant 0 : i32
        %dma_start3A_121 = tpu.memref_slice %arg7[%dma_start3A_119, %dma_start3A_120] : memref<10000x128xf32, #tpu.memory_space<vmem_shared>> -> memref<64x128xf32, #tpu.memory_space<vmem_shared>>
        %dma_start3A_122 = arith.constant 9744 : i32
        %dma_start3A_123 = arith.constant 0 : i32
        %dma_start3A_124 = tpu.memref_slice %arg7[%dma_start3A_122, %dma_start3A_123] : memref<10000x128xf32, #tpu.memory_space<vmem_shared>> -> memref<64x128xf32, #tpu.memory_space<vmem_shared>>
        tpu.enqueue_dma source(%arg20 : memref<64x128xf32, #tpu.memory_space<vmem>>) target(%dma_start3A_124 : memref<64x128xf32, #tpu.memory_space<vmem_shared>>) target_semaphore(%run_scoped3A : memref<!tpu.dma_semaphore, #tpu.memory_space<semaphore_mem>>)
        %dma_wait3A_125 = arith.constant 9744 : i32
        %dma_wait3A_126 = arith.constant 0 : i32
        %dma_wait3A_127 = tpu.memref_slice %arg7[%dma_wait3A_125, %dma_wait3A_126] : memref<10000x128xf32, #tpu.memory_space<vmem_shared>> -> memref<64x128xf32, #tpu.memory_space<vmem_shared>>
        %dma_wait3A_128 = arith.constant 9744 : i32
        %dma_wait3A_129 = arith.constant 0 : i32
        %dma_wait3A_130 = tpu.memref_slice %arg7[%dma_wait3A_128, %dma_wait3A_129] : memref<10000x128xf32, #tpu.memory_space<vmem_shared>> -> memref<64x128xf32, #tpu.memory_space<vmem_shared>>
        tpu.wait_dma2 semaphore(%run_scoped3A : memref<!tpu.dma_semaphore, #tpu.memory_space<semaphore_mem>>) src(%arg20 : memref<64x128xf32, #tpu.memory_space<vmem>>) dst(%dma_wait3A_130 : memref<64x128xf32, #tpu.memory_space<vmem_shared>>)
        tpu.yield
      }) : () -> ()
      "tpu.region"() ({
        %run_scoped3A = tpu.sem_alloc : memref<!tpu.dma_semaphore, #tpu.memory_space<semaphore_mem>>
        %dma_start3A_119 = arith.constant 9808 : i32
        %dma_start3A_120 = arith.constant 0 : i32
        %dma_start3A_121 = tpu.memref_slice %arg7[%dma_start3A_119, %dma_start3A_120] : memref<10000x128xf32, #tpu.memory_space<vmem_shared>> -> memref<64x128xf32, #tpu.memory_space<vmem_shared>>
        %dma_start3A_122 = arith.constant 9808 : i32
        %dma_start3A_123 = arith.constant 0 : i32
        %dma_start3A_124 = tpu.memref_slice %arg7[%dma_start3A_122, %dma_start3A_123] : memref<10000x128xf32, #tpu.memory_space<vmem_shared>> -> memref<64x128xf32, #tpu.memory_space<vmem_shared>>
        tpu.enqueue_dma source(%arg20 : memref<64x128xf32, #tpu.memory_space<vmem>>) target(%dma_start3A_124 : memref<64x128xf32, #tpu.memory_space<vmem_shared>>) target_semaphore(%run_scoped3A : memref<!tpu.dma_semaphore, #tpu.memory_space<semaphore_mem>>)
        %dma_wait3A_125 = arith.constant 9808 : i32
        %dma_wait3A_126 = arith.constant 0 : i32
        %dma_wait3A_127 = tpu.memref_slice %arg7[%dma_wait3A_125, %dma_wait3A_126] : memref<10000x128xf32, #tpu.memory_space<vmem_shared>> -> memref<64x128xf32, #tpu.memory_space<vmem_shared>>
        %dma_wait3A_128 = arith.constant 9808 : i32
        %dma_wait3A_129 = arith.constant 0 : i32
        %dma_wait3A_130 = tpu.memref_slice %arg7[%dma_wait3A_128, %dma_wait3A_129] : memref<10000x128xf32, #tpu.memory_space<vmem_shared>> -> memref<64x128xf32, #tpu.memory_space<vmem_shared>>
        tpu.wait_dma2 semaphore(%run_scoped3A : memref<!tpu.dma_semaphore, #tpu.memory_space<semaphore_mem>>) src(%arg20 : memref<64x128xf32, #tpu.memory_space<vmem>>) dst(%dma_wait3A_130 : memref<64x128xf32, #tpu.memory_space<vmem_shared>>)
        tpu.yield
      }) : () -> ()
      "tpu.region"() ({
        %run_scoped3A = tpu.sem_alloc : memref<!tpu.dma_semaphore, #tpu.memory_space<semaphore_mem>>
        %dma_start3A_119 = arith.constant 9872 : i32
        %dma_start3A_120 = arith.constant 0 : i32
        %dma_start3A_121 = tpu.memref_slice %arg7[%dma_start3A_119, %dma_start3A_120] : memref<10000x128xf32, #tpu.memory_space<vmem_shared>> -> memref<64x128xf32, #tpu.memory_space<vmem_shared>>
        %dma_start3A_122 = arith.constant 9872 : i32
        %dma_start3A_123 = arith.constant 0 : i32
        %dma_start3A_124 = tpu.memref_slice %arg7[%dma_start3A_122, %dma_start3A_123] : memref<10000x128xf32, #tpu.memory_space<vmem_shared>> -> memref<64x128xf32, #tpu.memory_space<vmem_shared>>
        tpu.enqueue_dma source(%arg20 : memref<64x128xf32, #tpu.memory_space<vmem>>) target(%dma_start3A_124 : memref<64x128xf32, #tpu.memory_space<vmem_shared>>) target_semaphore(%run_scoped3A : memref<!tpu.dma_semaphore, #tpu.memory_space<semaphore_mem>>)
        %dma_wait3A_125 = arith.constant 9872 : i32
        %dma_wait3A_126 = arith.constant 0 : i32
        %dma_wait3A_127 = tpu.memref_slice %arg7[%dma_wait3A_125, %dma_wait3A_126] : memref<10000x128xf32, #tpu.memory_space<vmem_shared>> -> memref<64x128xf32, #tpu.memory_space<vmem_shared>>
        %dma_wait3A_128 = arith.constant 9872 : i32
        %dma_wait3A_129 = arith.constant 0 : i32
        %dma_wait3A_130 = tpu.memref_slice %arg7[%dma_wait3A_128, %dma_wait3A_129] : memref<10000x128xf32, #tpu.memory_space<vmem_shared>> -> memref<64x128xf32, #tpu.memory_space<vmem_shared>>
        tpu.wait_dma2 semaphore(%run_scoped3A : memref<!tpu.dma_semaphore, #tpu.memory_space<semaphore_mem>>) src(%arg20 : memref<64x128xf32, #tpu.memory_space<vmem>>) dst(%dma_wait3A_130 : memref<64x128xf32, #tpu.memory_space<vmem_shared>>)
        tpu.yield
      }) : () -> ()
      "tpu.region"() ({
        %run_scoped3A = tpu.sem_alloc : memref<!tpu.dma_semaphore, #tpu.memory_space<semaphore_mem>>
        %dma_start3A_119 = arith.constant 9936 : i32
        %dma_start3A_120 = arith.constant 0 : i32
        %dma_start3A_121 = tpu.memref_slice %arg7[%dma_start3A_119, %dma_start3A_120] : memref<10000x128xf32, #tpu.memory_space<vmem_shared>> -> memref<64x128xf32, #tpu.memory_space<vmem_shared>>
        %dma_start3A_122 = arith.constant 9936 : i32
        %dma_start3A_123 = arith.constant 0 : i32
        %dma_start3A_124 = tpu.memref_slice %arg7[%dma_start3A_122, %dma_start3A_123] : memref<10000x128xf32, #tpu.memory_space<vmem_shared>> -> memref<64x128xf32, #tpu.memory_space<vmem_shared>>
        tpu.enqueue_dma source(%arg20 : memref<64x128xf32, #tpu.memory_space<vmem>>) target(%dma_start3A_124 : memref<64x128xf32, #tpu.memory_space<vmem_shared>>) target_semaphore(%run_scoped3A : memref<!tpu.dma_semaphore, #tpu.memory_space<semaphore_mem>>)
        %dma_wait3A_125 = arith.constant 9936 : i32
        %dma_wait3A_126 = arith.constant 0 : i32
        %dma_wait3A_127 = tpu.memref_slice %arg7[%dma_wait3A_125, %dma_wait3A_126] : memref<10000x128xf32, #tpu.memory_space<vmem_shared>> -> memref<64x128xf32, #tpu.memory_space<vmem_shared>>
        %dma_wait3A_128 = arith.constant 9936 : i32
        %dma_wait3A_129 = arith.constant 0 : i32
        %dma_wait3A_130 = tpu.memref_slice %arg7[%dma_wait3A_128, %dma_wait3A_129] : memref<10000x128xf32, #tpu.memory_space<vmem_shared>> -> memref<64x128xf32, #tpu.memory_space<vmem_shared>>
        tpu.wait_dma2 semaphore(%run_scoped3A : memref<!tpu.dma_semaphore, #tpu.memory_space<semaphore_mem>>) src(%arg20 : memref<64x128xf32, #tpu.memory_space<vmem>>) dst(%dma_wait3A_130 : memref<64x128xf32, #tpu.memory_space<vmem_shared>>)
        tpu.yield
      }) : () -> ()
    } else {
    }
    %barrier3A = arith.constant 0 : index
    tpu.barrier barrier_id(%barrier3A)
    %dma_wait3A = arith.constant 0 : i32
    %dma_wait3A_62 = arith.constant 0 : i32
    %dma_wait3A_63 = tpu.memref_slice %arg3[%dma_wait3A, %dma_wait3A_62] : memref<2x320000xi32, #tpu.memory_space<hbm>> -> memref<2x128xi32, #tpu.memory_space<hbm>>
    %dma_wait3A_64 = arith.constant 0 : i32
    %dma_wait3A_65 = arith.constant 0 : i32
    %dma_wait3A_66 = tpu.memref_slice %arg3[%dma_wait3A_64, %dma_wait3A_65] : memref<2x320000xi32, #tpu.memory_space<hbm>> -> memref<2x128xi32, #tpu.memory_space<hbm>>
    tpu.wait_dma2 semaphore(%arg23 : memref<!tpu.dma_semaphore, #tpu.memory_space<semaphore_mem>>) src(%dma_wait3A_66 : memref<2x128xi32, #tpu.memory_space<hbm>>) dst(%arg8 : memref<2x128xi32, #tpu.memory_space<vmem>>)
    %dma_start3A_67 = arith.constant 1 : i32
    %dma_start3A_68 = arith.constant 0 : i32
    %dma_start3A_69 = tpu.memref_slice %arg8[%dma_start3A_67, %dma_start3A_68] : memref<2x128xi32, #tpu.memory_space<vmem>> -> memref<1x64xi32, #tpu.memory_space<vmem>>
    %dma_start3A_70 = tpu.memref_squeeze %dma_start3A_69 : memref<1x64xi32, #tpu.memory_space<vmem>> -> memref<64xi32, #tpu.memory_space<vmem>>
    %dma_start3A_71 = arith.constant 0 : i32
    %dma_start3A_72 = arith.constant 0 : i32
    %dma_start3A_73 = tpu.memref_slice %arg2[%dma_start3A_71, %dma_start3A_72] : memref<10000x128xf32, #tpu.memory_space<hbm>> -> memref<10000x128xf32, #tpu.memory_space<hbm>>
    tpu.enqueue_indirect_dma source(%dma_start3A_73 : memref<10000x128xf32, #tpu.memory_space<hbm>>) target(%arg17 : memref<64x128xf32, #tpu.memory_space<vmem>>) offsets(%dma_start3A_70 : memref<64xi32, #tpu.memory_space<vmem>>) semaphore(%arg29 : memref<!tpu.dma_semaphore, #tpu.memory_space<semaphore_mem>>)
    %dma_start3A_74 = arith.constant 1 : i32
    %dma_start3A_75 = arith.constant 64 : i32
    %dma_start3A_76 = tpu.memref_slice %arg8[%dma_start3A_74, %dma_start3A_75] : memref<2x128xi32, #tpu.memory_space<vmem>> -> memref<1x64xi32, #tpu.memory_space<vmem>>
    %dma_start3A_77 = tpu.memref_squeeze %dma_start3A_76 : memref<1x64xi32, #tpu.memory_space<vmem>> -> memref<64xi32, #tpu.memory_space<vmem>>
    %dma_start3A_78 = arith.constant 0 : i32
    %dma_start3A_79 = arith.constant 0 : i32
    %dma_start3A_80 = tpu.memref_slice %arg2[%dma_start3A_78, %dma_start3A_79] : memref<10000x128xf32, #tpu.memory_space<hbm>> -> memref<10000x128xf32, #tpu.memory_space<hbm>>
    tpu.enqueue_indirect_dma source(%dma_start3A_80 : memref<10000x128xf32, #tpu.memory_space<hbm>>) target(%arg18 : memref<64x128xf32, #tpu.memory_space<vmem>>) offsets(%dma_start3A_77 : memref<64xi32, #tpu.memory_space<vmem>>) semaphore(%arg30 : memref<!tpu.dma_semaphore, #tpu.memory_space<semaphore_mem>>)
    %dma_wait3A_81 = arith.constant 0 : i32
    %dma_wait3A_82 = arith.constant 0 : i32
    %dma_wait3A_83 = tpu.memref_slice %arg3[%dma_wait3A_81, %dma_wait3A_82] : memref<2x320000xi32, #tpu.memory_space<hbm>> -> memref<2x128xi32, #tpu.memory_space<hbm>>
    %dma_wait3A_84 = arith.constant 0 : i32
    %dma_wait3A_85 = arith.constant 0 : i32
    %dma_wait3A_86 = tpu.memref_slice %arg3[%dma_wait3A_84, %dma_wait3A_85] : memref<2x320000xi32, #tpu.memory_space<hbm>> -> memref<2x128xi32, #tpu.memory_space<hbm>>
    tpu.wait_dma2 semaphore(%arg24 : memref<!tpu.dma_semaphore, #tpu.memory_space<semaphore_mem>>) src(%dma_wait3A_86 : memref<2x128xi32, #tpu.memory_space<hbm>>) dst(%arg9 : memref<2x128xi32, #tpu.memory_space<vmem>>)
    %dma_start3A_87 = arith.constant 1 : i32
    %dma_start3A_88 = arith.constant 0 : i32
    %dma_start3A_89 = tpu.memref_slice %arg9[%dma_start3A_87, %dma_start3A_88] : memref<2x128xi32, #tpu.memory_space<vmem>> -> memref<1x64xi32, #tpu.memory_space<vmem>>
    %dma_start3A_90 = tpu.memref_squeeze %dma_start3A_89 : memref<1x64xi32, #tpu.memory_space<vmem>> -> memref<64xi32, #tpu.memory_space<vmem>>
    %dma_start3A_91 = arith.constant 0 : i32
    %dma_start3A_92 = arith.constant 0 : i32
    %dma_start3A_93 = tpu.memref_slice %arg2[%dma_start3A_91, %dma_start3A_92] : memref<10000x128xf32, #tpu.memory_space<hbm>> -> memref<10000x128xf32, #tpu.memory_space<hbm>>
    tpu.enqueue_indirect_dma source(%dma_start3A_93 : memref<10000x128xf32, #tpu.memory_space<hbm>>) target(%arg19 : memref<64x128xf32, #tpu.memory_space<vmem>>) offsets(%dma_start3A_90 : memref<64xi32, #tpu.memory_space<vmem>>) semaphore(%arg31 : memref<!tpu.dma_semaphore, #tpu.memory_space<semaphore_mem>>)
    %scan3A = arith.constant 0 : i32
    %scan3A_94 = arith.constant 0 : i32
    %scan3A_95 = arith.constant 26 : i32
    %scan3A_96 = arith.addi %scan3A_94, %scan3A_95 : i32
    %scan3A_97 = arith.constant 1 : i32
    scf.for %scan3A_119 = %scan3A_94 to %scan3A_96 step %scan3A_97  : i32 {
      %dma_wait3A_120 = arith.constant 1 : i32
      %dma_wait3A_121 = arith.constant 0 : i32
      %dma_wait3A_122 = tpu.memref_slice %arg8[%dma_wait3A_120, %dma_wait3A_121] : memref<2x128xi32, #tpu.memory_space<vmem>> -> memref<1x64xi32, #tpu.memory_space<vmem>>
      %dma_wait3A_123 = tpu.memref_squeeze %dma_wait3A_122 : memref<1x64xi32, #tpu.memory_space<vmem>> -> memref<64xi32, #tpu.memory_space<vmem>>
      %dma_wait3A_124 = arith.constant 0 : i32
      %dma_wait3A_125 = arith.constant 0 : i32
      %dma_wait3A_126 = tpu.memref_slice %arg2[%dma_wait3A_124, %dma_wait3A_125] : memref<10000x128xf32, #tpu.memory_space<hbm>> -> memref<10000x128xf32, #tpu.memory_space<hbm>>
      tpu.wait_indirect_dma semaphore(%arg29 : memref<!tpu.dma_semaphore, #tpu.memory_space<semaphore_mem>>) src(%dma_wait3A_126 : memref<10000x128xf32, #tpu.memory_space<hbm>>) dst(%arg17 : memref<64x128xf32, #tpu.memory_space<vmem>>)
      %gt3A = arith.constant 0 : i32
      %gt3A_127 = arith.cmpi sgt, %scan3A_119, %gt3A : i32
      %convert_element_type3A_128 = arith.extui %gt3A_127 : i1 to i32
      %cond3A_129 = arith.constant 0 : i32
      %cond3A_130 = arith.cmpi ne, %convert_element_type3A_128, %cond3A_129 : i32
      scf.if %cond3A_130 {
        %dma_wait3A_531 = arith.constant 0 : i32
        %dma_wait3A_532 = arith.constant 0 : i32
        %dma_wait3A_533 = tpu.memref_slice %arg7[%dma_wait3A_531, %dma_wait3A_532] : memref<10000x128xf32, #tpu.memory_space<vmem_shared>> -> memref<10000x128xf32, #tpu.memory_space<vmem_shared>>
        tpu.wait_indirect_dma semaphore(%arg32 : memref<!tpu.dma_semaphore, #tpu.memory_space<semaphore_mem>>) src(%arg20 : memref<64x128xf32, #tpu.memory_space<vmem>>) dst(%dma_wait3A_533 : memref<10000x128xf32, #tpu.memory_space<vmem_shared>>)
      } else {
      }
      %get3A = arith.constant 0 : i32
      %get3A_131 = arith.index_cast %get3A : i32 to index
      %get3A_132 = arith.constant 0 : index
      %get3A_133 = tpu.vector_load %arg8[%get3A_131, %get3A_132] {strides = array<i32>} : memref<2x128xi32, #tpu.memory_space<vmem>>, vector<16xi32>,
      %swap3A = arith.constant 0 : index
      %swap3A_134 = tpu.vector_load %arg14[%swap3A] {strides = array<i32>} : memref<64xi32, #tpu.memory_space<vmem>>, vector<16xi32>,
      tpu.vector_store %arg14[%swap3A], %get3A_133 {strides = array<i32>} : memref<64xi32, #tpu.memory_space<vmem>>, vector<16xi32>,
      %get3A_135 = arith.constant 0 : i32
      %get3A_136 = arith.index_cast %get3A_135 : i32 to index
      %get3A_137 = arith.constant 16 : index
      %get3A_138 = tpu.vector_load %arg8[%get3A_136, %get3A_137] {strides = array<i32>} : memref<2x128xi32, #tpu.memory_space<vmem>>, vector<16xi32>,
      %swap3A_139 = arith.constant 16 : index
      %swap3A_140 = tpu.vector_load %arg14[%swap3A_139] {strides = array<i32>} : memref<64xi32, #tpu.memory_space<vmem>>, vector<16xi32>,
      tpu.vector_store %arg14[%swap3A_139], %get3A_138 {strides = array<i32>} : memref<64xi32, #tpu.memory_space<vmem>>, vector<16xi32>,
      %get3A_141 = arith.constant 0 : i32
      %get3A_142 = arith.index_cast %get3A_141 : i32 to index
      %get3A_143 = arith.constant 32 : index
      %get3A_144 = tpu.vector_load %arg8[%get3A_142, %get3A_143] {strides = array<i32>} : memref<2x128xi32, #tpu.memory_space<vmem>>, vector<16xi32>,
      %swap3A_145 = arith.constant 32 : index
      %swap3A_146 = tpu.vector_load %arg14[%swap3A_145] {strides = array<i32>} : memref<64xi32, #tpu.memory_space<vmem>>, vector<16xi32>,
      tpu.vector_store %arg14[%swap3A_145], %get3A_144 {strides = array<i32>} : memref<64xi32, #tpu.memory_space<vmem>>, vector<16xi32>,
      %get3A_147 = arith.constant 0 : i32
      %get3A_148 = arith.index_cast %get3A_147 : i32 to index
      %get3A_149 = arith.constant 48 : index
      %get3A_150 = tpu.vector_load %arg8[%get3A_148, %get3A_149] {strides = array<i32>} : memref<2x128xi32, #tpu.memory_space<vmem>>, vector<16xi32>,
      %swap3A_151 = arith.constant 48 : index
      %swap3A_152 = tpu.vector_load %arg14[%swap3A_151] {strides = array<i32>} : memref<64xi32, #tpu.memory_space<vmem>>, vector<16xi32>,
      tpu.vector_store %arg14[%swap3A_151], %get3A_150 {strides = array<i32>} : memref<64xi32, #tpu.memory_space<vmem>>, vector<16xi32>,
      %dma_wait3A_153 = arith.constant 0 : i32
      %dma_wait3A_154 = tpu.memref_slice %arg4[%dma_wait3A_153] : memref<320000xf32, #tpu.memory_space<hbm>> -> memref<128xf32, #tpu.memory_space<hbm>>
      %dma_wait3A_155 = arith.constant 0 : i32
      %dma_wait3A_156 = tpu.memref_slice %arg4[%dma_wait3A_155] : memref<320000xf32, #tpu.memory_space<hbm>> -> memref<128xf32, #tpu.memory_space<hbm>>
      tpu.wait_dma2 semaphore(%arg26 : memref<!tpu.dma_semaphore, #tpu.memory_space<semaphore_mem>>) src(%dma_wait3A_156 : memref<128xf32, #tpu.memory_space<hbm>>) dst(%arg11 : memref<128xf32, #tpu.memory_space<vmem>>)
      %parallel_loop3A_157 = arith.constant 0 : i32
      %parallel_loop3A_158 = arith.constant 64 : i32
      %parallel_loop3A_159 = arith.constant 1 : i32
      scf.for %parallel_loop3A_531 = %parallel_loop3A_157 to %parallel_loop3A_158 step %parallel_loop3A_159  : i32 {
        %parallel_loop3A_532 = arith.constant 0 : i32
        %parallel_loop3A_533 = arith.addi %parallel_loop3A_532, %parallel_loop3A_531 : i32
        %parallel_loop3A_534 = vector.broadcast %parallel_loop3A_533 : i32 to vector<16xi32>
        %parallel_loop3A_535 = tpu.vector_load_idx %arg11[%parallel_loop3A_534] : memref<128xf32, #tpu.memory_space<vmem>>[vector<16xi32>], vector<16xf32>,
        %parallel_loop3A_536 = arith.index_cast %parallel_loop3A_531 : i32 to index
        %parallel_loop3A_537 = arith.constant 0 : index
        %parallel_loop3A_538 = tpu.vector_load %arg17[%parallel_loop3A_536, %parallel_loop3A_537] {strides = array<i32>} : memref<64x128xf32, #tpu.memory_space<vmem>>, vector<16xf32>,
        %parallel_loop3A_539 = arith.mulf %parallel_loop3A_538, %parallel_loop3A_535 : vector<16xf32>
        %parallel_loop3A_540 = arith.index_cast %parallel_loop3A_531 : i32 to index
        %parallel_loop3A_541 = arith.constant 0 : index
        %parallel_loop3A_542 = tpu.vector_load %arg20[%parallel_loop3A_540, %parallel_loop3A_541] {strides = array<i32>} : memref<64x128xf32, #tpu.memory_space<vmem>>, vector<16xf32>,
        tpu.vector_store %arg20[%parallel_loop3A_540, %parallel_loop3A_541], %parallel_loop3A_539 {strides = array<i32>} : memref<64x128xf32, #tpu.memory_space<vmem>>, vector<16xf32>,
        %parallel_loop3A_543 = arith.index_cast %parallel_loop3A_531 : i32 to index
        %parallel_loop3A_544 = arith.constant 16 : index
        %parallel_loop3A_545 = tpu.vector_load %arg17[%parallel_loop3A_543, %parallel_loop3A_544] {strides = array<i32>} : memref<64x128xf32, #tpu.memory_space<vmem>>, vector<16xf32>,
        %parallel_loop3A_546 = arith.mulf %parallel_loop3A_545, %parallel_loop3A_535 : vector<16xf32>
        %parallel_loop3A_547 = arith.index_cast %parallel_loop3A_531 : i32 to index
        %parallel_loop3A_548 = arith.constant 16 : index
        %parallel_loop3A_549 = tpu.vector_load %arg20[%parallel_loop3A_547, %parallel_loop3A_548] {strides = array<i32>} : memref<64x128xf32, #tpu.memory_space<vmem>>, vector<16xf32>,
        tpu.vector_store %arg20[%parallel_loop3A_547, %parallel_loop3A_548], %parallel_loop3A_546 {strides = array<i32>} : memref<64x128xf32, #tpu.memory_space<vmem>>, vector<16xf32>,
        %parallel_loop3A_550 = arith.index_cast %parallel_loop3A_531 : i32 to index
        %parallel_loop3A_551 = arith.constant 32 : index
        %parallel_loop3A_552 = tpu.vector_load %arg17[%parallel_loop3A_550, %parallel_loop3A_551] {strides = array<i32>} : memref<64x128xf32, #tpu.memory_space<vmem>>, vector<16xf32>,
        %parallel_loop3A_553 = arith.mulf %parallel_loop3A_552, %parallel_loop3A_535 : vector<16xf32>
        %parallel_loop3A_554 = arith.index_cast %parallel_loop3A_531 : i32 to index
        %parallel_loop3A_555 = arith.constant 32 : index
        %parallel_loop3A_556 = tpu.vector_load %arg20[%parallel_loop3A_554, %parallel_loop3A_555] {strides = array<i32>} : memref<64x128xf32, #tpu.memory_space<vmem>>, vector<16xf32>,
        tpu.vector_store %arg20[%parallel_loop3A_554, %parallel_loop3A_555], %parallel_loop3A_553 {strides = array<i32>} : memref<64x128xf32, #tpu.memory_space<vmem>>, vector<16xf32>,
        %parallel_loop3A_557 = arith.index_cast %parallel_loop3A_531 : i32 to index
        %parallel_loop3A_558 = arith.constant 48 : index
        %parallel_loop3A_559 = tpu.vector_load %arg17[%parallel_loop3A_557, %parallel_loop3A_558] {strides = array<i32>} : memref<64x128xf32, #tpu.memory_space<vmem>>, vector<16xf32>,
        %parallel_loop3A_560 = arith.mulf %parallel_loop3A_559, %parallel_loop3A_535 : vector<16xf32>
        %parallel_loop3A_561 = arith.index_cast %parallel_loop3A_531 : i32 to index
        %parallel_loop3A_562 = arith.constant 48 : index
        %parallel_loop3A_563 = tpu.vector_load %arg20[%parallel_loop3A_561, %parallel_loop3A_562] {strides = array<i32>} : memref<64x128xf32, #tpu.memory_space<vmem>>, vector<16xf32>,
        tpu.vector_store %arg20[%parallel_loop3A_561, %parallel_loop3A_562], %parallel_loop3A_560 {strides = array<i32>} : memref<64x128xf32, #tpu.memory_space<vmem>>, vector<16xf32>,
        %parallel_loop3A_564 = arith.index_cast %parallel_loop3A_531 : i32 to index
        %parallel_loop3A_565 = arith.constant 64 : index
        %parallel_loop3A_566 = tpu.vector_load %arg17[%parallel_loop3A_564, %parallel_loop3A_565] {strides = array<i32>} : memref<64x128xf32, #tpu.memory_space<vmem>>, vector<16xf32>,
        %parallel_loop3A_567 = arith.mulf %parallel_loop3A_566, %parallel_loop3A_535 : vector<16xf32>
        %parallel_loop3A_568 = arith.index_cast %parallel_loop3A_531 : i32 to index
        %parallel_loop3A_569 = arith.constant 64 : index
        %parallel_loop3A_570 = tpu.vector_load %arg20[%parallel_loop3A_568, %parallel_loop3A_569] {strides = array<i32>} : memref<64x128xf32, #tpu.memory_space<vmem>>, vector<16xf32>,
        tpu.vector_store %arg20[%parallel_loop3A_568, %parallel_loop3A_569], %parallel_loop3A_567 {strides = array<i32>} : memref<64x128xf32, #tpu.memory_space<vmem>>, vector<16xf32>,
        %parallel_loop3A_571 = arith.index_cast %parallel_loop3A_531 : i32 to index
        %parallel_loop3A_572 = arith.constant 80 : index
        %parallel_loop3A_573 = tpu.vector_load %arg17[%parallel_loop3A_571, %parallel_loop3A_572] {strides = array<i32>} : memref<64x128xf32, #tpu.memory_space<vmem>>, vector<16xf32>,
        %parallel_loop3A_574 = arith.mulf %parallel_loop3A_573, %parallel_loop3A_535 : vector<16xf32>
        %parallel_loop3A_575 = arith.index_cast %parallel_loop3A_531 : i32 to index
        %parallel_loop3A_576 = arith.constant 80 : index
        %parallel_loop3A_577 = tpu.vector_load %arg20[%parallel_loop3A_575, %parallel_loop3A_576] {strides = array<i32>} : memref<64x128xf32, #tpu.memory_space<vmem>>, vector<16xf32>,
        tpu.vector_store %arg20[%parallel_loop3A_575, %parallel_loop3A_576], %parallel_loop3A_574 {strides = array<i32>} : memref<64x128xf32, #tpu.memory_space<vmem>>, vector<16xf32>,
        %parallel_loop3A_578 = arith.index_cast %parallel_loop3A_531 : i32 to index
        %parallel_loop3A_579 = arith.constant 96 : index
        %parallel_loop3A_580 = tpu.vector_load %arg17[%parallel_loop3A_578, %parallel_loop3A_579] {strides = array<i32>} : memref<64x128xf32, #tpu.memory_space<vmem>>, vector<16xf32>,
        %parallel_loop3A_581 = arith.mulf %parallel_loop3A_580, %parallel_loop3A_535 : vector<16xf32>
        %parallel_loop3A_582 = arith.index_cast %parallel_loop3A_531 : i32 to index
        %parallel_loop3A_583 = arith.constant 96 : index
        %parallel_loop3A_584 = tpu.vector_load %arg20[%parallel_loop3A_582, %parallel_loop3A_583] {strides = array<i32>} : memref<64x128xf32, #tpu.memory_space<vmem>>, vector<16xf32>,
        tpu.vector_store %arg20[%parallel_loop3A_582, %parallel_loop3A_583], %parallel_loop3A_581 {strides = array<i32>} : memref<64x128xf32, #tpu.memory_space<vmem>>, vector<16xf32>,
        %parallel_loop3A_585 = arith.index_cast %parallel_loop3A_531 : i32 to index
        %parallel_loop3A_586 = arith.constant 112 : index
        %parallel_loop3A_587 = tpu.vector_load %arg17[%parallel_loop3A_585, %parallel_loop3A_586] {strides = array<i32>} : memref<64x128xf32, #tpu.memory_space<vmem>>, vector<16xf32>,
        %parallel_loop3A_588 = arith.mulf %parallel_loop3A_587, %parallel_loop3A_535 : vector<16xf32>
        %parallel_loop3A_589 = arith.index_cast %parallel_loop3A_531 : i32 to index
        %parallel_loop3A_590 = arith.constant 112 : index
        %parallel_loop3A_591 = tpu.vector_load %arg20[%parallel_loop3A_589, %parallel_loop3A_590] {strides = array<i32>} : memref<64x128xf32, #tpu.memory_space<vmem>>, vector<16xf32>,
        tpu.vector_store %arg20[%parallel_loop3A_589, %parallel_loop3A_590], %parallel_loop3A_588 {strides = array<i32>} : memref<64x128xf32, #tpu.memory_space<vmem>>, vector<16xf32>,
      } {sc.loop_unroll_factor = 8 : i64, sc.parallel_access}
      %dma_start3A_160 = arith.constant 0 : i32
      %dma_start3A_161 = arith.constant 0 : i32
      %dma_start3A_162 = tpu.memref_slice %arg7[%dma_start3A_160, %dma_start3A_161] : memref<10000x128xf32, #tpu.memory_space<vmem_shared>> -> memref<10000x128xf32, #tpu.memory_space<vmem_shared>>
      tpu.enqueue_indirect_dma source(%arg20 : memref<64x128xf32, #tpu.memory_space<vmem>>) target(%dma_start3A_162 : memref<10000x128xf32, #tpu.memory_space<vmem_shared>>) offsets(%arg14 : memref<64xi32, #tpu.memory_space<vmem>>) semaphore(%arg32 : memref<!tpu.dma_semaphore, #tpu.memory_space<semaphore_mem>>) {add = true}
      %dma_start3A_163 = arith.constant 1 : i32
      %dma_start3A_164 = arith.constant 64 : i32
      %dma_start3A_165 = tpu.memref_slice %arg9[%dma_start3A_163, %dma_start3A_164] : memref<2x128xi32, #tpu.memory_space<vmem>> -> memref<1x64xi32, #tpu.memory_space<vmem>>
      %dma_start3A_166 = tpu.memref_squeeze %dma_start3A_165 : memref<1x64xi32, #tpu.memory_space<vmem>> -> memref<64xi32, #tpu.memory_space<vmem>>
      %dma_start3A_167 = arith.constant 0 : i32
      %dma_start3A_168 = arith.constant 0 : i32
      %dma_start3A_169 = tpu.memref_slice %arg2[%dma_start3A_167, %dma_start3A_168] : memref<10000x128xf32, #tpu.memory_space<hbm>> -> memref<10000x128xf32, #tpu.memory_space<hbm>>
      tpu.enqueue_indirect_dma source(%dma_start3A_169 : memref<10000x128xf32, #tpu.memory_space<hbm>>) target(%arg17 : memref<64x128xf32, #tpu.memory_space<vmem>>) offsets(%dma_start3A_166 : memref<64xi32, #tpu.memory_space<vmem>>) semaphore(%arg29 : memref<!tpu.dma_semaphore, #tpu.memory_space<semaphore_mem>>)
      %dma_wait3A_170 = arith.constant 1 : i32
      %dma_wait3A_171 = arith.constant 0 : i32
      %dma_wait3A_172 = tpu.memref_slice %arg8[%dma_wait3A_170, %dma_wait3A_171] : memref<2x128xi32, #tpu.memory_space<vmem>> -> memref<1x64xi32, #tpu.memory_space<vmem>>
      %dma_wait3A_173 = tpu.memref_squeeze %dma_wait3A_172 : memref<1x64xi32, #tpu.memory_space<vmem>> -> memref<64xi32, #tpu.memory_space<vmem>>
      %dma_wait3A_174 = arith.constant 0 : i32
      %dma_wait3A_175 = arith.constant 0 : i32
      %dma_wait3A_176 = tpu.memref_slice %arg2[%dma_wait3A_174, %dma_wait3A_175] : memref<10000x128xf32, #tpu.memory_space<hbm>> -> memref<10000x128xf32, #tpu.memory_space<hbm>>
      tpu.wait_indirect_dma semaphore(%arg30 : memref<!tpu.dma_semaphore, #tpu.memory_space<semaphore_mem>>) src(%dma_wait3A_176 : memref<10000x128xf32, #tpu.memory_space<hbm>>) dst(%arg18 : memref<64x128xf32, #tpu.memory_space<vmem>>)
      %gt3A_177 = arith.constant 0 : i32
      %gt3A_178 = arith.cmpi sgt, %scan3A_119, %gt3A_177 : i32
      %convert_element_type3A_179 = arith.extui %gt3A_178 : i1 to i32
      %cond3A_180 = arith.constant 0 : i32
      %cond3A_181 = arith.cmpi ne, %convert_element_type3A_179, %cond3A_180 : i32
      scf.if %cond3A_181 {
        %dma_wait3A_531 = arith.constant 0 : i32
        %dma_wait3A_532 = arith.constant 0 : i32
        %dma_wait3A_533 = tpu.memref_slice %arg7[%dma_wait3A_531, %dma_wait3A_532] : memref<10000x128xf32, #tpu.memory_space<vmem_shared>> -> memref<10000x128xf32, #tpu.memory_space<vmem_shared>>
        tpu.wait_indirect_dma semaphore(%arg33 : memref<!tpu.dma_semaphore, #tpu.memory_space<semaphore_mem>>) src(%arg21 : memref<64x128xf32, #tpu.memory_space<vmem>>) dst(%dma_wait3A_533 : memref<10000x128xf32, #tpu.memory_space<vmem_shared>>)
      } else {
      }
      %get3A_182 = arith.constant 0 : i32
      %get3A_183 = arith.index_cast %get3A_182 : i32 to index
      %get3A_184 = arith.constant 64 : index
      %get3A_185 = tpu.vector_load %arg8[%get3A_183, %get3A_184] {strides = array<i32>} : memref<2x128xi32, #tpu.memory_space<vmem>>, vector<16xi32>,
      %swap3A_186 = arith.constant 0 : index
      %swap3A_187 = tpu.vector_load %arg15[%swap3A_186] {strides = array<i32>} : memref<64xi32, #tpu.memory_space<vmem>>, vector<16xi32>,
      tpu.vector_store %arg15[%swap3A_186], %get3A_185 {strides = array<i32>} : memref<64xi32, #tpu.memory_space<vmem>>, vector<16xi32>,
      %get3A_188 = arith.constant 0 : i32
      %get3A_189 = arith.index_cast %get3A_188 : i32 to index
      %get3A_190 = arith.constant 80 : index
      %get3A_191 = tpu.vector_load %arg8[%get3A_189, %get3A_190] {strides = array<i32>} : memref<2x128xi32, #tpu.memory_space<vmem>>, vector<16xi32>,
      %swap3A_192 = arith.constant 16 : index
      %swap3A_193 = tpu.vector_load %arg15[%swap3A_192] {strides = array<i32>} : memref<64xi32, #tpu.memory_space<vmem>>, vector<16xi32>,
      tpu.vector_store %arg15[%swap3A_192], %get3A_191 {strides = array<i32>} : memref<64xi32, #tpu.memory_space<vmem>>, vector<16xi32>,
      %get3A_194 = arith.constant 0 : i32
      %get3A_195 = arith.index_cast %get3A_194 : i32 to index
      %get3A_196 = arith.constant 96 : index
      %get3A_197 = tpu.vector_load %arg8[%get3A_195, %get3A_196] {strides = array<i32>} : memref<2x128xi32, #tpu.memory_space<vmem>>, vector<16xi32>,
      %swap3A_198 = arith.constant 32 : index
      %swap3A_199 = tpu.vector_load %arg15[%swap3A_198] {strides = array<i32>} : memref<64xi32, #tpu.memory_space<vmem>>, vector<16xi32>,
      tpu.vector_store %arg15[%swap3A_198], %get3A_197 {strides = array<i32>} : memref<64xi32, #tpu.memory_space<vmem>>, vector<16xi32>,
      %get3A_200 = arith.constant 0 : i32
      %get3A_201 = arith.index_cast %get3A_200 : i32 to index
      %get3A_202 = arith.constant 112 : index
      %get3A_203 = tpu.vector_load %arg8[%get3A_201, %get3A_202] {strides = array<i32>} : memref<2x128xi32, #tpu.memory_space<vmem>>, vector<16xi32>,
      %swap3A_204 = arith.constant 48 : index
      %swap3A_205 = tpu.vector_load %arg15[%swap3A_204] {strides = array<i32>} : memref<64xi32, #tpu.memory_space<vmem>>, vector<16xi32>,
      tpu.vector_store %arg15[%swap3A_204], %get3A_203 {strides = array<i32>} : memref<64xi32, #tpu.memory_space<vmem>>, vector<16xi32>,
      %parallel_loop3A_206 = arith.constant 0 : i32
      %parallel_loop3A_207 = arith.constant 64 : i32
      %parallel_loop3A_208 = arith.constant 1 : i32
      scf.for %parallel_loop3A_531 = %parallel_loop3A_206 to %parallel_loop3A_207 step %parallel_loop3A_208  : i32 {
        %parallel_loop3A_532 = arith.constant 64 : i32
        %parallel_loop3A_533 = arith.addi %parallel_loop3A_532, %parallel_loop3A_531 : i32
        %parallel_loop3A_534 = vector.broadcast %parallel_loop3A_533 : i32 to vector<16xi32>
        %parallel_loop3A_535 = tpu.vector_load_idx %arg11[%parallel_loop3A_534] : memref<128xf32, #tpu.memory_space<vmem>>[vector<16xi32>], vector<16xf32>,
        %parallel_loop3A_536 = arith.index_cast %parallel_loop3A_531 : i32 to index
        %parallel_loop3A_537 = arith.constant 0 : index
        %parallel_loop3A_538 = tpu.vector_load %arg18[%parallel_loop3A_536, %parallel_loop3A_537] {strides = array<i32>} : memref<64x128xf32, #tpu.memory_space<vmem>>, vector<16xf32>,
        %parallel_loop3A_539 = arith.mulf %parallel_loop3A_538, %parallel_loop3A_535 : vector<16xf32>
        %parallel_loop3A_540 = arith.index_cast %parallel_loop3A_531 : i32 to index
        %parallel_loop3A_541 = arith.constant 0 : index
        %parallel_loop3A_542 = tpu.vector_load %arg21[%parallel_loop3A_540, %parallel_loop3A_541] {strides = array<i32>} : memref<64x128xf32, #tpu.memory_space<vmem>>, vector<16xf32>,
        tpu.vector_store %arg21[%parallel_loop3A_540, %parallel_loop3A_541], %parallel_loop3A_539 {strides = array<i32>} : memref<64x128xf32, #tpu.memory_space<vmem>>, vector<16xf32>,
        %parallel_loop3A_543 = arith.index_cast %parallel_loop3A_531 : i32 to index
        %parallel_loop3A_544 = arith.constant 16 : index
        %parallel_loop3A_545 = tpu.vector_load %arg18[%parallel_loop3A_543, %parallel_loop3A_544] {strides = array<i32>} : memref<64x128xf32, #tpu.memory_space<vmem>>, vector<16xf32>,
        %parallel_loop3A_546 = arith.mulf %parallel_loop3A_545, %parallel_loop3A_535 : vector<16xf32>
        %parallel_loop3A_547 = arith.index_cast %parallel_loop3A_531 : i32 to index
        %parallel_loop3A_548 = arith.constant 16 : index
        %parallel_loop3A_549 = tpu.vector_load %arg21[%parallel_loop3A_547, %parallel_loop3A_548] {strides = array<i32>} : memref<64x128xf32, #tpu.memory_space<vmem>>, vector<16xf32>,
        tpu.vector_store %arg21[%parallel_loop3A_547, %parallel_loop3A_548], %parallel_loop3A_546 {strides = array<i32>} : memref<64x128xf32, #tpu.memory_space<vmem>>, vector<16xf32>,
        %parallel_loop3A_550 = arith.index_cast %parallel_loop3A_531 : i32 to index
        %parallel_loop3A_551 = arith.constant 32 : index
        %parallel_loop3A_552 = tpu.vector_load %arg18[%parallel_loop3A_550, %parallel_loop3A_551] {strides = array<i32>} : memref<64x128xf32, #tpu.memory_space<vmem>>, vector<16xf32>,
        %parallel_loop3A_553 = arith.mulf %parallel_loop3A_552, %parallel_loop3A_535 : vector<16xf32>
        %parallel_loop3A_554 = arith.index_cast %parallel_loop3A_531 : i32 to index
        %parallel_loop3A_555 = arith.constant 32 : index
        %parallel_loop3A_556 = tpu.vector_load %arg21[%parallel_loop3A_554, %parallel_loop3A_555] {strides = array<i32>} : memref<64x128xf32, #tpu.memory_space<vmem>>, vector<16xf32>,
        tpu.vector_store %arg21[%parallel_loop3A_554, %parallel_loop3A_555], %parallel_loop3A_553 {strides = array<i32>} : memref<64x128xf32, #tpu.memory_space<vmem>>, vector<16xf32>,
        %parallel_loop3A_557 = arith.index_cast %parallel_loop3A_531 : i32 to index
        %parallel_loop3A_558 = arith.constant 48 : index
        %parallel_loop3A_559 = tpu.vector_load %arg18[%parallel_loop3A_557, %parallel_loop3A_558] {strides = array<i32>} : memref<64x128xf32, #tpu.memory_space<vmem>>, vector<16xf32>,
        %parallel_loop3A_560 = arith.mulf %parallel_loop3A_559, %parallel_loop3A_535 : vector<16xf32>
        %parallel_loop3A_561 = arith.index_cast %parallel_loop3A_531 : i32 to index
        %parallel_loop3A_562 = arith.constant 48 : index
        %parallel_loop3A_563 = tpu.vector_load %arg21[%parallel_loop3A_561, %parallel_loop3A_562] {strides = array<i32>} : memref<64x128xf32, #tpu.memory_space<vmem>>, vector<16xf32>,
        tpu.vector_store %arg21[%parallel_loop3A_561, %parallel_loop3A_562], %parallel_loop3A_560 {strides = array<i32>} : memref<64x128xf32, #tpu.memory_space<vmem>>, vector<16xf32>,
        %parallel_loop3A_564 = arith.index_cast %parallel_loop3A_531 : i32 to index
        %parallel_loop3A_565 = arith.constant 64 : index
        %parallel_loop3A_566 = tpu.vector_load %arg18[%parallel_loop3A_564, %parallel_loop3A_565] {strides = array<i32>} : memref<64x128xf32, #tpu.memory_space<vmem>>, vector<16xf32>,
        %parallel_loop3A_567 = arith.mulf %parallel_loop3A_566, %parallel_loop3A_535 : vector<16xf32>
        %parallel_loop3A_568 = arith.index_cast %parallel_loop3A_531 : i32 to index
        %parallel_loop3A_569 = arith.constant 64 : index
        %parallel_loop3A_570 = tpu.vector_load %arg21[%parallel_loop3A_568, %parallel_loop3A_569] {strides = array<i32>} : memref<64x128xf32, #tpu.memory_space<vmem>>, vector<16xf32>,
        tpu.vector_store %arg21[%parallel_loop3A_568, %parallel_loop3A_569], %parallel_loop3A_567 {strides = array<i32>} : memref<64x128xf32, #tpu.memory_space<vmem>>, vector<16xf32>,
        %parallel_loop3A_571 = arith.index_cast %parallel_loop3A_531 : i32 to index
        %parallel_loop3A_572 = arith.constant 80 : index
        %parallel_loop3A_573 = tpu.vector_load %arg18[%parallel_loop3A_571, %parallel_loop3A_572] {strides = array<i32>} : memref<64x128xf32, #tpu.memory_space<vmem>>, vector<16xf32>,
        %parallel_loop3A_574 = arith.mulf %parallel_loop3A_573, %parallel_loop3A_535 : vector<16xf32>
        %parallel_loop3A_575 = arith.index_cast %parallel_loop3A_531 : i32 to index
        %parallel_loop3A_576 = arith.constant 80 : index
        %parallel_loop3A_577 = tpu.vector_load %arg21[%parallel_loop3A_575, %parallel_loop3A_576] {strides = array<i32>} : memref<64x128xf32, #tpu.memory_space<vmem>>, vector<16xf32>,
        tpu.vector_store %arg21[%parallel_loop3A_575, %parallel_loop3A_576], %parallel_loop3A_574 {strides = array<i32>} : memref<64x128xf32, #tpu.memory_space<vmem>>, vector<16xf32>,
        %parallel_loop3A_578 = arith.index_cast %parallel_loop3A_531 : i32 to index
        %parallel_loop3A_579 = arith.constant 96 : index
        %parallel_loop3A_580 = tpu.vector_load %arg18[%parallel_loop3A_578, %parallel_loop3A_579] {strides = array<i32>} : memref<64x128xf32, #tpu.memory_space<vmem>>, vector<16xf32>,
        %parallel_loop3A_581 = arith.mulf %parallel_loop3A_580, %parallel_loop3A_535 : vector<16xf32>
        %parallel_loop3A_582 = arith.index_cast %parallel_loop3A_531 : i32 to index
        %parallel_loop3A_583 = arith.constant 96 : index
        %parallel_loop3A_584 = tpu.vector_load %arg21[%parallel_loop3A_582, %parallel_loop3A_583] {strides = array<i32>} : memref<64x128xf32, #tpu.memory_space<vmem>>, vector<16xf32>,
        tpu.vector_store %arg21[%parallel_loop3A_582, %parallel_loop3A_583], %parallel_loop3A_581 {strides = array<i32>} : memref<64x128xf32, #tpu.memory_space<vmem>>, vector<16xf32>,
        %parallel_loop3A_585 = arith.index_cast %parallel_loop3A_531 : i32 to index
        %parallel_loop3A_586 = arith.constant 112 : index
        %parallel_loop3A_587 = tpu.vector_load %arg18[%parallel_loop3A_585, %parallel_loop3A_586] {strides = array<i32>} : memref<64x128xf32, #tpu.memory_space<vmem>>, vector<16xf32>,
        %parallel_loop3A_588 = arith.mulf %parallel_loop3A_587, %parallel_loop3A_535 : vector<16xf32>
        %parallel_loop3A_589 = arith.index_cast %parallel_loop3A_531 : i32 to index
        %parallel_loop3A_590 = arith.constant 112 : index
        %parallel_loop3A_591 = tpu.vector_load %arg21[%parallel_loop3A_589, %parallel_loop3A_590] {strides = array<i32>} : memref<64x128xf32, #tpu.memory_space<vmem>>, vector<16xf32>,
        tpu.vector_store %arg21[%parallel_loop3A_589, %parallel_loop3A_590], %parallel_loop3A_588 {strides = array<i32>} : memref<64x128xf32, #tpu.memory_space<vmem>>, vector<16xf32>,
      } {sc.loop_unroll_factor = 8 : i64, sc.parallel_access}
      %dma_start3A_209 = arith.constant 0 : i32
      %dma_start3A_210 = arith.constant 0 : i32
      %dma_start3A_211 = tpu.memref_slice %arg7[%dma_start3A_209, %dma_start3A_210] : memref<10000x128xf32, #tpu.memory_space<vmem_shared>> -> memref<10000x128xf32, #tpu.memory_space<vmem_shared>>
      tpu.enqueue_indirect_dma source(%arg21 : memref<64x128xf32, #tpu.memory_space<vmem>>) target(%dma_start3A_211 : memref<10000x128xf32, #tpu.memory_space<vmem_shared>>) offsets(%arg15 : memref<64xi32, #tpu.memory_space<vmem>>) semaphore(%arg33 : memref<!tpu.dma_semaphore, #tpu.memory_space<semaphore_mem>>) {add = true}
      %dma_wait3A_212 = arith.constant 0 : i32
      %dma_wait3A_213 = arith.constant 0 : i32
      %dma_wait3A_214 = tpu.memref_slice %arg3[%dma_wait3A_212, %dma_wait3A_213] : memref<2x320000xi32, #tpu.memory_space<hbm>> -> memref<2x128xi32, #tpu.memory_space<hbm>>
      %dma_wait3A_215 = arith.constant 0 : i32
      %dma_wait3A_216 = arith.constant 0 : i32
      %dma_wait3A_217 = tpu.memref_slice %arg3[%dma_wait3A_215, %dma_wait3A_216] : memref<2x320000xi32, #tpu.memory_space<hbm>> -> memref<2x128xi32, #tpu.memory_space<hbm>>
      tpu.wait_dma2 semaphore(%arg25 : memref<!tpu.dma_semaphore, #tpu.memory_space<semaphore_mem>>) src(%dma_wait3A_217 : memref<2x128xi32, #tpu.memory_space<hbm>>) dst(%arg10 : memref<2x128xi32, #tpu.memory_space<vmem>>)
      %dma_start3A_218 = arith.constant 1 : i32
      %dma_start3A_219 = arith.constant 0 : i32
      %dma_start3A_220 = tpu.memref_slice %arg10[%dma_start3A_218, %dma_start3A_219] : memref<2x128xi32, #tpu.memory_space<vmem>> -> memref<1x64xi32, #tpu.memory_space<vmem>>
      %dma_start3A_221 = tpu.memref_squeeze %dma_start3A_220 : memref<1x64xi32, #tpu.memory_space<vmem>> -> memref<64xi32, #tpu.memory_space<vmem>>
      %dma_start3A_222 = arith.constant 0 : i32
      %dma_start3A_223 = arith.constant 0 : i32
      %dma_start3A_224 = tpu.memref_slice %arg2[%dma_start3A_222, %dma_start3A_223] : memref<10000x128xf32, #tpu.memory_space<hbm>> -> memref<10000x128xf32, #tpu.memory_space<hbm>>
      tpu.enqueue_indirect_dma source(%dma_start3A_224 : memref<10000x128xf32, #tpu.memory_space<hbm>>) target(%arg18 : memref<64x128xf32, #tpu.memory_space<vmem>>) offsets(%dma_start3A_221 : memref<64xi32, #tpu.memory_space<vmem>>) semaphore(%arg30 : memref<!tpu.dma_semaphore, #tpu.memory_space<semaphore_mem>>)
      %mul3A_225 = arith.constant 3 : i32
      %mul3A_226 = arith.muli %mul3A_225, %scan3A_119 : i32
      %add3A_227 = arith.constant 0 : i32
      %add3A_228 = arith.addi %mul3A_226, %add3A_227 : i32
      %add3A_229 = arith.constant 3 : i32
      %add3A_230 = arith.addi %add3A_228, %add3A_229 : i32
      %mul3A_231 = arith.constant 32 : i32
      %mul3A_232 = arith.muli %add3A_230, %mul3A_231 : i32
      %add3A_233 = arith.addi %mul3A_232, %add3A : i32
      %mul3A_234 = arith.constant 128 : i32
      %mul3A_235 = arith.muli %add3A_233, %mul3A_234 : i32
      %min3A_236 = arith.constant 319872 : i32
      %min3A_237 = arith.minsi %mul3A_235, %min3A_236 : i32
      %dma_start3A_238 = arith.constant 0 : i32
      %dma_start3A_239 = tpu.memref_slice %arg3[%dma_start3A_238, %min3A_237] : memref<2x320000xi32, #tpu.memory_space<hbm>> -> memref<2x128xi32, #tpu.memory_space<hbm>>
      %dma_start3A_240 = arith.constant 0 : i32
      %dma_start3A_241 = tpu.memref_slice %arg3[%dma_start3A_240, %min3A_237] : memref<2x320000xi32, #tpu.memory_space<hbm>> -> memref<2x128xi32, #tpu.memory_space<hbm>>
      tpu.enqueue_dma source(%dma_start3A_241 : memref<2x128xi32, #tpu.memory_space<hbm>>) target(%arg8 : memref<2x128xi32, #tpu.memory_space<vmem>>) target_semaphore(%arg23 : memref<!tpu.dma_semaphore, #tpu.memory_space<semaphore_mem>>)
      %mul3A_242 = arith.constant 3 : i32
      %mul3A_243 = arith.muli %mul3A_242, %scan3A_119 : i32
      %add3A_244 = arith.constant 0 : i32
      %add3A_245 = arith.addi %mul3A_243, %add3A_244 : i32
      %add3A_246 = arith.constant 3 : i32
      %add3A_247 = arith.addi %add3A_245, %add3A_246 : i32
      %mul3A_248 = arith.constant 32 : i32
      %mul3A_249 = arith.muli %add3A_247, %mul3A_248 : i32
      %add3A_250 = arith.addi %mul3A_249, %add3A : i32
      %mul3A_251 = arith.constant 128 : i32
      %mul3A_252 = arith.muli %add3A_250, %mul3A_251 : i32
      %min3A_253 = arith.constant 319872 : i32
      %min3A_254 = arith.minsi %mul3A_252, %min3A_253 : i32
      %dma_start3A_255 = tpu.memref_slice %arg4[%min3A_254] : memref<320000xf32, #tpu.memory_space<hbm>> -> memref<128xf32, #tpu.memory_space<hbm>>
      %dma_start3A_256 = tpu.memref_slice %arg4[%min3A_254] : memref<320000xf32, #tpu.memory_space<hbm>> -> memref<128xf32, #tpu.memory_space<hbm>>
      tpu.enqueue_dma source(%dma_start3A_256 : memref<128xf32, #tpu.memory_space<hbm>>) target(%arg11 : memref<128xf32, #tpu.memory_space<vmem>>) target_semaphore(%arg26 : memref<!tpu.dma_semaphore, #tpu.memory_space<semaphore_mem>>)
      %dma_wait3A_257 = arith.constant 1 : i32
      %dma_wait3A_258 = arith.constant 0 : i32
      %dma_wait3A_259 = tpu.memref_slice %arg8[%dma_wait3A_257, %dma_wait3A_258] : memref<2x128xi32, #tpu.memory_space<vmem>> -> memref<1x64xi32, #tpu.memory_space<vmem>>
      %dma_wait3A_260 = tpu.memref_squeeze %dma_wait3A_259 : memref<1x64xi32, #tpu.memory_space<vmem>> -> memref<64xi32, #tpu.memory_space<vmem>>
      %dma_wait3A_261 = arith.constant 0 : i32
      %dma_wait3A_262 = arith.constant 0 : i32
      %dma_wait3A_263 = tpu.memref_slice %arg2[%dma_wait3A_261, %dma_wait3A_262] : memref<10000x128xf32, #tpu.memory_space<hbm>> -> memref<10000x128xf32, #tpu.memory_space<hbm>>
      tpu.wait_indirect_dma semaphore(%arg31 : memref<!tpu.dma_semaphore, #tpu.memory_space<semaphore_mem>>) src(%dma_wait3A_263 : memref<10000x128xf32, #tpu.memory_space<hbm>>) dst(%arg19 : memref<64x128xf32, #tpu.memory_space<vmem>>)
      %gt3A_264 = arith.constant 0 : i32
      %gt3A_265 = arith.cmpi sgt, %scan3A_119, %gt3A_264 : i32
      %convert_element_type3A_266 = arith.extui %gt3A_265 : i1 to i32
      %cond3A_267 = arith.constant 0 : i32
      %cond3A_268 = arith.cmpi ne, %convert_element_type3A_266, %cond3A_267 : i32
      scf.if %cond3A_268 {
        %dma_wait3A_531 = arith.constant 0 : i32
        %dma_wait3A_532 = arith.constant 0 : i32
        %dma_wait3A_533 = tpu.memref_slice %arg7[%dma_wait3A_531, %dma_wait3A_532] : memref<10000x128xf32, #tpu.memory_space<vmem_shared>> -> memref<10000x128xf32, #tpu.memory_space<vmem_shared>>
        tpu.wait_indirect_dma semaphore(%arg34 : memref<!tpu.dma_semaphore, #tpu.memory_space<semaphore_mem>>) src(%arg22 : memref<64x128xf32, #tpu.memory_space<vmem>>) dst(%dma_wait3A_533 : memref<10000x128xf32, #tpu.memory_space<vmem_shared>>)
      } else {
      }
      %get3A_269 = arith.constant 0 : i32
      %get3A_270 = arith.index_cast %get3A_269 : i32 to index
      %get3A_271 = arith.constant 0 : index
      %get3A_272 = tpu.vector_load %arg9[%get3A_270, %get3A_271] {strides = array<i32>} : memref<2x128xi32, #tpu.memory_space<vmem>>, vector<16xi32>,
      %swap3A_273 = arith.constant 0 : index
      %swap3A_274 = tpu.vector_load %arg16[%swap3A_273] {strides = array<i32>} : memref<64xi32, #tpu.memory_space<vmem>>, vector<16xi32>,
      tpu.vector_store %arg16[%swap3A_273], %get3A_272 {strides = array<i32>} : memref<64xi32, #tpu.memory_space<vmem>>, vector<16xi32>,
      %get3A_275 = arith.constant 0 : i32
      %get3A_276 = arith.index_cast %get3A_275 : i32 to index
      %get3A_277 = arith.constant 16 : index
      %get3A_278 = tpu.vector_load %arg9[%get3A_276, %get3A_277] {strides = array<i32>} : memref<2x128xi32, #tpu.memory_space<vmem>>, vector<16xi32>,
      %swap3A_279 = arith.constant 16 : index
      %swap3A_280 = tpu.vector_load %arg16[%swap3A_279] {strides = array<i32>} : memref<64xi32, #tpu.memory_space<vmem>>, vector<16xi32>,
      tpu.vector_store %arg16[%swap3A_279], %get3A_278 {strides = array<i32>} : memref<64xi32, #tpu.memory_space<vmem>>, vector<16xi32>,
      %get3A_281 = arith.constant 0 : i32
      %get3A_282 = arith.index_cast %get3A_281 : i32 to index
      %get3A_283 = arith.constant 32 : index
      %get3A_284 = tpu.vector_load %arg9[%get3A_282, %get3A_283] {strides = array<i32>} : memref<2x128xi32, #tpu.memory_space<vmem>>, vector<16xi32>,
      %swap3A_285 = arith.constant 32 : index
      %swap3A_286 = tpu.vector_load %arg16[%swap3A_285] {strides = array<i32>} : memref<64xi32, #tpu.memory_space<vmem>>, vector<16xi32>,
      tpu.vector_store %arg16[%swap3A_285], %get3A_284 {strides = array<i32>} : memref<64xi32, #tpu.memory_space<vmem>>, vector<16xi32>,
      %get3A_287 = arith.constant 0 : i32
      %get3A_288 = arith.index_cast %get3A_287 : i32 to index
      %get3A_289 = arith.constant 48 : index
      %get3A_290 = tpu.vector_load %arg9[%get3A_288, %get3A_289] {strides = array<i32>} : memref<2x128xi32, #tpu.memory_space<vmem>>, vector<16xi32>,
      %swap3A_291 = arith.constant 48 : index
      %swap3A_292 = tpu.vector_load %arg16[%swap3A_291] {strides = array<i32>} : memref<64xi32, #tpu.memory_space<vmem>>, vector<16xi32>,
      tpu.vector_store %arg16[%swap3A_291], %get3A_290 {strides = array<i32>} : memref<64xi32, #tpu.memory_space<vmem>>, vector<16xi32>,
      %dma_wait3A_293 = arith.constant 0 : i32
      %dma_wait3A_294 = tpu.memref_slice %arg4[%dma_wait3A_293] : memref<320000xf32, #tpu.memory_space<hbm>> -> memref<128xf32, #tpu.memory_space<hbm>>
      %dma_wait3A_295 = arith.constant 0 : i32
      %dma_wait3A_296 = tpu.memref_slice %arg4[%dma_wait3A_295] : memref<320000xf32, #tpu.memory_space<hbm>> -> memref<128xf32, #tpu.memory_space<hbm>>
      tpu.wait_dma2 semaphore(%arg27 : memref<!tpu.dma_semaphore, #tpu.memory_space<semaphore_mem>>) src(%dma_wait3A_296 : memref<128xf32, #tpu.memory_space<hbm>>) dst(%arg12 : memref<128xf32, #tpu.memory_space<vmem>>)
      %parallel_loop3A_297 = arith.constant 0 : i32
      %parallel_loop3A_298 = arith.constant 64 : i32
      %parallel_loop3A_299 = arith.constant 1 : i32
      scf.for %parallel_loop3A_531 = %parallel_loop3A_297 to %parallel_loop3A_298 step %parallel_loop3A_299  : i32 {
        %parallel_loop3A_532 = arith.constant 0 : i32
        %parallel_loop3A_533 = arith.addi %parallel_loop3A_532, %parallel_loop3A_531 : i32
        %parallel_loop3A_534 = vector.broadcast %parallel_loop3A_533 : i32 to vector<16xi32>
        %parallel_loop3A_535 = tpu.vector_load_idx %arg12[%parallel_loop3A_534] : memref<128xf32, #tpu.memory_space<vmem>>[vector<16xi32>], vector<16xf32>,
        %parallel_loop3A_536 = arith.index_cast %parallel_loop3A_531 : i32 to index
        %parallel_loop3A_537 = arith.constant 0 : index
        %parallel_loop3A_538 = tpu.vector_load %arg19[%parallel_loop3A_536, %parallel_loop3A_537] {strides = array<i32>} : memref<64x128xf32, #tpu.memory_space<vmem>>, vector<16xf32>,
        %parallel_loop3A_539 = arith.mulf %parallel_loop3A_538, %parallel_loop3A_535 : vector<16xf32>
        %parallel_loop3A_540 = arith.index_cast %parallel_loop3A_531 : i32 to index
        %parallel_loop3A_541 = arith.constant 0 : index
        %parallel_loop3A_542 = tpu.vector_load %arg22[%parallel_loop3A_540, %parallel_loop3A_541] {strides = array<i32>} : memref<64x128xf32, #tpu.memory_space<vmem>>, vector<16xf32>,
        tpu.vector_store %arg22[%parallel_loop3A_540, %parallel_loop3A_541], %parallel_loop3A_539 {strides = array<i32>} : memref<64x128xf32, #tpu.memory_space<vmem>>, vector<16xf32>,
        %parallel_loop3A_543 = arith.index_cast %parallel_loop3A_531 : i32 to index
        %parallel_loop3A_544 = arith.constant 16 : index
        %parallel_loop3A_545 = tpu.vector_load %arg19[%parallel_loop3A_543, %parallel_loop3A_544] {strides = array<i32>} : memref<64x128xf32, #tpu.memory_space<vmem>>, vector<16xf32>,
        %parallel_loop3A_546 = arith.mulf %parallel_loop3A_545, %parallel_loop3A_535 : vector<16xf32>
        %parallel_loop3A_547 = arith.index_cast %parallel_loop3A_531 : i32 to index
        %parallel_loop3A_548 = arith.constant 16 : index
        %parallel_loop3A_549 = tpu.vector_load %arg22[%parallel_loop3A_547, %parallel_loop3A_548] {strides = array<i32>} : memref<64x128xf32, #tpu.memory_space<vmem>>, vector<16xf32>,
        tpu.vector_store %arg22[%parallel_loop3A_547, %parallel_loop3A_548], %parallel_loop3A_546 {strides = array<i32>} : memref<64x128xf32, #tpu.memory_space<vmem>>, vector<16xf32>,
        %parallel_loop3A_550 = arith.index_cast %parallel_loop3A_531 : i32 to index
        %parallel_loop3A_551 = arith.constant 32 : index
        %parallel_loop3A_552 = tpu.vector_load %arg19[%parallel_loop3A_550, %parallel_loop3A_551] {strides = array<i32>} : memref<64x128xf32, #tpu.memory_space<vmem>>, vector<16xf32>,
        %parallel_loop3A_553 = arith.mulf %parallel_loop3A_552, %parallel_loop3A_535 : vector<16xf32>
        %parallel_loop3A_554 = arith.index_cast %parallel_loop3A_531 : i32 to index
        %parallel_loop3A_555 = arith.constant 32 : index
        %parallel_loop3A_556 = tpu.vector_load %arg22[%parallel_loop3A_554, %parallel_loop3A_555] {strides = array<i32>} : memref<64x128xf32, #tpu.memory_space<vmem>>, vector<16xf32>,
        tpu.vector_store %arg22[%parallel_loop3A_554, %parallel_loop3A_555], %parallel_loop3A_553 {strides = array<i32>} : memref<64x128xf32, #tpu.memory_space<vmem>>, vector<16xf32>,
        %parallel_loop3A_557 = arith.index_cast %parallel_loop3A_531 : i32 to index
        %parallel_loop3A_558 = arith.constant 48 : index
        %parallel_loop3A_559 = tpu.vector_load %arg19[%parallel_loop3A_557, %parallel_loop3A_558] {strides = array<i32>} : memref<64x128xf32, #tpu.memory_space<vmem>>, vector<16xf32>,
        %parallel_loop3A_560 = arith.mulf %parallel_loop3A_559, %parallel_loop3A_535 : vector<16xf32>
        %parallel_loop3A_561 = arith.index_cast %parallel_loop3A_531 : i32 to index
        %parallel_loop3A_562 = arith.constant 48 : index
        %parallel_loop3A_563 = tpu.vector_load %arg22[%parallel_loop3A_561, %parallel_loop3A_562] {strides = array<i32>} : memref<64x128xf32, #tpu.memory_space<vmem>>, vector<16xf32>,
        tpu.vector_store %arg22[%parallel_loop3A_561, %parallel_loop3A_562], %parallel_loop3A_560 {strides = array<i32>} : memref<64x128xf32, #tpu.memory_space<vmem>>, vector<16xf32>,
        %parallel_loop3A_564 = arith.index_cast %parallel_loop3A_531 : i32 to index
        %parallel_loop3A_565 = arith.constant 64 : index
        %parallel_loop3A_566 = tpu.vector_load %arg19[%parallel_loop3A_564, %parallel_loop3A_565] {strides = array<i32>} : memref<64x128xf32, #tpu.memory_space<vmem>>, vector<16xf32>,
        %parallel_loop3A_567 = arith.mulf %parallel_loop3A_566, %parallel_loop3A_535 : vector<16xf32>
        %parallel_loop3A_568 = arith.index_cast %parallel_loop3A_531 : i32 to index
        %parallel_loop3A_569 = arith.constant 64 : index
        %parallel_loop3A_570 = tpu.vector_load %arg22[%parallel_loop3A_568, %parallel_loop3A_569] {strides = array<i32>} : memref<64x128xf32, #tpu.memory_space<vmem>>, vector<16xf32>,
        tpu.vector_store %arg22[%parallel_loop3A_568, %parallel_loop3A_569], %parallel_loop3A_567 {strides = array<i32>} : memref<64x128xf32, #tpu.memory_space<vmem>>, vector<16xf32>,
        %parallel_loop3A_571 = arith.index_cast %parallel_loop3A_531 : i32 to index
        %parallel_loop3A_572 = arith.constant 80 : index
        %parallel_loop3A_573 = tpu.vector_load %arg19[%parallel_loop3A_571, %parallel_loop3A_572] {strides = array<i32>} : memref<64x128xf32, #tpu.memory_space<vmem>>, vector<16xf32>,
        %parallel_loop3A_574 = arith.mulf %parallel_loop3A_573, %parallel_loop3A_535 : vector<16xf32>
        %parallel_loop3A_575 = arith.index_cast %parallel_loop3A_531 : i32 to index
        %parallel_loop3A_576 = arith.constant 80 : index
        %parallel_loop3A_577 = tpu.vector_load %arg22[%parallel_loop3A_575, %parallel_loop3A_576] {strides = array<i32>} : memref<64x128xf32, #tpu.memory_space<vmem>>, vector<16xf32>,
        tpu.vector_store %arg22[%parallel_loop3A_575, %parallel_loop3A_576], %parallel_loop3A_574 {strides = array<i32>} : memref<64x128xf32, #tpu.memory_space<vmem>>, vector<16xf32>,
        %parallel_loop3A_578 = arith.index_cast %parallel_loop3A_531 : i32 to index
        %parallel_loop3A_579 = arith.constant 96 : index
        %parallel_loop3A_580 = tpu.vector_load %arg19[%parallel_loop3A_578, %parallel_loop3A_579] {strides = array<i32>} : memref<64x128xf32, #tpu.memory_space<vmem>>, vector<16xf32>,
        %parallel_loop3A_581 = arith.mulf %parallel_loop3A_580, %parallel_loop3A_535 : vector<16xf32>
        %parallel_loop3A_582 = arith.index_cast %parallel_loop3A_531 : i32 to index
        %parallel_loop3A_583 = arith.constant 96 : index
        %parallel_loop3A_584 = tpu.vector_load %arg22[%parallel_loop3A_582, %parallel_loop3A_583] {strides = array<i32>} : memref<64x128xf32, #tpu.memory_space<vmem>>, vector<16xf32>,
        tpu.vector_store %arg22[%parallel_loop3A_582, %parallel_loop3A_583], %parallel_loop3A_581 {strides = array<i32>} : memref<64x128xf32, #tpu.memory_space<vmem>>, vector<16xf32>,
        %parallel_loop3A_585 = arith.index_cast %parallel_loop3A_531 : i32 to index
        %parallel_loop3A_586 = arith.constant 112 : index
        %parallel_loop3A_587 = tpu.vector_load %arg19[%parallel_loop3A_585, %parallel_loop3A_586] {strides = array<i32>} : memref<64x128xf32, #tpu.memory_space<vmem>>, vector<16xf32>,
        %parallel_loop3A_588 = arith.mulf %parallel_loop3A_587, %parallel_loop3A_535 : vector<16xf32>
        %parallel_loop3A_589 = arith.index_cast %parallel_loop3A_531 : i32 to index
        %parallel_loop3A_590 = arith.constant 112 : index
        %parallel_loop3A_591 = tpu.vector_load %arg22[%parallel_loop3A_589, %parallel_loop3A_590] {strides = array<i32>} : memref<64x128xf32, #tpu.memory_space<vmem>>, vector<16xf32>,
        tpu.vector_store %arg22[%parallel_loop3A_589, %parallel_loop3A_590], %parallel_loop3A_588 {strides = array<i32>} : memref<64x128xf32, #tpu.memory_space<vmem>>, vector<16xf32>,
      } {sc.loop_unroll_factor = 8 : i64, sc.parallel_access}
      %dma_start3A_300 = arith.constant 0 : i32
      %dma_start3A_301 = arith.constant 0 : i32
      %dma_start3A_302 = tpu.memref_slice %arg7[%dma_start3A_300, %dma_start3A_301] : memref<10000x128xf32, #tpu.memory_space<vmem_shared>> -> memref<10000x128xf32, #tpu.memory_space<vmem_shared>>
      tpu.enqueue_indirect_dma source(%arg22 : memref<64x128xf32, #tpu.memory_space<vmem>>) target(%dma_start3A_302 : memref<10000x128xf32, #tpu.memory_space<vmem_shared>>) offsets(%arg16 : memref<64xi32, #tpu.memory_space<vmem>>) semaphore(%arg34 : memref<!tpu.dma_semaphore, #tpu.memory_space<semaphore_mem>>) {add = true}
      %dma_start3A_303 = arith.constant 1 : i32
      %dma_start3A_304 = arith.constant 64 : i32
      %dma_start3A_305 = tpu.memref_slice %arg10[%dma_start3A_303, %dma_start3A_304] : memref<2x128xi32, #tpu.memory_space<vmem>> -> memref<1x64xi32, #tpu.memory_space<vmem>>
      %dma_start3A_306 = tpu.memref_squeeze %dma_start3A_305 : memref<1x64xi32, #tpu.memory_space<vmem>> -> memref<64xi32, #tpu.memory_space<vmem>>
      %dma_start3A_307 = arith.constant 0 : i32
      %dma_start3A_308 = arith.constant 0 : i32
      %dma_start3A_309 = tpu.memref_slice %arg2[%dma_start3A_307, %dma_start3A_308] : memref<10000x128xf32, #tpu.memory_space<hbm>> -> memref<10000x128xf32, #tpu.memory_space<hbm>>
      tpu.enqueue_indirect_dma source(%dma_start3A_309 : memref<10000x128xf32, #tpu.memory_space<hbm>>) target(%arg19 : memref<64x128xf32, #tpu.memory_space<vmem>>) offsets(%dma_start3A_306 : memref<64xi32, #tpu.memory_space<vmem>>) semaphore(%arg31 : memref<!tpu.dma_semaphore, #tpu.memory_space<semaphore_mem>>)
      %dma_wait3A_310 = arith.constant 1 : i32
      %dma_wait3A_311 = arith.constant 0 : i32
      %dma_wait3A_312 = tpu.memref_slice %arg8[%dma_wait3A_310, %dma_wait3A_311] : memref<2x128xi32, #tpu.memory_space<vmem>> -> memref<1x64xi32, #tpu.memory_space<vmem>>
      %dma_wait3A_313 = tpu.memref_squeeze %dma_wait3A_312 : memref<1x64xi32, #tpu.memory_space<vmem>> -> memref<64xi32, #tpu.memory_space<vmem>>
      %dma_wait3A_314 = arith.constant 0 : i32
      %dma_wait3A_315 = arith.constant 0 : i32
      %dma_wait3A_316 = tpu.memref_slice %arg2[%dma_wait3A_314, %dma_wait3A_315] : memref<10000x128xf32, #tpu.memory_space<hbm>> -> memref<10000x128xf32, #tpu.memory_space<hbm>>
      tpu.wait_indirect_dma semaphore(%arg29 : memref<!tpu.dma_semaphore, #tpu.memory_space<semaphore_mem>>) src(%dma_wait3A_316 : memref<10000x128xf32, #tpu.memory_space<hbm>>) dst(%arg17 : memref<64x128xf32, #tpu.memory_space<vmem>>)
      %dma_wait3A_317 = arith.constant 0 : i32
      %dma_wait3A_318 = arith.constant 0 : i32
      %dma_wait3A_319 = tpu.memref_slice %arg7[%dma_wait3A_317, %dma_wait3A_318] : memref<10000x128xf32, #tpu.memory_space<vmem_shared>> -> memref<10000x128xf32, #tpu.memory_space<vmem_shared>>
      tpu.wait_indirect_dma semaphore(%arg32 : memref<!tpu.dma_semaphore, #tpu.memory_space<semaphore_mem>>) src(%arg20 : memref<64x128xf32, #tpu.memory_space<vmem>>) dst(%dma_wait3A_319 : memref<10000x128xf32, #tpu.memory_space<vmem_shared>>)
      %get3A_320 = arith.constant 0 : i32
      %get3A_321 = arith.index_cast %get3A_320 : i32 to index
      %get3A_322 = arith.constant 64 : index
      %get3A_323 = tpu.vector_load %arg9[%get3A_321, %get3A_322] {strides = array<i32>} : memref<2x128xi32, #tpu.memory_space<vmem>>, vector<16xi32>,
      %swap3A_324 = arith.constant 0 : index
      %swap3A_325 = tpu.vector_load %arg14[%swap3A_324] {strides = array<i32>} : memref<64xi32, #tpu.memory_space<vmem>>, vector<16xi32>,
      tpu.vector_store %arg14[%swap3A_324], %get3A_323 {strides = array<i32>} : memref<64xi32, #tpu.memory_space<vmem>>, vector<16xi32>,
      %get3A_326 = arith.constant 0 : i32
      %get3A_327 = arith.index_cast %get3A_326 : i32 to index
      %get3A_328 = arith.constant 80 : index
      %get3A_329 = tpu.vector_load %arg9[%get3A_327, %get3A_328] {strides = array<i32>} : memref<2x128xi32, #tpu.memory_space<vmem>>, vector<16xi32>,
      %swap3A_330 = arith.constant 16 : index
      %swap3A_331 = tpu.vector_load %arg14[%swap3A_330] {strides = array<i32>} : memref<64xi32, #tpu.memory_space<vmem>>, vector<16xi32>,
      tpu.vector_store %arg14[%swap3A_330], %get3A_329 {strides = array<i32>} : memref<64xi32, #tpu.memory_space<vmem>>, vector<16xi32>,
      %get3A_332 = arith.constant 0 : i32
      %get3A_333 = arith.index_cast %get3A_332 : i32 to index
      %get3A_334 = arith.constant 96 : index
      %get3A_335 = tpu.vector_load %arg9[%get3A_333, %get3A_334] {strides = array<i32>} : memref<2x128xi32, #tpu.memory_space<vmem>>, vector<16xi32>,
      %swap3A_336 = arith.constant 32 : index
      %swap3A_337 = tpu.vector_load %arg14[%swap3A_336] {strides = array<i32>} : memref<64xi32, #tpu.memory_space<vmem>>, vector<16xi32>,
      tpu.vector_store %arg14[%swap3A_336], %get3A_335 {strides = array<i32>} : memref<64xi32, #tpu.memory_space<vmem>>, vector<16xi32>,
      %get3A_338 = arith.constant 0 : i32
      %get3A_339 = arith.index_cast %get3A_338 : i32 to index
      %get3A_340 = arith.constant 112 : index
      %get3A_341 = tpu.vector_load %arg9[%get3A_339, %get3A_340] {strides = array<i32>} : memref<2x128xi32, #tpu.memory_space<vmem>>, vector<16xi32>,
      %swap3A_342 = arith.constant 48 : index
      %swap3A_343 = tpu.vector_load %arg14[%swap3A_342] {strides = array<i32>} : memref<64xi32, #tpu.memory_space<vmem>>, vector<16xi32>,
      tpu.vector_store %arg14[%swap3A_342], %get3A_341 {strides = array<i32>} : memref<64xi32, #tpu.memory_space<vmem>>, vector<16xi32>,
      %parallel_loop3A_344 = arith.constant 0 : i32
      %parallel_loop3A_345 = arith.constant 64 : i32
      %parallel_loop3A_346 = arith.constant 1 : i32
      scf.for %parallel_loop3A_531 = %parallel_loop3A_344 to %parallel_loop3A_345 step %parallel_loop3A_346  : i32 {
        %parallel_loop3A_532 = arith.constant 64 : i32
        %parallel_loop3A_533 = arith.addi %parallel_loop3A_532, %parallel_loop3A_531 : i32
        %parallel_loop3A_534 = vector.broadcast %parallel_loop3A_533 : i32 to vector<16xi32>
        %parallel_loop3A_535 = tpu.vector_load_idx %arg12[%parallel_loop3A_534] : memref<128xf32, #tpu.memory_space<vmem>>[vector<16xi32>], vector<16xf32>,
        %parallel_loop3A_536 = arith.index_cast %parallel_loop3A_531 : i32 to index
        %parallel_loop3A_537 = arith.constant 0 : index
        %parallel_loop3A_538 = tpu.vector_load %arg17[%parallel_loop3A_536, %parallel_loop3A_537] {strides = array<i32>} : memref<64x128xf32, #tpu.memory_space<vmem>>, vector<16xf32>,
        %parallel_loop3A_539 = arith.mulf %parallel_loop3A_538, %parallel_loop3A_535 : vector<16xf32>
        %parallel_loop3A_540 = arith.index_cast %parallel_loop3A_531 : i32 to index
        %parallel_loop3A_541 = arith.constant 0 : index
        %parallel_loop3A_542 = tpu.vector_load %arg20[%parallel_loop3A_540, %parallel_loop3A_541] {strides = array<i32>} : memref<64x128xf32, #tpu.memory_space<vmem>>, vector<16xf32>,
        tpu.vector_store %arg20[%parallel_loop3A_540, %parallel_loop3A_541], %parallel_loop3A_539 {strides = array<i32>} : memref<64x128xf32, #tpu.memory_space<vmem>>, vector<16xf32>,
        %parallel_loop3A_543 = arith.index_cast %parallel_loop3A_531 : i32 to index
        %parallel_loop3A_544 = arith.constant 16 : index
        %parallel_loop3A_545 = tpu.vector_load %arg17[%parallel_loop3A_543, %parallel_loop3A_544] {strides = array<i32>} : memref<64x128xf32, #tpu.memory_space<vmem>>, vector<16xf32>,
        %parallel_loop3A_546 = arith.mulf %parallel_loop3A_545, %parallel_loop3A_535 : vector<16xf32>
        %parallel_loop3A_547 = arith.index_cast %parallel_loop3A_531 : i32 to index
        %parallel_loop3A_548 = arith.constant 16 : index
        %parallel_loop3A_549 = tpu.vector_load %arg20[%parallel_loop3A_547, %parallel_loop3A_548] {strides = array<i32>} : memref<64x128xf32, #tpu.memory_space<vmem>>, vector<16xf32>,
        tpu.vector_store %arg20[%parallel_loop3A_547, %parallel_loop3A_548], %parallel_loop3A_546 {strides = array<i32>} : memref<64x128xf32, #tpu.memory_space<vmem>>, vector<16xf32>,
        %parallel_loop3A_550 = arith.index_cast %parallel_loop3A_531 : i32 to index
        %parallel_loop3A_551 = arith.constant 32 : index
        %parallel_loop3A_552 = tpu.vector_load %arg17[%parallel_loop3A_550, %parallel_loop3A_551] {strides = array<i32>} : memref<64x128xf32, #tpu.memory_space<vmem>>, vector<16xf32>,
        %parallel_loop3A_553 = arith.mulf %parallel_loop3A_552, %parallel_loop3A_535 : vector<16xf32>
        %parallel_loop3A_554 = arith.index_cast %parallel_loop3A_531 : i32 to index
        %parallel_loop3A_555 = arith.constant 32 : index
        %parallel_loop3A_556 = tpu.vector_load %arg20[%parallel_loop3A_554, %parallel_loop3A_555] {strides = array<i32>} : memref<64x128xf32, #tpu.memory_space<vmem>>, vector<16xf32>,
        tpu.vector_store %arg20[%parallel_loop3A_554, %parallel_loop3A_555], %parallel_loop3A_553 {strides = array<i32>} : memref<64x128xf32, #tpu.memory_space<vmem>>, vector<16xf32>,
        %parallel_loop3A_557 = arith.index_cast %parallel_loop3A_531 : i32 to index
        %parallel_loop3A_558 = arith.constant 48 : index
        %parallel_loop3A_559 = tpu.vector_load %arg17[%parallel_loop3A_557, %parallel_loop3A_558] {strides = array<i32>} : memref<64x128xf32, #tpu.memory_space<vmem>>, vector<16xf32>,
        %parallel_loop3A_560 = arith.mulf %parallel_loop3A_559, %parallel_loop3A_535 : vector<16xf32>
        %parallel_loop3A_561 = arith.index_cast %parallel_loop3A_531 : i32 to index
        %parallel_loop3A_562 = arith.constant 48 : index
        %parallel_loop3A_563 = tpu.vector_load %arg20[%parallel_loop3A_561, %parallel_loop3A_562] {strides = array<i32>} : memref<64x128xf32, #tpu.memory_space<vmem>>, vector<16xf32>,
        tpu.vector_store %arg20[%parallel_loop3A_561, %parallel_loop3A_562], %parallel_loop3A_560 {strides = array<i32>} : memref<64x128xf32, #tpu.memory_space<vmem>>, vector<16xf32>,
        %parallel_loop3A_564 = arith.index_cast %parallel_loop3A_531 : i32 to index
        %parallel_loop3A_565 = arith.constant 64 : index
        %parallel_loop3A_566 = tpu.vector_load %arg17[%parallel_loop3A_564, %parallel_loop3A_565] {strides = array<i32>} : memref<64x128xf32, #tpu.memory_space<vmem>>, vector<16xf32>,
        %parallel_loop3A_567 = arith.mulf %parallel_loop3A_566, %parallel_loop3A_535 : vector<16xf32>
        %parallel_loop3A_568 = arith.index_cast %parallel_loop3A_531 : i32 to index
        %parallel_loop3A_569 = arith.constant 64 : index
        %parallel_loop3A_570 = tpu.vector_load %arg20[%parallel_loop3A_568, %parallel_loop3A_569] {strides = array<i32>} : memref<64x128xf32, #tpu.memory_space<vmem>>, vector<16xf32>,
        tpu.vector_store %arg20[%parallel_loop3A_568, %parallel_loop3A_569], %parallel_loop3A_567 {strides = array<i32>} : memref<64x128xf32, #tpu.memory_space<vmem>>, vector<16xf32>,
        %parallel_loop3A_571 = arith.index_cast %parallel_loop3A_531 : i32 to index
        %parallel_loop3A_572 = arith.constant 80 : index
        %parallel_loop3A_573 = tpu.vector_load %arg17[%parallel_loop3A_571, %parallel_loop3A_572] {strides = array<i32>} : memref<64x128xf32, #tpu.memory_space<vmem>>, vector<16xf32>,
        %parallel_loop3A_574 = arith.mulf %parallel_loop3A_573, %parallel_loop3A_535 : vector<16xf32>
        %parallel_loop3A_575 = arith.index_cast %parallel_loop3A_531 : i32 to index
        %parallel_loop3A_576 = arith.constant 80 : index
        %parallel_loop3A_577 = tpu.vector_load %arg20[%parallel_loop3A_575, %parallel_loop3A_576] {strides = array<i32>} : memref<64x128xf32, #tpu.memory_space<vmem>>, vector<16xf32>,
        tpu.vector_store %arg20[%parallel_loop3A_575, %parallel_loop3A_576], %parallel_loop3A_574 {strides = array<i32>} : memref<64x128xf32, #tpu.memory_space<vmem>>, vector<16xf32>,
        %parallel_loop3A_578 = arith.index_cast %parallel_loop3A_531 : i32 to index
        %parallel_loop3A_579 = arith.constant 96 : index
        %parallel_loop3A_580 = tpu.vector_load %arg17[%parallel_loop3A_578, %parallel_loop3A_579] {strides = array<i32>} : memref<64x128xf32, #tpu.memory_space<vmem>>, vector<16xf32>,
        %parallel_loop3A_581 = arith.mulf %parallel_loop3A_580, %parallel_loop3A_535 : vector<16xf32>
        %parallel_loop3A_582 = arith.index_cast %parallel_loop3A_531 : i32 to index
        %parallel_loop3A_583 = arith.constant 96 : index
        %parallel_loop3A_584 = tpu.vector_load %arg20[%parallel_loop3A_582, %parallel_loop3A_583] {strides = array<i32>} : memref<64x128xf32, #tpu.memory_space<vmem>>, vector<16xf32>,
        tpu.vector_store %arg20[%parallel_loop3A_582, %parallel_loop3A_583], %parallel_loop3A_581 {strides = array<i32>} : memref<64x128xf32, #tpu.memory_space<vmem>>, vector<16xf32>,
        %parallel_loop3A_585 = arith.index_cast %parallel_loop3A_531 : i32 to index
        %parallel_loop3A_586 = arith.constant 112 : index
        %parallel_loop3A_587 = tpu.vector_load %arg17[%parallel_loop3A_585, %parallel_loop3A_586] {strides = array<i32>} : memref<64x128xf32, #tpu.memory_space<vmem>>, vector<16xf32>,
        %parallel_loop3A_588 = arith.mulf %parallel_loop3A_587, %parallel_loop3A_535 : vector<16xf32>
        %parallel_loop3A_589 = arith.index_cast %parallel_loop3A_531 : i32 to index
        %parallel_loop3A_590 = arith.constant 112 : index
        %parallel_loop3A_591 = tpu.vector_load %arg20[%parallel_loop3A_589, %parallel_loop3A_590] {strides = array<i32>} : memref<64x128xf32, #tpu.memory_space<vmem>>, vector<16xf32>,
        tpu.vector_store %arg20[%parallel_loop3A_589, %parallel_loop3A_590], %parallel_loop3A_588 {strides = array<i32>} : memref<64x128xf32, #tpu.memory_space<vmem>>, vector<16xf32>,
      } {sc.loop_unroll_factor = 8 : i64, sc.parallel_access}
      %dma_start3A_347 = arith.constant 0 : i32
      %dma_start3A_348 = arith.constant 0 : i32
      %dma_start3A_349 = tpu.memref_slice %arg7[%dma_start3A_347, %dma_start3A_348] : memref<10000x128xf32, #tpu.memory_space<vmem_shared>> -> memref<10000x128xf32, #tpu.memory_space<vmem_shared>>
      tpu.enqueue_indirect_dma source(%arg20 : memref<64x128xf32, #tpu.memory_space<vmem>>) target(%dma_start3A_349 : memref<10000x128xf32, #tpu.memory_space<vmem_shared>>) offsets(%arg14 : memref<64xi32, #tpu.memory_space<vmem>>) semaphore(%arg32 : memref<!tpu.dma_semaphore, #tpu.memory_space<semaphore_mem>>) {add = true}
      %dma_wait3A_350 = arith.constant 0 : i32
      %dma_wait3A_351 = arith.constant 0 : i32
      %dma_wait3A_352 = tpu.memref_slice %arg3[%dma_wait3A_350, %dma_wait3A_351] : memref<2x320000xi32, #tpu.memory_space<hbm>> -> memref<2x128xi32, #tpu.memory_space<hbm>>
      %dma_wait3A_353 = arith.constant 0 : i32
      %dma_wait3A_354 = arith.constant 0 : i32
      %dma_wait3A_355 = tpu.memref_slice %arg3[%dma_wait3A_353, %dma_wait3A_354] : memref<2x320000xi32, #tpu.memory_space<hbm>> -> memref<2x128xi32, #tpu.memory_space<hbm>>
      tpu.wait_dma2 semaphore(%arg23 : memref<!tpu.dma_semaphore, #tpu.memory_space<semaphore_mem>>) src(%dma_wait3A_355 : memref<2x128xi32, #tpu.memory_space<hbm>>) dst(%arg8 : memref<2x128xi32, #tpu.memory_space<vmem>>)
      %dma_start3A_356 = arith.constant 1 : i32
      %dma_start3A_357 = arith.constant 0 : i32
      %dma_start3A_358 = tpu.memref_slice %arg8[%dma_start3A_356, %dma_start3A_357] : memref<2x128xi32, #tpu.memory_space<vmem>> -> memref<1x64xi32, #tpu.memory_space<vmem>>
      %dma_start3A_359 = tpu.memref_squeeze %dma_start3A_358 : memref<1x64xi32, #tpu.memory_space<vmem>> -> memref<64xi32, #tpu.memory_space<vmem>>
      %dma_start3A_360 = arith.constant 0 : i32
      %dma_start3A_361 = arith.constant 0 : i32
      %dma_start3A_362 = tpu.memref_slice %arg2[%dma_start3A_360, %dma_start3A_361] : memref<10000x128xf32, #tpu.memory_space<hbm>> -> memref<10000x128xf32, #tpu.memory_space<hbm>>
      tpu.enqueue_indirect_dma source(%dma_start3A_362 : memref<10000x128xf32, #tpu.memory_space<hbm>>) target(%arg17 : memref<64x128xf32, #tpu.memory_space<vmem>>) offsets(%dma_start3A_359 : memref<64xi32, #tpu.memory_space<vmem>>) semaphore(%arg29 : memref<!tpu.dma_semaphore, #tpu.memory_space<semaphore_mem>>)
      %mul3A_363 = arith.constant 3 : i32
      %mul3A_364 = arith.muli %mul3A_363, %scan3A_119 : i32
      %add3A_365 = arith.constant 1 : i32
      %add3A_366 = arith.addi %mul3A_364, %add3A_365 : i32
      %add3A_367 = arith.constant 3 : i32
      %add3A_368 = arith.addi %add3A_366, %add3A_367 : i32
      %mul3A_369 = arith.constant 32 : i32
      %mul3A_370 = arith.muli %add3A_368, %mul3A_369 : i32
      %add3A_371 = arith.addi %mul3A_370, %add3A : i32
      %mul3A_372 = arith.constant 128 : i32
      %mul3A_373 = arith.muli %add3A_371, %mul3A_372 : i32
      %min3A_374 = arith.constant 319872 : i32
      %min3A_375 = arith.minsi %mul3A_373, %min3A_374 : i32
      %dma_start3A_376 = arith.constant 0 : i32
      %dma_start3A_377 = tpu.memref_slice %arg3[%dma_start3A_376, %min3A_375] : memref<2x320000xi32, #tpu.memory_space<hbm>> -> memref<2x128xi32, #tpu.memory_space<hbm>>
      %dma_start3A_378 = arith.constant 0 : i32
      %dma_start3A_379 = tpu.memref_slice %arg3[%dma_start3A_378, %min3A_375] : memref<2x320000xi32, #tpu.memory_space<hbm>> -> memref<2x128xi32, #tpu.memory_space<hbm>>
      tpu.enqueue_dma source(%dma_start3A_379 : memref<2x128xi32, #tpu.memory_space<hbm>>) target(%arg9 : memref<2x128xi32, #tpu.memory_space<vmem>>) target_semaphore(%arg24 : memref<!tpu.dma_semaphore, #tpu.memory_space<semaphore_mem>>)
      %mul3A_380 = arith.constant 3 : i32
      %mul3A_381 = arith.muli %mul3A_380, %scan3A_119 : i32
      %add3A_382 = arith.constant 1 : i32
      %add3A_383 = arith.addi %mul3A_381, %add3A_382 : i32
      %add3A_384 = arith.constant 3 : i32
      %add3A_385 = arith.addi %add3A_383, %add3A_384 : i32
      %mul3A_386 = arith.constant 32 : i32
      %mul3A_387 = arith.muli %add3A_385, %mul3A_386 : i32
      %add3A_388 = arith.addi %mul3A_387, %add3A : i32
      %mul3A_389 = arith.constant 128 : i32
      %mul3A_390 = arith.muli %add3A_388, %mul3A_389 : i32
      %min3A_391 = arith.constant 319872 : i32
      %min3A_392 = arith.minsi %mul3A_390, %min3A_391 : i32
      %dma_start3A_393 = tpu.memref_slice %arg4[%min3A_392] : memref<320000xf32, #tpu.memory_space<hbm>> -> memref<128xf32, #tpu.memory_space<hbm>>
      %dma_start3A_394 = tpu.memref_slice %arg4[%min3A_392] : memref<320000xf32, #tpu.memory_space<hbm>> -> memref<128xf32, #tpu.memory_space<hbm>>
      tpu.enqueue_dma source(%dma_start3A_394 : memref<128xf32, #tpu.memory_space<hbm>>) target(%arg12 : memref<128xf32, #tpu.memory_space<vmem>>) target_semaphore(%arg27 : memref<!tpu.dma_semaphore, #tpu.memory_space<semaphore_mem>>)
      %dma_wait3A_395 = arith.constant 1 : i32
      %dma_wait3A_396 = arith.constant 0 : i32
      %dma_wait3A_397 = tpu.memref_slice %arg8[%dma_wait3A_395, %dma_wait3A_396] : memref<2x128xi32, #tpu.memory_space<vmem>> -> memref<1x64xi32, #tpu.memory_space<vmem>>
      %dma_wait3A_398 = tpu.memref_squeeze %dma_wait3A_397 : memref<1x64xi32, #tpu.memory_space<vmem>> -> memref<64xi32, #tpu.memory_space<vmem>>
      %dma_wait3A_399 = arith.constant 0 : i32
      %dma_wait3A_400 = arith.constant 0 : i32
      %dma_wait3A_401 = tpu.memref_slice %arg2[%dma_wait3A_399, %dma_wait3A_400] : memref<10000x128xf32, #tpu.memory_space<hbm>> -> memref<10000x128xf32, #tpu.memory_space<hbm>>
      tpu.wait_indirect_dma semaphore(%arg30 : memref<!tpu.dma_semaphore, #tpu.memory_space<semaphore_mem>>) src(%dma_wait3A_401 : memref<10000x128xf32, #tpu.memory_space<hbm>>) dst(%arg18 : memref<64x128xf32, #tpu.memory_space<vmem>>)
      %dma_wait3A_402 = arith.constant 0 : i32
      %dma_wait3A_403 = arith.constant 0 : i32
      %dma_wait3A_404 = tpu.memref_slice %arg7[%dma_wait3A_402, %dma_wait3A_403] : memref<10000x128xf32, #tpu.memory_space<vmem_shared>> -> memref<10000x128xf32, #tpu.memory_space<vmem_shared>>
      tpu.wait_indirect_dma semaphore(%arg33 : memref<!tpu.dma_semaphore, #tpu.memory_space<semaphore_mem>>) src(%arg21 : memref<64x128xf32, #tpu.memory_space<vmem>>) dst(%dma_wait3A_404 : memref<10000x128xf32, #tpu.memory_space<vmem_shared>>)
      %get3A_405 = arith.constant 0 : i32
      %get3A_406 = arith.index_cast %get3A_405 : i32 to index
      %get3A_407 = arith.constant 0 : index
      %get3A_408 = tpu.vector_load %arg10[%get3A_406, %get3A_407] {strides = array<i32>} : memref<2x128xi32, #tpu.memory_space<vmem>>, vector<16xi32>,
      %swap3A_409 = arith.constant 0 : index
      %swap3A_410 = tpu.vector_load %arg15[%swap3A_409] {strides = array<i32>} : memref<64xi32, #tpu.memory_space<vmem>>, vector<16xi32>,
      tpu.vector_store %arg15[%swap3A_409], %get3A_408 {strides = array<i32>} : memref<64xi32, #tpu.memory_space<vmem>>, vector<16xi32>,
      %get3A_411 = arith.constant 0 : i32
      %get3A_412 = arith.index_cast %get3A_411 : i32 to index
      %get3A_413 = arith.constant 16 : index
      %get3A_414 = tpu.vector_load %arg10[%get3A_412, %get3A_413] {strides = array<i32>} : memref<2x128xi32, #tpu.memory_space<vmem>>, vector<16xi32>,
      %swap3A_415 = arith.constant 16 : index
      %swap3A_416 = tpu.vector_load %arg15[%swap3A_415] {strides = array<i32>} : memref<64xi32, #tpu.memory_space<vmem>>, vector<16xi32>,
      tpu.vector_store %arg15[%swap3A_415], %get3A_414 {strides = array<i32>} : memref<64xi32, #tpu.memory_space<vmem>>, vector<16xi32>,
      %get3A_417 = arith.constant 0 : i32
      %get3A_418 = arith.index_cast %get3A_417 : i32 to index
      %get3A_419 = arith.constant 32 : index
      %get3A_420 = tpu.vector_load %arg10[%get3A_418, %get3A_419] {strides = array<i32>} : memref<2x128xi32, #tpu.memory_space<vmem>>, vector<16xi32>,
      %swap3A_421 = arith.constant 32 : index
      %swap3A_422 = tpu.vector_load %arg15[%swap3A_421] {strides = array<i32>} : memref<64xi32, #tpu.memory_space<vmem>>, vector<16xi32>,
      tpu.vector_store %arg15[%swap3A_421], %get3A_420 {strides = array<i32>} : memref<64xi32, #tpu.memory_space<vmem>>, vector<16xi32>,
      %get3A_423 = arith.constant 0 : i32
      %get3A_424 = arith.index_cast %get3A_423 : i32 to index
      %get3A_425 = arith.constant 48 : index
      %get3A_426 = tpu.vector_load %arg10[%get3A_424, %get3A_425] {strides = array<i32>} : memref<2x128xi32, #tpu.memory_space<vmem>>, vector<16xi32>,
      %swap3A_427 = arith.constant 48 : index
      %swap3A_428 = tpu.vector_load %arg15[%swap3A_427] {strides = array<i32>} : memref<64xi32, #tpu.memory_space<vmem>>, vector<16xi32>,
      tpu.vector_store %arg15[%swap3A_427], %get3A_426 {strides = array<i32>} : memref<64xi32, #tpu.memory_space<vmem>>, vector<16xi32>,
      %dma_wait3A_429 = arith.constant 0 : i32
      %dma_wait3A_430 = tpu.memref_slice %arg4[%dma_wait3A_429] : memref<320000xf32, #tpu.memory_space<hbm>> -> memref<128xf32, #tpu.memory_space<hbm>>
      %dma_wait3A_431 = arith.constant 0 : i32
      %dma_wait3A_432 = tpu.memref_slice %arg4[%dma_wait3A_431] : memref<320000xf32, #tpu.memory_space<hbm>> -> memref<128xf32, #tpu.memory_space<hbm>>
      tpu.wait_dma2 semaphore(%arg28 : memref<!tpu.dma_semaphore, #tpu.memory_space<semaphore_mem>>) src(%dma_wait3A_432 : memref<128xf32, #tpu.memory_space<hbm>>) dst(%arg13 : memref<128xf32, #tpu.memory_space<vmem>>)
      %parallel_loop3A_433 = arith.constant 0 : i32
      %parallel_loop3A_434 = arith.constant 64 : i32
      %parallel_loop3A_435 = arith.constant 1 : i32
      scf.for %parallel_loop3A_531 = %parallel_loop3A_433 to %parallel_loop3A_434 step %parallel_loop3A_435  : i32 {
        %parallel_loop3A_532 = arith.constant 0 : i32
        %parallel_loop3A_533 = arith.addi %parallel_loop3A_532, %parallel_loop3A_531 : i32
        %parallel_loop3A_534 = vector.broadcast %parallel_loop3A_533 : i32 to vector<16xi32>
        %parallel_loop3A_535 = tpu.vector_load_idx %arg13[%parallel_loop3A_534] : memref<128xf32, #tpu.memory_space<vmem>>[vector<16xi32>], vector<16xf32>,
        %parallel_loop3A_536 = arith.index_cast %parallel_loop3A_531 : i32 to index
        %parallel_loop3A_537 = arith.constant 0 : index
        %parallel_loop3A_538 = tpu.vector_load %arg18[%parallel_loop3A_536, %parallel_loop3A_537] {strides = array<i32>} : memref<64x128xf32, #tpu.memory_space<vmem>>, vector<16xf32>,
        %parallel_loop3A_539 = arith.mulf %parallel_loop3A_538, %parallel_loop3A_535 : vector<16xf32>
        %parallel_loop3A_540 = arith.index_cast %parallel_loop3A_531 : i32 to index
        %parallel_loop3A_541 = arith.constant 0 : index
        %parallel_loop3A_542 = tpu.vector_load %arg21[%parallel_loop3A_540, %parallel_loop3A_541] {strides = array<i32>} : memref<64x128xf32, #tpu.memory_space<vmem>>, vector<16xf32>,
        tpu.vector_store %arg21[%parallel_loop3A_540, %parallel_loop3A_541], %parallel_loop3A_539 {strides = array<i32>} : memref<64x128xf32, #tpu.memory_space<vmem>>, vector<16xf32>,
        %parallel_loop3A_543 = arith.index_cast %parallel_loop3A_531 : i32 to index
        %parallel_loop3A_544 = arith.constant 16 : index
        %parallel_loop3A_545 = tpu.vector_load %arg18[%parallel_loop3A_543, %parallel_loop3A_544] {strides = array<i32>} : memref<64x128xf32, #tpu.memory_space<vmem>>, vector<16xf32>,
        %parallel_loop3A_546 = arith.mulf %parallel_loop3A_545, %parallel_loop3A_535 : vector<16xf32>
        %parallel_loop3A_547 = arith.index_cast %parallel_loop3A_531 : i32 to index
        %parallel_loop3A_548 = arith.constant 16 : index
        %parallel_loop3A_549 = tpu.vector_load %arg21[%parallel_loop3A_547, %parallel_loop3A_548] {strides = array<i32>} : memref<64x128xf32, #tpu.memory_space<vmem>>, vector<16xf32>,
        tpu.vector_store %arg21[%parallel_loop3A_547, %parallel_loop3A_548], %parallel_loop3A_546 {strides = array<i32>} : memref<64x128xf32, #tpu.memory_space<vmem>>, vector<16xf32>,
        %parallel_loop3A_550 = arith.index_cast %parallel_loop3A_531 : i32 to index
        %parallel_loop3A_551 = arith.constant 32 : index
        %parallel_loop3A_552 = tpu.vector_load %arg18[%parallel_loop3A_550, %parallel_loop3A_551] {strides = array<i32>} : memref<64x128xf32, #tpu.memory_space<vmem>>, vector<16xf32>,
        %parallel_loop3A_553 = arith.mulf %parallel_loop3A_552, %parallel_loop3A_535 : vector<16xf32>
        %parallel_loop3A_554 = arith.index_cast %parallel_loop3A_531 : i32 to index
        %parallel_loop3A_555 = arith.constant 32 : index
        %parallel_loop3A_556 = tpu.vector_load %arg21[%parallel_loop3A_554, %parallel_loop3A_555] {strides = array<i32>} : memref<64x128xf32, #tpu.memory_space<vmem>>, vector<16xf32>,
        tpu.vector_store %arg21[%parallel_loop3A_554, %parallel_loop3A_555], %parallel_loop3A_553 {strides = array<i32>} : memref<64x128xf32, #tpu.memory_space<vmem>>, vector<16xf32>,
        %parallel_loop3A_557 = arith.index_cast %parallel_loop3A_531 : i32 to index
        %parallel_loop3A_558 = arith.constant 48 : index
        %parallel_loop3A_559 = tpu.vector_load %arg18[%parallel_loop3A_557, %parallel_loop3A_558] {strides = array<i32>} : memref<64x128xf32, #tpu.memory_space<vmem>>, vector<16xf32>,
        %parallel_loop3A_560 = arith.mulf %parallel_loop3A_559, %parallel_loop3A_535 : vector<16xf32>
        %parallel_loop3A_561 = arith.index_cast %parallel_loop3A_531 : i32 to index
        %parallel_loop3A_562 = arith.constant 48 : index
        %parallel_loop3A_563 = tpu.vector_load %arg21[%parallel_loop3A_561, %parallel_loop3A_562] {strides = array<i32>} : memref<64x128xf32, #tpu.memory_space<vmem>>, vector<16xf32>,
        tpu.vector_store %arg21[%parallel_loop3A_561, %parallel_loop3A_562], %parallel_loop3A_560 {strides = array<i32>} : memref<64x128xf32, #tpu.memory_space<vmem>>, vector<16xf32>,
        %parallel_loop3A_564 = arith.index_cast %parallel_loop3A_531 : i32 to index
        %parallel_loop3A_565 = arith.constant 64 : index
        %parallel_loop3A_566 = tpu.vector_load %arg18[%parallel_loop3A_564, %parallel_loop3A_565] {strides = array<i32>} : memref<64x128xf32, #tpu.memory_space<vmem>>, vector<16xf32>,
        %parallel_loop3A_567 = arith.mulf %parallel_loop3A_566, %parallel_loop3A_535 : vector<16xf32>
        %parallel_loop3A_568 = arith.index_cast %parallel_loop3A_531 : i32 to index
        %parallel_loop3A_569 = arith.constant 64 : index
        %parallel_loop3A_570 = tpu.vector_load %arg21[%parallel_loop3A_568, %parallel_loop3A_569] {strides = array<i32>} : memref<64x128xf32, #tpu.memory_space<vmem>>, vector<16xf32>,
        tpu.vector_store %arg21[%parallel_loop3A_568, %parallel_loop3A_569], %parallel_loop3A_567 {strides = array<i32>} : memref<64x128xf32, #tpu.memory_space<vmem>>, vector<16xf32>,
        %parallel_loop3A_571 = arith.index_cast %parallel_loop3A_531 : i32 to index
        %parallel_loop3A_572 = arith.constant 80 : index
        %parallel_loop3A_573 = tpu.vector_load %arg18[%parallel_loop3A_571, %parallel_loop3A_572] {strides = array<i32>} : memref<64x128xf32, #tpu.memory_space<vmem>>, vector<16xf32>,
        %parallel_loop3A_574 = arith.mulf %parallel_loop3A_573, %parallel_loop3A_535 : vector<16xf32>
        %parallel_loop3A_575 = arith.index_cast %parallel_loop3A_531 : i32 to index
        %parallel_loop3A_576 = arith.constant 80 : index
        %parallel_loop3A_577 = tpu.vector_load %arg21[%parallel_loop3A_575, %parallel_loop3A_576] {strides = array<i32>} : memref<64x128xf32, #tpu.memory_space<vmem>>, vector<16xf32>,
        tpu.vector_store %arg21[%parallel_loop3A_575, %parallel_loop3A_576], %parallel_loop3A_574 {strides = array<i32>} : memref<64x128xf32, #tpu.memory_space<vmem>>, vector<16xf32>,
        %parallel_loop3A_578 = arith.index_cast %parallel_loop3A_531 : i32 to index
        %parallel_loop3A_579 = arith.constant 96 : index
        %parallel_loop3A_580 = tpu.vector_load %arg18[%parallel_loop3A_578, %parallel_loop3A_579] {strides = array<i32>} : memref<64x128xf32, #tpu.memory_space<vmem>>, vector<16xf32>,
        %parallel_loop3A_581 = arith.mulf %parallel_loop3A_580, %parallel_loop3A_535 : vector<16xf32>
        %parallel_loop3A_582 = arith.index_cast %parallel_loop3A_531 : i32 to index
        %parallel_loop3A_583 = arith.constant 96 : index
        %parallel_loop3A_584 = tpu.vector_load %arg21[%parallel_loop3A_582, %parallel_loop3A_583] {strides = array<i32>} : memref<64x128xf32, #tpu.memory_space<vmem>>, vector<16xf32>,
        tpu.vector_store %arg21[%parallel_loop3A_582, %parallel_loop3A_583], %parallel_loop3A_581 {strides = array<i32>} : memref<64x128xf32, #tpu.memory_space<vmem>>, vector<16xf32>,
        %parallel_loop3A_585 = arith.index_cast %parallel_loop3A_531 : i32 to index
        %parallel_loop3A_586 = arith.constant 112 : index
        %parallel_loop3A_587 = tpu.vector_load %arg18[%parallel_loop3A_585, %parallel_loop3A_586] {strides = array<i32>} : memref<64x128xf32, #tpu.memory_space<vmem>>, vector<16xf32>,
        %parallel_loop3A_588 = arith.mulf %parallel_loop3A_587, %parallel_loop3A_535 : vector<16xf32>
        %parallel_loop3A_589 = arith.index_cast %parallel_loop3A_531 : i32 to index
        %parallel_loop3A_590 = arith.constant 112 : index
        %parallel_loop3A_591 = tpu.vector_load %arg21[%parallel_loop3A_589, %parallel_loop3A_590] {strides = array<i32>} : memref<64x128xf32, #tpu.memory_space<vmem>>, vector<16xf32>,
        tpu.vector_store %arg21[%parallel_loop3A_589, %parallel_loop3A_590], %parallel_loop3A_588 {strides = array<i32>} : memref<64x128xf32, #tpu.memory_space<vmem>>, vector<16xf32>,
      } {sc.loop_unroll_factor = 8 : i64, sc.parallel_access}
      %dma_start3A_436 = arith.constant 0 : i32
      %dma_start3A_437 = arith.constant 0 : i32
      %dma_start3A_438 = tpu.memref_slice %arg7[%dma_start3A_436, %dma_start3A_437] : memref<10000x128xf32, #tpu.memory_space<vmem_shared>> -> memref<10000x128xf32, #tpu.memory_space<vmem_shared>>
      tpu.enqueue_indirect_dma source(%arg21 : memref<64x128xf32, #tpu.memory_space<vmem>>) target(%dma_start3A_438 : memref<10000x128xf32, #tpu.memory_space<vmem_shared>>) offsets(%arg15 : memref<64xi32, #tpu.memory_space<vmem>>) semaphore(%arg33 : memref<!tpu.dma_semaphore, #tpu.memory_space<semaphore_mem>>) {add = true}
      %dma_start3A_439 = arith.constant 1 : i32
      %dma_start3A_440 = arith.constant 64 : i32
      %dma_start3A_441 = tpu.memref_slice %arg8[%dma_start3A_439, %dma_start3A_440] : memref<2x128xi32, #tpu.memory_space<vmem>> -> memref<1x64xi32, #tpu.memory_space<vmem>>
      %dma_start3A_442 = tpu.memref_squeeze %dma_start3A_441 : memref<1x64xi32, #tpu.memory_space<vmem>> -> memref<64xi32, #tpu.memory_space<vmem>>
      %dma_start3A_443 = arith.constant 0 : i32
      %dma_start3A_444 = arith.constant 0 : i32
      %dma_start3A_445 = tpu.memref_slice %arg2[%dma_start3A_443, %dma_start3A_444] : memref<10000x128xf32, #tpu.memory_space<hbm>> -> memref<10000x128xf32, #tpu.memory_space<hbm>>
      tpu.enqueue_indirect_dma source(%dma_start3A_445 : memref<10000x128xf32, #tpu.memory_space<hbm>>) target(%arg18 : memref<64x128xf32, #tpu.memory_space<vmem>>) offsets(%dma_start3A_442 : memref<64xi32, #tpu.memory_space<vmem>>) semaphore(%arg30 : memref<!tpu.dma_semaphore, #tpu.memory_space<semaphore_mem>>)
      %dma_wait3A_446 = arith.constant 1 : i32
      %dma_wait3A_447 = arith.constant 0 : i32
      %dma_wait3A_448 = tpu.memref_slice %arg8[%dma_wait3A_446, %dma_wait3A_447] : memref<2x128xi32, #tpu.memory_space<vmem>> -> memref<1x64xi32, #tpu.memory_space<vmem>>
      %dma_wait3A_449 = tpu.memref_squeeze %dma_wait3A_448 : memref<1x64xi32, #tpu.memory_space<vmem>> -> memref<64xi32, #tpu.memory_space<vmem>>
      %dma_wait3A_450 = arith.constant 0 : i32
      %dma_wait3A_451 = arith.constant 0 : i32
      %dma_wait3A_452 = tpu.memref_slice %arg2[%dma_wait3A_450, %dma_wait3A_451] : memref<10000x128xf32, #tpu.memory_space<hbm>> -> memref<10000x128xf32, #tpu.memory_space<hbm>>
      tpu.wait_indirect_dma semaphore(%arg31 : memref<!tpu.dma_semaphore, #tpu.memory_space<semaphore_mem>>) src(%dma_wait3A_452 : memref<10000x128xf32, #tpu.memory_space<hbm>>) dst(%arg19 : memref<64x128xf32, #tpu.memory_space<vmem>>)
      %dma_wait3A_453 = arith.constant 0 : i32
      %dma_wait3A_454 = arith.constant 0 : i32
      %dma_wait3A_455 = tpu.memref_slice %arg7[%dma_wait3A_453, %dma_wait3A_454] : memref<10000x128xf32, #tpu.memory_space<vmem_shared>> -> memref<10000x128xf32, #tpu.memory_space<vmem_shared>>
      tpu.wait_indirect_dma semaphore(%arg34 : memref<!tpu.dma_semaphore, #tpu.memory_space<semaphore_mem>>) src(%arg22 : memref<64x128xf32, #tpu.memory_space<vmem>>) dst(%dma_wait3A_455 : memref<10000x128xf32, #tpu.memory_space<vmem_shared>>)
      %get3A_456 = arith.constant 0 : i32
      %get3A_457 = arith.index_cast %get3A_456 : i32 to index
      %get3A_458 = arith.constant 64 : index
      %get3A_459 = tpu.vector_load %arg10[%get3A_457, %get3A_458] {strides = array<i32>} : memref<2x128xi32, #tpu.memory_space<vmem>>, vector<16xi32>,
      %swap3A_460 = arith.constant 0 : index
      %swap3A_461 = tpu.vector_load %arg16[%swap3A_460] {strides = array<i32>} : memref<64xi32, #tpu.memory_space<vmem>>, vector<16xi32>,
      tpu.vector_store %arg16[%swap3A_460], %get3A_459 {strides = array<i32>} : memref<64xi32, #tpu.memory_space<vmem>>, vector<16xi32>,
      %get3A_462 = arith.constant 0 : i32
      %get3A_463 = arith.index_cast %get3A_462 : i32 to index
      %get3A_464 = arith.constant 80 : index
      %get3A_465 = tpu.vector_load %arg10[%get3A_463, %get3A_464] {strides = array<i32>} : memref<2x128xi32, #tpu.memory_space<vmem>>, vector<16xi32>,
      %swap3A_466 = arith.constant 16 : index
      %swap3A_467 = tpu.vector_load %arg16[%swap3A_466] {strides = array<i32>} : memref<64xi32, #tpu.memory_space<vmem>>, vector<16xi32>,
      tpu.vector_store %arg16[%swap3A_466], %get3A_465 {strides = array<i32>} : memref<64xi32, #tpu.memory_space<vmem>>, vector<16xi32>,
      %get3A_468 = arith.constant 0 : i32
      %get3A_469 = arith.index_cast %get3A_468 : i32 to index
      %get3A_470 = arith.constant 96 : index
      %get3A_471 = tpu.vector_load %arg10[%get3A_469, %get3A_470] {strides = array<i32>} : memref<2x128xi32, #tpu.memory_space<vmem>>, vector<16xi32>,
      %swap3A_472 = arith.constant 32 : index
      %swap3A_473 = tpu.vector_load %arg16[%swap3A_472] {strides = array<i32>} : memref<64xi32, #tpu.memory_space<vmem>>, vector<16xi32>,
      tpu.vector_store %arg16[%swap3A_472], %get3A_471 {strides = array<i32>} : memref<64xi32, #tpu.memory_space<vmem>>, vector<16xi32>,
      %get3A_474 = arith.constant 0 : i32
      %get3A_475 = arith.index_cast %get3A_474 : i32 to index
      %get3A_476 = arith.constant 112 : index
      %get3A_477 = tpu.vector_load %arg10[%get3A_475, %get3A_476] {strides = array<i32>} : memref<2x128xi32, #tpu.memory_space<vmem>>, vector<16xi32>,
      %swap3A_478 = arith.constant 48 : index
      %swap3A_479 = tpu.vector_load %arg16[%swap3A_478] {strides = array<i32>} : memref<64xi32, #tpu.memory_space<vmem>>, vector<16xi32>,
      tpu.vector_store %arg16[%swap3A_478], %get3A_477 {strides = array<i32>} : memref<64xi32, #tpu.memory_space<vmem>>, vector<16xi32>,
      %parallel_loop3A_480 = arith.constant 0 : i32
      %parallel_loop3A_481 = arith.constant 64 : i32
      %parallel_loop3A_482 = arith.constant 1 : i32
      scf.for %parallel_loop3A_531 = %parallel_loop3A_480 to %parallel_loop3A_481 step %parallel_loop3A_482  : i32 {
        %parallel_loop3A_532 = arith.constant 64 : i32
        %parallel_loop3A_533 = arith.addi %parallel_loop3A_532, %parallel_loop3A_531 : i32
        %parallel_loop3A_534 = vector.broadcast %parallel_loop3A_533 : i32 to vector<16xi32>
        %parallel_loop3A_535 = tpu.vector_load_idx %arg13[%parallel_loop3A_534] : memref<128xf32, #tpu.memory_space<vmem>>[vector<16xi32>], vector<16xf32>,
        %parallel_loop3A_536 = arith.index_cast %parallel_loop3A_531 : i32 to index
        %parallel_loop3A_537 = arith.constant 0 : index
        %parallel_loop3A_538 = tpu.vector_load %arg19[%parallel_loop3A_536, %parallel_loop3A_537] {strides = array<i32>} : memref<64x128xf32, #tpu.memory_space<vmem>>, vector<16xf32>,
        %parallel_loop3A_539 = arith.mulf %parallel_loop3A_538, %parallel_loop3A_535 : vector<16xf32>
        %parallel_loop3A_540 = arith.index_cast %parallel_loop3A_531 : i32 to index
        %parallel_loop3A_541 = arith.constant 0 : index
        %parallel_loop3A_542 = tpu.vector_load %arg22[%parallel_loop3A_540, %parallel_loop3A_541] {strides = array<i32>} : memref<64x128xf32, #tpu.memory_space<vmem>>, vector<16xf32>,
        tpu.vector_store %arg22[%parallel_loop3A_540, %parallel_loop3A_541], %parallel_loop3A_539 {strides = array<i32>} : memref<64x128xf32, #tpu.memory_space<vmem>>, vector<16xf32>,
        %parallel_loop3A_543 = arith.index_cast %parallel_loop3A_531 : i32 to index
        %parallel_loop3A_544 = arith.constant 16 : index
        %parallel_loop3A_545 = tpu.vector_load %arg19[%parallel_loop3A_543, %parallel_loop3A_544] {strides = array<i32>} : memref<64x128xf32, #tpu.memory_space<vmem>>, vector<16xf32>,
        %parallel_loop3A_546 = arith.mulf %parallel_loop3A_545, %parallel_loop3A_535 : vector<16xf32>
        %parallel_loop3A_547 = arith.index_cast %parallel_loop3A_531 : i32 to index
        %parallel_loop3A_548 = arith.constant 16 : index
        %parallel_loop3A_549 = tpu.vector_load %arg22[%parallel_loop3A_547, %parallel_loop3A_548] {strides = array<i32>} : memref<64x128xf32, #tpu.memory_space<vmem>>, vector<16xf32>,
        tpu.vector_store %arg22[%parallel_loop3A_547, %parallel_loop3A_548], %parallel_loop3A_546 {strides = array<i32>} : memref<64x128xf32, #tpu.memory_space<vmem>>, vector<16xf32>,
        %parallel_loop3A_550 = arith.index_cast %parallel_loop3A_531 : i32 to index
        %parallel_loop3A_551 = arith.constant 32 : index
        %parallel_loop3A_552 = tpu.vector_load %arg19[%parallel_loop3A_550, %parallel_loop3A_551] {strides = array<i32>} : memref<64x128xf32, #tpu.memory_space<vmem>>, vector<16xf32>,
        %parallel_loop3A_553 = arith.mulf %parallel_loop3A_552, %parallel_loop3A_535 : vector<16xf32>
        %parallel_loop3A_554 = arith.index_cast %parallel_loop3A_531 : i32 to index
        %parallel_loop3A_555 = arith.constant 32 : index
        %parallel_loop3A_556 = tpu.vector_load %arg22[%parallel_loop3A_554, %parallel_loop3A_555] {strides = array<i32>} : memref<64x128xf32, #tpu.memory_space<vmem>>, vector<16xf32>,
        tpu.vector_store %arg22[%parallel_loop3A_554, %parallel_loop3A_555], %parallel_loop3A_553 {strides = array<i32>} : memref<64x128xf32, #tpu.memory_space<vmem>>, vector<16xf32>,
        %parallel_loop3A_557 = arith.index_cast %parallel_loop3A_531 : i32 to index
        %parallel_loop3A_558 = arith.constant 48 : index
        %parallel_loop3A_559 = tpu.vector_load %arg19[%parallel_loop3A_557, %parallel_loop3A_558] {strides = array<i32>} : memref<64x128xf32, #tpu.memory_space<vmem>>, vector<16xf32>,
        %parallel_loop3A_560 = arith.mulf %parallel_loop3A_559, %parallel_loop3A_535 : vector<16xf32>
        %parallel_loop3A_561 = arith.index_cast %parallel_loop3A_531 : i32 to index
        %parallel_loop3A_562 = arith.constant 48 : index
        %parallel_loop3A_563 = tpu.vector_load %arg22[%parallel_loop3A_561, %parallel_loop3A_562] {strides = array<i32>} : memref<64x128xf32, #tpu.memory_space<vmem>>, vector<16xf32>,
        tpu.vector_store %arg22[%parallel_loop3A_561, %parallel_loop3A_562], %parallel_loop3A_560 {strides = array<i32>} : memref<64x128xf32, #tpu.memory_space<vmem>>, vector<16xf32>,
        %parallel_loop3A_564 = arith.index_cast %parallel_loop3A_531 : i32 to index
        %parallel_loop3A_565 = arith.constant 64 : index
        %parallel_loop3A_566 = tpu.vector_load %arg19[%parallel_loop3A_564, %parallel_loop3A_565] {strides = array<i32>} : memref<64x128xf32, #tpu.memory_space<vmem>>, vector<16xf32>,
        %parallel_loop3A_567 = arith.mulf %parallel_loop3A_566, %parallel_loop3A_535 : vector<16xf32>
        %parallel_loop3A_568 = arith.index_cast %parallel_loop3A_531 : i32 to index
        %parallel_loop3A_569 = arith.constant 64 : index
        %parallel_loop3A_570 = tpu.vector_load %arg22[%parallel_loop3A_568, %parallel_loop3A_569] {strides = array<i32>} : memref<64x128xf32, #tpu.memory_space<vmem>>, vector<16xf32>,
        tpu.vector_store %arg22[%parallel_loop3A_568, %parallel_loop3A_569], %parallel_loop3A_567 {strides = array<i32>} : memref<64x128xf32, #tpu.memory_space<vmem>>, vector<16xf32>,
        %parallel_loop3A_571 = arith.index_cast %parallel_loop3A_531 : i32 to index
        %parallel_loop3A_572 = arith.constant 80 : index
        %parallel_loop3A_573 = tpu.vector_load %arg19[%parallel_loop3A_571, %parallel_loop3A_572] {strides = array<i32>} : memref<64x128xf32, #tpu.memory_space<vmem>>, vector<16xf32>,
        %parallel_loop3A_574 = arith.mulf %parallel_loop3A_573, %parallel_loop3A_535 : vector<16xf32>
        %parallel_loop3A_575 = arith.index_cast %parallel_loop3A_531 : i32 to index
        %parallel_loop3A_576 = arith.constant 80 : index
        %parallel_loop3A_577 = tpu.vector_load %arg22[%parallel_loop3A_575, %parallel_loop3A_576] {strides = array<i32>} : memref<64x128xf32, #tpu.memory_space<vmem>>, vector<16xf32>,
        tpu.vector_store %arg22[%parallel_loop3A_575, %parallel_loop3A_576], %parallel_loop3A_574 {strides = array<i32>} : memref<64x128xf32, #tpu.memory_space<vmem>>, vector<16xf32>,
        %parallel_loop3A_578 = arith.index_cast %parallel_loop3A_531 : i32 to index
        %parallel_loop3A_579 = arith.constant 96 : index
        %parallel_loop3A_580 = tpu.vector_load %arg19[%parallel_loop3A_578, %parallel_loop3A_579] {strides = array<i32>} : memref<64x128xf32, #tpu.memory_space<vmem>>, vector<16xf32>,
        %parallel_loop3A_581 = arith.mulf %parallel_loop3A_580, %parallel_loop3A_535 : vector<16xf32>
        %parallel_loop3A_582 = arith.index_cast %parallel_loop3A_531 : i32 to index
        %parallel_loop3A_583 = arith.constant 96 : index
        %parallel_loop3A_584 = tpu.vector_load %arg22[%parallel_loop3A_582, %parallel_loop3A_583] {strides = array<i32>} : memref<64x128xf32, #tpu.memory_space<vmem>>, vector<16xf32>,
        tpu.vector_store %arg22[%parallel_loop3A_582, %parallel_loop3A_583], %parallel_loop3A_581 {strides = array<i32>} : memref<64x128xf32, #tpu.memory_space<vmem>>, vector<16xf32>,
        %parallel_loop3A_585 = arith.index_cast %parallel_loop3A_531 : i32 to index
        %parallel_loop3A_586 = arith.constant 112 : index
        %parallel_loop3A_587 = tpu.vector_load %arg19[%parallel_loop3A_585, %parallel_loop3A_586] {strides = array<i32>} : memref<64x128xf32, #tpu.memory_space<vmem>>, vector<16xf32>,
        %parallel_loop3A_588 = arith.mulf %parallel_loop3A_587, %parallel_loop3A_535 : vector<16xf32>
        %parallel_loop3A_589 = arith.index_cast %parallel_loop3A_531 : i32 to index
        %parallel_loop3A_590 = arith.constant 112 : index
        %parallel_loop3A_591 = tpu.vector_load %arg22[%parallel_loop3A_589, %parallel_loop3A_590] {strides = array<i32>} : memref<64x128xf32, #tpu.memory_space<vmem>>, vector<16xf32>,
        tpu.vector_store %arg22[%parallel_loop3A_589, %parallel_loop3A_590], %parallel_loop3A_588 {strides = array<i32>} : memref<64x128xf32, #tpu.memory_space<vmem>>, vector<16xf32>,
      } {sc.loop_unroll_factor = 8 : i64, sc.parallel_access}
      %dma_start3A_483 = arith.constant 0 : i32
      %dma_start3A_484 = arith.constant 0 : i32
      %dma_start3A_485 = tpu.memref_slice %arg7[%dma_start3A_483, %dma_start3A_484] : memref<10000x128xf32, #tpu.memory_space<vmem_shared>> -> memref<10000x128xf32, #tpu.memory_space<vmem_shared>>
      tpu.enqueue_indirect_dma source(%arg22 : memref<64x128xf32, #tpu.memory_space<vmem>>) target(%dma_start3A_485 : memref<10000x128xf32, #tpu.memory_space<vmem_shared>>) offsets(%arg16 : memref<64xi32, #tpu.memory_space<vmem>>) semaphore(%arg34 : memref<!tpu.dma_semaphore, #tpu.memory_space<semaphore_mem>>) {add = true}
      %dma_wait3A_486 = arith.constant 0 : i32
      %dma_wait3A_487 = arith.constant 0 : i32
      %dma_wait3A_488 = tpu.memref_slice %arg3[%dma_wait3A_486, %dma_wait3A_487] : memref<2x320000xi32, #tpu.memory_space<hbm>> -> memref<2x128xi32, #tpu.memory_space<hbm>>
      %dma_wait3A_489 = arith.constant 0 : i32
      %dma_wait3A_490 = arith.constant 0 : i32
      %dma_wait3A_491 = tpu.memref_slice %arg3[%dma_wait3A_489, %dma_wait3A_490] : memref<2x320000xi32, #tpu.memory_space<hbm>> -> memref<2x128xi32, #tpu.memory_space<hbm>>
      tpu.wait_dma2 semaphore(%arg24 : memref<!tpu.dma_semaphore, #tpu.memory_space<semaphore_mem>>) src(%dma_wait3A_491 : memref<2x128xi32, #tpu.memory_space<hbm>>) dst(%arg9 : memref<2x128xi32, #tpu.memory_space<vmem>>)
      %dma_start3A_492 = arith.constant 1 : i32
      %dma_start3A_493 = arith.constant 0 : i32
      %dma_start3A_494 = tpu.memref_slice %arg9[%dma_start3A_492, %dma_start3A_493] : memref<2x128xi32, #tpu.memory_space<vmem>> -> memref<1x64xi32, #tpu.memory_space<vmem>>
      %dma_start3A_495 = tpu.memref_squeeze %dma_start3A_494 : memref<1x64xi32, #tpu.memory_space<vmem>> -> memref<64xi32, #tpu.memory_space<vmem>>
      %dma_start3A_496 = arith.constant 0 : i32
      %dma_start3A_497 = arith.constant 0 : i32
      %dma_start3A_498 = tpu.memref_slice %arg2[%dma_start3A_496, %dma_start3A_497] : memref<10000x128xf32, #tpu.memory_space<hbm>> -> memref<10000x128xf32, #tpu.memory_space<hbm>>
      tpu.enqueue_indirect_dma source(%dma_start3A_498 : memref<10000x128xf32, #tpu.memory_space<hbm>>) target(%arg19 : memref<64x128xf32, #tpu.memory_space<vmem>>) offsets(%dma_start3A_495 : memref<64xi32, #tpu.memory_space<vmem>>) semaphore(%arg31 : memref<!tpu.dma_semaphore, #tpu.memory_space<semaphore_mem>>)
      %mul3A_499 = arith.constant 3 : i32
      %mul3A_500 = arith.muli %mul3A_499, %scan3A_119 : i32
      %add3A_501 = arith.constant 2 : i32
      %add3A_502 = arith.addi %mul3A_500, %add3A_501 : i32
      %add3A_503 = arith.constant 3 : i32
      %add3A_504 = arith.addi %add3A_502, %add3A_503 : i32
      %mul3A_505 = arith.constant 32 : i32
      %mul3A_506 = arith.muli %add3A_504, %mul3A_505 : i32
      %add3A_507 = arith.addi %mul3A_506, %add3A : i32
      %mul3A_508 = arith.constant 128 : i32
      %mul3A_509 = arith.muli %add3A_507, %mul3A_508 : i32
      %min3A_510 = arith.constant 319872 : i32
      %min3A_511 = arith.minsi %mul3A_509, %min3A_510 : i32
      %dma_start3A_512 = arith.constant 0 : i32
      %dma_start3A_513 = tpu.memref_slice %arg3[%dma_start3A_512, %min3A_511] : memref<2x320000xi32, #tpu.memory_space<hbm>> -> memref<2x128xi32, #tpu.memory_space<hbm>>
      %dma_start3A_514 = arith.constant 0 : i32
      %dma_start3A_515 = tpu.memref_slice %arg3[%dma_start3A_514, %min3A_511] : memref<2x320000xi32, #tpu.memory_space<hbm>> -> memref<2x128xi32, #tpu.memory_space<hbm>>
      tpu.enqueue_dma source(%dma_start3A_515 : memref<2x128xi32, #tpu.memory_space<hbm>>) target(%arg10 : memref<2x128xi32, #tpu.memory_space<vmem>>) target_semaphore(%arg25 : memref<!tpu.dma_semaphore, #tpu.memory_space<semaphore_mem>>)
      %mul3A_516 = arith.constant 3 : i32
      %mul3A_517 = arith.muli %mul3A_516, %scan3A_119 : i32
      %add3A_518 = arith.constant 2 : i32
      %add3A_519 = arith.addi %mul3A_517, %add3A_518 : i32
      %add3A_520 = arith.constant 3 : i32
      %add3A_521 = arith.addi %add3A_519, %add3A_520 : i32
      %mul3A_522 = arith.constant 32 : i32
      %mul3A_523 = arith.muli %add3A_521, %mul3A_522 : i32
      %add3A_524 = arith.addi %mul3A_523, %add3A : i32
      %mul3A_525 = arith.constant 128 : i32
      %mul3A_526 = arith.muli %add3A_524, %mul3A_525 : i32
      %min3A_527 = arith.constant 319872 : i32
      %min3A_528 = arith.minsi %mul3A_526, %min3A_527 : i32
      %dma_start3A_529 = tpu.memref_slice %arg4[%min3A_528] : memref<320000xf32, #tpu.memory_space<hbm>> -> memref<128xf32, #tpu.memory_space<hbm>>
      %dma_start3A_530 = tpu.memref_slice %arg4[%min3A_528] : memref<320000xf32, #tpu.memory_space<hbm>> -> memref<128xf32, #tpu.memory_space<hbm>>
      tpu.enqueue_dma source(%dma_start3A_530 : memref<128xf32, #tpu.memory_space<hbm>>) target(%arg13 : memref<128xf32, #tpu.memory_space<vmem>>) target_semaphore(%arg28 : memref<!tpu.dma_semaphore, #tpu.memory_space<semaphore_mem>>)
    }
    %scan3A_98 = arith.constant 26 : i32
    %lt3A_99 = arith.constant 4 : i32
    %lt3A_100 = arith.cmpi slt, %add3A, %lt3A_99 : i32
    %convert_element_type3A_101 = arith.extui %lt3A_100 : i1 to i32
    %cond3A_102 = arith.constant 0 : i32
    %cond3A_103 = arith.cmpi ne, %convert_element_type3A_101, %cond3A_102 : i32
    scf.if %cond3A_103 {
      %dma_wait3A_119 = arith.constant 1 : i32
      %dma_wait3A_120 = arith.constant 0 : i32
      %dma_wait3A_121 = tpu.memref_slice %arg8[%dma_wait3A_119, %dma_wait3A_120] : memref<2x128xi32, #tpu.memory_space<vmem>> -> memref<1x64xi32, #tpu.memory_space<vmem>>
      %dma_wait3A_122 = tpu.memref_squeeze %dma_wait3A_121 : memref<1x64xi32, #tpu.memory_space<vmem>> -> memref<64xi32, #tpu.memory_space<vmem>>
      %dma_wait3A_123 = arith.constant 0 : i32
      %dma_wait3A_124 = arith.constant 0 : i32
      %dma_wait3A_125 = tpu.memref_slice %arg2[%dma_wait3A_123, %dma_wait3A_124] : memref<10000x128xf32, #tpu.memory_space<hbm>> -> memref<10000x128xf32, #tpu.memory_space<hbm>>
      tpu.wait_indirect_dma semaphore(%arg29 : memref<!tpu.dma_semaphore, #tpu.memory_space<semaphore_mem>>) src(%dma_wait3A_125 : memref<10000x128xf32, #tpu.memory_space<hbm>>) dst(%arg17 : memref<64x128xf32, #tpu.memory_space<vmem>>)
      %dma_wait3A_126 = arith.constant 0 : i32
      %dma_wait3A_127 = arith.constant 0 : i32
      %dma_wait3A_128 = tpu.memref_slice %arg7[%dma_wait3A_126, %dma_wait3A_127] : memref<10000x128xf32, #tpu.memory_space<vmem_shared>> -> memref<10000x128xf32, #tpu.memory_space<vmem_shared>>
      tpu.wait_indirect_dma semaphore(%arg32 : memref<!tpu.dma_semaphore, #tpu.memory_space<semaphore_mem>>) src(%arg20 : memref<64x128xf32, #tpu.memory_space<vmem>>) dst(%dma_wait3A_128 : memref<10000x128xf32, #tpu.memory_space<vmem_shared>>)
      %get3A = arith.constant 0 : i32
      %get3A_129 = arith.index_cast %get3A : i32 to index
      %get3A_130 = arith.constant 0 : index
      %get3A_131 = tpu.vector_load %arg8[%get3A_129, %get3A_130] {strides = array<i32>} : memref<2x128xi32, #tpu.memory_space<vmem>>, vector<16xi32>,
      %swap3A = arith.constant 0 : index
      %swap3A_132 = tpu.vector_load %arg14[%swap3A] {strides = array<i32>} : memref<64xi32, #tpu.memory_space<vmem>>, vector<16xi32>,
      tpu.vector_store %arg14[%swap3A], %get3A_131 {strides = array<i32>} : memref<64xi32, #tpu.memory_space<vmem>>, vector<16xi32>,
      %get3A_133 = arith.constant 0 : i32
      %get3A_134 = arith.index_cast %get3A_133 : i32 to index
      %get3A_135 = arith.constant 16 : index
      %get3A_136 = tpu.vector_load %arg8[%get3A_134, %get3A_135] {strides = array<i32>} : memref<2x128xi32, #tpu.memory_space<vmem>>, vector<16xi32>,
      %swap3A_137 = arith.constant 16 : index
      %swap3A_138 = tpu.vector_load %arg14[%swap3A_137] {strides = array<i32>} : memref<64xi32, #tpu.memory_space<vmem>>, vector<16xi32>,
      tpu.vector_store %arg14[%swap3A_137], %get3A_136 {strides = array<i32>} : memref<64xi32, #tpu.memory_space<vmem>>, vector<16xi32>,
      %get3A_139 = arith.constant 0 : i32
      %get3A_140 = arith.index_cast %get3A_139 : i32 to index
      %get3A_141 = arith.constant 32 : index
      %get3A_142 = tpu.vector_load %arg8[%get3A_140, %get3A_141] {strides = array<i32>} : memref<2x128xi32, #tpu.memory_space<vmem>>, vector<16xi32>,
      %swap3A_143 = arith.constant 32 : index
      %swap3A_144 = tpu.vector_load %arg14[%swap3A_143] {strides = array<i32>} : memref<64xi32, #tpu.memory_space<vmem>>, vector<16xi32>,
      tpu.vector_store %arg14[%swap3A_143], %get3A_142 {strides = array<i32>} : memref<64xi32, #tpu.memory_space<vmem>>, vector<16xi32>,
      %get3A_145 = arith.constant 0 : i32
      %get3A_146 = arith.index_cast %get3A_145 : i32 to index
      %get3A_147 = arith.constant 48 : index
      %get3A_148 = tpu.vector_load %arg8[%get3A_146, %get3A_147] {strides = array<i32>} : memref<2x128xi32, #tpu.memory_space<vmem>>, vector<16xi32>,
      %swap3A_149 = arith.constant 48 : index
      %swap3A_150 = tpu.vector_load %arg14[%swap3A_149] {strides = array<i32>} : memref<64xi32, #tpu.memory_space<vmem>>, vector<16xi32>,
      tpu.vector_store %arg14[%swap3A_149], %get3A_148 {strides = array<i32>} : memref<64xi32, #tpu.memory_space<vmem>>, vector<16xi32>,
      %dma_wait3A_151 = arith.constant 0 : i32
      %dma_wait3A_152 = tpu.memref_slice %arg4[%dma_wait3A_151] : memref<320000xf32, #tpu.memory_space<hbm>> -> memref<128xf32, #tpu.memory_space<hbm>>
      %dma_wait3A_153 = arith.constant 0 : i32
      %dma_wait3A_154 = tpu.memref_slice %arg4[%dma_wait3A_153] : memref<320000xf32, #tpu.memory_space<hbm>> -> memref<128xf32, #tpu.memory_space<hbm>>
      tpu.wait_dma2 semaphore(%arg26 : memref<!tpu.dma_semaphore, #tpu.memory_space<semaphore_mem>>) src(%dma_wait3A_154 : memref<128xf32, #tpu.memory_space<hbm>>) dst(%arg11 : memref<128xf32, #tpu.memory_space<vmem>>)
      %parallel_loop3A_155 = arith.constant 0 : i32
      %parallel_loop3A_156 = arith.constant 64 : i32
      %parallel_loop3A_157 = arith.constant 1 : i32
      scf.for %parallel_loop3A_231 = %parallel_loop3A_155 to %parallel_loop3A_156 step %parallel_loop3A_157  : i32 {
        %parallel_loop3A_232 = arith.constant 0 : i32
        %parallel_loop3A_233 = arith.addi %parallel_loop3A_232, %parallel_loop3A_231 : i32
        %parallel_loop3A_234 = vector.broadcast %parallel_loop3A_233 : i32 to vector<16xi32>
        %parallel_loop3A_235 = tpu.vector_load_idx %arg11[%parallel_loop3A_234] : memref<128xf32, #tpu.memory_space<vmem>>[vector<16xi32>], vector<16xf32>,
        %parallel_loop3A_236 = arith.index_cast %parallel_loop3A_231 : i32 to index
        %parallel_loop3A_237 = arith.constant 0 : index
        %parallel_loop3A_238 = tpu.vector_load %arg17[%parallel_loop3A_236, %parallel_loop3A_237] {strides = array<i32>} : memref<64x128xf32, #tpu.memory_space<vmem>>, vector<16xf32>,
        %parallel_loop3A_239 = arith.mulf %parallel_loop3A_238, %parallel_loop3A_235 : vector<16xf32>
        %parallel_loop3A_240 = arith.index_cast %parallel_loop3A_231 : i32 to index
        %parallel_loop3A_241 = arith.constant 0 : index
        %parallel_loop3A_242 = tpu.vector_load %arg20[%parallel_loop3A_240, %parallel_loop3A_241] {strides = array<i32>} : memref<64x128xf32, #tpu.memory_space<vmem>>, vector<16xf32>,
        tpu.vector_store %arg20[%parallel_loop3A_240, %parallel_loop3A_241], %parallel_loop3A_239 {strides = array<i32>} : memref<64x128xf32, #tpu.memory_space<vmem>>, vector<16xf32>,
        %parallel_loop3A_243 = arith.index_cast %parallel_loop3A_231 : i32 to index
        %parallel_loop3A_244 = arith.constant 16 : index
        %parallel_loop3A_245 = tpu.vector_load %arg17[%parallel_loop3A_243, %parallel_loop3A_244] {strides = array<i32>} : memref<64x128xf32, #tpu.memory_space<vmem>>, vector<16xf32>,
        %parallel_loop3A_246 = arith.mulf %parallel_loop3A_245, %parallel_loop3A_235 : vector<16xf32>
        %parallel_loop3A_247 = arith.index_cast %parallel_loop3A_231 : i32 to index
        %parallel_loop3A_248 = arith.constant 16 : index
        %parallel_loop3A_249 = tpu.vector_load %arg20[%parallel_loop3A_247, %parallel_loop3A_248] {strides = array<i32>} : memref<64x128xf32, #tpu.memory_space<vmem>>, vector<16xf32>,
        tpu.vector_store %arg20[%parallel_loop3A_247, %parallel_loop3A_248], %parallel_loop3A_246 {strides = array<i32>} : memref<64x128xf32, #tpu.memory_space<vmem>>, vector<16xf32>,
        %parallel_loop3A_250 = arith.index_cast %parallel_loop3A_231 : i32 to index
        %parallel_loop3A_251 = arith.constant 32 : index
        %parallel_loop3A_252 = tpu.vector_load %arg17[%parallel_loop3A_250, %parallel_loop3A_251] {strides = array<i32>} : memref<64x128xf32, #tpu.memory_space<vmem>>, vector<16xf32>,
        %parallel_loop3A_253 = arith.mulf %parallel_loop3A_252, %parallel_loop3A_235 : vector<16xf32>
        %parallel_loop3A_254 = arith.index_cast %parallel_loop3A_231 : i32 to index
        %parallel_loop3A_255 = arith.constant 32 : index
        %parallel_loop3A_256 = tpu.vector_load %arg20[%parallel_loop3A_254, %parallel_loop3A_255] {strides = array<i32>} : memref<64x128xf32, #tpu.memory_space<vmem>>, vector<16xf32>,
        tpu.vector_store %arg20[%parallel_loop3A_254, %parallel_loop3A_255], %parallel_loop3A_253 {strides = array<i32>} : memref<64x128xf32, #tpu.memory_space<vmem>>, vector<16xf32>,
        %parallel_loop3A_257 = arith.index_cast %parallel_loop3A_231 : i32 to index
        %parallel_loop3A_258 = arith.constant 48 : index
        %parallel_loop3A_259 = tpu.vector_load %arg17[%parallel_loop3A_257, %parallel_loop3A_258] {strides = array<i32>} : memref<64x128xf32, #tpu.memory_space<vmem>>, vector<16xf32>,
        %parallel_loop3A_260 = arith.mulf %parallel_loop3A_259, %parallel_loop3A_235 : vector<16xf32>
        %parallel_loop3A_261 = arith.index_cast %parallel_loop3A_231 : i32 to index
        %parallel_loop3A_262 = arith.constant 48 : index
        %parallel_loop3A_263 = tpu.vector_load %arg20[%parallel_loop3A_261, %parallel_loop3A_262] {strides = array<i32>} : memref<64x128xf32, #tpu.memory_space<vmem>>, vector<16xf32>,
        tpu.vector_store %arg20[%parallel_loop3A_261, %parallel_loop3A_262], %parallel_loop3A_260 {strides = array<i32>} : memref<64x128xf32, #tpu.memory_space<vmem>>, vector<16xf32>,
        %parallel_loop3A_264 = arith.index_cast %parallel_loop3A_231 : i32 to index
        %parallel_loop3A_265 = arith.constant 64 : index
        %parallel_loop3A_266 = tpu.vector_load %arg17[%parallel_loop3A_264, %parallel_loop3A_265] {strides = array<i32>} : memref<64x128xf32, #tpu.memory_space<vmem>>, vector<16xf32>,
        %parallel_loop3A_267 = arith.mulf %parallel_loop3A_266, %parallel_loop3A_235 : vector<16xf32>
        %parallel_loop3A_268 = arith.index_cast %parallel_loop3A_231 : i32 to index
        %parallel_loop3A_269 = arith.constant 64 : index
        %parallel_loop3A_270 = tpu.vector_load %arg20[%parallel_loop3A_268, %parallel_loop3A_269] {strides = array<i32>} : memref<64x128xf32, #tpu.memory_space<vmem>>, vector<16xf32>,
        tpu.vector_store %arg20[%parallel_loop3A_268, %parallel_loop3A_269], %parallel_loop3A_267 {strides = array<i32>} : memref<64x128xf32, #tpu.memory_space<vmem>>, vector<16xf32>,
        %parallel_loop3A_271 = arith.index_cast %parallel_loop3A_231 : i32 to index
        %parallel_loop3A_272 = arith.constant 80 : index
        %parallel_loop3A_273 = tpu.vector_load %arg17[%parallel_loop3A_271, %parallel_loop3A_272] {strides = array<i32>} : memref<64x128xf32, #tpu.memory_space<vmem>>, vector<16xf32>,
        %parallel_loop3A_274 = arith.mulf %parallel_loop3A_273, %parallel_loop3A_235 : vector<16xf32>
        %parallel_loop3A_275 = arith.index_cast %parallel_loop3A_231 : i32 to index
        %parallel_loop3A_276 = arith.constant 80 : index
        %parallel_loop3A_277 = tpu.vector_load %arg20[%parallel_loop3A_275, %parallel_loop3A_276] {strides = array<i32>} : memref<64x128xf32, #tpu.memory_space<vmem>>, vector<16xf32>,
        tpu.vector_store %arg20[%parallel_loop3A_275, %parallel_loop3A_276], %parallel_loop3A_274 {strides = array<i32>} : memref<64x128xf32, #tpu.memory_space<vmem>>, vector<16xf32>,
        %parallel_loop3A_278 = arith.index_cast %parallel_loop3A_231 : i32 to index
        %parallel_loop3A_279 = arith.constant 96 : index
        %parallel_loop3A_280 = tpu.vector_load %arg17[%parallel_loop3A_278, %parallel_loop3A_279] {strides = array<i32>} : memref<64x128xf32, #tpu.memory_space<vmem>>, vector<16xf32>,
        %parallel_loop3A_281 = arith.mulf %parallel_loop3A_280, %parallel_loop3A_235 : vector<16xf32>
        %parallel_loop3A_282 = arith.index_cast %parallel_loop3A_231 : i32 to index
        %parallel_loop3A_283 = arith.constant 96 : index
        %parallel_loop3A_284 = tpu.vector_load %arg20[%parallel_loop3A_282, %parallel_loop3A_283] {strides = array<i32>} : memref<64x128xf32, #tpu.memory_space<vmem>>, vector<16xf32>,
        tpu.vector_store %arg20[%parallel_loop3A_282, %parallel_loop3A_283], %parallel_loop3A_281 {strides = array<i32>} : memref<64x128xf32, #tpu.memory_space<vmem>>, vector<16xf32>,
        %parallel_loop3A_285 = arith.index_cast %parallel_loop3A_231 : i32 to index
        %parallel_loop3A_286 = arith.constant 112 : index
        %parallel_loop3A_287 = tpu.vector_load %arg17[%parallel_loop3A_285, %parallel_loop3A_286] {strides = array<i32>} : memref<64x128xf32, #tpu.memory_space<vmem>>, vector<16xf32>,
        %parallel_loop3A_288 = arith.mulf %parallel_loop3A_287, %parallel_loop3A_235 : vector<16xf32>
        %parallel_loop3A_289 = arith.index_cast %parallel_loop3A_231 : i32 to index
        %parallel_loop3A_290 = arith.constant 112 : index
        %parallel_loop3A_291 = tpu.vector_load %arg20[%parallel_loop3A_289, %parallel_loop3A_290] {strides = array<i32>} : memref<64x128xf32, #tpu.memory_space<vmem>>, vector<16xf32>,
        tpu.vector_store %arg20[%parallel_loop3A_289, %parallel_loop3A_290], %parallel_loop3A_288 {strides = array<i32>} : memref<64x128xf32, #tpu.memory_space<vmem>>, vector<16xf32>,
      } {sc.loop_unroll_factor = 8 : i64, sc.parallel_access}
      %dma_start3A_158 = arith.constant 0 : i32
      %dma_start3A_159 = arith.constant 0 : i32
      %dma_start3A_160 = tpu.memref_slice %arg7[%dma_start3A_158, %dma_start3A_159] : memref<10000x128xf32, #tpu.memory_space<vmem_shared>> -> memref<10000x128xf32, #tpu.memory_space<vmem_shared>>
      tpu.enqueue_indirect_dma source(%arg20 : memref<64x128xf32, #tpu.memory_space<vmem>>) target(%dma_start3A_160 : memref<10000x128xf32, #tpu.memory_space<vmem_shared>>) offsets(%arg14 : memref<64xi32, #tpu.memory_space<vmem>>) semaphore(%arg32 : memref<!tpu.dma_semaphore, #tpu.memory_space<semaphore_mem>>) {add = true}
      %dma_wait3A_161 = arith.constant 1 : i32
      %dma_wait3A_162 = arith.constant 0 : i32
      %dma_wait3A_163 = tpu.memref_slice %arg8[%dma_wait3A_161, %dma_wait3A_162] : memref<2x128xi32, #tpu.memory_space<vmem>> -> memref<1x64xi32, #tpu.memory_space<vmem>>
      %dma_wait3A_164 = tpu.memref_squeeze %dma_wait3A_163 : memref<1x64xi32, #tpu.memory_space<vmem>> -> memref<64xi32, #tpu.memory_space<vmem>>
      %dma_wait3A_165 = arith.constant 0 : i32
      %dma_wait3A_166 = arith.constant 0 : i32
      %dma_wait3A_167 = tpu.memref_slice %arg2[%dma_wait3A_165, %dma_wait3A_166] : memref<10000x128xf32, #tpu.memory_space<hbm>> -> memref<10000x128xf32, #tpu.memory_space<hbm>>
      tpu.wait_indirect_dma semaphore(%arg30 : memref<!tpu.dma_semaphore, #tpu.memory_space<semaphore_mem>>) src(%dma_wait3A_167 : memref<10000x128xf32, #tpu.memory_space<hbm>>) dst(%arg18 : memref<64x128xf32, #tpu.memory_space<vmem>>)
      %dma_wait3A_168 = arith.constant 0 : i32
      %dma_wait3A_169 = arith.constant 0 : i32
      %dma_wait3A_170 = tpu.memref_slice %arg7[%dma_wait3A_168, %dma_wait3A_169] : memref<10000x128xf32, #tpu.memory_space<vmem_shared>> -> memref<10000x128xf32, #tpu.memory_space<vmem_shared>>
      tpu.wait_indirect_dma semaphore(%arg33 : memref<!tpu.dma_semaphore, #tpu.memory_space<semaphore_mem>>) src(%arg21 : memref<64x128xf32, #tpu.memory_space<vmem>>) dst(%dma_wait3A_170 : memref<10000x128xf32, #tpu.memory_space<vmem_shared>>)
      %get3A_171 = arith.constant 0 : i32
      %get3A_172 = arith.index_cast %get3A_171 : i32 to index
      %get3A_173 = arith.constant 64 : index
      %get3A_174 = tpu.vector_load %arg8[%get3A_172, %get3A_173] {strides = array<i32>} : memref<2x128xi32, #tpu.memory_space<vmem>>, vector<16xi32>,
      %swap3A_175 = arith.constant 0 : index
      %swap3A_176 = tpu.vector_load %arg15[%swap3A_175] {strides = array<i32>} : memref<64xi32, #tpu.memory_space<vmem>>, vector<16xi32>,
      tpu.vector_store %arg15[%swap3A_175], %get3A_174 {strides = array<i32>} : memref<64xi32, #tpu.memory_space<vmem>>, vector<16xi32>,
      %get3A_177 = arith.constant 0 : i32
      %get3A_178 = arith.index_cast %get3A_177 : i32 to index
      %get3A_179 = arith.constant 80 : index
      %get3A_180 = tpu.vector_load %arg8[%get3A_178, %get3A_179] {strides = array<i32>} : memref<2x128xi32, #tpu.memory_space<vmem>>, vector<16xi32>,
      %swap3A_181 = arith.constant 16 : index
      %swap3A_182 = tpu.vector_load %arg15[%swap3A_181] {strides = array<i32>} : memref<64xi32, #tpu.memory_space<vmem>>, vector<16xi32>,
      tpu.vector_store %arg15[%swap3A_181], %get3A_180 {strides = array<i32>} : memref<64xi32, #tpu.memory_space<vmem>>, vector<16xi32>,
      %get3A_183 = arith.constant 0 : i32
      %get3A_184 = arith.index_cast %get3A_183 : i32 to index
      %get3A_185 = arith.constant 96 : index
      %get3A_186 = tpu.vector_load %arg8[%get3A_184, %get3A_185] {strides = array<i32>} : memref<2x128xi32, #tpu.memory_space<vmem>>, vector<16xi32>,
      %swap3A_187 = arith.constant 32 : index
      %swap3A_188 = tpu.vector_load %arg15[%swap3A_187] {strides = array<i32>} : memref<64xi32, #tpu.memory_space<vmem>>, vector<16xi32>,
      tpu.vector_store %arg15[%swap3A_187], %get3A_186 {strides = array<i32>} : memref<64xi32, #tpu.memory_space<vmem>>, vector<16xi32>,
      %get3A_189 = arith.constant 0 : i32
      %get3A_190 = arith.index_cast %get3A_189 : i32 to index
      %get3A_191 = arith.constant 112 : index
      %get3A_192 = tpu.vector_load %arg8[%get3A_190, %get3A_191] {strides = array<i32>} : memref<2x128xi32, #tpu.memory_space<vmem>>, vector<16xi32>,
      %swap3A_193 = arith.constant 48 : index
      %swap3A_194 = tpu.vector_load %arg15[%swap3A_193] {strides = array<i32>} : memref<64xi32, #tpu.memory_space<vmem>>, vector<16xi32>,
      tpu.vector_store %arg15[%swap3A_193], %get3A_192 {strides = array<i32>} : memref<64xi32, #tpu.memory_space<vmem>>, vector<16xi32>,
      %parallel_loop3A_195 = arith.constant 0 : i32
      %parallel_loop3A_196 = arith.constant 64 : i32
      %parallel_loop3A_197 = arith.constant 1 : i32
      scf.for %parallel_loop3A_231 = %parallel_loop3A_195 to %parallel_loop3A_196 step %parallel_loop3A_197  : i32 {
        %parallel_loop3A_232 = arith.constant 64 : i32
        %parallel_loop3A_233 = arith.addi %parallel_loop3A_232, %parallel_loop3A_231 : i32
        %parallel_loop3A_234 = vector.broadcast %parallel_loop3A_233 : i32 to vector<16xi32>
        %parallel_loop3A_235 = tpu.vector_load_idx %arg11[%parallel_loop3A_234] : memref<128xf32, #tpu.memory_space<vmem>>[vector<16xi32>], vector<16xf32>,
        %parallel_loop3A_236 = arith.index_cast %parallel_loop3A_231 : i32 to index
        %parallel_loop3A_237 = arith.constant 0 : index
        %parallel_loop3A_238 = tpu.vector_load %arg18[%parallel_loop3A_236, %parallel_loop3A_237] {strides = array<i32>} : memref<64x128xf32, #tpu.memory_space<vmem>>, vector<16xf32>,
        %parallel_loop3A_239 = arith.mulf %parallel_loop3A_238, %parallel_loop3A_235 : vector<16xf32>
        %parallel_loop3A_240 = arith.index_cast %parallel_loop3A_231 : i32 to index
        %parallel_loop3A_241 = arith.constant 0 : index
        %parallel_loop3A_242 = tpu.vector_load %arg21[%parallel_loop3A_240, %parallel_loop3A_241] {strides = array<i32>} : memref<64x128xf32, #tpu.memory_space<vmem>>, vector<16xf32>,
        tpu.vector_store %arg21[%parallel_loop3A_240, %parallel_loop3A_241], %parallel_loop3A_239 {strides = array<i32>} : memref<64x128xf32, #tpu.memory_space<vmem>>, vector<16xf32>,
        %parallel_loop3A_243 = arith.index_cast %parallel_loop3A_231 : i32 to index
        %parallel_loop3A_244 = arith.constant 16 : index
        %parallel_loop3A_245 = tpu.vector_load %arg18[%parallel_loop3A_243, %parallel_loop3A_244] {strides = array<i32>} : memref<64x128xf32, #tpu.memory_space<vmem>>, vector<16xf32>,
        %parallel_loop3A_246 = arith.mulf %parallel_loop3A_245, %parallel_loop3A_235 : vector<16xf32>
        %parallel_loop3A_247 = arith.index_cast %parallel_loop3A_231 : i32 to index
        %parallel_loop3A_248 = arith.constant 16 : index
        %parallel_loop3A_249 = tpu.vector_load %arg21[%parallel_loop3A_247, %parallel_loop3A_248] {strides = array<i32>} : memref<64x128xf32, #tpu.memory_space<vmem>>, vector<16xf32>,
        tpu.vector_store %arg21[%parallel_loop3A_247, %parallel_loop3A_248], %parallel_loop3A_246 {strides = array<i32>} : memref<64x128xf32, #tpu.memory_space<vmem>>, vector<16xf32>,
        %parallel_loop3A_250 = arith.index_cast %parallel_loop3A_231 : i32 to index
        %parallel_loop3A_251 = arith.constant 32 : index
        %parallel_loop3A_252 = tpu.vector_load %arg18[%parallel_loop3A_250, %parallel_loop3A_251] {strides = array<i32>} : memref<64x128xf32, #tpu.memory_space<vmem>>, vector<16xf32>,
        %parallel_loop3A_253 = arith.mulf %parallel_loop3A_252, %parallel_loop3A_235 : vector<16xf32>
        %parallel_loop3A_254 = arith.index_cast %parallel_loop3A_231 : i32 to index
        %parallel_loop3A_255 = arith.constant 32 : index
        %parallel_loop3A_256 = tpu.vector_load %arg21[%parallel_loop3A_254, %parallel_loop3A_255] {strides = array<i32>} : memref<64x128xf32, #tpu.memory_space<vmem>>, vector<16xf32>,
        tpu.vector_store %arg21[%parallel_loop3A_254, %parallel_loop3A_255], %parallel_loop3A_253 {strides = array<i32>} : memref<64x128xf32, #tpu.memory_space<vmem>>, vector<16xf32>,
        %parallel_loop3A_257 = arith.index_cast %parallel_loop3A_231 : i32 to index
        %parallel_loop3A_258 = arith.constant 48 : index
        %parallel_loop3A_259 = tpu.vector_load %arg18[%parallel_loop3A_257, %parallel_loop3A_258] {strides = array<i32>} : memref<64x128xf32, #tpu.memory_space<vmem>>, vector<16xf32>,
        %parallel_loop3A_260 = arith.mulf %parallel_loop3A_259, %parallel_loop3A_235 : vector<16xf32>
        %parallel_loop3A_261 = arith.index_cast %parallel_loop3A_231 : i32 to index
        %parallel_loop3A_262 = arith.constant 48 : index
        %parallel_loop3A_263 = tpu.vector_load %arg21[%parallel_loop3A_261, %parallel_loop3A_262] {strides = array<i32>} : memref<64x128xf32, #tpu.memory_space<vmem>>, vector<16xf32>,
        tpu.vector_store %arg21[%parallel_loop3A_261, %parallel_loop3A_262], %parallel_loop3A_260 {strides = array<i32>} : memref<64x128xf32, #tpu.memory_space<vmem>>, vector<16xf32>,
        %parallel_loop3A_264 = arith.index_cast %parallel_loop3A_231 : i32 to index
        %parallel_loop3A_265 = arith.constant 64 : index
        %parallel_loop3A_266 = tpu.vector_load %arg18[%parallel_loop3A_264, %parallel_loop3A_265] {strides = array<i32>} : memref<64x128xf32, #tpu.memory_space<vmem>>, vector<16xf32>,
        %parallel_loop3A_267 = arith.mulf %parallel_loop3A_266, %parallel_loop3A_235 : vector<16xf32>
        %parallel_loop3A_268 = arith.index_cast %parallel_loop3A_231 : i32 to index
        %parallel_loop3A_269 = arith.constant 64 : index
        %parallel_loop3A_270 = tpu.vector_load %arg21[%parallel_loop3A_268, %parallel_loop3A_269] {strides = array<i32>} : memref<64x128xf32, #tpu.memory_space<vmem>>, vector<16xf32>,
        tpu.vector_store %arg21[%parallel_loop3A_268, %parallel_loop3A_269], %parallel_loop3A_267 {strides = array<i32>} : memref<64x128xf32, #tpu.memory_space<vmem>>, vector<16xf32>,
        %parallel_loop3A_271 = arith.index_cast %parallel_loop3A_231 : i32 to index
        %parallel_loop3A_272 = arith.constant 80 : index
        %parallel_loop3A_273 = tpu.vector_load %arg18[%parallel_loop3A_271, %parallel_loop3A_272] {strides = array<i32>} : memref<64x128xf32, #tpu.memory_space<vmem>>, vector<16xf32>,
        %parallel_loop3A_274 = arith.mulf %parallel_loop3A_273, %parallel_loop3A_235 : vector<16xf32>
        %parallel_loop3A_275 = arith.index_cast %parallel_loop3A_231 : i32 to index
        %parallel_loop3A_276 = arith.constant 80 : index
        %parallel_loop3A_277 = tpu.vector_load %arg21[%parallel_loop3A_275, %parallel_loop3A_276] {strides = array<i32>} : memref<64x128xf32, #tpu.memory_space<vmem>>, vector<16xf32>,
        tpu.vector_store %arg21[%parallel_loop3A_275, %parallel_loop3A_276], %parallel_loop3A_274 {strides = array<i32>} : memref<64x128xf32, #tpu.memory_space<vmem>>, vector<16xf32>,
        %parallel_loop3A_278 = arith.index_cast %parallel_loop3A_231 : i32 to index
        %parallel_loop3A_279 = arith.constant 96 : index
        %parallel_loop3A_280 = tpu.vector_load %arg18[%parallel_loop3A_278, %parallel_loop3A_279] {strides = array<i32>} : memref<64x128xf32, #tpu.memory_space<vmem>>, vector<16xf32>,
        %parallel_loop3A_281 = arith.mulf %parallel_loop3A_280, %parallel_loop3A_235 : vector<16xf32>
        %parallel_loop3A_282 = arith.index_cast %parallel_loop3A_231 : i32 to index
        %parallel_loop3A_283 = arith.constant 96 : index
        %parallel_loop3A_284 = tpu.vector_load %arg21[%parallel_loop3A_282, %parallel_loop3A_283] {strides = array<i32>} : memref<64x128xf32, #tpu.memory_space<vmem>>, vector<16xf32>,
        tpu.vector_store %arg21[%parallel_loop3A_282, %parallel_loop3A_283], %parallel_loop3A_281 {strides = array<i32>} : memref<64x128xf32, #tpu.memory_space<vmem>>, vector<16xf32>,
        %parallel_loop3A_285 = arith.index_cast %parallel_loop3A_231 : i32 to index
        %parallel_loop3A_286 = arith.constant 112 : index
        %parallel_loop3A_287 = tpu.vector_load %arg18[%parallel_loop3A_285, %parallel_loop3A_286] {strides = array<i32>} : memref<64x128xf32, #tpu.memory_space<vmem>>, vector<16xf32>,
        %parallel_loop3A_288 = arith.mulf %parallel_loop3A_287, %parallel_loop3A_235 : vector<16xf32>
        %parallel_loop3A_289 = arith.index_cast %parallel_loop3A_231 : i32 to index
        %parallel_loop3A_290 = arith.constant 112 : index
        %parallel_loop3A_291 = tpu.vector_load %arg21[%parallel_loop3A_289, %parallel_loop3A_290] {strides = array<i32>} : memref<64x128xf32, #tpu.memory_space<vmem>>, vector<16xf32>,
        tpu.vector_store %arg21[%parallel_loop3A_289, %parallel_loop3A_290], %parallel_loop3A_288 {strides = array<i32>} : memref<64x128xf32, #tpu.memory_space<vmem>>, vector<16xf32>,
      } {sc.loop_unroll_factor = 8 : i64, sc.parallel_access}
      %dma_start3A_198 = arith.constant 0 : i32
      %dma_start3A_199 = arith.constant 0 : i32
      %dma_start3A_200 = tpu.memref_slice %arg7[%dma_start3A_198, %dma_start3A_199] : memref<10000x128xf32, #tpu.memory_space<vmem_shared>> -> memref<10000x128xf32, #tpu.memory_space<vmem_shared>>
      tpu.enqueue_indirect_dma source(%arg21 : memref<64x128xf32, #tpu.memory_space<vmem>>) target(%dma_start3A_200 : memref<10000x128xf32, #tpu.memory_space<vmem_shared>>) offsets(%arg15 : memref<64xi32, #tpu.memory_space<vmem>>) semaphore(%arg33 : memref<!tpu.dma_semaphore, #tpu.memory_space<semaphore_mem>>) {add = true}
      %dma_wait3A_201 = arith.constant 1 : i32
      %dma_wait3A_202 = arith.constant 0 : i32
      %dma_wait3A_203 = tpu.memref_slice %arg8[%dma_wait3A_201, %dma_wait3A_202] : memref<2x128xi32, #tpu.memory_space<vmem>> -> memref<1x64xi32, #tpu.memory_space<vmem>>
      %dma_wait3A_204 = tpu.memref_squeeze %dma_wait3A_203 : memref<1x64xi32, #tpu.memory_space<vmem>> -> memref<64xi32, #tpu.memory_space<vmem>>
      %dma_wait3A_205 = arith.constant 0 : i32
      %dma_wait3A_206 = arith.constant 0 : i32
      %dma_wait3A_207 = tpu.memref_slice %arg2[%dma_wait3A_205, %dma_wait3A_206] : memref<10000x128xf32, #tpu.memory_space<hbm>> -> memref<10000x128xf32, #tpu.memory_space<hbm>>
      tpu.wait_indirect_dma semaphore(%arg31 : memref<!tpu.dma_semaphore, #tpu.memory_space<semaphore_mem>>) src(%dma_wait3A_207 : memref<10000x128xf32, #tpu.memory_space<hbm>>) dst(%arg19 : memref<64x128xf32, #tpu.memory_space<vmem>>)
      %dma_wait3A_208 = arith.constant 0 : i32
      %dma_wait3A_209 = arith.constant 0 : i32
      %dma_wait3A_210 = tpu.memref_slice %arg7[%dma_wait3A_208, %dma_wait3A_209] : memref<10000x128xf32, #tpu.memory_space<vmem_shared>> -> memref<10000x128xf32, #tpu.memory_space<vmem_shared>>
      tpu.wait_indirect_dma semaphore(%arg34 : memref<!tpu.dma_semaphore, #tpu.memory_space<semaphore_mem>>) src(%arg22 : memref<64x128xf32, #tpu.memory_space<vmem>>) dst(%dma_wait3A_210 : memref<10000x128xf32, #tpu.memory_space<vmem_shared>>)
      %dma_wait3A_211 = arith.constant 0 : i32
      %dma_wait3A_212 = arith.constant 0 : i32
      %dma_wait3A_213 = tpu.memref_slice %arg7[%dma_wait3A_211, %dma_wait3A_212] : memref<10000x128xf32, #tpu.memory_space<vmem_shared>> -> memref<10000x128xf32, #tpu.memory_space<vmem_shared>>
      tpu.wait_indirect_dma semaphore(%arg32 : memref<!tpu.dma_semaphore, #tpu.memory_space<semaphore_mem>>) src(%arg20 : memref<64x128xf32, #tpu.memory_space<vmem>>) dst(%dma_wait3A_213 : memref<10000x128xf32, #tpu.memory_space<vmem_shared>>)
      %dma_wait3A_214 = arith.constant 0 : i32
      %dma_wait3A_215 = arith.constant 0 : i32
      %dma_wait3A_216 = tpu.memref_slice %arg7[%dma_wait3A_214, %dma_wait3A_215] : memref<10000x128xf32, #tpu.memory_space<vmem_shared>> -> memref<10000x128xf32, #tpu.memory_space<vmem_shared>>
      tpu.wait_indirect_dma semaphore(%arg33 : memref<!tpu.dma_semaphore, #tpu.memory_space<semaphore_mem>>) src(%arg21 : memref<64x128xf32, #tpu.memory_space<vmem>>) dst(%dma_wait3A_216 : memref<10000x128xf32, #tpu.memory_space<vmem_shared>>)
      %dma_wait3A_217 = arith.constant 0 : i32
      %dma_wait3A_218 = arith.constant 0 : i32
      %dma_wait3A_219 = tpu.memref_slice %arg3[%dma_wait3A_217, %dma_wait3A_218] : memref<2x320000xi32, #tpu.memory_space<hbm>> -> memref<2x128xi32, #tpu.memory_space<hbm>>
      %dma_wait3A_220 = arith.constant 0 : i32
      %dma_wait3A_221 = arith.constant 0 : i32
      %dma_wait3A_222 = tpu.memref_slice %arg3[%dma_wait3A_220, %dma_wait3A_221] : memref<2x320000xi32, #tpu.memory_space<hbm>> -> memref<2x128xi32, #tpu.memory_space<hbm>>
      tpu.wait_dma2 semaphore(%arg25 : memref<!tpu.dma_semaphore, #tpu.memory_space<semaphore_mem>>) src(%dma_wait3A_222 : memref<2x128xi32, #tpu.memory_space<hbm>>) dst(%arg10 : memref<2x128xi32, #tpu.memory_space<vmem>>)
      %dma_wait3A_223 = arith.constant 0 : i32
      %dma_wait3A_224 = tpu.memref_slice %arg4[%dma_wait3A_223] : memref<320000xf32, #tpu.memory_space<hbm>> -> memref<128xf32, #tpu.memory_space<hbm>>
      %dma_wait3A_225 = arith.constant 0 : i32
      %dma_wait3A_226 = tpu.memref_slice %arg4[%dma_wait3A_225] : memref<320000xf32, #tpu.memory_space<hbm>> -> memref<128xf32, #tpu.memory_space<hbm>>
      tpu.wait_dma2 semaphore(%arg27 : memref<!tpu.dma_semaphore, #tpu.memory_space<semaphore_mem>>) src(%dma_wait3A_226 : memref<128xf32, #tpu.memory_space<hbm>>) dst(%arg12 : memref<128xf32, #tpu.memory_space<vmem>>)
      %dma_wait3A_227 = arith.constant 0 : i32
      %dma_wait3A_228 = tpu.memref_slice %arg4[%dma_wait3A_227] : memref<320000xf32, #tpu.memory_space<hbm>> -> memref<128xf32, #tpu.memory_space<hbm>>
      %dma_wait3A_229 = arith.constant 0 : i32
      %dma_wait3A_230 = tpu.memref_slice %arg4[%dma_wait3A_229] : memref<320000xf32, #tpu.memory_space<hbm>> -> memref<128xf32, #tpu.memory_space<hbm>>
      tpu.wait_dma2 semaphore(%arg28 : memref<!tpu.dma_semaphore, #tpu.memory_space<semaphore_mem>>) src(%dma_wait3A_230 : memref<128xf32, #tpu.memory_space<hbm>>) dst(%arg13 : memref<128xf32, #tpu.memory_space<vmem>>)
    } else {
    }
    %ge3A = arith.constant 4 : i32
    %ge3A_104 = arith.cmpi sge, %add3A, %ge3A : i32
    %convert_element_type3A_105 = arith.extui %ge3A_104 : i1 to i32
    %cond3A_106 = arith.constant 0 : i32
    %cond3A_107 = arith.cmpi ne, %convert_element_type3A_105, %cond3A_106 : i32
    scf.if %cond3A_107 {
      %dma_wait3A_119 = arith.constant 1 : i32
      %dma_wait3A_120 = arith.constant 0 : i32
      %dma_wait3A_121 = tpu.memref_slice %arg8[%dma_wait3A_119, %dma_wait3A_120] : memref<2x128xi32, #tpu.memory_space<vmem>> -> memref<1x64xi32, #tpu.memory_space<vmem>>
      %dma_wait3A_122 = tpu.memref_squeeze %dma_wait3A_121 : memref<1x64xi32, #tpu.memory_space<vmem>> -> memref<64xi32, #tpu.memory_space<vmem>>
      %dma_wait3A_123 = arith.constant 0 : i32
      %dma_wait3A_124 = arith.constant 0 : i32
      %dma_wait3A_125 = tpu.memref_slice %arg2[%dma_wait3A_123, %dma_wait3A_124] : memref<10000x128xf32, #tpu.memory_space<hbm>> -> memref<10000x128xf32, #tpu.memory_space<hbm>>
      tpu.wait_indirect_dma semaphore(%arg29 : memref<!tpu.dma_semaphore, #tpu.memory_space<semaphore_mem>>) src(%dma_wait3A_125 : memref<10000x128xf32, #tpu.memory_space<hbm>>) dst(%arg17 : memref<64x128xf32, #tpu.memory_space<vmem>>)
      %dma_wait3A_126 = arith.constant 0 : i32
      %dma_wait3A_127 = arith.constant 0 : i32
      %dma_wait3A_128 = tpu.memref_slice %arg7[%dma_wait3A_126, %dma_wait3A_127] : memref<10000x128xf32, #tpu.memory_space<vmem_shared>> -> memref<10000x128xf32, #tpu.memory_space<vmem_shared>>
      tpu.wait_indirect_dma semaphore(%arg32 : memref<!tpu.dma_semaphore, #tpu.memory_space<semaphore_mem>>) src(%arg20 : memref<64x128xf32, #tpu.memory_space<vmem>>) dst(%dma_wait3A_128 : memref<10000x128xf32, #tpu.memory_space<vmem_shared>>)
      %dma_wait3A_129 = arith.constant 1 : i32
      %dma_wait3A_130 = arith.constant 0 : i32
      %dma_wait3A_131 = tpu.memref_slice %arg8[%dma_wait3A_129, %dma_wait3A_130] : memref<2x128xi32, #tpu.memory_space<vmem>> -> memref<1x64xi32, #tpu.memory_space<vmem>>
      %dma_wait3A_132 = tpu.memref_squeeze %dma_wait3A_131 : memref<1x64xi32, #tpu.memory_space<vmem>> -> memref<64xi32, #tpu.memory_space<vmem>>
      %dma_wait3A_133 = arith.constant 0 : i32
      %dma_wait3A_134 = arith.constant 0 : i32
      %dma_wait3A_135 = tpu.memref_slice %arg2[%dma_wait3A_133, %dma_wait3A_134] : memref<10000x128xf32, #tpu.memory_space<hbm>> -> memref<10000x128xf32, #tpu.memory_space<hbm>>
      tpu.wait_indirect_dma semaphore(%arg30 : memref<!tpu.dma_semaphore, #tpu.memory_space<semaphore_mem>>) src(%dma_wait3A_135 : memref<10000x128xf32, #tpu.memory_space<hbm>>) dst(%arg18 : memref<64x128xf32, #tpu.memory_space<vmem>>)
      %dma_wait3A_136 = arith.constant 0 : i32
      %dma_wait3A_137 = arith.constant 0 : i32
      %dma_wait3A_138 = tpu.memref_slice %arg7[%dma_wait3A_136, %dma_wait3A_137] : memref<10000x128xf32, #tpu.memory_space<vmem_shared>> -> memref<10000x128xf32, #tpu.memory_space<vmem_shared>>
      tpu.wait_indirect_dma semaphore(%arg33 : memref<!tpu.dma_semaphore, #tpu.memory_space<semaphore_mem>>) src(%arg21 : memref<64x128xf32, #tpu.memory_space<vmem>>) dst(%dma_wait3A_138 : memref<10000x128xf32, #tpu.memory_space<vmem_shared>>)
      %dma_wait3A_139 = arith.constant 1 : i32
      %dma_wait3A_140 = arith.constant 0 : i32
      %dma_wait3A_141 = tpu.memref_slice %arg8[%dma_wait3A_139, %dma_wait3A_140] : memref<2x128xi32, #tpu.memory_space<vmem>> -> memref<1x64xi32, #tpu.memory_space<vmem>>
      %dma_wait3A_142 = tpu.memref_squeeze %dma_wait3A_141 : memref<1x64xi32, #tpu.memory_space<vmem>> -> memref<64xi32, #tpu.memory_space<vmem>>
      %dma_wait3A_143 = arith.constant 0 : i32
      %dma_wait3A_144 = arith.constant 0 : i32
      %dma_wait3A_145 = tpu.memref_slice %arg2[%dma_wait3A_143, %dma_wait3A_144] : memref<10000x128xf32, #tpu.memory_space<hbm>> -> memref<10000x128xf32, #tpu.memory_space<hbm>>
      tpu.wait_indirect_dma semaphore(%arg31 : memref<!tpu.dma_semaphore, #tpu.memory_space<semaphore_mem>>) src(%dma_wait3A_145 : memref<10000x128xf32, #tpu.memory_space<hbm>>) dst(%arg19 : memref<64x128xf32, #tpu.memory_space<vmem>>)
      %dma_wait3A_146 = arith.constant 0 : i32
      %dma_wait3A_147 = arith.constant 0 : i32
      %dma_wait3A_148 = tpu.memref_slice %arg7[%dma_wait3A_146, %dma_wait3A_147] : memref<10000x128xf32, #tpu.memory_space<vmem_shared>> -> memref<10000x128xf32, #tpu.memory_space<vmem_shared>>
      tpu.wait_indirect_dma semaphore(%arg34 : memref<!tpu.dma_semaphore, #tpu.memory_space<semaphore_mem>>) src(%arg22 : memref<64x128xf32, #tpu.memory_space<vmem>>) dst(%dma_wait3A_148 : memref<10000x128xf32, #tpu.memory_space<vmem_shared>>)
      %dma_wait3A_149 = arith.constant 0 : i32
      %dma_wait3A_150 = arith.constant 0 : i32
      %dma_wait3A_151 = tpu.memref_slice %arg3[%dma_wait3A_149, %dma_wait3A_150] : memref<2x320000xi32, #tpu.memory_space<hbm>> -> memref<2x128xi32, #tpu.memory_space<hbm>>
      %dma_wait3A_152 = arith.constant 0 : i32
      %dma_wait3A_153 = arith.constant 0 : i32
      %dma_wait3A_154 = tpu.memref_slice %arg3[%dma_wait3A_152, %dma_wait3A_153] : memref<2x320000xi32, #tpu.memory_space<hbm>> -> memref<2x128xi32, #tpu.memory_space<hbm>>
      tpu.wait_dma2 semaphore(%arg25 : memref<!tpu.dma_semaphore, #tpu.memory_space<semaphore_mem>>) src(%dma_wait3A_154 : memref<2x128xi32, #tpu.memory_space<hbm>>) dst(%arg10 : memref<2x128xi32, #tpu.memory_space<vmem>>)
      %dma_wait3A_155 = arith.constant 0 : i32
      %dma_wait3A_156 = tpu.memref_slice %arg4[%dma_wait3A_155] : memref<320000xf32, #tpu.memory_space<hbm>> -> memref<128xf32, #tpu.memory_space<hbm>>
      %dma_wait3A_157 = arith.constant 0 : i32
      %dma_wait3A_158 = tpu.memref_slice %arg4[%dma_wait3A_157] : memref<320000xf32, #tpu.memory_space<hbm>> -> memref<128xf32, #tpu.memory_space<hbm>>
      tpu.wait_dma2 semaphore(%arg26 : memref<!tpu.dma_semaphore, #tpu.memory_space<semaphore_mem>>) src(%dma_wait3A_158 : memref<128xf32, #tpu.memory_space<hbm>>) dst(%arg11 : memref<128xf32, #tpu.memory_space<vmem>>)
      %dma_wait3A_159 = arith.constant 0 : i32
      %dma_wait3A_160 = tpu.memref_slice %arg4[%dma_wait3A_159] : memref<320000xf32, #tpu.memory_space<hbm>> -> memref<128xf32, #tpu.memory_space<hbm>>
      %dma_wait3A_161 = arith.constant 0 : i32
      %dma_wait3A_162 = tpu.memref_slice %arg4[%dma_wait3A_161] : memref<320000xf32, #tpu.memory_space<hbm>> -> memref<128xf32, #tpu.memory_space<hbm>>
      tpu.wait_dma2 semaphore(%arg27 : memref<!tpu.dma_semaphore, #tpu.memory_space<semaphore_mem>>) src(%dma_wait3A_162 : memref<128xf32, #tpu.memory_space<hbm>>) dst(%arg12 : memref<128xf32, #tpu.memory_space<vmem>>)
      %dma_wait3A_163 = arith.constant 0 : i32
      %dma_wait3A_164 = tpu.memref_slice %arg4[%dma_wait3A_163] : memref<320000xf32, #tpu.memory_space<hbm>> -> memref<128xf32, #tpu.memory_space<hbm>>
      %dma_wait3A_165 = arith.constant 0 : i32
      %dma_wait3A_166 = tpu.memref_slice %arg4[%dma_wait3A_165] : memref<320000xf32, #tpu.memory_space<hbm>> -> memref<128xf32, #tpu.memory_space<hbm>>
      tpu.wait_dma2 semaphore(%arg28 : memref<!tpu.dma_semaphore, #tpu.memory_space<semaphore_mem>>) src(%dma_wait3A_166 : memref<128xf32, #tpu.memory_space<hbm>>) dst(%arg13 : memref<128xf32, #tpu.memory_space<vmem>>)
    } else {
    }
    %barrier3A_108 = arith.constant 0 : index
    tpu.barrier barrier_id(%barrier3A_108)
    %lt3A_109 = arith.constant 15 : i32
    %lt3A_110 = arith.cmpi slt, %arg1, %lt3A_109 : i32
    %convert_element_type3A_111 = arith.extui %lt3A_110 : i1 to i32
    %cond3A_112 = arith.constant 0 : i32
    %cond3A_113 = arith.cmpi ne, %convert_element_type3A_111, %cond3A_112 : i32
    scf.if %cond3A_113 {
      %mul3A_119 = arith.constant 624 : i32
      %mul3A_120 = arith.muli %arg1, %mul3A_119 : i32
      %eq3A_121 = arith.constant 0 : i32
      %eq3A_122 = arith.cmpi eq, %arg0, %eq3A_121 : i32
      %convert_element_type3A_123 = arith.extui %eq3A_122 : i1 to i32
      %cond3A_124 = arith.constant 0 : i32
      %cond3A_125 = arith.cmpi ne, %convert_element_type3A_123, %cond3A_124 : i32
      scf.if %cond3A_125 {
        "tpu.region"() ({
          %run_scoped3A = tpu.sem_alloc : memref<!tpu.dma_semaphore, #tpu.memory_space<semaphore_mem>>
          %dma_start3A_131 = arith.constant 0 : i32
          %dma_start3A_132 = tpu.memref_slice %arg5[%mul3A_120, %dma_start3A_131] : memref<10000x128xf32, #tpu.memory_space<hbm>> -> memref<624x128xf32, #tpu.memory_space<hbm>>
          %dma_start3A_133 = arith.constant 0 : i32
          %dma_start3A_134 = tpu.memref_slice %arg7[%mul3A_120, %dma_start3A_133] : memref<10000x128xf32, #tpu.memory_space<vmem_shared>> -> memref<624x128xf32, #tpu.memory_space<vmem_shared>>
          tpu.enqueue_dma source(%dma_start3A_134 : memref<624x128xf32, #tpu.memory_space<vmem_shared>>) target(%dma_start3A_132 : memref<624x128xf32, #tpu.memory_space<hbm>>) target_semaphore(%run_scoped3A : memref<!tpu.dma_semaphore, #tpu.memory_space<semaphore_mem>>)
          %dma_wait3A_135 = arith.constant 0 : i32
          %dma_wait3A_136 = tpu.memref_slice %arg5[%mul3A_120, %dma_wait3A_135] : memref<10000x128xf32, #tpu.memory_space<hbm>> -> memref<624x128xf32, #tpu.memory_space<hbm>>
          %dma_wait3A_137 = arith.constant 0 : i32
          %dma_wait3A_138 = tpu.memref_slice %arg7[%mul3A_120, %dma_wait3A_137] : memref<10000x128xf32, #tpu.memory_space<vmem_shared>> -> memref<624x128xf32, #tpu.memory_space<vmem_shared>>
          tpu.wait_dma2 semaphore(%run_scoped3A : memref<!tpu.dma_semaphore, #tpu.memory_space<semaphore_mem>>) src(%dma_wait3A_138 : memref<624x128xf32, #tpu.memory_space<vmem_shared>>) dst(%dma_wait3A_136 : memref<624x128xf32, #tpu.memory_space<hbm>>)
          tpu.yield
        }) : () -> ()
      } else {
      }
      %eq3A_126 = arith.constant 1 : i32
      %eq3A_127 = arith.cmpi eq, %arg0, %eq3A_126 : i32
      %convert_element_type3A_128 = arith.extui %eq3A_127 : i1 to i32
      %cond3A_129 = arith.constant 0 : i32
      %cond3A_130 = arith.cmpi ne, %convert_element_type3A_128, %cond3A_129 : i32
      scf.if %cond3A_130 {
        "tpu.region"() ({
          %run_scoped3A = tpu.sem_alloc : memref<!tpu.dma_semaphore, #tpu.memory_space<semaphore_mem>>
          %dma_start3A_131 = arith.constant 0 : i32
          %dma_start3A_132 = tpu.memref_slice %arg6[%mul3A_120, %dma_start3A_131] : memref<10000x128xf32, #tpu.memory_space<hbm>> -> memref<624x128xf32, #tpu.memory_space<hbm>>
          %dma_start3A_133 = arith.constant 0 : i32
          %dma_start3A_134 = tpu.memref_slice %arg7[%mul3A_120, %dma_start3A_133] : memref<10000x128xf32, #tpu.memory_space<vmem_shared>> -> memref<624x128xf32, #tpu.memory_space<vmem_shared>>
          tpu.enqueue_dma source(%dma_start3A_134 : memref<624x128xf32, #tpu.memory_space<vmem_shared>>) target(%dma_start3A_132 : memref<624x128xf32, #tpu.memory_space<hbm>>) target_semaphore(%run_scoped3A : memref<!tpu.dma_semaphore, #tpu.memory_space<semaphore_mem>>)
          %dma_wait3A_135 = arith.constant 0 : i32
          %dma_wait3A_136 = tpu.memref_slice %arg6[%mul3A_120, %dma_wait3A_135] : memref<10000x128xf32, #tpu.memory_space<hbm>> -> memref<624x128xf32, #tpu.memory_space<hbm>>
          %dma_wait3A_137 = arith.constant 0 : i32
          %dma_wait3A_138 = tpu.memref_slice %arg7[%mul3A_120, %dma_wait3A_137] : memref<10000x128xf32, #tpu.memory_space<vmem_shared>> -> memref<624x128xf32, #tpu.memory_space<vmem_shared>>
          tpu.wait_dma2 semaphore(%run_scoped3A : memref<!tpu.dma_semaphore, #tpu.memory_space<semaphore_mem>>) src(%dma_wait3A_138 : memref<624x128xf32, #tpu.memory_space<vmem_shared>>) dst(%dma_wait3A_136 : memref<624x128xf32, #tpu.memory_space<hbm>>)
          tpu.yield
        }) : () -> ()
      } else {
      }
    } else {
    }
    %eq3A_114 = arith.constant 15 : i32
    %eq3A_115 = arith.cmpi eq, %arg1, %eq3A_114 : i32
    %convert_element_type3A_116 = arith.extui %eq3A_115 : i1 to i32
    %cond3A_117 = arith.constant 0 : i32
    %cond3A_118 = arith.cmpi ne, %convert_element_type3A_116, %cond3A_117 : i32
    scf.if %cond3A_118 {
      %eq3A_119 = arith.constant 0 : i32
      %eq3A_120 = arith.cmpi eq, %arg0, %eq3A_119 : i32
      %convert_element_type3A_121 = arith.extui %eq3A_120 : i1 to i32
      %cond3A_122 = arith.constant 0 : i32
      %cond3A_123 = arith.cmpi ne, %convert_element_type3A_121, %cond3A_122 : i32
      scf.if %cond3A_123 {
        "tpu.region"() ({
          %run_scoped3A = tpu.sem_alloc : memref<!tpu.dma_semaphore, #tpu.memory_space<semaphore_mem>>
          %dma_start3A_129 = arith.constant 9360 : i32
          %dma_start3A_130 = arith.constant 0 : i32
          %dma_start3A_131 = tpu.memref_slice %arg5[%dma_start3A_129, %dma_start3A_130] : memref<10000x128xf32, #tpu.memory_space<hbm>> -> memref<640x128xf32, #tpu.memory_space<hbm>>
          %dma_start3A_132 = arith.constant 9360 : i32
          %dma_start3A_133 = arith.constant 0 : i32
          %dma_start3A_134 = tpu.memref_slice %arg7[%dma_start3A_132, %dma_start3A_133] : memref<10000x128xf32, #tpu.memory_space<vmem_shared>> -> memref<640x128xf32, #tpu.memory_space<vmem_shared>>
          tpu.enqueue_dma source(%dma_start3A_134 : memref<640x128xf32, #tpu.memory_space<vmem_shared>>) target(%dma_start3A_131 : memref<640x128xf32, #tpu.memory_space<hbm>>) target_semaphore(%run_scoped3A : memref<!tpu.dma_semaphore, #tpu.memory_space<semaphore_mem>>)
          %dma_wait3A_135 = arith.constant 9360 : i32
          %dma_wait3A_136 = arith.constant 0 : i32
          %dma_wait3A_137 = tpu.memref_slice %arg5[%dma_wait3A_135, %dma_wait3A_136] : memref<10000x128xf32, #tpu.memory_space<hbm>> -> memref<640x128xf32, #tpu.memory_space<hbm>>
          %dma_wait3A_138 = arith.constant 9360 : i32
          %dma_wait3A_139 = arith.constant 0 : i32
          %dma_wait3A_140 = tpu.memref_slice %arg7[%dma_wait3A_138, %dma_wait3A_139] : memref<10000x128xf32, #tpu.memory_space<vmem_shared>> -> memref<640x128xf32, #tpu.memory_space<vmem_shared>>
          tpu.wait_dma2 semaphore(%run_scoped3A : memref<!tpu.dma_semaphore, #tpu.memory_space<semaphore_mem>>) src(%dma_wait3A_140 : memref<640x128xf32, #tpu.memory_space<vmem_shared>>) dst(%dma_wait3A_137 : memref<640x128xf32, #tpu.memory_space<hbm>>)
          tpu.yield
        }) : () -> ()
      } else {
      }
      %eq3A_124 = arith.constant 1 : i32
      %eq3A_125 = arith.cmpi eq, %arg0, %eq3A_124 : i32
      %convert_element_type3A_126 = arith.extui %eq3A_125 : i1 to i32
      %cond3A_127 = arith.constant 0 : i32
      %cond3A_128 = arith.cmpi ne, %convert_element_type3A_126, %cond3A_127 : i32
      scf.if %cond3A_128 {
        "tpu.region"() ({
          %run_scoped3A = tpu.sem_alloc : memref<!tpu.dma_semaphore, #tpu.memory_space<semaphore_mem>>
          %dma_start3A_129 = arith.constant 9360 : i32
          %dma_start3A_130 = arith.constant 0 : i32
          %dma_start3A_131 = tpu.memref_slice %arg6[%dma_start3A_129, %dma_start3A_130] : memref<10000x128xf32, #tpu.memory_space<hbm>> -> memref<640x128xf32, #tpu.memory_space<hbm>>
          %dma_start3A_132 = arith.constant 9360 : i32
          %dma_start3A_133 = arith.constant 0 : i32
          %dma_start3A_134 = tpu.memref_slice %arg7[%dma_start3A_132, %dma_start3A_133] : memref<10000x128xf32, #tpu.memory_space<vmem_shared>> -> memref<640x128xf32, #tpu.memory_space<vmem_shared>>
          tpu.enqueue_dma source(%dma_start3A_134 : memref<640x128xf32, #tpu.memory_space<vmem_shared>>) target(%dma_start3A_131 : memref<640x128xf32, #tpu.memory_space<hbm>>) target_semaphore(%run_scoped3A : memref<!tpu.dma_semaphore, #tpu.memory_space<semaphore_mem>>)
          %dma_wait3A_135 = arith.constant 9360 : i32
          %dma_wait3A_136 = arith.constant 0 : i32
          %dma_wait3A_137 = tpu.memref_slice %arg6[%dma_wait3A_135, %dma_wait3A_136] : memref<10000x128xf32, #tpu.memory_space<hbm>> -> memref<640x128xf32, #tpu.memory_space<hbm>>
          %dma_wait3A_138 = arith.constant 9360 : i32
          %dma_wait3A_139 = arith.constant 0 : i32
          %dma_wait3A_140 = tpu.memref_slice %arg7[%dma_wait3A_138, %dma_wait3A_139] : memref<10000x128xf32, #tpu.memory_space<vmem_shared>> -> memref<640x128xf32, #tpu.memory_space<vmem_shared>>
          tpu.wait_dma2 semaphore(%run_scoped3A : memref<!tpu.dma_semaphore, #tpu.memory_space<semaphore_mem>>) src(%dma_wait3A_140 : memref<640x128xf32, #tpu.memory_space<vmem_shared>>) dst(%dma_wait3A_137 : memref<640x128xf32, #tpu.memory_space<hbm>>)
          tpu.yield
        }) : () -> ()
      } else {
      }
    } else {
    }
    return
  }
}

module attributes {stable_mosaic.version = 14 : i64} {
  func.func @_comb_body(%arg0: i32, %arg1: memref<2000x128xf32, #tpu.memory_space<vmem>>, %arg2: memref<2000x128xf32, #tpu.memory_space<vmem>>, %arg3: memref<1x128xf32, #tpu.memory_space<vmem>>, %arg4: memref<2000x128xf32, #tpu.memory_space<vmem>>) attributes {dimension_semantics = [#tpu.dimension_semantics<arbitrary>], iteration_bounds = array<i64: 5>, scalar_prefetch = 0 : i64, scratch_operands = 0 : i64, tpu.core_type = #tpu.core_type<tc>, window_params = [{transform_indices = @transform_0, window_bounds = array<i64: 2000, 128>}, {transform_indices = @transform_1, window_bounds = array<i64: 2000, 128>}, {pipeline_mode = #tpu.pipeline_mode<synchronous>, transform_indices = @transform_2, window_bounds = array<i64: 1, 128>}, {transform_indices = @transform_3, window_bounds = array<i64: 2000, 128>}]} {
    %get3A = arith.constant 0 : index
    %get3A_0 = arith.constant 0 : index
    %get3A_1 = vector.load %arg1[%get3A, %get3A_0] : memref<2000x128xf32, #tpu.memory_space<vmem>>, vector<2000x128xf32>
    %get3A_2 = arith.constant 0 : index
    %get3A_3 = arith.constant 0 : index
    %get3A_4 = vector.load %arg2[%get3A_2, %get3A_3] : memref<2000x128xf32, #tpu.memory_space<vmem>>, vector<2000x128xf32>
    %add3A = arith.addf %get3A_1, %get3A_4 : vector<2000x128xf32>
    %get3A_5 = arith.constant 0 : index
    %get3A_6 = arith.constant 0 : index
    %get3A_7 = vector.load %arg3[%get3A_5, %get3A_6] : memref<1x128xf32, #tpu.memory_space<vmem>>, vector<1x128xf32>
    %add3A_8 = vector.broadcast %get3A_7 : vector<1x128xf32> to vector<2000x128xf32>
    %add3A_9 = arith.addf %add3A, %add3A_8 : vector<2000x128xf32>
    %swap3A = arith.constant 0 : index
    %swap3A_10 = arith.constant 0 : index
    %swap3A_11 = vector.load %arg4[%swap3A, %swap3A_10] : memref<2000x128xf32, #tpu.memory_space<vmem>>, vector<2000x128xf32>
    tpu.vector_store %arg4[%swap3A, %swap3A_10], %add3A_9 {strides = array<i32>} : memref<2000x128xf32, #tpu.memory_space<vmem>>, vector<2000x128xf32>,
    return
  }
  func.func @transform_0(%arg0: i32) -> (i32, i32) {
    %c0_i32 = arith.constant 0 : i32
    %c0_i32_0 = arith.constant 0 : i32
    return %arg0, %c0_i32 : i32, i32
  }
  func.func @transform_1(%arg0: i32) -> (i32, i32) {
    %c0_i32 = arith.constant 0 : i32
    %c0_i32_0 = arith.constant 0 : i32
    return %arg0, %c0_i32 : i32, i32
  }
  func.func @transform_2(%arg0: i32) -> (i32, i32) {
    %c0_i32 = arith.constant 0 : i32
    %c0_i32_0 = arith.constant 0 : i32
    %c0_i32_1 = arith.constant 0 : i32
    return %c0_i32, %c0_i32_0 : i32, i32
  }
  func.func @transform_3(%arg0: i32) -> (i32, i32) {
    %c0_i32 = arith.constant 0 : i32
    %c0_i32_0 = arith.constant 0 : i32
    return %arg0, %c0_i32 : i32, i32
  }
}

module attributes {stable_mosaic.version = 14 : i64} {
  func.func @_mm_body(%arg0: i32, %arg1: memref<2000x128xf32, #tpu.memory_space<vmem>>, %arg2: memref<128x128xf32, #tpu.memory_space<vmem>>, %arg3: memref<2000x128xf32, #tpu.memory_space<vmem>>) attributes {dimension_semantics = [#tpu.dimension_semantics<arbitrary>], iteration_bounds = array<i64: 5>, scalar_prefetch = 0 : i64, scratch_operands = 0 : i64, tpu.core_type = #tpu.core_type<tc>, window_params = [{transform_indices = @transform_0, window_bounds = array<i64: 2000, 128>}, {pipeline_mode = #tpu.pipeline_mode<synchronous>, transform_indices = @transform_1, window_bounds = array<i64: 128, 128>}, {transform_indices = @transform_2, window_bounds = array<i64: 2000, 128>}]} {
    %get3A = arith.constant 0 : index
    %get3A_0 = arith.constant 0 : index
    %get3A_1 = vector.load %arg1[%get3A, %get3A_0] : memref<2000x128xf32, #tpu.memory_space<vmem>>, vector<2000x128xf32>
    %get3A_2 = arith.constant 0 : index
    %get3A_3 = arith.constant 0 : index
    %get3A_4 = vector.load %arg2[%get3A_2, %get3A_3] : memref<128x128xf32, #tpu.memory_space<vmem>>, vector<128x128xf32>
    %dot_general3A = arith.constant dense<0.000000e+00> : vector<2000x128xf32>
    %dot_general3A_5 = tpu.matmul %get3A_1, %get3A_4, %dot_general3A {dimension_numbers = #tpu.dot_dimension_numbers<[1], [0], [0], [1], [0, 0, 1, 1], [], []>, transpose_lhs_hint = false} : vector<2000x128xf32>, vector<128x128xf32>, vector<2000x128xf32> -> vector<2000x128xf32>
    %swap3A = arith.constant 0 : index
    %swap3A_6 = arith.constant 0 : index
    %swap3A_7 = vector.load %arg3[%swap3A, %swap3A_6] : memref<2000x128xf32, #tpu.memory_space<vmem>>, vector<2000x128xf32>
    tpu.vector_store %arg3[%swap3A, %swap3A_6], %dot_general3A_5 {strides = array<i32>} : memref<2000x128xf32, #tpu.memory_space<vmem>>, vector<2000x128xf32>,
    return
  }
  func.func @transform_0(%arg0: i32) -> (i32, i32) {
    %c0_i32 = arith.constant 0 : i32
    %c0_i32_0 = arith.constant 0 : i32
    return %arg0, %c0_i32 : i32, i32
  }
  func.func @transform_1(%arg0: i32) -> (i32, i32) {
    %c0_i32 = arith.constant 0 : i32
    %c0_i32_0 = arith.constant 0 : i32
    %c0_i32_1 = arith.constant 0 : i32
    return %c0_i32, %c0_i32_0 : i32, i32
  }
  func.func @transform_2(%arg0: i32) -> (i32, i32) {
    %c0_i32 = arith.constant 0 : i32
    %c0_i32_0 = arith.constant 0 : i32
    return %arg0, %c0_i32 : i32, i32
  }
}

</mosaic_0001>

<sc_bundles>
// kernel: kernel.5.cloned.1.call-start
scs
__scs_entry_jumppad:
0x0: {  	(pc) =	sbr.rel $0x88, $3  }
0x1: {  	(tag) =	ssettag $0x0;
	lr =	simm.s32 $0x1  }
0x2: {  	[smem:$0x3F9C] =	sst lr;
	_ =	strace $0xD0000000  }
0x3: {  	_ = 	snop  }
0x4: {  	_ = 	snop  }
0x5: {  	_ = 	snop  }
0x6: {  	_ = 	snop  }
0x7: {  	_ = 	snop  }
__scs_overlays_trampoline_lowered:
0x8: {  	[smem:$0x3FAB] =	sst s0  }
0x9: {  	[smem:$0x3FAC] =	sst s1  }
0xa: {  	[smem:$0x3FAD] =	sst s2  }
0xb: {  	[smem:$0x3FAE] =	sst s3  }
0xc: {  	[smem:$0x3FAF] =	sst s4  }
0xd: {  	[smem:$0x3FB0] =	sst s5  }
0xe: {  	[smem:$0x3FB1] =	sst s6  }
0xf: {  	[smem:$0x3FB2] =	sst s7  }
0x10: {  	[smem:$0x3FB3] =	sst s8  }
0x11: {  	[smem:$0x3FB4] =	sst s9;
	s0 =	simm.s32 @!p0 $0x0  }
0x12: {  	s1 =	sld [smem:$0x3F9A];
	s0 =	simm.s32 @p0 $0x1  }
0x13: {  	[smem:$0x3FB5] =	sst s0;
	s0 =	simm.s32 @!p1 $0x0  }
0x14: {  	s2 =	sld [smem:$0x3F99];
	s0 =	simm.s32 @p1 $0x1  }
0x15: {  	[smem:$0x3FB6] =	sst s0;
	s0 =	simm.s32 @!p2 $0x0  }
0x16: {  	s3 =	sld [smem:$0x3FDB];
	s0 =	simm.s32 @p2 $0x1  }
0x17: {  	s4 =	simm.s32 $0x1BF5;
	[smem:$0x3FB8] =	sst s0  }
0x18: {  	s0 =	sld [smem:$0x3F9B];
	_ =	swait.ge [sflag:s4], $0x0  }
0x19: {  	s7 =	sld [smem:$0x3F9C]  }
0x1a: {  	s8 =	sadd.s32 $0xFFFFE003, lr  }
0x1b: {  	s9 =	sadd.s32 $0xFFFFFEF7, lr;
	s5 =	simm.s32 $0xFFFFFFFF;
	p2 =	slt.u32 s8, $0xFFFFF086  }
0x1c: {  	p1 =	slt.u32 s9, $0xF7A;
	s5 =	simm.s32 @!p2 $0x0  }
0x1d: {  	s5 =	simm.s32 @p1 $0x1;
	p0 =	seq.s32 s7, s2  }
0x1e: {  	s7 =	smul.u32 @!p0 $0xF7A, s2;
	p2 =	seq.s32 @!p0 s5, $0x0  }
0x1f: {  	s9 =	smul.u32 $0xF7A, s1;
	s8 =	simm.s32 @!p0 $0x1BF5;
	p2 =	por !p2, p0  }
0x20: {  	[sflag:s8] =	ssyncset.s32 @!p0 $0xFFFFF086;
	s6 =	sadd.s32 @!p0 s3, s7;
	s7 =	simm.s32 @!p0 $0x108  }
0x21: {  	s3 =	sadd.s32 s3, s9;
	s6 =	sadd.s32 @!p0 $0x88, s6;
	s7 =	simm.s32 @p2 $0x1082  }
0x22: {  	[simem:s7], [sflag:s8] =	dma.local @!p0 [hbm:s6], $0xF7A  }
0x23: {  	s9 =	sor.u32 $0xD0000000, s2;
	s6 =	simm.s32 $0x108;
	_ =	swait.ge @!p0 [sflag:s8], $0x0  }
0x24: {  	s3 =	sadd.s32 $0x88, s3;
	s6 =	simm.s32 @!p1 $0x1082;
	[sflag:s4] =	ssyncset.s32 $0xFFFFF086  }
0x25: {  	[simem:s6], [sflag:s4] =	dma.local [hbm:s3], $0xF7A  }
0x26: {  	[smem:$0x3F9C] =	sst s1;
	(tag) =	ssettag s2;
	_ =	strace s9  }
0x27: {  	s1 =	sld [smem:$0x3FAC]  }
0x28: {  	s2 =	sld [smem:$0x3FAD]  }
0x29: {  	s4 =	sld [smem:$0x3FAF]  }
0x2a: {  	p0 =	seq.s32 s5, $0x0;
	s5 =	sld [smem:$0x3FB0]  }
0x2b: {  	s6 =	sld [smem:$0x3FB1]  }
0x2c: {  	s7 =	sld [smem:$0x3FB2]  }
0x2d: {  	s3 =	simm.s32 $0x108;
	s8 =	sld [smem:$0x3FB3]  }
0x2e: {  	s3 =	simm.s32 @!p0 $0x1082;
	s9 =	sld [smem:$0x3FB4]  }
0x2f: {  	lr =	sadd.s32 s0, s3;
	s0 =	sld [smem:$0x3FAB]  }
0x30: {  	s3 =	sld [smem:$0x3FAE]  }
0x31: {  	[smem:$0x3FB7] =	sst s10  }
0x32: {  	s10 =	sld [smem:$0x3FB5];
	_ =	sdelay $0x3  }
0x33: {  	p0 =	seq.s32 s10, $0x1;
	s10 =	sld [smem:$0x3FB7];
	_ =	sdelay $0x3  }
0x34: {  	[smem:$0x3FB7] =	sst s10  }
0x35: {  	s10 =	sld [smem:$0x3FB6];
	_ =	sdelay $0x3  }
0x36: {  	p1 =	seq.s32 s10, $0x1;
	s10 =	sld [smem:$0x3FB7];
	_ =	sdelay $0x3  }
0x37: {  	[smem:$0x3FB7] =	sst s10  }
0x38: {  	s10 =	sld [smem:$0x3FB8]  }
0x39: {  	_ = 	snop;
	(pc) =	sbr.ind lr, $3  }
0x3a: {  	_ = 	snop  }
0x3b: {  	_ = 	snop  }
0x3c: {  	p2 =	seq.s32 s10, $0x1;
	s10 =	sld [smem:$0x3FB7]  }
0x3d: {  	_ =	shalt  }
0x3e: {  	_ =	shalt  }
0x3f: {  	_ =	shalt  }
0x40: {  	_ =	shalt  }
0x41: {  	_ =	shalt  }
0x42: {  	_ =	shalt  }
0x43: {  	_ =	shalt  }
0x44: {  	_ =	shalt  }
0x45: {  	_ =	shalt  }
0x46: {  	_ =	shalt  }
0x47: {  	_ =	shalt  }
0x48: {  	_ =	shalt  }
0x49: {  	_ =	shalt  }
0x4a: {  	_ =	shalt  }
0x4b: {  	_ =	shalt  }
0x4c: {  	_ =	shalt  }
0x4d: {  	_ =	shalt  }
0x4e: {  	_ =	shalt  }
0x4f: {  	_ =	shalt  }
0x50: {  	_ =	shalt  }
0x51: {  	_ =	shalt  }
0x52: {  	_ =	shalt  }
0x53: {  	_ =	shalt  }
0x54: {  	_ =	shalt  }
0x55: {  	_ =	shalt  }
0x56: {  	_ =	shalt  }
0x57: {  	_ =	shalt  }
0x58: {  	_ =	shalt  }
0x59: {  	_ =	shalt  }
0x5a: {  	_ =	shalt  }
0x5b: {  	_ =	shalt  }
0x5c: {  	_ =	shalt  }
0x5d: {  	_ =	shalt  }
0x5e: {  	_ =	shalt  }
0x5f: {  	_ =	shalt  }
0x60: {  	_ =	shalt  }
0x61: {  	_ =	shalt  }
0x62: {  	_ =	shalt  }
0x63: {  	_ =	shalt  }
0x64: {  	_ =	shalt  }
0x65: {  	_ =	shalt  }
0x66: {  	_ =	shalt  }
0x67: {  	_ =	shalt  }
0x68: {  	_ =	shalt  }
0x69: {  	_ =	shalt  }
0x6a: {  	_ =	shalt  }
0x6b: {  	_ =	shalt  }
0x6c: {  	_ =	shalt  }
0x6d: {  	_ =	shalt  }
0x6e: {  	_ =	shalt  }
0x6f: {  	_ =	shalt  }
0x70: {  	_ =	shalt  }
0x71: {  	_ =	shalt  }
0x72: {  	_ =	shalt  }
0x73: {  	_ =	shalt  }
0x74: {  	_ =	shalt  }
0x75: {  	_ =	shalt  }
0x76: {  	_ =	shalt  }
0x77: {  	_ =	shalt  }
0x78: {  	_ =	shalt  }
0x79: {  	_ =	shalt  }
0x7a: {  	_ =	shalt  }
0x7b: {  	_ =	shalt  }
0x7c: {  	_ =	shalt  }
0x7d: {  	_ =	shalt  }
0x7e: {  	_ =	shalt  }
0x7f: {  	_ =	shalt  }
0x80: {  	_ =	shalt  }
0x81: {  	_ =	shalt  }
0x82: {  	_ =	shalt  }
0x83: {  	_ =	shalt  }
0x84: {  	_ =	shalt  }
0x85: {  	_ =	shalt  }
0x86: {  	_ =	shalt  }
0x87: {  	_ =	shalt  }
.Lfunc_end0:
.L_simem_size_0:
called_computation_lowered:
.L_overlay_start_0:
0x88: {  	s2 =	sld [smem:$0x3FD9]  }
0x89: {  	s3 =	sld [smem:$0x3FFE];
	_ =	sdelay $0x1  }
0x8a: {  	s1 =	srdreg.scid  }
0x8b: {  	s0 =	sand.u32 $0x1, s1  }
0x8c: {  	s17 =	sshll.u32 s0, $0xA;
	s2 =	sadd.s32 s3, s2  }
0x8d: {  	s2 =	sadd.s32 s2, s17  }
0x8e: {  	[smem:$0x3FC3] =	sst s2  }
0x8f: {  	_ = 	snop  }
0x90: {  	s2 =	sld [smem:$0x3FC8]  }
0x91: {  	s18 =	sld [smem:$0x3FC7]  }
0x92: {  	s4 =	sld [smem:$0x3FD0];
	(tm) =	ssettm $0x1  }
0x93: {  	s5 =	sld [smem:$0x3FFB];
	_ =	sdelay $0x3  }
0x94: {  	_ =	strace s5  }
0x95: {  	s5 =	sld [smem:$0x3FFC];
	_ =	sdelay $0x3  }
0x96: {  	_ =	strace s5  }
0x97: {  	s5 =	sld [smem:$0x3FFD];
	_ =	sdelay $0x3  }
0x98: {  	_ =	strace s5  }
0x99: {  	_ =	strace $0x8FFFFFFF  }
0x9a: {  	s19 =	sld [smem:$0x3FDB];
	_ =	sdelay $0x1  }
0x9b: {  	s6 =	simm.s32 $_scs_section_size  }
0x9c: {  	s7 =	simm.s32 $_size__tile_overlayer_lowered;
	s8 =	simm.s32 $_tile_overlayer_lowered  }
0x9d: {  	s22 =	simm.s32 $0x1BFF;
	s21 =	sshll.u32 s8, $0x1;
	s5 =	sadd.s32 s6, s19  }
0x9e: {  	s9 =	simm.s32 $0x0;
	s20 =	sshll.u32 s7, $0x1;
	s7 =	sadd.s32 s21, s5  }
0x9f: {  	[timem:s9], [sflag:s22] =	dma.local [hbm:s7], s20  }
0xa0: {  	_ =	swait.ge [sflag:s22], s20  }
0xa1: {  	s6 =	ssub.s32 $0x0, s20;
	[sflag:s22] =	ssyncset.done $0x0  }
0xa2: {  	[sflag:s22] =	ssyncadd.s32 s6;
	_ =	sdelay $0x1  }
0xa3: {  	s23 =	simm.s32 $0x1B8B  }
0xa4: {  	_ =	swait.ge [sflag:s23], $0x1  }
0xa5: {  	[sflag:s23] =	ssyncset.done $0x0  }
0xa6: {  	s25 =	simm.s32 $0x1B8E;
	s24 =	sld [smem:$0x3FFE];
	[sflag:s23] =	ssyncadd.s32 $0xFFFFFFFF  }
0xa7: {  	s26 =	simm.s32 $execute0_lowered;
	[smem:$0x3FD2] =	sst s25  }
0xa8: {  	s7 =	sshll.u32 s26, $0x1;
	_ =	strace $0x80000046;
	[dreg:$0x1] =	wrdreg $0xFFFFFFFF  }
0xa9: {  	s28 =	simm.s32 $_size_execute0_lowered;
	s5 =	sadd.s32 s5, s7;
	[dreg:$0x0] =	wrdreg $0x0  }
0xaa: {  	s7 =	sshll.u32 s28, $0x1;
	[dreg:$0x2] =	wrdreg s5  }
0xab: {  	[dreg:$0x3] =	wrdreg s7  }
0xac: {  	[dreg:$0x4] =	wrdreg $0xC0  }
0xad: {  	_ =	task [dreg:s9], $0x5FFFF  }
0xae: {  	[dreg:$0x1] =	wrdreg $0xFFFFFFFF  }
0xaf: {  	[dreg:$0x0] =	wrdreg $0x60  }
0xb0: {  	[dreg:$0x2] =	wrdreg s4  }
0xb1: {  	[dreg:$0x3] =	wrdreg s2  }
0xb2: {  	[dreg:$0x4] =	wrdreg s18  }
0xb3: {  	[dreg:$0x5] =	wrdreg s24  }
0xb4: {  	[dreg:$0x6] =	wrdreg $0x0  }
0xb5: {  	[dreg:$0x7] =	wrdreg $0x9  }
0xb6: {  	_ =	task.clear_ibuf [dreg:s9], $0x8FFFF;
	_ =	strace $0x90000046  }
0xb7: {  	s29 =	simm.s32 $0x9;
	_ =	strace $0x80000048  }
0xb8: {  	_ =	swait.ge [sflag:s29], $0x1  }
0xb9: {  	[sflag:s29] =	ssyncadd.s32 $0xFFFFFFFF  }
0xba: {  	_ =	strace $0x90000048  }
0xbb: {  	_ =	sfence  }
0xbc: {  	s30 =	sld [smem:$0x0];
	_ =	sdelay $0x2  }
0xbd: {  	s31 =	sshll.u32 s1, $0xD;
	s1 =	sshrl.u32 s1, $0x2  }
0xbe: {  	s3 =	sand.u32 $0x4000, s31;
	s1 =	sadd.s32 s1, s30  }
0xbf: {  	s0 =	sor.u32 s3, s0;
	s1 =	sshll.u32 s1, $0x11  }
0xc0: {  	s0 =	sor.u32 s1, s0  }
0xc1: {  	s0 =	sadd.s32 $0x8F2B, s0  }
0xc2: {  	[sflag:s0] =	ssyncadd.remote.s32 $0x1  }
0xc3: {  	_ =	sfence.sel $0xFFFF  }
0xc4: {  	[dreg:$0x0] =	wrdreg $0xFFFFFFFF;
	(pc) =	sbr.abs _section_cstart, $3  }
0xc5: {  	[dreg:$0x1] =	wrdreg $0xFFFFFFFF  }
0xc6: {  	_ =	task.clear_ibuf [dreg:s9], $0x2FFFF;
	_ =	strace $0x9FFFFFFF  }
0xc7: {  	(tm) =	ssettm $0x7FFFFFFF  }
tec
execute0_lowered:
.L_overlay_start_1:
0x0: {  	(tag) =	ssettag $0x1  }
0x1: {  	s1 =	rddreg [dreg:$0x0]  }
0x2: {  	s2 =	rddreg [dreg:$0x1]  }
0x3: {  	s3 =	rddreg [dreg:$0x2]  }
0x4: {  	s0 =	rddreg [dreg:$0x3]  }
0x5: {  	s5 =	rddreg [dreg:$0x4];
	s6 =	simm.s32 $0x0;
	s14 =	stileid.u32  }
0x6: {  	s4 =	srdreg.scid;
	[smem:$0x7FF] =	sst s6  }
0x7: {  	s7 =	smul.u32 $0x2700, s14;
	s4 =	sand.u32 $0x1, s4;
	s25 =	sadd.s32 $0x25D00, s0  }
0x8: {  	_ =	strace $0x80000047;
	s8 =	ssub.s32 $0x2, s4;
	s9 =	sshll.u32 s4, $0x4  }
0x9: {  	[dreg:$0x12] =	wrdreg s25;
	s25 =	sadd.s32 $0x132800, s5;
	s7 =	sadd.s32 s7, s0  }
0xa: {  	s10 =	sshrl.u32 s8, $0x1;
	s9 =	sor.u32 s14, s9;
	s0 =	sadd.s32 $0x4CF00, s0  }
0xb: {  	[smem:$0x7FB] =	sst s25;
	s8 =	ssub.s32 s8, s10;
	s28 =	sshll.u32 s9, $0x7  }
0xc: {  	s11 =	sshll.u32 s9, $0x5;
	[dreg:$0x13] =	wrdreg s0;
	s26 =	sadd.s32 $0x1400, s7  }
0xd: {  	s11 =	sadd.s32 s2, s11;
	s12 =	sor.u32 $0x1000, s28;
	[dreg:$0x14] =	wrdreg s26  }
0xe: {  	s10 =	sor.u32 $0x2000, s28;
	s28 =	sadd.s32 $0x28600, s7;
	[dreg:$0x6] =	wrdreg s11  }
0xf: {  	s13 =	sshll.u32 s9, $0x4;
	s26 =	sadd.s32 $0x134800, s5;
	[dreg:$0x15] =	wrdreg s28  }
0x10: {  	p1 =	seq.s32 s14, $0xF;
	s11 =	sadd.s32 s3, s13;
	[smem:$0x7FC] =	sst s26  }
0x11: {  	s13 =	smul.u32 $0x4E000, s14;
	s14 =	sadd.s32 $0x124800, s5;
	[dreg:$0x7] =	wrdreg s11  }
0x12: {  	s15 =	sshrl.u32 s12, $0x2;
	s28 =	sadd.s32 $0x136800, s5;
	[dreg:$0x1a] =	wrdreg s14  }
0x13: {  	s16 =	sshrl.u32 s12, $0x3;
	s11 =	sadd.s32 s2, s15;
	[smem:$0x7FD] =	sst s28  }
0x14: {  	s17 =	sshrl.u32 s10, $0x2;
	s15 =	sadd.s32 $0x126800, s5;
	[dreg:$0x8] =	wrdreg s11  }
0x15: {  	s10 =	sshrl.u32 s10, $0x3;
	s11 =	sadd.s32 s3, s16;
	[dreg:$0x1b] =	wrdreg s15  }
0x16: {  	s18 =	sshrl.u32 s13, $0x2;
	s13 =	sadd.s32 s3, s10;
	[dreg:$0x9] =	wrdreg s11  }
0x17: {  	s16 =	sadd.s32 $0x128800, s5;
	[dreg:$0x19] =	wrdreg s13  }
0x18: {  	s11 =	sadd.s32 s2, s17;
	[dreg:$0x1c] =	wrdreg s16  }
0x19: {  	s19 =	sadd.s32 s18, s5;
	[dreg:$0xa] =	wrdreg s11  }
0x1a: {  	s29 =	simm.s32 $0x15E80;
	s17 =	sadd.s32 $0x12A800, s5;
	[dreg:$0xb] =	wrdreg s19  }
0x1b: {  	s30 =	simm.s32 $0x2;
	s18 =	sadd.s32 $0x12C800, s5;
	[dreg:$0x1d] =	wrdreg s17  }
0x1c: {  	s31 =	simm.s32 $0xB;
	s12 =	sadd.s32 $0x2000, s19;
	[dreg:$0x1e] =	wrdreg s18  }
0x1d: {  	p0 =	seq.s32 s4, $0x1;
	s20 =	sadd.s32 $0x4000, s19;
	[dreg:$0xc] =	wrdreg s12  }
0x1e: {  	p2 =	sgt.u32 s9, $0x3;
	s21 =	sadd.s32 $0x6000, s19;
	[dreg:$0xd] =	wrdreg s20  }
0x1f: {  	s0 =	simm.s32 $0x17E80;
	s22 =	sadd.s32 $0x8000, s19;
	[dreg:$0xe] =	wrdreg s21  }
0x20: {  	s26 =	simm.s32 $0xA;
	s23 =	sadd.s32 $0xA000, s19;
	[dreg:$0xf] =	wrdreg s22  }
0x21: {  	s14 =	simm.s32 $0x5;
	s24 =	sadd.s32 $0xC000, s19;
	[dreg:$0x10] =	wrdreg s23  }
0x22: {  	s15 =	simm.s32 $0x13C00;
	s4 =	sadd.s32 $0xE000, s19;
	[dreg:$0x11] =	wrdreg s24  }
0x23: {  	s10 =	simm.s32 $0x8;
	s7 =	sadd.s32 $0x10000, s19;
	[dreg:$0x16] =	wrdreg s4  }
0x24: {  	s13 =	simm.s32 $0x13B80;
	[dreg:$0x17] =	wrdreg s7;
	s12 =	sadd.s32 $0x12000, s19  }
0x25: {  	s17 =	simm.s32 $0x13C80;
	s19 =	sor.u32 $0x60, s9;
	[dreg:$0x18] =	wrdreg s12  }
0x26: {  	s18 =	simm.s32 $0x1;
	s20 =	sor.u32 $0xA0, s9;
	[dreg:$0x1f] =	wrdreg s19  }
0x27: {  	s11 =	simm.s32 $0x9;
	s21 =	sor.u32 $0x80, s9;
	[smem:$0x7F6] =	sst s20  }
.Ltmp0:
0x28: {  	s22 =	sadd.s32 $0x12E800, s5;
	[smem:$0x7F7] =	sst s21;
	(pc) =	sbr.rel .LBB2_1-.Ltmp0, $4  }
0x29: {  	s23 =	sadd.s32 $0x130800, s5;
	s24 =	smax.u32 s8, $0x1;
	[smem:$0x7F8] =	sst s22  }
0x2a: {  	s4 =	simm.s32 $0x4;
	s9 =	simm.s32 $0x3;
	[smem:$0x7F9] =	sst s23  }
0x2b: {  	s8 =	simm.s32 $0x0;
	[smem:$0x7FA] =	sst s24;
	s23 =	simm.s32 $0x40  }
0x2c: {  	v0 =	vimm.f32 $0.0e+00;
	s22 =	simm.s32 $0x7;
	s19 =	simm.s32 $0x6;
	s20 =	simm.s32 $0xC  }
.LBB2_25:
0x2d: {  	s16 =	rddreg [dreg:$0x1a]  }
0x2e: {  	s8 =	simm.s32 @p0 $0x1FCD;
	s12 =	rddreg [dreg:$0x13];
	s7 =	sshrl.u32 @p0 s16, $0x3  }
0x2f: {  	[hbm:s12], [sflag:s8] =	dma.local @p0 [spmem:s7], $0x2800  }
0x30: {  	s7 =	simm.s32 @p0 $0xD  }
0x31: {  	_ =	swait.ge @p0 [sflag:s7], $0x2800  }
0x32: {  	s8 =	simm.s32 @!p0 $0x1FCD;
	[sflag:s7] =	ssyncset.done @p0 $0x0  }
0x33: {  	s12 =	rddreg [dreg:$0x12];
	[sflag:s7] =	ssyncadd.s32 @p0 $0xFFFFD800;
	s7 =	sshrl.u32 @!p0 s16, $0x3  }
0x34: {  	[hbm:s12], [sflag:s8] =	dma.local @!p0 [spmem:s7], $0x2800  }
0x35: {  	s7 =	simm.s32 @!p0 $0xD  }
0x36: {  	_ =	swait.ge @!p0 [sflag:s7], $0x2800  }
0x37: {  	[sflag:s7] =	ssyncset.done @!p0 $0x0  }
0x38: {  	s8 =	sld [smem:$0x7F5];
	[sflag:s7] =	ssyncadd.s32 @!p0 $0xFFFFD800  }
.LBB2_26:
0x39: {  	s7 =	sld [smem:$0x7FA];
	_ =	sdelay $0x1  }
0x3a: {  	s8 =	sadd.s32 $0x1, s8  }
0x3b: {  	p3 =	sne.s32 s8, s7  }
.Ltmp1:
0x3c: {  	_ = 	snop;
	(pc) =	sbr.rel @!p3 .LBB2_27-.Ltmp1, $1  }
0x3d: {  	_ =	sdelay $0x3  }
.LBB2_1:
0x3e: {  	[smem:$0x7F5] =	sst s8  }
0x3f: {  	s7 =	rddreg [dreg:$0x6];
	s28 =	simm.s32 $0x13880  }
0x40: {  	[tilespmem:s28], [sflag:$0x1] =	stream.linear.gather [hbm4b:s7+s6], $0x100, $0x38;
	[tilespmem:$0x1FE80] =	vst v63  }
0x41: {  	s8 =	rddreg [dreg:$0x7]  }
0x42: {  	[tilespmem:s13], [sflag:$0x4] =	stream.linear.gather [hbm4b:s8+s6], $0x80, $0x38;
	[tilespmem:$0x1FE80] =	vst v63  }
0x43: {  	s12 =	rddreg [dreg:$0x8];
	s16 =	simm.s32 $0x13980  }
0x44: {  	[tilespmem:s16], [sflag:$0x2] =	stream.linear.gather [hbm4b:s12+s6], $0x100, $0x38;
	[tilespmem:$0x1FE80] =	vst v63  }
0x45: {  	s21 =	rddreg [dreg:$0x9]  }
0x46: {  	[tilespmem:s15], [sflag:$0x5] =	stream.linear.gather [hbm4b:s21+s6], $0x80, $0x38;
	[tilespmem:$0x1FE80] =	vst v63  }
0x47: {  	s24 =	rddreg [dreg:$0xa];
	s25 =	simm.s32 $0x13A80  }
0x48: {  	[tilespmem:s25], [sflag:$0x3] =	stream.linear.gather [hbm4b:s24+s6], $0x100, $0x38;
	[tilespmem:$0x1FE80] =	vst v63  }
0x49: {  	s28 =	rddreg [dreg:$0x19];
	s7 =	simm.s32 $0x19F80  }
0x4a: {  	[tilespmem:s17], [sflag:$0x6] =	stream.linear.gather [hbm4b:s28+s6], $0x80, $0x38;
	[tilespmem:$0x1FE80] =	vst v63  }
0x4b: {  	[tilespmem:s7+$0xFFFFFF00] =	vst v0  }
0x4c: {  	[tilespmem:s7+$0xF0] =	vst v0  }
0x4d: {  	[tilespmem:s7+$0xE0] =	vst v0  }
0x4e: {  	[tilespmem:s7+$0xD0] =	vst v0  }
0x4f: {  	[tilespmem:s7+$0xC0] =	vst v0  }
0x50: {  	[tilespmem:s7+$0xB0] =	vst v0  }
0x51: {  	[tilespmem:s7+$0xA0] =	vst v0  }
0x52: {  	[tilespmem:s7+$0x90] =	vst v0  }
0x53: {  	[tilespmem:s7+$0x80] =	vst v0  }
0x54: {  	[tilespmem:s7+$0x70] =	vst v0  }
0x55: {  	[tilespmem:s7+$0x60] =	vst v0  }
0x56: {  	[tilespmem:s7+$0x50] =	vst v0  }
0x57: {  	[tilespmem:s7+$0x40] =	vst v0  }
0x58: {  	[tilespmem:s7+$0x30] =	vst v0  }
0x59: {  	[tilespmem:s7+$0x20] =	vst v0  }
0x5a: {  	[tilespmem:s7+$0x10] =	vst v0  }
0x5b: {  	[tilespmem:s7+$0x0] =	vst v0  }
0x5c: {  	[tilespmem:s7+$0xFFFFFFF0] =	vst v0  }
0x5d: {  	[tilespmem:s7+$0xFFFFFFE0] =	vst v0  }
0x5e: {  	[tilespmem:s7+$0xFFFFFFD0] =	vst v0  }
0x5f: {  	[tilespmem:s7+$0xFFFFFFC0] =	vst v0  }
0x60: {  	[tilespmem:s7+$0xFFFFFFB0] =	vst v0  }
0x61: {  	[tilespmem:s7+$0xFFFFFFA0] =	vst v0  }
0x62: {  	[tilespmem:s7+$0xFFFFFF90] =	vst v0  }
0x63: {  	[tilespmem:s7+$0xFFFFFF80] =	vst v0  }
0x64: {  	[tilespmem:s7+$0xFFFFFF70] =	vst v0  }
0x65: {  	[tilespmem:s7+$0xFFFFFF60] =	vst v0  }
0x66: {  	[tilespmem:s7+$0xFFFFFF50] =	vst v0  }
0x67: {  	[tilespmem:s7+$0xFFFFFF40] =	vst v0  }
0x68: {  	[tilespmem:s7+$0xFFFFFF30] =	vst v0  }
0x69: {  	s8 =	simm.s32 $0x0;
	[tilespmem:s7+$0xFFFFFF20] =	vst v0  }
.LBB2_2:
0x6a: {  	s8 =	sadd.s32 $0x4, s8;
	[tilespmem:s7+$0xFFFFFF10] =	vst v0;
	s7 =	sadd.s32 $0x200, s7  }
0x6b: {  	[tilespmem:s7+$0xFFFFFF00] =	vst v0;
	p3 =	slt.u32 s8, $0x3C  }
0x6c: {  	[tilespmem:s7+$0xF0] =	vst v0  }
0x6d: {  	[tilespmem:s7+$0xE0] =	vst v0  }
0x6e: {  	[tilespmem:s7+$0xD0] =	vst v0  }
0x6f: {  	[tilespmem:s7+$0xC0] =	vst v0  }
0x70: {  	[tilespmem:s7+$0xB0] =	vst v0  }
0x71: {  	[tilespmem:s7+$0xA0] =	vst v0  }
0x72: {  	[tilespmem:s7+$0x90] =	vst v0  }
0x73: {  	[tilespmem:s7+$0x80] =	vst v0  }
0x74: {  	[tilespmem:s7+$0x70] =	vst v0  }
0x75: {  	[tilespmem:s7+$0x60] =	vst v0  }
0x76: {  	[tilespmem:s7+$0x50] =	vst v0  }
0x77: {  	[tilespmem:s7+$0x40] =	vst v0  }
0x78: {  	[tilespmem:s7+$0x30] =	vst v0  }
0x79: {  	[tilespmem:s7+$0x20] =	vst v0  }
0x7a: {  	[tilespmem:s7+$0x10] =	vst v0  }
0x7b: {  	[tilespmem:s7+$0x0] =	vst v0  }
0x7c: {  	[tilespmem:s7+$0xFFFFFFF0] =	vst v0  }
0x7d: {  	[tilespmem:s7+$0xFFFFFFE0] =	vst v0  }
0x7e: {  	[tilespmem:s7+$0xFFFFFFD0] =	vst v0  }
0x7f: {  	[tilespmem:s7+$0xFFFFFFC0] =	vst v0  }
0x80: {  	[tilespmem:s7+$0xFFFFFFB0] =	vst v0  }
0x81: {  	[tilespmem:s7+$0xFFFFFFA0] =	vst v0  }
0x82: {  	[tilespmem:s7+$0xFFFFFF90] =	vst v0  }
0x83: {  	[tilespmem:s7+$0xFFFFFF80] =	vst v0  }
0x84: {  	[tilespmem:s7+$0xFFFFFF70] =	vst v0  }
.Ltmp2:
0x85: {  	[tilespmem:s7+$0xFFFFFF60] =	vst v0;
	(pc) =	sbr.rel @p3 .LBB2_2-.Ltmp2, $4  }
0x86: {  	[tilespmem:s7+$0xFFFFFF50] =	vst v0  }
0x87: {  	[tilespmem:s7+$0xFFFFFF40] =	vst v0  }
0x88: {  	[tilespmem:s7+$0xFFFFFF30] =	vst v0  }
0x89: {  	[tilespmem:s7+$0xFFFFFF20] =	vst v0  }
0x8a: {  	[tilespmem:s7+$0xFFFFFF10] =	vst v0  }
0x8b: {  	s7 =	simm.s32 @p1 $0x19E80;
	s8 =	rddreg [dreg:$0x1a]  }
0x8c: {  	[spmem:s8] =	stream.linear.scatter @p1 [tilespmem:s7], [sflag:$0xD], $0x2000, $0x38;
	[tilespmem:$0x1FE80] =	vst v63  }
0x8d: {  	s8 =	simm.s32 @p1 $0xD  }
0x8e: {  	_ =	swait.ge @p1 [sflag:s8], $0x2000  }
0x8f: {  	[sflag:s8] =	ssyncset.done @p1 $0x0  }
0x90: {  	s12 =	rddreg [dreg:$0x1b];
	[sflag:s8] =	ssyncadd.s32 @p1 $0xFFFFE000  }
0x91: {  	[spmem:s12] =	stream.linear.scatter @p1 [tilespmem:s7], [sflag:$0xD], $0x2000, $0x38;
	[tilespmem:$0x1FE80] =	vst v63  }
0x92: {  	_ =	swait.ge @p1 [sflag:s8], $0x2000  }
0x93: {  	[sflag:s8] =	ssyncset.done @p1 $0x0  }
0x94: {  	s12 =	rddreg [dreg:$0x1c];
	[sflag:s8] =	ssyncadd.s32 @p1 $0xFFFFE000  }
0x95: {  	[spmem:s12] =	stream.linear.scatter @p1 [tilespmem:s7], [sflag:$0xD], $0x2000, $0x38;
	[tilespmem:$0x1FE80] =	vst v63  }
0x96: {  	_ =	swait.ge @p1 [sflag:s8], $0x2000  }
0x97: {  	[sflag:s8] =	ssyncset.done @p1 $0x0  }
0x98: {  	s12 =	rddreg [dreg:$0x1d];
	[sflag:s8] =	ssyncadd.s32 @p1 $0xFFFFE000  }
0x99: {  	[spmem:s12] =	stream.linear.scatter @p1 [tilespmem:s7], [sflag:$0xD], $0x2000, $0x38;
	[tilespmem:$0x1FE80] =	vst v63  }
0x9a: {  	_ =	swait.ge @p1 [sflag:s8], $0x2000  }
0x9b: {  	[sflag:s8] =	ssyncset.done @p1 $0x0  }
0x9c: {  	s12 =	rddreg [dreg:$0x1e];
	[sflag:s8] =	ssyncadd.s32 @p1 $0xFFFFE000  }
0x9d: {  	[spmem:s12] =	stream.linear.scatter @p1 [tilespmem:s7], [sflag:$0xD], $0x2000, $0x38;
	[tilespmem:$0x1FE80] =	vst v63  }
0x9e: {  	_ =	swait.ge @p1 [sflag:s8], $0x2000  }
0x9f: {  	s12 =	sld [smem:$0x7F8]  }
0xa0: {  	[sflag:s8] =	ssyncset.done @p1 $0x0  }
0xa1: {  	[sflag:s8] =	ssyncadd.s32 @p1 $0xFFFFE000  }
0xa2: {  	[spmem:s12] =	stream.linear.scatter @p1 [tilespmem:s7], [sflag:$0xD], $0x2000, $0x38;
	[tilespmem:$0x1FE80] =	vst v63  }
0xa3: {  	_ =	swait.ge @p1 [sflag:s8], $0x2000  }
0xa4: {  	s12 =	sld [smem:$0x7F9]  }
0xa5: {  	[sflag:s8] =	ssyncset.done @p1 $0x0  }
0xa6: {  	[sflag:s8] =	ssyncadd.s32 @p1 $0xFFFFE000  }
0xa7: {  	[spmem:s12] =	stream.linear.scatter @p1 [tilespmem:s7], [sflag:$0xD], $0x2000, $0x38;
	[tilespmem:$0x1FE80] =	vst v63  }
0xa8: {  	_ =	swait.ge @p1 [sflag:s8], $0x2000  }
0xa9: {  	s12 =	sld [smem:$0x7FB]  }
0xaa: {  	[sflag:s8] =	ssyncset.done @p1 $0x0  }
0xab: {  	[sflag:s8] =	ssyncadd.s32 @p1 $0xFFFFE000  }
0xac: {  	[spmem:s12] =	stream.linear.scatter @p1 [tilespmem:s7], [sflag:$0xD], $0x2000, $0x38;
	[tilespmem:$0x1FE80] =	vst v63  }
0xad: {  	_ =	swait.ge @p1 [sflag:s8], $0x2000  }
0xae: {  	s12 =	sld [smem:$0x7FC]  }
0xaf: {  	[sflag:s8] =	ssyncset.done @p1 $0x0  }
0xb0: {  	[sflag:s8] =	ssyncadd.s32 @p1 $0xFFFFE000  }
0xb1: {  	[spmem:s12] =	stream.linear.scatter @p1 [tilespmem:s7], [sflag:$0xD], $0x2000, $0x38;
	[tilespmem:$0x1FE80] =	vst v63  }
0xb2: {  	_ =	swait.ge @p1 [sflag:s8], $0x2000  }
0xb3: {  	s12 =	sld [smem:$0x7FD]  }
0xb4: {  	[sflag:s8] =	ssyncset.done @p1 $0x0  }
0xb5: {  	[sflag:s8] =	ssyncadd.s32 @p1 $0xFFFFE000  }
0xb6: {  	[spmem:s12] =	stream.linear.scatter @p1 [tilespmem:s7], [sflag:$0xD], $0x2000, $0x38;
	[tilespmem:$0x1FE80] =	vst v63  }
0xb7: {  	_ =	swait.ge @p1 [sflag:s8], $0x2000  }
0xb8: {  	[sflag:s8] =	ssyncset.done @p1 $0x0  }
0xb9: {  	s7 =	simm.s32 @!p1 $0x19E80;
	[sflag:s8] =	ssyncadd.s32 @p1 $0xFFFFE000;
	s8 =	rddreg [dreg:$0xb]  }
0xba: {  	[spmem:s8] =	stream.linear.scatter @!p1 [tilespmem:s7], [sflag:$0xD], $0x2000, $0x38;
	[tilespmem:$0x1FE80] =	vst v63  }
0xbb: {  	s8 =	simm.s32 @!p1 $0xD  }
0xbc: {  	_ =	swait.ge @!p1 [sflag:s8], $0x2000  }
0xbd: {  	[sflag:s8] =	ssyncset.done @!p1 $0x0  }
0xbe: {  	s12 =	rddreg [dreg:$0xc];
	[sflag:s8] =	ssyncadd.s32 @!p1 $0xFFFFE000  }
0xbf: {  	[spmem:s12] =	stream.linear.scatter @!p1 [tilespmem:s7], [sflag:$0xD], $0x2000, $0x38;
	[tilespmem:$0x1FE80] =	vst v63  }
0xc0: {  	_ =	swait.ge @!p1 [sflag:s8], $0x2000  }
0xc1: {  	[sflag:s8] =	ssyncset.done @!p1 $0x0  }
0xc2: {  	s12 =	rddreg [dreg:$0xd];
	[sflag:s8] =	ssyncadd.s32 @!p1 $0xFFFFE000  }
0xc3: {  	[spmem:s12] =	stream.linear.scatter @!p1 [tilespmem:s7], [sflag:$0xD], $0x2000, $0x38;
	[tilespmem:$0x1FE80] =	vst v63  }
0xc4: {  	_ =	swait.ge @!p1 [sflag:s8], $0x2000  }
0xc5: {  	[sflag:s8] =	ssyncset.done @!p1 $0x0  }
0xc6: {  	s12 =	rddreg [dreg:$0xe];
	[sflag:s8] =	ssyncadd.s32 @!p1 $0xFFFFE000  }
0xc7: {  	[spmem:s12] =	stream.linear.scatter @!p1 [tilespmem:s7], [sflag:$0xD], $0x2000, $0x38;
	[tilespmem:$0x1FE80] =	vst v63  }
0xc8: {  	_ =	swait.ge @!p1 [sflag:s8], $0x2000  }
0xc9: {  	[sflag:s8] =	ssyncset.done @!p1 $0x0  }
0xca: {  	s12 =	rddreg [dreg:$0xf];
	[sflag:s8] =	ssyncadd.s32 @!p1 $0xFFFFE000  }
0xcb: {  	[spmem:s12] =	stream.linear.scatter @!p1 [tilespmem:s7], [sflag:$0xD], $0x2000, $0x38;
	[tilespmem:$0x1FE80] =	vst v63  }
0xcc: {  	_ =	swait.ge @!p1 [sflag:s8], $0x2000  }
0xcd: {  	[sflag:s8] =	ssyncset.done @!p1 $0x0  }
0xce: {  	s12 =	rddreg [dreg:$0x10];
	[sflag:s8] =	ssyncadd.s32 @!p1 $0xFFFFE000  }
0xcf: {  	[spmem:s12] =	stream.linear.scatter @!p1 [tilespmem:s7], [sflag:$0xD], $0x2000, $0x38;
	[tilespmem:$0x1FE80] =	vst v63  }
0xd0: {  	_ =	swait.ge @!p1 [sflag:s8], $0x2000  }
0xd1: {  	[sflag:s8] =	ssyncset.done @!p1 $0x0  }
0xd2: {  	s12 =	rddreg [dreg:$0x11];
	[sflag:s8] =	ssyncadd.s32 @!p1 $0xFFFFE000  }
0xd3: {  	[spmem:s12] =	stream.linear.scatter @!p1 [tilespmem:s7], [sflag:$0xD], $0x2000, $0x38;
	[tilespmem:$0x1FE80] =	vst v63  }
0xd4: {  	_ =	swait.ge @!p1 [sflag:s8], $0x2000  }
0xd5: {  	[sflag:s8] =	ssyncset.done @!p1 $0x0  }
0xd6: {  	s12 =	rddreg [dreg:$0x16];
	[sflag:s8] =	ssyncadd.s32 @!p1 $0xFFFFE000  }
0xd7: {  	[spmem:s12] =	stream.linear.scatter @!p1 [tilespmem:s7], [sflag:$0xD], $0x2000, $0x38;
	[tilespmem:$0x1FE80] =	vst v63  }
0xd8: {  	_ =	swait.ge @!p1 [sflag:s8], $0x2000  }
0xd9: {  	[sflag:s8] =	ssyncset.done @!p1 $0x0  }
0xda: {  	s12 =	rddreg [dreg:$0x17];
	[sflag:s8] =	ssyncadd.s32 @!p1 $0xFFFFE000  }
0xdb: {  	[spmem:s12] =	stream.linear.scatter @!p1 [tilespmem:s7], [sflag:$0xD], $0x2000, $0x38;
	[tilespmem:$0x1FE80] =	vst v63  }
0xdc: {  	_ =	swait.ge @!p1 [sflag:s8], $0x2000  }
0xdd: {  	[sflag:s8] =	ssyncset.done @!p1 $0x0  }
0xde: {  	s12 =	rddreg [dreg:$0x18];
	[sflag:s8] =	ssyncadd.s32 @!p1 $0xFFFFE000  }
0xdf: {  	[spmem:s12] =	stream.linear.scatter @!p1 [tilespmem:s7], [sflag:$0xD], $0x1800, $0x38;
	[tilespmem:$0x1FE80] =	vst v63  }
0xe0: {  	_ =	swait.ge @!p1 [sflag:s8], $0x1800  }
0xe1: {  	[sflag:s8] =	ssyncset.done @!p1 $0x0  }
0xe2: {  	[sflag:s8] =	ssyncadd.s32 @!p1 $0xFFFFE800  }
0xe3: {  	[bflag:$0x0] =	sbarrier.arrive $0xFFFF  }
0xe4: {  	_ =	swait.ge [sflag:s18], $0x100  }
0xe5: {  	[sflag:s18] =	ssyncset.done $0x0  }
0xe6: {  	s21 =	simm.s32 $0x13900;
	s24 =	simm.s32 $0x13E80;
	[sflag:s18] =	ssyncadd.s32 $0xFFFFFF00  }
0xe7: {  	[tilespmem:s24], [sflag:$0x7] =	stream.indirect.gather [hbm4b:s1+s23], $0x80, s21, s23, $0xb8;
	[tilespmem:$0x1FE80] =	vst v63  }
0xe8: {  	s25 =	simm.s32 $0x13940  }
0xe9: {  	[tilespmem:s29], [sflag:$0x8] =	stream.indirect.gather [hbm4b:s1+s23], $0x80, s25, s23, $0xb8;
	[tilespmem:$0x1FE80] =	vst v63  }
0xea: {  	_ =	swait.ge [sflag:s30], $0x100  }
0xeb: {  	[sflag:s30] =	ssyncset.done $0x0  }
0xec: {  	s28 =	simm.s32 $0x13A00;
	s21 =	simm.s32 $0x0;
	[sflag:s30] =	ssyncadd.s32 $0xFFFFFF00  }
0xed: {  	[tilespmem:s0], [sflag:$0x9] =	stream.indirect.gather [hbm4b:s1+s23], $0x80, s28, s23, $0xb8;
	[tilespmem:$0x1FE80] =	vst v63  }
.LBB2_4:
0xee: {  	_ =	swait.ge [sflag:s22], $0x2000  }
0xef: {  	p3 =	seq.s32 s21, $0x0;
	[sflag:s22] =	ssyncset.done $0x0  }
0xf0: {  	s7 =	simm.s32 @!p3 $0xA;
	[sflag:s22] =	ssyncadd.s32 $0xFFFFE000  }
0xf1: {  	_ =	swait.ge @!p3 [sflag:s7], $0x2000  }
0xf2: {  	[sflag:s7] =	ssyncset.done @!p3 $0x0  }
0xf3: {  	[sflag:s7] =	ssyncadd.s32 @!p3 $0xFFFFE000  }
0xf4: {  	v1 =	vld [tilespmem:$0x13880]  }
0xf5: {  	v2 =	vld [tilespmem:$0x13890]  }
0xf6: {  	v3 =	vld [tilespmem:$0x138A0]  }
0xf7: {  	v4 =	vld [tilespmem:$0x138B0]  }
0xf8: {  	s25 =	simm.s32 $0x5  }
0xf9: {  	v7 =	vmov s25;
	[tilespmem:$0x13D00] =	vst v1  }
0xfa: {  	s8 =	simm.s32 $0x0;
	v7 =	vand.u32 $0xFFFFFFFD, v7;
	[tilespmem:$0x13D10] =	vst v2  }
0xfb: {  	s12 =	simm.s32 $0x7;
	v9 =	vbroadcast v7, $0x0;
	v1 =	vmov s8;
	s8 =	simm.s32 $0x1;
	[tilespmem:$0x13D20] =	vst v3  }
0xfc: {  	v2 =	vmov s12;
	[tilespmem:$0x13D30] =	vst v4;
	v1 =	vand.u32 $0xFFFFFFF8, v1;
	v5 =	vmov s8  }
0xfd: {  	s16 =	simm.s32 $0x2;
	s24 =	simm.s32 $0x4;
	_ =	swait.ge [sflag:s4], $0x80;
	v6 =	vbroadcast v1, $0x0;
	v1 =	vand.u32 $0xFFFFFFF9, v5  }
0xfe: {  	v3 =	vmov s16;
	[sflag:s4] =	ssyncset.done $0x0;
	v5 =	vbroadcast v1, $0x0;
	v1 =	vmov s24  }
0xff: {  	s28 =	simm.s32 $0x6;
	v3 =	vand.u32 $0xFFFFFFFA, v3;
	[sflag:s4] =	ssyncadd.s32 $0xFFFFFF80;
	s24 =	simm.s32 $0x14080;
	v1 =	vand.u32 $0xFFFFFFFC, v1  }
0x100: {  	v3 =	vbroadcast v3, $0x0;
	v11 =	vld [tilespmem:s24+$0xFFFFFE80];
	v8 =	vbroadcast v1, $0x0;
	v1 =	vmov s28  }
0x101: {  	v10 =	vand.u32 $0xFFFFFFFE, v1;
	v1 =	vld.idx.msk [tilespmem:v2+s13+$0x0], $0xffff  }
0x102: {  	v2 =	vld.idx.msk [tilespmem:v9+s13+$0x0], $0xffff;
	v10 =	vbroadcast v10, $0x0  }
0x103: {  	s16 =	simm.s32 $0x3;
	v9 =	vld [tilespmem:s24+$0x100]  }
0x104: {  	v4 =	vmov s16;
	v7 =	vld.idx.msk [tilespmem:v6+s13+$0x0], $0xffff  }
0x105: {  	v4 =	vand.u32 $0xFFFFFFFB, v4;
	v6 =	vld.idx.msk [tilespmem:v5+s13+$0x0], $0xffff  }
0x106: {  	v4 =	vbroadcast v4, $0x0;
	v5 =	vld.idx.msk [tilespmem:v3+s13+$0x0], $0xffff  }
0x107: {  	v3 =	vld.idx.msk [tilespmem:v8+s13+$0x0], $0xffff  }
0x108: {  	v8 =	vld.idx.msk [tilespmem:v10+s13+$0x0], $0xffff  }
0x109: {  	v10 =	vld [tilespmem:s24+$0xFFFFFE00]  }
0x10a: {  	v12 =	vld [tilespmem:s24+$0xFFFFFF00]  }
0x10b: {  	v13 =	vld [tilespmem:s24+$0xFFFFFF80]  }
0x10c: {  	v4 =	vld.idx.msk [tilespmem:v4+s13+$0x0], $0xffff  }
0x10d: {  	v14 =	vld [tilespmem:s24+$0x0];
	v9 =	vmul.f32 v9, v8  }
0x10e: {  	s16 =	simm.s32 $0x1A080;
	v15 =	vld [tilespmem:s24+$0x80];
	v10 =	vmul.f32 v10, v7  }
0x10f: {  	v11 =	vmul.f32 v11, v6;
	[tilespmem:s16+$0x100] =	vst v9;
	v9 =	vld [tilespmem:s24+$0x180]  }
0x110: {  	[tilespmem:s16+$0xFFFFFE00] =	vst v10;
	v10 =	vmul.f32 v12, v5;
	v12 =	vld [tilespmem:s24+$0x110]  }
0x111: {  	[tilespmem:s16+$0xFFFFFE80] =	vst v11;
	v11 =	vmul.f32 v13, v4;
	v16 =	vld [tilespmem:s24+$0xFFFFFE10]  }
0x112: {  	v13 =	vld [tilespmem:s24+$0xFFFFFE90];
	[tilespmem:s16+$0xFFFFFF00] =	vst v10;
	v10 =	vmul.f32 v14, v3  }
0x113: {  	[tilespmem:s16+$0xFFFFFF80] =	vst v11;
	v11 =	vmul.f32 v15, v2;
	v14 =	vld [tilespmem:s24+$0xFFFFFF10]  }
0x114: {  	v15 =	vld [tilespmem:s24+$0xFFFFFF90];
	[tilespmem:s16+$0x0] =	vst v10;
	v9 =	vmul.f32 v9, v1  }
0x115: {  	[tilespmem:s16+$0x80] =	vst v11;
	v10 =	vld [tilespmem:s24+$0x10];
	v11 =	vmul.f32 v12, v8  }
0x116: {  	v12 =	vmul.f32 v16, v7;
	v16 =	vld [tilespmem:s24+$0x90];
	[tilespmem:s16+$0x180] =	vst v9  }
0x117: {  	v9 =	vmul.f32 v13, v6;
	[tilespmem:s16+$0x110] =	vst v11;
	v11 =	vld [tilespmem:s24+$0x190]  }
0x118: {  	[tilespmem:s16+$0xFFFFFE10] =	vst v12;
	v12 =	vmul.f32 v14, v5;
	v13 =	vld [tilespmem:s24+$0x120]  }
0x119: {  	v14 =	vld [tilespmem:s24+$0xFFFFFE20];
	[tilespmem:s16+$0xFFFFFE90] =	vst v9;
	v9 =	vmul.f32 v15, v4  }
0x11a: {  	v15 =	vld [tilespmem:s24+$0xFFFFFEA0];
	[tilespmem:s16+$0xFFFFFF10] =	vst v12;
	v10 =	vmul.f32 v10, v3  }
0x11b: {  	v12 =	vld [tilespmem:s24+$0xFFFFFF20];
	[tilespmem:s16+$0xFFFFFF90] =	vst v9;
	v9 =	vmul.f32 v16, v2  }
0x11c: {  	v16 =	vld [tilespmem:s24+$0xFFFFFFA0];
	[tilespmem:s16+$0x10] =	vst v10;
	v10 =	vmul.f32 v11, v1  }
0x11d: {  	v11 =	vld [tilespmem:s24+$0x20];
	[tilespmem:s16+$0x90] =	vst v9;
	v9 =	vmul.f32 v13, v8  }
0x11e: {  	v13 =	vmul.f32 v14, v7;
	v14 =	vld [tilespmem:s24+$0xA0];
	[tilespmem:s16+$0x190] =	vst v10  }
0x11f: {  	v10 =	vmul.f32 v15, v6;
	[tilespmem:s16+$0x120] =	vst v9;
	v9 =	vld [tilespmem:s24+$0x1A0]  }
0x120: {  	[tilespmem:s16+$0xFFFFFE20] =	vst v13;
	v12 =	vmul.f32 v12, v5;
	v13 =	vld [tilespmem:s24+$0x130]  }
0x121: {  	v15 =	vld [tilespmem:s24+$0xFFFFFE30];
	[tilespmem:s16+$0xFFFFFEA0] =	vst v10;
	v10 =	vmul.f32 v16, v4  }
0x122: {  	v16 =	vld [tilespmem:s24+$0xFFFFFEB0];
	[tilespmem:s16+$0xFFFFFF20] =	vst v12;
	v11 =	vmul.f32 v11, v3  }
0x123: {  	v12 =	vld [tilespmem:s24+$0xFFFFFF30];
	[tilespmem:s16+$0xFFFFFFA0] =	vst v10;
	v10 =	vmul.f32 v14, v2  }
0x124: {  	v14 =	vld [tilespmem:s24+$0xFFFFFFB0];
	[tilespmem:s16+$0x20] =	vst v11;
	v9 =	vmul.f32 v9, v1  }
0x125: {  	v11 =	vld [tilespmem:s24+$0x30];
	[tilespmem:s16+$0xA0] =	vst v10;
	v10 =	vmul.f32 v13, v8  }
0x126: {  	v13 =	vmul.f32 v15, v7;
	v15 =	vld [tilespmem:s24+$0xB0];
	[tilespmem:s16+$0x1A0] =	vst v9  }
0x127: {  	v9 =	vmul.f32 v16, v6;
	[tilespmem:s16+$0x130] =	vst v10;
	v10 =	vld [tilespmem:s24+$0x1B0]  }
0x128: {  	[tilespmem:s16+$0xFFFFFE30] =	vst v13;
	v12 =	vmul.f32 v12, v5;
	v13 =	vld [tilespmem:s24+$0x140]  }
0x129: {  	v16 =	vld [tilespmem:s24+$0xFFFFFE40];
	[tilespmem:s16+$0xFFFFFEB0] =	vst v9;
	v9 =	vmul.f32 v14, v4  }
0x12a: {  	v14 =	vld [tilespmem:s24+$0xFFFFFEC0];
	[tilespmem:s16+$0xFFFFFF30] =	vst v12;
	v11 =	vmul.f32 v11, v3  }
0x12b: {  	v12 =	vld [tilespmem:s24+$0xFFFFFF40];
	[tilespmem:s16+$0xFFFFFFB0] =	vst v9;
	v9 =	vmul.f32 v15, v2  }
0x12c: {  	v15 =	vld [tilespmem:s24+$0xFFFFFFC0];
	[tilespmem:s16+$0x30] =	vst v11;
	v10 =	vmul.f32 v10, v1  }
0x12d: {  	v11 =	vld [tilespmem:s24+$0x40];
	[tilespmem:s16+$0xB0] =	vst v9;
	v9 =	vmul.f32 v13, v8  }
0x12e: {  	v13 =	vmul.f32 v16, v7;
	v16 =	vld [tilespmem:s24+$0xC0];
	[tilespmem:s16+$0x1B0] =	vst v10  }
0x12f: {  	v10 =	vmul.f32 v14, v6;
	[tilespmem:s16+$0x140] =	vst v9;
	v9 =	vld [tilespmem:s24+$0x1C0]  }
0x130: {  	[tilespmem:s16+$0xFFFFFE40] =	vst v13;
	v12 =	vmul.f32 v12, v5;
	v13 =	vld [tilespmem:s24+$0x150]  }
0x131: {  	v14 =	vld [tilespmem:s24+$0xFFFFFE50];
	[tilespmem:s16+$0xFFFFFEC0] =	vst v10;
	v10 =	vmul.f32 v15, v4  }
0x132: {  	v15 =	vld [tilespmem:s24+$0xFFFFFED0];
	[tilespmem:s16+$0xFFFFFF40] =	vst v12;
	v11 =	vmul.f32 v11, v3  }
0x133: {  	v12 =	vld [tilespmem:s24+$0xFFFFFF50];
	[tilespmem:s16+$0xFFFFFFC0] =	vst v10;
	v10 =	vmul.f32 v16, v2  }
0x134: {  	v16 =	vld [tilespmem:s24+$0xFFFFFFD0];
	[tilespmem:s16+$0x40] =	vst v11;
	v9 =	vmul.f32 v9, v1  }
0x135: {  	v11 =	vld [tilespmem:s24+$0x50];
	[tilespmem:s16+$0xC0] =	vst v10;
	v10 =	vmul.f32 v13, v8  }
0x136: {  	v13 =	vmul.f32 v14, v7;
	v14 =	vld [tilespmem:s24+$0xD0];
	[tilespmem:s16+$0x1C0] =	vst v9  }
0x137: {  	v9 =	vmul.f32 v15, v6;
	[tilespmem:s16+$0x150] =	vst v10;
	v10 =	vld [tilespmem:s24+$0x1D0]  }
0x138: {  	[tilespmem:s16+$0xFFFFFE50] =	vst v13;
	v12 =	vmul.f32 v12, v5;
	v13 =	vld [tilespmem:s24+$0x160]  }
0x139: {  	v15 =	vld [tilespmem:s24+$0xFFFFFE60];
	[tilespmem:s16+$0xFFFFFED0] =	vst v9;
	v9 =	vmul.f32 v16, v4  }
0x13a: {  	v16 =	vld [tilespmem:s24+$0xFFFFFEE0];
	[tilespmem:s16+$0xFFFFFF50] =	vst v12;
	v11 =	vmul.f32 v11, v3  }
0x13b: {  	v12 =	vld [tilespmem:s24+$0xFFFFFF60];
	[tilespmem:s16+$0xFFFFFFD0] =	vst v9;
	v9 =	vmul.f32 v14, v2  }
0x13c: {  	v14 =	vld [tilespmem:s24+$0xFFFFFFE0];
	[tilespmem:s16+$0x50] =	vst v11;
	v10 =	vmul.f32 v10, v1  }
0x13d: {  	s25 =	simm.s32 $0x9;
	v11 =	vld [tilespmem:s24+$0x60];
	[tilespmem:s16+$0xD0] =	vst v9;
	v13 =	vmul.f32 v13, v8  }
0x13e: {  	v18 =	vmov s25;
	s25 =	simm.s32 $0xC;
	s28 =	simm.s32 $0xA;
	v15 =	vmul.f32 v15, v7;
	v17 =	vld [tilespmem:s24+$0xE0];
	[tilespmem:s16+$0x1D0] =	vst v10  }
0x13f: {  	v22 =	vmov s25;
	s8 =	simm.s32 $0x8;
	v19 =	vmov s28;
	s28 =	simm.s32 $0xD;
	v16 =	vmul.f32 v16, v6;
	[tilespmem:s16+$0x160] =	vst v13;
	v13 =	vld [tilespmem:s24+$0x1E0]  }
0x140: {  	s12 =	simm.s32 $0xF;
	v24 =	vmov s28;
	v9 =	vmov s8;
	[tilespmem:s16+$0xFFFFFE60] =	vst v15;
	v12 =	vmul.f32 v12, v5;
	v20 =	vld [tilespmem:s24+$0x170]  }
0x141: {  	v10 =	vand.u32 $0xFFFFFFF8, v9;
	v9 =	vmov s12;
	s12 =	simm.s32 $0xB;
	v23 =	vld [tilespmem:s24+$0xFFFFFE70];
	[tilespmem:s16+$0xFFFFFEE0] =	vst v16;
	v16 =	vmul.f32 v14, v4  }
0x142: {  	v21 =	vmov s12;
	v10 =	vbroadcast v10, $0x0;
	v15 =	vld [tilespmem:s24+$0xFFFFFEF0];
	[tilespmem:s16+$0xFFFFFF60] =	vst v12;
	v12 =	vmul.f32 v11, v3  }
0x143: {  	v11 =	vand.u32 $0xFFFFFFF9, v18;
	v18 =	vand.u32 $0xFFFFFFFA, v19;
	v14 =	vld [tilespmem:s24+$0xFFFFFF70];
	[tilespmem:s16+$0xFFFFFFE0] =	vst v16;
	v19 =	vmul.f32 v17, v2  }
0x144: {  	v21 =	vand.u32 $0xFFFFFFFB, v21;
	v11 =	vbroadcast v11, $0x0;
	v16 =	vld [tilespmem:s24+$0xFFFFFFF0];
	[tilespmem:s16+$0x60] =	vst v12;
	v25 =	vmul.f32 v13, v1  }
0x145: {  	v18 =	vbroadcast v18, $0x0;
	v12 =	vand.u32 $0xFFFFFFFC, v22;
	v17 =	vld [tilespmem:s24+$0x70];
	[tilespmem:s16+$0xE0] =	vst v19;
	v20 =	vmul.f32 v20, v8  }
0x146: {  	s7 =	simm.s32 $0x10;
	s8 =	simm.s32 $0xE;
	v13 =	vand.u32 $0xFFFFFFFD, v24;
	v8 =	vbroadcast v21, $0x0;
	v21 =	vmul.f32 v23, v7;
	v19 =	vld [tilespmem:s24+$0xF0];
	[tilespmem:s16+$0x1E0] =	vst v25  }
.LBB2_5:
0x147: {  	p4 =	slt.u32 s7, $0x38;
	v12 =	vbroadcast v12, $0x0;
	v7 =	vmov s8;
	v6 =	vmul.f32 v15, v6;
	[tilespmem:s16+$0x170] =	vst v20;
	v15 =	vld [tilespmem:s24+$0x1F0]  }
0x148: {  	v13 =	vbroadcast v13, $0x0;
	v20 =	vand.u32 $0xFFFFFFFE, v7;
	v9 =	vld.idx.msk [tilespmem:v9+s13+$0x0], $0xffff;
	[tilespmem:s16+$0xFFFFFE70] =	vst v21;
	v5 =	vmul.f32 v14, v5  }
0x149: {  	v7 =	vld.idx.msk [tilespmem:v10+s13+$0x0], $0xffff;
	v10 =	vbroadcast v20, $0x0;
	[tilespmem:s16+$0xFFFFFEF0] =	vst v6;
	v4 =	vmul.f32 v16, v4  }
0x14a: {  	v6 =	vld.idx.msk [tilespmem:v11+s13+$0x0], $0xffff;
	[tilespmem:s16+$0xFFFFFF70] =	vst v5;
	v3 =	vmul.f32 v17, v3  }
0x14b: {  	v5 =	vld.idx.msk [tilespmem:v18+s13+$0x0], $0xffff;
	[tilespmem:s16+$0xFFFFFFF0] =	vst v4;
	v2 =	vmul.f32 v19, v2  }
0x14c: {  	v4 =	vld.idx.msk [tilespmem:v8+s13+$0x0], $0xffff;
	[tilespmem:s16+$0x70] =	vst v3;
	v8 =	vmul.f32 v15, v1  }
0x14d: {  	v3 =	vld.idx.msk [tilespmem:v12+s13+$0x0], $0xffff;
	[tilespmem:s16+$0xF0] =	vst v2  }
0x14e: {  	v1 =	vmov v9;
	v2 =	vld.idx.msk [tilespmem:v13+s13+$0x0], $0xffff;
	[tilespmem:s16+$0x1F0] =	vst v8  }
0x14f: {  	s24 =	sadd.s32 $0x400, s24;
	v8 =	vld.idx.msk [tilespmem:v10+s13+$0x0], $0xffff  }
0x150: {  	v9 =	vld [tilespmem:s24+$0x100]  }
0x151: {  	v10 =	vld [tilespmem:s24+$0xFFFFFE00]  }
0x152: {  	v11 =	vld [tilespmem:s24+$0xFFFFFE80]  }
0x153: {  	v12 =	vld [tilespmem:s24+$0xFFFFFF00]  }
0x154: {  	v13 =	vld [tilespmem:s24+$0xFFFFFF80]  }
0x155: {  	v14 =	vld [tilespmem:s24+$0x0];
	v9 =	vmul.f32 v9, v8  }
0x156: {  	s16 =	sadd.s32 $0x400, s16;
	v10 =	vmul.f32 v10, v7;
	v15 =	vld [tilespmem:s24+$0x80]  }
0x157: {  	v11 =	vmul.f32 v11, v6;
	[tilespmem:s16+$0x100] =	vst v9;
	v9 =	vld [tilespmem:s24+$0x180]  }
0x158: {  	[tilespmem:s16+$0xFFFFFE00] =	vst v10;
	v10 =	vmul.f32 v12, v5;
	v12 =	vld [tilespmem:s24+$0x110]  }
0x159: {  	v16 =	vld [tilespmem:s24+$0xFFFFFE10];
	[tilespmem:s16+$0xFFFFFE80] =	vst v11;
	v11 =	vmul.f32 v13, v4  }
0x15a: {  	v13 =	vld [tilespmem:s24+$0xFFFFFE90];
	[tilespmem:s16+$0xFFFFFF00] =	vst v10;
	v10 =	vmul.f32 v14, v3  }
0x15b: {  	v14 =	vld [tilespmem:s24+$0xFFFFFF10];
	[tilespmem:s16+$0xFFFFFF80] =	vst v11;
	v11 =	vmul.f32 v15, v2  }
0x15c: {  	v15 =	vld [tilespmem:s24+$0xFFFFFF90];
	[tilespmem:s16+$0x0] =	vst v10;
	v9 =	vmul.f32 v9, v1  }
0x15d: {  	v10 =	vld [tilespmem:s24+$0x10];
	[tilespmem:s16+$0x80] =	vst v11;
	v11 =	vmul.f32 v12, v8  }
0x15e: {  	v12 =	vmul.f32 v16, v7;
	v16 =	vld [tilespmem:s24+$0x90];
	[tilespmem:s16+$0x180] =	vst v9  }
0x15f: {  	v9 =	vmul.f32 v13, v6;
	[tilespmem:s16+$0x110] =	vst v11;
	v11 =	vld [tilespmem:s24+$0x190]  }
0x160: {  	[tilespmem:s16+$0xFFFFFE10] =	vst v12;
	v12 =	vmul.f32 v14, v5;
	v13 =	vld [tilespmem:s24+$0x120]  }
0x161: {  	v14 =	vld [tilespmem:s24+$0xFFFFFE20];
	[tilespmem:s16+$0xFFFFFE90] =	vst v9;
	v9 =	vmul.f32 v15, v4  }
0x162: {  	v15 =	vld [tilespmem:s24+$0xFFFFFEA0];
	[tilespmem:s16+$0xFFFFFF10] =	vst v12;
	v10 =	vmul.f32 v10, v3  }
0x163: {  	v12 =	vld [tilespmem:s24+$0xFFFFFF20];
	[tilespmem:s16+$0xFFFFFF90] =	vst v9;
	v9 =	vmul.f32 v16, v2  }
0x164: {  	v16 =	vld [tilespmem:s24+$0xFFFFFFA0];
	[tilespmem:s16+$0x10] =	vst v10;
	v10 =	vmul.f32 v11, v1  }
0x165: {  	v11 =	vld [tilespmem:s24+$0x20];
	[tilespmem:s16+$0x90] =	vst v9;
	v9 =	vmul.f32 v13, v8  }
0x166: {  	v13 =	vmul.f32 v14, v7;
	v14 =	vld [tilespmem:s24+$0xA0];
	[tilespmem:s16+$0x190] =	vst v10  }
0x167: {  	v10 =	vmul.f32 v15, v6;
	[tilespmem:s16+$0x120] =	vst v9;
	v9 =	vld [tilespmem:s24+$0x1A0]  }
0x168: {  	[tilespmem:s16+$0xFFFFFE20] =	vst v13;
	v12 =	vmul.f32 v12, v5;
	v13 =	vld [tilespmem:s24+$0x130]  }
0x169: {  	v15 =	vld [tilespmem:s24+$0xFFFFFE30];
	[tilespmem:s16+$0xFFFFFEA0] =	vst v10;
	v10 =	vmul.f32 v16, v4  }
0x16a: {  	v16 =	vld [tilespmem:s24+$0xFFFFFEB0];
	[tilespmem:s16+$0xFFFFFF20] =	vst v12;
	v11 =	vmul.f32 v11, v3  }
0x16b: {  	v12 =	vld [tilespmem:s24+$0xFFFFFF30];
	[tilespmem:s16+$0xFFFFFFA0] =	vst v10;
	v10 =	vmul.f32 v14, v2  }
0x16c: {  	v14 =	vld [tilespmem:s24+$0xFFFFFFB0];
	[tilespmem:s16+$0x20] =	vst v11;
	v9 =	vmul.f32 v9, v1  }
0x16d: {  	v11 =	vld [tilespmem:s24+$0x30];
	[tilespmem:s16+$0xA0] =	vst v10;
	v10 =	vmul.f32 v13, v8  }
0x16e: {  	v13 =	vmul.f32 v15, v7;
	v15 =	vld [tilespmem:s24+$0xB0];
	[tilespmem:s16+$0x1A0] =	vst v9  }
0x16f: {  	v9 =	vmul.f32 v16, v6;
	[tilespmem:s16+$0x130] =	vst v10;
	v10 =	vld [tilespmem:s24+$0x1B0]  }
0x170: {  	[tilespmem:s16+$0xFFFFFE30] =	vst v13;
	v12 =	vmul.f32 v12, v5;
	v13 =	vld [tilespmem:s24+$0x140]  }
0x171: {  	v16 =	vld [tilespmem:s24+$0xFFFFFE40];
	[tilespmem:s16+$0xFFFFFEB0] =	vst v9;
	v9 =	vmul.f32 v14, v4  }
0x172: {  	v14 =	vld [tilespmem:s24+$0xFFFFFEC0];
	[tilespmem:s16+$0xFFFFFF30] =	vst v12;
	v11 =	vmul.f32 v11, v3  }
0x173: {  	v12 =	vld [tilespmem:s24+$0xFFFFFF40];
	[tilespmem:s16+$0xFFFFFFB0] =	vst v9;
	v9 =	vmul.f32 v15, v2  }
0x174: {  	v15 =	vld [tilespmem:s24+$0xFFFFFFC0];
	[tilespmem:s16+$0x30] =	vst v11;
	v10 =	vmul.f32 v10, v1  }
0x175: {  	v11 =	vld [tilespmem:s24+$0x40];
	[tilespmem:s16+$0xB0] =	vst v9;
	v9 =	vmul.f32 v13, v8  }
0x176: {  	v13 =	vmul.f32 v16, v7;
	v16 =	vld [tilespmem:s24+$0xC0];
	[tilespmem:s16+$0x1B0] =	vst v10  }
0x177: {  	v10 =	vmul.f32 v14, v6;
	[tilespmem:s16+$0x140] =	vst v9;
	v9 =	vld [tilespmem:s24+$0x1C0]  }
0x178: {  	[tilespmem:s16+$0xFFFFFE40] =	vst v13;
	v12 =	vmul.f32 v12, v5;
	v13 =	vld [tilespmem:s24+$0x150]  }
0x179: {  	v14 =	vld [tilespmem:s24+$0xFFFFFE50];
	[tilespmem:s16+$0xFFFFFEC0] =	vst v10;
	v10 =	vmul.f32 v15, v4  }
0x17a: {  	v15 =	vld [tilespmem:s24+$0xFFFFFED0];
	[tilespmem:s16+$0xFFFFFF40] =	vst v12;
	v11 =	vmul.f32 v11, v3  }
0x17b: {  	v12 =	vld [tilespmem:s24+$0xFFFFFF50];
	[tilespmem:s16+$0xFFFFFFC0] =	vst v10;
	v10 =	vmul.f32 v16, v2  }
0x17c: {  	v16 =	vld [tilespmem:s24+$0xFFFFFFD0];
	[tilespmem:s16+$0x40] =	vst v11;
	v9 =	vmul.f32 v9, v1  }
0x17d: {  	v11 =	vld [tilespmem:s24+$0x50];
	[tilespmem:s16+$0xC0] =	vst v10;
	v10 =	vmul.f32 v13, v8  }
0x17e: {  	v13 =	vmul.f32 v14, v7;
	v14 =	vld [tilespmem:s24+$0xD0];
	[tilespmem:s16+$0x1C0] =	vst v9  }
0x17f: {  	v9 =	vmul.f32 v15, v6;
	[tilespmem:s16+$0x150] =	vst v10;
	v10 =	vld [tilespmem:s24+$0x1D0]  }
0x180: {  	[tilespmem:s16+$0xFFFFFE50] =	vst v13;
	v12 =	vmul.f32 v12, v5;
	v13 =	vld [tilespmem:s24+$0x160]  }
0x181: {  	v15 =	vld [tilespmem:s24+$0xFFFFFE60];
	[tilespmem:s16+$0xFFFFFED0] =	vst v9;
	v9 =	vmul.f32 v16, v4  }
0x182: {  	v16 =	vld [tilespmem:s24+$0xFFFFFEE0];
	[tilespmem:s16+$0xFFFFFF50] =	vst v12;
	v11 =	vmul.f32 v11, v3  }
0x183: {  	v12 =	vld [tilespmem:s24+$0xFFFFFF60];
	[tilespmem:s16+$0xFFFFFFD0] =	vst v9;
	v9 =	vmul.f32 v14, v2  }
0x184: {  	v14 =	vld [tilespmem:s24+$0xFFFFFFE0];
	[tilespmem:s16+$0x50] =	vst v11;
	v10 =	vmul.f32 v10, v1  }
0x185: {  	v11 =	vld [tilespmem:s24+$0x60];
	[tilespmem:s16+$0xD0] =	vst v9;
	v13 =	vmul.f32 v13, v8  }
0x186: {  	s8 =	sadd.s32 $0x7, s7;
	v9 =	vmov s7;
	v15 =	vmul.f32 v15, v7;
	v17 =	vld [tilespmem:s24+$0xE0];
	[tilespmem:s16+$0x1D0] =	vst v10  }
0x187: {  	s28 =	sadd.s32 $0x1, s7;
	s12 =	sadd.s32 $0x2, s7;
	v10 =	vand.u32 $0xFFFFFFF8, v9;
	v9 =	vmov s8;
	v16 =	vmul.f32 v16, v6;
	[tilespmem:s16+$0x160] =	vst v13;
	v13 =	vld [tilespmem:s24+$0x1E0]  }
0x188: {  	v18 =	vmov s28;
	v19 =	vmov s12;
	s12 =	sadd.s32 $0x4, s7;
	s8 =	sadd.s32 $0x3, s7;
	[tilespmem:s16+$0xFFFFFE60] =	vst v15;
	v12 =	vmul.f32 v12, v5;
	v20 =	vld [tilespmem:s24+$0x170]  }
0x189: {  	v22 =	vmov s12;
	v21 =	vmov s8;
	s8 =	sadd.s32 $0x5, s7;
	v23 =	vld [tilespmem:s24+$0xFFFFFE70];
	[tilespmem:s16+$0xFFFFFEE0] =	vst v16;
	v16 =	vmul.f32 v14, v4  }
.Ltmp3:
0x18a: {  	v10 =	vbroadcast v10, $0x0;
	v24 =	vmov s8;
	v15 =	vld [tilespmem:s24+$0xFFFFFEF0];
	[tilespmem:s16+$0xFFFFFF60] =	vst v12;
	v12 =	vmul.f32 v11, v3;
	(pc) =	sbr.rel @p4 .LBB2_5-.Ltmp3, $4  }
0x18b: {  	v11 =	vand.u32 $0xFFFFFFF9, v18;
	v18 =	vand.u32 $0xFFFFFFFA, v19;
	v14 =	vld [tilespmem:s24+$0xFFFFFF70];
	[tilespmem:s16+$0xFFFFFFE0] =	vst v16;
	v19 =	vmul.f32 v17, v2  }
0x18c: {  	v21 =	vand.u32 $0xFFFFFFFB, v21;
	v11 =	vbroadcast v11, $0x0;
	v16 =	vld [tilespmem:s24+$0xFFFFFFF0];
	[tilespmem:s16+$0x60] =	vst v12;
	v25 =	vmul.f32 v13, v1  }
0x18d: {  	v18 =	vbroadcast v18, $0x0;
	v12 =	vand.u32 $0xFFFFFFFC, v22;
	v17 =	vld [tilespmem:s24+$0x70];
	[tilespmem:s16+$0xE0] =	vst v19;
	v20 =	vmul.f32 v20, v8  }
0x18e: {  	s8 =	sadd.s32 $0x6, s7;
	s7 =	sadd.s32 $0x8, s7;
	v13 =	vand.u32 $0xFFFFFFFD, v24;
	v8 =	vbroadcast v21, $0x0;
	v21 =	vmul.f32 v23, v7;
	v19 =	vld [tilespmem:s24+$0xF0];
	[tilespmem:s16+$0x1E0] =	vst v25  }
0x18f: {  	_ =	sdelay $0x2  }
0x190: {  	v23 =	vld [tilespmem:s24+$0x1F0]  }
0x191: {  	v7 =	vmov s8;
	v24 =	vbroadcast v13, $0x0;
	v13 =	vld.idx.msk [tilespmem:v10+s13+$0x0], $0xffff  }
0x192: {  	v22 =	vbroadcast v12, $0x0;
	v12 =	vand.u32 $0xFFFFFFFE, v7;
	v7 =	vld.idx.msk [tilespmem:v9+s13+$0x0], $0xffff  }
0x193: {  	s7 =	sadd.s32 $0x400, s24;
	v10 =	vld.idx.msk [tilespmem:v8+s13+$0x0], $0xffff;
	v25 =	vbroadcast v12, $0x0  }
0x194: {  	v5 =	vmul.f32 v14, v5;
	v14 =	vld [tilespmem:s7+$0x100]  }
0x195: {  	v15 =	vmul.f32 v15, v6;
	v12 =	vld.idx.msk [tilespmem:v11+s13+$0x0], $0xffff  }
0x196: {  	v11 =	vld.idx.msk [tilespmem:v18+s13+$0x0], $0xffff  }
0x197: {  	[tilespmem:s16+$0xFFFFFEF0] =	vst v15;
	v15 =	vld [tilespmem:s7+$0xFFFFFE00]  }
0x198: {  	v4 =	vmul.f32 v16, v4;
	[tilespmem:s16+$0xFFFFFF70] =	vst v5;
	v5 =	vld [tilespmem:s7+$0xFFFFFE80]  }
0x199: {  	v3 =	vmul.f32 v17, v3;
	v6 =	vld.idx.msk [tilespmem:v25+s13+$0x0], $0xffff  }
0x19a: {  	[tilespmem:s16+$0xFFFFFFF0] =	vst v4;
	v4 =	vld [tilespmem:s7+$0xFFFFFF00]  }
0x19b: {  	[tilespmem:s16+$0x70] =	vst v3;
	v3 =	vld [tilespmem:s7+$0xFFFFFF80]  }
0x19c: {  	[tilespmem:s16+$0x170] =	vst v20;
	v2 =	vmul.f32 v19, v2;
	v9 =	vld.idx.msk [tilespmem:v22+s13+$0x0], $0xffff  }
0x19d: {  	[tilespmem:s16+$0xFFFFFE70] =	vst v21;
	v1 =	vmul.f32 v23, v1;
	v8 =	vld.idx.msk [tilespmem:v24+s13+$0x0], $0xffff  }
0x19e: {  	[tilespmem:s16+$0xF0] =	vst v2;
	v2 =	vld [tilespmem:s7+$0x0];
	v14 =	vmul.f32 v14, v6  }
0x19f: {  	s28 =	sadd.s32 $0x400, s16;
	[tilespmem:s16+$0x1F0] =	vst v1;
	v1 =	vmul.f32 v15, v13;
	v15 =	vld [tilespmem:s7+$0x80]  }
0x1a0: {  	v5 =	vmul.f32 v5, v12;
	[tilespmem:s28+$0x100] =	vst v14;
	v14 =	vld [tilespmem:s7+$0x180]  }
0x1a1: {  	[tilespmem:s28+$0xFFFFFE00] =	vst v1;
	v1 =	vmul.f32 v4, v11;
	v4 =	vld [tilespmem:s7+$0x110]  }
0x1a2: {  	v16 =	vld [tilespmem:s7+$0xFFFFFE10];
	[tilespmem:s28+$0xFFFFFE80] =	vst v5;
	v3 =	vmul.f32 v3, v10  }
0x1a3: {  	v5 =	vld [tilespmem:s7+$0xFFFFFE90];
	[tilespmem:s28+$0xFFFFFF00] =	vst v1;
	v1 =	vmul.f32 v2, v9  }
0x1a4: {  	v2 =	vld [tilespmem:s7+$0xFFFFFF10];
	[tilespmem:s28+$0xFFFFFF80] =	vst v3;
	v3 =	vmul.f32 v15, v8  }
0x1a5: {  	v15 =	vld [tilespmem:s7+$0xFFFFFF90];
	[tilespmem:s28+$0x0] =	vst v1;
	v1 =	vmul.f32 v14, v7  }
0x1a6: {  	[tilespmem:s28+$0x80] =	vst v3;
	v14 =	vld [tilespmem:s7+$0x10];
	v3 =	vmul.f32 v4, v6  }
0x1a7: {  	v4 =	vmul.f32 v16, v13;
	v16 =	vld [tilespmem:s7+$0x90];
	[tilespmem:s28+$0x180] =	vst v1  }
0x1a8: {  	v1 =	vmul.f32 v5, v12;
	[tilespmem:s28+$0x110] =	vst v3;
	v3 =	vld [tilespmem:s7+$0x190]  }
0x1a9: {  	v2 =	vmul.f32 v2, v11;
	[tilespmem:s28+$0xFFFFFE10] =	vst v4;
	v4 =	vld [tilespmem:s7+$0x120]  }
0x1aa: {  	v5 =	vld [tilespmem:s7+$0xFFFFFE20];
	[tilespmem:s28+$0xFFFFFE90] =	vst v1;
	v1 =	vmul.f32 v15, v10  }
0x1ab: {  	[tilespmem:s28+$0xFFFFFF10] =	vst v2;
	v15 =	vld [tilespmem:s7+$0xFFFFFEA0];
	v2 =	vmul.f32 v14, v9  }
0x1ac: {  	v14 =	vld [tilespmem:s7+$0xFFFFFF20];
	[tilespmem:s28+$0xFFFFFF90] =	vst v1;
	v1 =	vmul.f32 v16, v8  }
0x1ad: {  	v16 =	vld [tilespmem:s7+$0xFFFFFFA0];
	[tilespmem:s28+$0x10] =	vst v2;
	v2 =	vmul.f32 v3, v7  }
0x1ae: {  	v3 =	vld [tilespmem:s7+$0x20];
	[tilespmem:s28+$0x90] =	vst v1;
	v1 =	vmul.f32 v4, v6  }
0x1af: {  	v4 =	vmul.f32 v5, v13;
	v5 =	vld [tilespmem:s7+$0xA0];
	[tilespmem:s28+$0x190] =	vst v2  }
0x1b0: {  	v2 =	vmul.f32 v15, v12;
	[tilespmem:s28+$0x120] =	vst v1;
	v1 =	vld [tilespmem:s7+$0x1A0]  }
0x1b1: {  	[tilespmem:s28+$0xFFFFFE20] =	vst v4;
	v4 =	vmul.f32 v14, v11;
	v14 =	vld [tilespmem:s7+$0x130]  }
0x1b2: {  	v15 =	vld [tilespmem:s7+$0xFFFFFE30];
	[tilespmem:s28+$0xFFFFFEA0] =	vst v2;
	v2 =	vmul.f32 v16, v10  }
0x1b3: {  	v16 =	vld [tilespmem:s7+$0xFFFFFEB0];
	[tilespmem:s28+$0xFFFFFF20] =	vst v4;
	v3 =	vmul.f32 v3, v9  }
0x1b4: {  	v4 =	vld [tilespmem:s7+$0xFFFFFF30];
	[tilespmem:s28+$0xFFFFFFA0] =	vst v2;
	v2 =	vmul.f32 v5, v8  }
0x1b5: {  	v5 =	vld [tilespmem:s7+$0xFFFFFFB0];
	[tilespmem:s28+$0x20] =	vst v3;
	v1 =	vmul.f32 v1, v7  }
0x1b6: {  	v3 =	vld [tilespmem:s7+$0x30];
	[tilespmem:s28+$0xA0] =	vst v2;
	v2 =	vmul.f32 v14, v6  }
0x1b7: {  	v14 =	vmul.f32 v15, v13;
	v15 =	vld [tilespmem:s7+$0xB0];
	[tilespmem:s28+$0x1A0] =	vst v1  }
0x1b8: {  	v1 =	vmul.f32 v16, v12;
	[tilespmem:s28+$0x130] =	vst v2;
	v2 =	vld [tilespmem:s7+$0x1B0]  }
0x1b9: {  	[tilespmem:s28+$0xFFFFFE30] =	vst v14;
	v4 =	vmul.f32 v4, v11;
	v14 =	vld [tilespmem:s7+$0x140]  }
0x1ba: {  	v16 =	vld [tilespmem:s7+$0xFFFFFE40];
	[tilespmem:s28+$0xFFFFFEB0] =	vst v1;
	v1 =	vmul.f32 v5, v10  }
0x1bb: {  	v5 =	vld [tilespmem:s7+$0xFFFFFEC0];
	[tilespmem:s28+$0xFFFFFF30] =	vst v4;
	v3 =	vmul.f32 v3, v9  }
0x1bc: {  	v4 =	vld [tilespmem:s7+$0xFFFFFF40];
	[tilespmem:s28+$0xFFFFFFB0] =	vst v1;
	v1 =	vmul.f32 v15, v8  }
0x1bd: {  	v15 =	vld [tilespmem:s7+$0xFFFFFFC0];
	[tilespmem:s28+$0x30] =	vst v3;
	v2 =	vmul.f32 v2, v7  }
0x1be: {  	v3 =	vld [tilespmem:s7+$0x40];
	[tilespmem:s28+$0xB0] =	vst v1;
	v1 =	vmul.f32 v14, v6  }
0x1bf: {  	v14 =	vmul.f32 v16, v13;
	v16 =	vld [tilespmem:s7+$0xC0];
	[tilespmem:s28+$0x1B0] =	vst v2  }
0x1c0: {  	v2 =	vmul.f32 v5, v12;
	[tilespmem:s28+$0x140] =	vst v1;
	v1 =	vld [tilespmem:s7+$0x1C0]  }
0x1c1: {  	[tilespmem:s28+$0xFFFFFE40] =	vst v14;
	v4 =	vmul.f32 v4, v11;
	v5 =	vld [tilespmem:s7+$0x150]  }
0x1c2: {  	v14 =	vld [tilespmem:s7+$0xFFFFFE50];
	[tilespmem:s28+$0xFFFFFEC0] =	vst v2;
	v2 =	vmul.f32 v15, v10  }
0x1c3: {  	v15 =	vld [tilespmem:s7+$0xFFFFFED0];
	[tilespmem:s28+$0xFFFFFF40] =	vst v4;
	v3 =	vmul.f32 v3, v9  }
0x1c4: {  	v4 =	vld [tilespmem:s7+$0xFFFFFF50];
	[tilespmem:s28+$0xFFFFFFC0] =	vst v2;
	v2 =	vmul.f32 v16, v8  }
0x1c5: {  	v16 =	vld [tilespmem:s7+$0xFFFFFFD0];
	[tilespmem:s28+$0x40] =	vst v3;
	v1 =	vmul.f32 v1, v7  }
0x1c6: {  	v3 =	vld [tilespmem:s7+$0x50];
	[tilespmem:s28+$0xC0] =	vst v2;
	v2 =	vmul.f32 v5, v6  }
0x1c7: {  	v5 =	vmul.f32 v14, v13;
	v14 =	vld [tilespmem:s7+$0xD0];
	[tilespmem:s28+$0x1C0] =	vst v1  }
0x1c8: {  	v1 =	vmul.f32 v15, v12;
	[tilespmem:s28+$0x150] =	vst v2;
	v2 =	vld [tilespmem:s7+$0x1D0]  }
0x1c9: {  	[tilespmem:s28+$0xFFFFFE50] =	vst v5;
	v4 =	vmul.f32 v4, v11;
	v5 =	vld [tilespmem:s7+$0x160]  }
0x1ca: {  	v15 =	vld [tilespmem:s7+$0xFFFFFE60];
	[tilespmem:s28+$0xFFFFFED0] =	vst v1;
	v1 =	vmul.f32 v16, v10  }
0x1cb: {  	v16 =	vld [tilespmem:s7+$0xFFFFFEE0];
	[tilespmem:s28+$0xFFFFFF50] =	vst v4;
	v3 =	vmul.f32 v3, v9  }
0x1cc: {  	v4 =	vld [tilespmem:s7+$0xFFFFFF60];
	[tilespmem:s28+$0xFFFFFFD0] =	vst v1;
	v1 =	vmul.f32 v14, v8  }
0x1cd: {  	v14 =	vld [tilespmem:s7+$0xFFFFFFE0];
	[tilespmem:s28+$0x50] =	vst v3;
	v2 =	vmul.f32 v2, v7  }
0x1ce: {  	v3 =	vld [tilespmem:s7+$0x60];
	[tilespmem:s28+$0xD0] =	vst v1;
	v1 =	vmul.f32 v5, v6  }
0x1cf: {  	v5 =	vmul.f32 v15, v13;
	v15 =	vld [tilespmem:s7+$0xE0];
	[tilespmem:s28+$0x1D0] =	vst v2  }
0x1d0: {  	v2 =	vmul.f32 v16, v12;
	[tilespmem:s28+$0x160] =	vst v1;
	v1 =	vld [tilespmem:s7+$0x1E0]  }
0x1d1: {  	[tilespmem:s28+$0xFFFFFE60] =	vst v5;
	v4 =	vmul.f32 v4, v11;
	v5 =	vld [tilespmem:s7+$0x170]  }
0x1d2: {  	v16 =	vld [tilespmem:s7+$0xFFFFFE70];
	[tilespmem:s28+$0xFFFFFEE0] =	vst v2;
	v2 =	vmul.f32 v14, v10  }
0x1d3: {  	v14 =	vld [tilespmem:s7+$0xFFFFFEF0];
	[tilespmem:s28+$0xFFFFFF60] =	vst v4;
	v3 =	vmul.f32 v3, v9  }
0x1d4: {  	v4 =	vld [tilespmem:s7+$0xFFFFFF70];
	[tilespmem:s28+$0xFFFFFFE0] =	vst v2;
	v2 =	vmul.f32 v15, v8  }
0x1d5: {  	v15 =	vld [tilespmem:s7+$0xFFFFFFF0];
	[tilespmem:s28+$0x60] =	vst v3;
	v1 =	vmul.f32 v1, v7  }
0x1d6: {  	v3 =	vld [tilespmem:s7+$0x70];
	[tilespmem:s28+$0xE0] =	vst v2;
	v2 =	vmul.f32 v5, v6  }
0x1d7: {  	v5 =	vmul.f32 v16, v13;
	v6 =	vld [tilespmem:s7+$0xF0];
	[tilespmem:s28+$0x1E0] =	vst v1  }
0x1d8: {  	v1 =	vmul.f32 v14, v12;
	[tilespmem:s28+$0x170] =	vst v2;
	v2 =	vld [tilespmem:s7+$0x1F0]  }
0x1d9: {  	[tilespmem:s28+$0xFFFFFE70] =	vst v5;
	v4 =	vmul.f32 v4, v11  }
0x1da: {  	[tilespmem:s28+$0xFFFFFEF0] =	vst v1;
	v1 =	vmul.f32 v15, v10  }
0x1db: {  	[tilespmem:s28+$0xFFFFFF70] =	vst v4;
	v3 =	vmul.f32 v3, v9  }
0x1dc: {  	[tilespmem:s28+$0xFFFFFFF0] =	vst v1;
	v1 =	vmul.f32 v6, v8  }
0x1dd: {  	[tilespmem:s28+$0x70] =	vst v3;
	v2 =	vmul.f32 v2, v7  }
0x1de: {  	[tilespmem:s28+$0xF0] =	vst v1  }
0x1df: {  	s8 =	simm.s32 $0x13D00;
	s12 =	simm.s32 $0x19E80;
	[tilespmem:s28+$0x1F0] =	vst v2  }
0x1e0: {  	[spmem:s5] =	stream.indirect.scatter.add.f32 [tilespmem:s12], [sflag:$0xA], $0x80, s8, s23, $0xb8;
	[tilespmem:$0x1FE80] =	vst v63  }
0x1e1: {  	s24 =	simm.s32 $0x13A40;
	s16 =	simm.s32 $0x13E80  }
0x1e2: {  	[tilespmem:s16], [sflag:$0x7] =	stream.indirect.gather [hbm4b:s1+s23], $0x80, s24, s23, $0xb8;
	[tilespmem:$0x1FE80] =	vst v63  }
0x1e3: {  	_ =	swait.ge [sflag:s10], $0x2000  }
0x1e4: {  	[sflag:s10] =	ssyncset.done $0x0  }
0x1e5: {  	s7 =	simm.s32 @!p3 $0xB;
	[sflag:s10] =	ssyncadd.s32 $0xFFFFE000  }
0x1e6: {  	_ =	swait.ge @!p3 [sflag:s7], $0x2000  }
0x1e7: {  	[sflag:s7] =	ssyncset.done @!p3 $0x0  }
0x1e8: {  	[sflag:s7] =	ssyncadd.s32 @!p3 $0xFFFFE000  }
0x1e9: {  	s25 =	simm.s32 $0x40;
	s12 =	simm.s32 $0x41;
	v1 =	vld [tilespmem:$0x138C0]  }
0x1ea: {  	v4 =	vmov s25;
	v7 =	vmov s12;
	s12 =	simm.s32 $0x42;
	v2 =	vld [tilespmem:$0x138D0]  }
0x1eb: {  	v4 =	vand.u32 $0xFFFFFFF8, v4;
	v8 =	vmov s12;
	v3 =	vld [tilespmem:$0x138E0]  }
0x1ec: {  	v4 =	vbroadcast v4, $0x0;
	v8 =	vand.u32 $0xFFFFFFFA, v8;
	v5 =	vld [tilespmem:$0x138F0]  }
0x1ed: {  	v8 =	vbroadcast v8, $0x0  }
0x1ee: {  	s28 =	simm.s32 $0x47;
	s16 =	simm.s32 $0x43;
	v7 =	vand.u32 $0xFFFFFFF9, v7;
	[tilespmem:$0x13D80] =	vst v1  }
0x1ef: {  	v6 =	vmov s28;
	s24 =	simm.s32 $0x44;
	v9 =	vbroadcast v7, $0x0;
	v1 =	vmov s16;
	[tilespmem:$0x13D90] =	vst v2  }
0x1f0: {  	s25 =	simm.s32 $0x45;
	v2 =	vmov s24;
	[tilespmem:$0x13DA0] =	vst v3;
	v1 =	vand.u32 $0xFFFFFFFB, v1  }
0x1f1: {  	s28 =	simm.s32 $0x46;
	v3 =	vmov s25;
	[tilespmem:$0x13DB0] =	vst v5;
	v2 =	vand.u32 $0xFFFFFFFC, v2;
	v10 =	vbroadcast v1, $0x0  }
0x1f2: {  	v7 =	vld.idx.msk [tilespmem:v4+s13+$0x0], $0xffff;
	v1 =	vand.u32 $0xFFFFFFFD, v3;
	v2 =	vbroadcast v2, $0x0;
	v3 =	vmov s28  }
0x1f3: {  	v5 =	vld.idx.msk [tilespmem:v8+s13+$0x0], $0xffff;
	v3 =	vand.u32 $0xFFFFFFFE, v3  }
0x1f4: {  	v11 =	vbroadcast v1, $0x0;
	v1 =	vld.idx.msk [tilespmem:v6+s13+$0x0], $0xffff;
	v12 =	vbroadcast v3, $0x0  }
0x1f5: {  	s16 =	simm.s32 $0x16080;
	v6 =	vld.idx.msk [tilespmem:v9+s13+$0x0], $0xffff  }
0x1f6: {  	v9 =	vld [tilespmem:s16+$0x100]  }
0x1f7: {  	v4 =	vld.idx.msk [tilespmem:v10+s13+$0x0], $0xffff  }
0x1f8: {  	v3 =	vld.idx.msk [tilespmem:v2+s13+$0x0], $0xffff  }
0x1f9: {  	v10 =	vld [tilespmem:s16+$0xFFFFFE00]  }
0x1fa: {  	v8 =	vld.idx.msk [tilespmem:v12+s13+$0x0], $0xffff  }
0x1fb: {  	v2 =	vld.idx.msk [tilespmem:v11+s13+$0x0], $0xffff  }
0x1fc: {  	v11 =	vld [tilespmem:s16+$0xFFFFFE80]  }
0x1fd: {  	v12 =	vld [tilespmem:s16+$0xFFFFFF00]  }
0x1fe: {  	v13 =	vld [tilespmem:s16+$0xFFFFFF80]  }
0x1ff: {  	v14 =	vld [tilespmem:s16+$0x0];
	v9 =	vmul.f32 v9, v8  }
0x200: {  	s7 =	simm.s32 $0x1C080;
	v15 =	vld [tilespmem:s16+$0x80];
	v10 =	vmul.f32 v10, v7  }
0x201: {  	v11 =	vmul.f32 v11, v6;
	[tilespmem:s7+$0x100] =	vst v9;
	v9 =	vld [tilespmem:s16+$0x180]  }
0x202: {  	[tilespmem:s7+$0xFFFFFE00] =	vst v10;
	v10 =	vmul.f32 v12, v5;
	v12 =	vld [tilespmem:s16+$0x110]  }
0x203: {  	v16 =	vld [tilespmem:s16+$0xFFFFFE10];
	[tilespmem:s7+$0xFFFFFE80] =	vst v11;
	v11 =	vmul.f32 v13, v4  }
0x204: {  	v13 =	vld [tilespmem:s16+$0xFFFFFE90];
	[tilespmem:s7+$0xFFFFFF00] =	vst v10;
	v10 =	vmul.f32 v14, v3  }
0x205: {  	v14 =	vld [tilespmem:s16+$0xFFFFFF10];
	[tilespmem:s7+$0xFFFFFF80] =	vst v11;
	v11 =	vmul.f32 v15, v2  }
0x206: {  	v15 =	vld [tilespmem:s16+$0xFFFFFF90];
	[tilespmem:s7+$0x0] =	vst v10;
	v9 =	vmul.f32 v9, v1  }
0x207: {  	v10 =	vld [tilespmem:s16+$0x10];
	[tilespmem:s7+$0x80] =	vst v11;
	v11 =	vmul.f32 v12, v8  }
0x208: {  	v12 =	vmul.f32 v16, v7;
	v16 =	vld [tilespmem:s16+$0x90];
	[tilespmem:s7+$0x180] =	vst v9  }
0x209: {  	v9 =	vmul.f32 v13, v6;
	[tilespmem:s7+$0x110] =	vst v11;
	v11 =	vld [tilespmem:s16+$0x190]  }
0x20a: {  	[tilespmem:s7+$0xFFFFFE10] =	vst v12;
	v12 =	vmul.f32 v14, v5;
	v13 =	vld [tilespmem:s16+$0x120]  }
0x20b: {  	v14 =	vld [tilespmem:s16+$0xFFFFFE20];
	[tilespmem:s7+$0xFFFFFE90] =	vst v9;
	v9 =	vmul.f32 v15, v4  }
0x20c: {  	v10 =	vmul.f32 v10, v3;
	v15 =	vld [tilespmem:s16+$0xFFFFFEA0];
	[tilespmem:s7+$0xFFFFFF10] =	vst v12  }
0x20d: {  	v12 =	vld [tilespmem:s16+$0xFFFFFF20];
	[tilespmem:s7+$0xFFFFFF90] =	vst v9;
	v9 =	vmul.f32 v16, v2  }
0x20e: {  	[tilespmem:s7+$0x10] =	vst v10;
	v16 =	vld [tilespmem:s16+$0xFFFFFFA0];
	v10 =	vmul.f32 v11, v1  }
0x20f: {  	v11 =	vld [tilespmem:s16+$0x20];
	[tilespmem:s7+$0x90] =	vst v9;
	v9 =	vmul.f32 v13, v8  }
0x210: {  	v13 =	vmul.f32 v14, v7;
	v14 =	vld [tilespmem:s16+$0xA0];
	[tilespmem:s7+$0x190] =	vst v10  }
0x211: {  	v10 =	vmul.f32 v15, v6;
	[tilespmem:s7+$0x120] =	vst v9;
	v9 =	vld [tilespmem:s16+$0x1A0]  }
0x212: {  	[tilespmem:s7+$0xFFFFFE20] =	vst v13;
	v12 =	vmul.f32 v12, v5;
	v13 =	vld [tilespmem:s16+$0x130]  }
0x213: {  	v15 =	vld [tilespmem:s16+$0xFFFFFE30];
	[tilespmem:s7+$0xFFFFFEA0] =	vst v10;
	v10 =	vmul.f32 v16, v4  }
0x214: {  	v16 =	vld [tilespmem:s16+$0xFFFFFEB0];
	[tilespmem:s7+$0xFFFFFF20] =	vst v12;
	v11 =	vmul.f32 v11, v3  }
0x215: {  	v12 =	vld [tilespmem:s16+$0xFFFFFF30];
	[tilespmem:s7+$0xFFFFFFA0] =	vst v10;
	v10 =	vmul.f32 v14, v2  }
0x216: {  	v14 =	vld [tilespmem:s16+$0xFFFFFFB0];
	[tilespmem:s7+$0x20] =	vst v11;
	v9 =	vmul.f32 v9, v1  }
0x217: {  	v11 =	vld [tilespmem:s16+$0x30];
	[tilespmem:s7+$0xA0] =	vst v10;
	v10 =	vmul.f32 v13, v8  }
0x218: {  	v13 =	vmul.f32 v15, v7;
	v15 =	vld [tilespmem:s16+$0xB0];
	[tilespmem:s7+$0x1A0] =	vst v9  }
0x219: {  	v9 =	vmul.f32 v16, v6;
	[tilespmem:s7+$0x130] =	vst v10;
	v10 =	vld [tilespmem:s16+$0x1B0]  }
0x21a: {  	[tilespmem:s7+$0xFFFFFE30] =	vst v13;
	v12 =	vmul.f32 v12, v5;
	v13 =	vld [tilespmem:s16+$0x140]  }
0x21b: {  	v16 =	vld [tilespmem:s16+$0xFFFFFE40];
	[tilespmem:s7+$0xFFFFFEB0] =	vst v9;
	v9 =	vmul.f32 v14, v4  }
0x21c: {  	v14 =	vld [tilespmem:s16+$0xFFFFFEC0];
	[tilespmem:s7+$0xFFFFFF30] =	vst v12;
	v11 =	vmul.f32 v11, v3  }
0x21d: {  	v12 =	vld [tilespmem:s16+$0xFFFFFF40];
	[tilespmem:s7+$0xFFFFFFB0] =	vst v9;
	v9 =	vmul.f32 v15, v2  }
0x21e: {  	v15 =	vld [tilespmem:s16+$0xFFFFFFC0];
	[tilespmem:s7+$0x30] =	vst v11;
	v10 =	vmul.f32 v10, v1  }
0x21f: {  	v11 =	vld [tilespmem:s16+$0x40];
	[tilespmem:s7+$0xB0] =	vst v9;
	v9 =	vmul.f32 v13, v8  }
0x220: {  	v13 =	vmul.f32 v16, v7;
	v16 =	vld [tilespmem:s16+$0xC0];
	[tilespmem:s7+$0x1B0] =	vst v10  }
0x221: {  	v10 =	vmul.f32 v14, v6;
	[tilespmem:s7+$0x140] =	vst v9;
	v9 =	vld [tilespmem:s16+$0x1C0]  }
0x222: {  	[tilespmem:s7+$0xFFFFFE40] =	vst v13;
	v12 =	vmul.f32 v12, v5;
	v13 =	vld [tilespmem:s16+$0x150]  }
0x223: {  	v14 =	vld [tilespmem:s16+$0xFFFFFE50];
	[tilespmem:s7+$0xFFFFFEC0] =	vst v10;
	v10 =	vmul.f32 v15, v4  }
0x224: {  	v15 =	vld [tilespmem:s16+$0xFFFFFED0];
	[tilespmem:s7+$0xFFFFFF40] =	vst v12;
	v11 =	vmul.f32 v11, v3  }
0x225: {  	v12 =	vld [tilespmem:s16+$0xFFFFFF50];
	[tilespmem:s7+$0xFFFFFFC0] =	vst v10;
	v10 =	vmul.f32 v16, v2  }
0x226: {  	v16 =	vld [tilespmem:s16+$0xFFFFFFD0];
	[tilespmem:s7+$0x40] =	vst v11;
	v9 =	vmul.f32 v9, v1  }
0x227: {  	v17 =	vld [tilespmem:s16+$0x50];
	[tilespmem:s7+$0xC0] =	vst v10;
	v10 =	vmul.f32 v13, v8  }
0x228: {  	v11 =	vmul.f32 v14, v7;
	v14 =	vld [tilespmem:s16+$0xD0];
	[tilespmem:s7+$0x1C0] =	vst v9  }
0x229: {  	v9 =	vmul.f32 v15, v6;
	[tilespmem:s7+$0x150] =	vst v10;
	v63 =	vld [tilespmem:s16+$0x1D0]  }
0x22a: {  	[tilespmem:s7+$0xFFFFFE50] =	vst v11;
	v10 =	vmul.f32 v12, v5;
	v13 =	vld [tilespmem:s16+$0x160]  }
0x22b: {  	v12 =	vld [tilespmem:s16+$0xFFFFFE60];
	[tilespmem:s7+$0xFFFFFED0] =	vst v9;
	v9 =	vmul.f32 v16, v4  }
0x22c: {  	v11 =	vld [tilespmem:s16+$0xFFFFFEE0];
	[tilespmem:s7+$0xFFFFFF50] =	vst v10;
	v16 =	vmul.f32 v17, v3  }
0x22d: {  	v10 =	vld [tilespmem:s16+$0xFFFFFF60];
	[tilespmem:s7+$0xFFFFFFD0] =	vst v9;
	v15 =	vmul.f32 v14, v2  }
0x22e: {  	s24 =	simm.s32 $0x0;
	v9 =	vld [tilespmem:s16+$0xFFFFFFE0];
	[tilespmem:s7+$0x50] =	vst v16;
	v14 =	vmul.f32 v63, v1  }
.LBB2_7:
0x22f: {  	s8 =	sadd.s32 $0x4F, s24;
	v16 =	vld [tilespmem:s16+$0x60];
	[tilespmem:s7+$0xD0] =	vst v15;
	v13 =	vmul.f32 v13, v8  }
0x230: {  	s12 =	sadd.s32 $0x48, s24;
	s28 =	sadd.s32 $0x49, s24;
	v15 =	vmov s8;
	v12 =	vmul.f32 v12, v7;
	v17 =	vld [tilespmem:s16+$0xE0];
	[tilespmem:s7+$0x1D0] =	vst v14  }
0x231: {  	v14 =	vmov s12;
	v18 =	vmov s28;
	s8 =	sadd.s32 $0x4A, s24;
	s12 =	sadd.s32 $0x4B, s24;
	v11 =	vmul.f32 v11, v6;
	[tilespmem:s7+$0x160] =	vst v13;
	v13 =	vld [tilespmem:s16+$0x1E0]  }
0x232: {  	v19 =	vmov s8;
	v20 =	vmov s12;
	s8 =	sadd.s32 $0x4C, s24;
	s12 =	sadd.s32 $0x4D, s24;
	[tilespmem:s7+$0xFFFFFE60] =	vst v12;
	v10 =	vmul.f32 v10, v5;
	v12 =	vld [tilespmem:s16+$0x170]  }
0x233: {  	v21 =	vmov s8;
	v22 =	vmov s12;
	v23 =	vld [tilespmem:s16+$0xFFFFFE70];
	[tilespmem:s7+$0xFFFFFEE0] =	vst v11;
	v9 =	vmul.f32 v9, v4  }
0x234: {  	v11 =	vand.u32 $0xFFFFFFF8, v14;
	v14 =	vand.u32 $0xFFFFFFF9, v18;
	v18 =	vld [tilespmem:s16+$0xFFFFFEF0];
	[tilespmem:s7+$0xFFFFFF60] =	vst v10;
	v10 =	vmul.f32 v16, v3  }
0x235: {  	v11 =	vbroadcast v11, $0x0;
	v16 =	vand.u32 $0xFFFFFFFA, v19;
	v19 =	vld [tilespmem:s16+$0xFFFFFF70];
	[tilespmem:s7+$0xFFFFFFE0] =	vst v9;
	v9 =	vmul.f32 v17, v2  }
0x236: {  	v14 =	vbroadcast v14, $0x0;
	v17 =	vand.u32 $0xFFFFFFFB, v20;
	v20 =	vld [tilespmem:s16+$0xFFFFFFF0];
	[tilespmem:s7+$0x60] =	vst v10;
	v10 =	vmul.f32 v13, v1  }
0x237: {  	v13 =	vbroadcast v16, $0x0;
	v16 =	vand.u32 $0xFFFFFFFC, v21;
	v21 =	vld [tilespmem:s16+$0x70];
	[tilespmem:s7+$0xE0] =	vst v9;
	v8 =	vmul.f32 v12, v8  }
0x238: {  	s8 =	sadd.s32 $0x4E, s24;
	s24 =	sadd.s32 $0x8, s24;
	v9 =	vbroadcast v17, $0x0;
	v12 =	vand.u32 $0xFFFFFFFD, v22;
	v7 =	vmul.f32 v23, v7;
	v17 =	vld [tilespmem:s16+$0xF0];
	[tilespmem:s7+$0x1E0] =	vst v10  }
0x239: {  	p4 =	slt.u32 s24, $0x38;
	v10 =	vbroadcast v16, $0x0;
	v16 =	vmov s8;
	v6 =	vmul.f32 v18, v6;
	[tilespmem:s7+$0x170] =	vst v8;
	v8 =	vld [tilespmem:s16+$0x1F0]  }
0x23a: {  	v12 =	vbroadcast v12, $0x0;
	v16 =	vand.u32 $0xFFFFFFFE, v16;
	v15 =	vld.idx.msk [tilespmem:v15+s13+$0x0], $0xffff;
	[tilespmem:s7+$0xFFFFFE70] =	vst v7;
	v5 =	vmul.f32 v19, v5  }
0x23b: {  	v7 =	vld.idx.msk [tilespmem:v11+s13+$0x0], $0xffff;
	v11 =	vbroadcast v16, $0x0;
	[tilespmem:s7+$0xFFFFFEF0] =	vst v6;
	v4 =	vmul.f32 v20, v4  }
0x23c: {  	v6 =	vld.idx.msk [tilespmem:v14+s13+$0x0], $0xffff;
	[tilespmem:s7+$0xFFFFFF70] =	vst v5;
	v3 =	vmul.f32 v21, v3  }
0x23d: {  	v5 =	vld.idx.msk [tilespmem:v13+s13+$0x0], $0xffff;
	[tilespmem:s7+$0xFFFFFFF0] =	vst v4;
	v2 =	vmul.f32 v17, v2  }
0x23e: {  	v4 =	vld.idx.msk [tilespmem:v9+s13+$0x0], $0xffff;
	[tilespmem:s7+$0x70] =	vst v3;
	v8 =	vmul.f32 v8, v1  }
0x23f: {  	v3 =	vld.idx.msk [tilespmem:v10+s13+$0x0], $0xffff;
	[tilespmem:s7+$0xF0] =	vst v2  }
0x240: {  	v1 =	vmov v15;
	v2 =	vld.idx.msk [tilespmem:v12+s13+$0x0], $0xffff;
	[tilespmem:s7+$0x1F0] =	vst v8  }
0x241: {  	s16 =	sadd.s32 $0x400, s16;
	v8 =	vld.idx.msk [tilespmem:v11+s13+$0x0], $0xffff  }
0x242: {  	v9 =	vld [tilespmem:s16+$0x100]  }
0x243: {  	v10 =	vld [tilespmem:s16+$0xFFFFFE00]  }
0x244: {  	v11 =	vld [tilespmem:s16+$0xFFFFFE80]  }
0x245: {  	v12 =	vld [tilespmem:s16+$0xFFFFFF00]  }
0x246: {  	v13 =	vld [tilespmem:s16+$0xFFFFFF80]  }
0x247: {  	v14 =	vld [tilespmem:s16+$0x0];
	v9 =	vmul.f32 v9, v8  }
0x248: {  	s7 =	sadd.s32 $0x400, s7;
	v10 =	vmul.f32 v10, v7;
	v15 =	vld [tilespmem:s16+$0x80]  }
0x249: {  	v11 =	vmul.f32 v11, v6;
	[tilespmem:s7+$0x100] =	vst v9;
	v9 =	vld [tilespmem:s16+$0x180]  }
0x24a: {  	[tilespmem:s7+$0xFFFFFE00] =	vst v10;
	v10 =	vmul.f32 v12, v5;
	v12 =	vld [tilespmem:s16+$0x110]  }
0x24b: {  	v16 =	vld [tilespmem:s16+$0xFFFFFE10];
	[tilespmem:s7+$0xFFFFFE80] =	vst v11;
	v11 =	vmul.f32 v13, v4  }
0x24c: {  	v13 =	vld [tilespmem:s16+$0xFFFFFE90];
	[tilespmem:s7+$0xFFFFFF00] =	vst v10;
	v10 =	vmul.f32 v14, v3  }
0x24d: {  	v14 =	vld [tilespmem:s16+$0xFFFFFF10];
	[tilespmem:s7+$0xFFFFFF80] =	vst v11;
	v11 =	vmul.f32 v15, v2  }
0x24e: {  	v15 =	vld [tilespmem:s16+$0xFFFFFF90];
	[tilespmem:s7+$0x0] =	vst v10;
	v9 =	vmul.f32 v9, v1  }
0x24f: {  	v10 =	vld [tilespmem:s16+$0x10];
	[tilespmem:s7+$0x80] =	vst v11;
	v11 =	vmul.f32 v12, v8  }
0x250: {  	v12 =	vmul.f32 v16, v7;
	v16 =	vld [tilespmem:s16+$0x90];
	[tilespmem:s7+$0x180] =	vst v9  }
0x251: {  	v9 =	vmul.f32 v13, v6;
	[tilespmem:s7+$0x110] =	vst v11;
	v11 =	vld [tilespmem:s16+$0x190]  }
0x252: {  	[tilespmem:s7+$0xFFFFFE10] =	vst v12;
	v12 =	vmul.f32 v14, v5;
	v13 =	vld [tilespmem:s16+$0x120]  }
0x253: {  	v14 =	vld [tilespmem:s16+$0xFFFFFE20];
	[tilespmem:s7+$0xFFFFFE90] =	vst v9;
	v9 =	vmul.f32 v15, v4  }
0x254: {  	v15 =	vld [tilespmem:s16+$0xFFFFFEA0];
	[tilespmem:s7+$0xFFFFFF10] =	vst v12;
	v10 =	vmul.f32 v10, v3  }
0x255: {  	v12 =	vld [tilespmem:s16+$0xFFFFFF20];
	[tilespmem:s7+$0xFFFFFF90] =	vst v9;
	v9 =	vmul.f32 v16, v2  }
0x256: {  	v16 =	vld [tilespmem:s16+$0xFFFFFFA0];
	[tilespmem:s7+$0x10] =	vst v10;
	v10 =	vmul.f32 v11, v1  }
0x257: {  	v11 =	vld [tilespmem:s16+$0x20];
	[tilespmem:s7+$0x90] =	vst v9;
	v9 =	vmul.f32 v13, v8  }
0x258: {  	v13 =	vmul.f32 v14, v7;
	v14 =	vld [tilespmem:s16+$0xA0];
	[tilespmem:s7+$0x190] =	vst v10  }
0x259: {  	v10 =	vmul.f32 v15, v6;
	[tilespmem:s7+$0x120] =	vst v9;
	v9 =	vld [tilespmem:s16+$0x1A0]  }
0x25a: {  	[tilespmem:s7+$0xFFFFFE20] =	vst v13;
	v12 =	vmul.f32 v12, v5;
	v13 =	vld [tilespmem:s16+$0x130]  }
0x25b: {  	v15 =	vld [tilespmem:s16+$0xFFFFFE30];
	[tilespmem:s7+$0xFFFFFEA0] =	vst v10;
	v10 =	vmul.f32 v16, v4  }
0x25c: {  	v16 =	vld [tilespmem:s16+$0xFFFFFEB0];
	[tilespmem:s7+$0xFFFFFF20] =	vst v12;
	v11 =	vmul.f32 v11, v3  }
0x25d: {  	v12 =	vld [tilespmem:s16+$0xFFFFFF30];
	[tilespmem:s7+$0xFFFFFFA0] =	vst v10;
	v10 =	vmul.f32 v14, v2  }
0x25e: {  	v14 =	vld [tilespmem:s16+$0xFFFFFFB0];
	[tilespmem:s7+$0x20] =	vst v11;
	v9 =	vmul.f32 v9, v1  }
0x25f: {  	v11 =	vld [tilespmem:s16+$0x30];
	[tilespmem:s7+$0xA0] =	vst v10;
	v10 =	vmul.f32 v13, v8  }
0x260: {  	v13 =	vmul.f32 v15, v7;
	v15 =	vld [tilespmem:s16+$0xB0];
	[tilespmem:s7+$0x1A0] =	vst v9  }
0x261: {  	v9 =	vmul.f32 v16, v6;
	[tilespmem:s7+$0x130] =	vst v10;
	v10 =	vld [tilespmem:s16+$0x1B0]  }
0x262: {  	[tilespmem:s7+$0xFFFFFE30] =	vst v13;
	v12 =	vmul.f32 v12, v5;
	v13 =	vld [tilespmem:s16+$0x140]  }
0x263: {  	v16 =	vld [tilespmem:s16+$0xFFFFFE40];
	[tilespmem:s7+$0xFFFFFEB0] =	vst v9;
	v9 =	vmul.f32 v14, v4  }
0x264: {  	v14 =	vld [tilespmem:s16+$0xFFFFFEC0];
	[tilespmem:s7+$0xFFFFFF30] =	vst v12;
	v11 =	vmul.f32 v11, v3  }
0x265: {  	v12 =	vld [tilespmem:s16+$0xFFFFFF40];
	[tilespmem:s7+$0xFFFFFFB0] =	vst v9;
	v9 =	vmul.f32 v15, v2  }
0x266: {  	v15 =	vld [tilespmem:s16+$0xFFFFFFC0];
	[tilespmem:s7+$0x30] =	vst v11;
	v10 =	vmul.f32 v10, v1  }
0x267: {  	v11 =	vld [tilespmem:s16+$0x40];
	[tilespmem:s7+$0xB0] =	vst v9;
	v9 =	vmul.f32 v13, v8  }
0x268: {  	v13 =	vmul.f32 v16, v7;
	v16 =	vld [tilespmem:s16+$0xC0];
	[tilespmem:s7+$0x1B0] =	vst v10  }
0x269: {  	v10 =	vmul.f32 v14, v6;
	[tilespmem:s7+$0x140] =	vst v9;
	v9 =	vld [tilespmem:s16+$0x1C0]  }
0x26a: {  	[tilespmem:s7+$0xFFFFFE40] =	vst v13;
	v12 =	vmul.f32 v12, v5;
	v13 =	vld [tilespmem:s16+$0x150]  }
0x26b: {  	v14 =	vld [tilespmem:s16+$0xFFFFFE50];
	[tilespmem:s7+$0xFFFFFEC0] =	vst v10;
	v10 =	vmul.f32 v15, v4  }
0x26c: {  	v15 =	vld [tilespmem:s16+$0xFFFFFED0];
	[tilespmem:s7+$0xFFFFFF40] =	vst v12;
	v11 =	vmul.f32 v11, v3  }
0x26d: {  	v12 =	vld [tilespmem:s16+$0xFFFFFF50];
	[tilespmem:s7+$0xFFFFFFC0] =	vst v10;
	v10 =	vmul.f32 v16, v2  }
0x26e: {  	v16 =	vld [tilespmem:s16+$0xFFFFFFD0];
	[tilespmem:s7+$0x40] =	vst v11;
	v9 =	vmul.f32 v9, v1  }
0x26f: {  	v17 =	vld [tilespmem:s16+$0x50];
	[tilespmem:s7+$0xC0] =	vst v10;
	v10 =	vmul.f32 v13, v8  }
0x270: {  	v11 =	vmul.f32 v14, v7;
	v14 =	vld [tilespmem:s16+$0xD0];
	[tilespmem:s7+$0x1C0] =	vst v9  }
0x271: {  	v9 =	vmul.f32 v15, v6;
	[tilespmem:s7+$0x150] =	vst v10;
	v18 =	vld [tilespmem:s16+$0x1D0]  }
.Ltmp4:
0x272: {  	[tilespmem:s7+$0xFFFFFE50] =	vst v11;
	v10 =	vmul.f32 v12, v5;
	v13 =	vld [tilespmem:s16+$0x160];
	(pc) =	sbr.rel @p4 .LBB2_7-.Ltmp4, $4  }
0x273: {  	v12 =	vld [tilespmem:s16+$0xFFFFFE60];
	[tilespmem:s7+$0xFFFFFED0] =	vst v9;
	v9 =	vmul.f32 v16, v4  }
0x274: {  	v11 =	vld [tilespmem:s16+$0xFFFFFEE0];
	[tilespmem:s7+$0xFFFFFF50] =	vst v10;
	v16 =	vmul.f32 v17, v3  }
0x275: {  	v10 =	vld [tilespmem:s16+$0xFFFFFF60];
	[tilespmem:s7+$0xFFFFFFD0] =	vst v9;
	v15 =	vmul.f32 v14, v2  }
0x276: {  	v9 =	vld [tilespmem:s16+$0xFFFFFFE0];
	[tilespmem:s7+$0x50] =	vst v16;
	v14 =	vmul.f32 v18, v1  }
0x277: {  	v16 =	vld [tilespmem:s16+$0x60];
	[tilespmem:s7+$0xD0] =	vst v15;
	v13 =	vmul.f32 v13, v8  }
0x278: {  	v12 =	vmul.f32 v12, v7;
	v15 =	vld [tilespmem:s16+$0xE0];
	[tilespmem:s7+$0x1D0] =	vst v14  }
0x279: {  	v11 =	vmul.f32 v11, v6;
	[tilespmem:s7+$0x160] =	vst v13;
	v13 =	vld [tilespmem:s16+$0x1E0]  }
0x27a: {  	[tilespmem:s7+$0xFFFFFE60] =	vst v12;
	v10 =	vmul.f32 v10, v5;
	v12 =	vld [tilespmem:s16+$0x170]  }
0x27b: {  	v14 =	vld [tilespmem:s16+$0xFFFFFE70];
	[tilespmem:s7+$0xFFFFFEE0] =	vst v11;
	v9 =	vmul.f32 v9, v4  }
0x27c: {  	v11 =	vld [tilespmem:s16+$0xFFFFFEF0];
	[tilespmem:s7+$0xFFFFFF60] =	vst v10;
	v10 =	vmul.f32 v16, v3  }
0x27d: {  	v16 =	vld [tilespmem:s16+$0xFFFFFF70];
	[tilespmem:s7+$0xFFFFFFE0] =	vst v9;
	v9 =	vmul.f32 v15, v2  }
0x27e: {  	v15 =	vld [tilespmem:s16+$0xFFFFFFF0];
	[tilespmem:s7+$0x60] =	vst v10;
	v10 =	vmul.f32 v13, v1  }
0x27f: {  	v13 =	vld [tilespmem:s16+$0x70];
	[tilespmem:s7+$0xE0] =	vst v9;
	v8 =	vmul.f32 v12, v8  }
0x280: {  	v7 =	vmul.f32 v14, v7;
	v9 =	vld [tilespmem:s16+$0xF0];
	[tilespmem:s7+$0x1E0] =	vst v10  }
0x281: {  	v6 =	vmul.f32 v11, v6;
	[tilespmem:s7+$0x170] =	vst v8;
	v8 =	vld [tilespmem:s16+$0x1F0]  }
0x282: {  	[tilespmem:s7+$0xFFFFFE70] =	vst v7;
	v5 =	vmul.f32 v16, v5  }
0x283: {  	[tilespmem:s7+$0xFFFFFEF0] =	vst v6;
	v4 =	vmul.f32 v15, v4  }
0x284: {  	[tilespmem:s7+$0xFFFFFF70] =	vst v5;
	v3 =	vmul.f32 v13, v3  }
0x285: {  	[tilespmem:s7+$0xFFFFFFF0] =	vst v4;
	v2 =	vmul.f32 v9, v2  }
0x286: {  	[tilespmem:s7+$0x70] =	vst v3;
	v1 =	vmul.f32 v8, v1  }
0x287: {  	[tilespmem:s7+$0xF0] =	vst v2  }
0x288: {  	s25 =	simm.s32 $0x13D80;
	s8 =	simm.s32 $0x1BE80;
	[tilespmem:s7+$0x1F0] =	vst v1  }
0x289: {  	[spmem:s5] =	stream.indirect.scatter.add.f32 [tilespmem:s8], [sflag:$0xB], $0x80, s25, s23, $0xb8;
	[tilespmem:$0x1FE80] =	vst v63  }
0x28a: {  	s16 =	smul.u32 $0x60, s21;
	_ =	swait.ge [sflag:s9], $0x100  }
0x28b: {  	[sflag:s9] =	ssyncset.done $0x0;
	s24 =	rddreg [dreg:$0x1f]  }
0x28c: {  	s12 =	simm.s32 $0x13B00;
	[sflag:s9] =	ssyncadd.s32 $0xFFFFFF00;
	s7 =	sadd.s32 s24, s16  }
0x28d: {  	[tilespmem:s29], [sflag:$0x8] =	stream.indirect.gather [hbm4b:s1+s23], $0x80, s12, s23, $0xb8;
	[tilespmem:$0x1FE80] =	vst v63  }
0x28e: {  	s7 =	sshll.u32 s7, $0x7  }
0x28f: {  	s7 =	smin.u32 s7, $0x4E180  }
0x290: {  	s25 =	sshrl.u32 s7, $0x2  }
0x291: {  	s12 =	simm.s32 $0x13880;
	s7 =	sshrl.u32 s7, $0x3;
	s8 =	sadd.s32 s2, s25  }
0x292: {  	[tilespmem:s12], [sflag:$0x1] =	stream.linear.gather [hbm4b:s8+s6], $0x100, $0x38;
	[tilespmem:$0x1FE80] =	vst v63  }
0x293: {  	s7 =	sadd.s32 s3, s7  }
0x294: {  	[tilespmem:s13], [sflag:$0x4] =	stream.linear.gather [hbm4b:s7+s6], $0x80, $0x38;
	[tilespmem:$0x1FE80] =	vst v63  }
0x295: {  	_ =	swait.ge [sflag:s11], $0x2000  }
0x296: {  	[sflag:s11] =	ssyncset.done $0x0  }
0x297: {  	s7 =	simm.s32 @!p3 $0xC;
	[sflag:s11] =	ssyncadd.s32 $0xFFFFE000  }
0x298: {  	_ =	swait.ge @!p3 [sflag:s7], $0x2000  }
0x299: {  	[sflag:s7] =	ssyncset.done @!p3 $0x0  }
0x29a: {  	[sflag:s7] =	ssyncadd.s32 @!p3 $0xFFFFE000  }
0x29b: {  	v1 =	vld [tilespmem:$0x13980]  }
0x29c: {  	v2 =	vld [tilespmem:$0x13990]  }
0x29d: {  	v3 =	vld [tilespmem:$0x139A0]  }
0x29e: {  	v4 =	vld [tilespmem:$0x139B0];
	_ =	sdelay $0x1  }
0x29f: {  	s8 =	simm.s32 $0x0;
	[tilespmem:$0x13E00] =	vst v1  }
0x2a0: {  	s24 =	simm.s32 $0x1;
	s12 =	simm.s32 $0x7;
	v1 =	vmov s8;
	[tilespmem:$0x13E10] =	vst v2  }
0x2a1: {  	v5 =	vmov s24;
	s25 =	simm.s32 $0x2;
	v2 =	vmov s12;
	[tilespmem:$0x13E20] =	vst v3;
	v1 =	vand.u32 $0xFFFFFFF8, v1  }
0x2a2: {  	v3 =	vmov s25;
	[tilespmem:$0x13E30] =	vst v4;
	s12 =	simm.s32 $0x5;
	v6 =	vbroadcast v1, $0x0;
	v1 =	vand.u32 $0xFFFFFFF9, v5  }
0x2a3: {  	s25 =	simm.s32 $0x4;
	v3 =	vand.u32 $0xFFFFFFFA, v3;
	_ =	swait.ge [sflag:s14], $0x80;
	v7 =	vmov s12;
	v5 =	vbroadcast v1, $0x0  }
0x2a4: {  	s24 =	simm.s32 $0x3;
	v3 =	vbroadcast v3, $0x0;
	[sflag:s14] =	ssyncset.done $0x0;
	v7 =	vand.u32 $0xFFFFFFFD, v7;
	v1 =	vmov s25  }
0x2a5: {  	s7 =	simm.s32 $0x18080;
	v4 =	vmov s24;
	s24 =	simm.s32 $0x6;
	[sflag:s14] =	ssyncadd.s32 $0xFFFFFF80;
	v9 =	vbroadcast v7, $0x0;
	v1 =	vand.u32 $0xFFFFFFFC, v1  }
0x2a6: {  	v11 =	vld [tilespmem:s7+$0xFFFFFE80];
	v8 =	vbroadcast v1, $0x0;
	v1 =	vmov s24  }
0x2a7: {  	v10 =	vand.u32 $0xFFFFFFFE, v1;
	v1 =	vld.idx.msk [tilespmem:v2+s15+$0x0], $0xffff  }
0x2a8: {  	v10 =	vbroadcast v10, $0x0;
	v7 =	vld.idx.msk [tilespmem:v6+s15+$0x0], $0xffff  }
0x2a9: {  	v6 =	vld.idx.msk [tilespmem:v5+s15+$0x0], $0xffff  }
0x2aa: {  	v5 =	vld.idx.msk [tilespmem:v3+s15+$0x0], $0xffff  }
0x2ab: {  	v4 =	vand.u32 $0xFFFFFFFB, v4;
	v2 =	vld.idx.msk [tilespmem:v9+s15+$0x0], $0xffff  }
0x2ac: {  	v4 =	vbroadcast v4, $0x0;
	v9 =	vld [tilespmem:s7+$0x100]  }
0x2ad: {  	v3 =	vld.idx.msk [tilespmem:v8+s15+$0x0], $0xffff  }
0x2ae: {  	v8 =	vld.idx.msk [tilespmem:v10+s15+$0x0], $0xffff  }
0x2af: {  	v10 =	vld [tilespmem:s7+$0xFFFFFE00]  }
0x2b0: {  	v12 =	vld [tilespmem:s7+$0xFFFFFF00]  }
0x2b1: {  	v13 =	vld [tilespmem:s7+$0xFFFFFF80]  }
0x2b2: {  	v4 =	vld.idx.msk [tilespmem:v4+s15+$0x0], $0xffff  }
0x2b3: {  	v14 =	vld [tilespmem:s7+$0x0];
	v9 =	vmul.f32 v9, v8  }
0x2b4: {  	v15 =	vld [tilespmem:s7+$0x80];
	s24 =	simm.s32 $0x1E080;
	v10 =	vmul.f32 v10, v7  }
0x2b5: {  	v11 =	vmul.f32 v11, v6;
	[tilespmem:s24+$0x100] =	vst v9;
	v9 =	vld [tilespmem:s7+$0x180]  }
0x2b6: {  	[tilespmem:s24+$0xFFFFFE00] =	vst v10;
	v10 =	vmul.f32 v12, v5;
	v12 =	vld [tilespmem:s7+$0x110]  }
0x2b7: {  	[tilespmem:s24+$0xFFFFFE80] =	vst v11;
	v11 =	vmul.f32 v13, v4;
	v16 =	vld [tilespmem:s7+$0xFFFFFE10]  }
0x2b8: {  	v13 =	vld [tilespmem:s7+$0xFFFFFE90];
	[tilespmem:s24+$0xFFFFFF00] =	vst v10;
	v10 =	vmul.f32 v14, v3  }
0x2b9: {  	[tilespmem:s24+$0xFFFFFF80] =	vst v11;
	v11 =	vmul.f32 v15, v2;
	v14 =	vld [tilespmem:s7+$0xFFFFFF10]  }
0x2ba: {  	v15 =	vld [tilespmem:s7+$0xFFFFFF90];
	[tilespmem:s24+$0x0] =	vst v10;
	v9 =	vmul.f32 v9, v1  }
0x2bb: {  	[tilespmem:s24+$0x80] =	vst v11;
	v10 =	vld [tilespmem:s7+$0x10];
	v11 =	vmul.f32 v12, v8  }
0x2bc: {  	v12 =	vmul.f32 v16, v7;
	v16 =	vld [tilespmem:s7+$0x90];
	[tilespmem:s24+$0x180] =	vst v9  }
0x2bd: {  	v9 =	vmul.f32 v13, v6;
	[tilespmem:s24+$0x110] =	vst v11;
	v11 =	vld [tilespmem:s7+$0x190]  }
0x2be: {  	[tilespmem:s24+$0xFFFFFE10] =	vst v12;
	v12 =	vmul.f32 v14, v5;
	v13 =	vld [tilespmem:s7+$0x120]  }
0x2bf: {  	v14 =	vld [tilespmem:s7+$0xFFFFFE20];
	[tilespmem:s24+$0xFFFFFE90] =	vst v9;
	v9 =	vmul.f32 v15, v4  }
0x2c0: {  	v15 =	vld [tilespmem:s7+$0xFFFFFEA0];
	[tilespmem:s24+$0xFFFFFF10] =	vst v12;
	v10 =	vmul.f32 v10, v3  }
0x2c1: {  	v12 =	vld [tilespmem:s7+$0xFFFFFF20];
	[tilespmem:s24+$0xFFFFFF90] =	vst v9;
	v9 =	vmul.f32 v16, v2  }
0x2c2: {  	v16 =	vld [tilespmem:s7+$0xFFFFFFA0];
	[tilespmem:s24+$0x10] =	vst v10;
	v10 =	vmul.f32 v11, v1  }
0x2c3: {  	v11 =	vld [tilespmem:s7+$0x20];
	[tilespmem:s24+$0x90] =	vst v9;
	v9 =	vmul.f32 v13, v8  }
0x2c4: {  	v13 =	vmul.f32 v14, v7;
	v14 =	vld [tilespmem:s7+$0xA0];
	[tilespmem:s24+$0x190] =	vst v10  }
0x2c5: {  	v10 =	vmul.f32 v15, v6;
	[tilespmem:s24+$0x120] =	vst v9;
	v9 =	vld [tilespmem:s7+$0x1A0]  }
0x2c6: {  	[tilespmem:s24+$0xFFFFFE20] =	vst v13;
	v12 =	vmul.f32 v12, v5;
	v13 =	vld [tilespmem:s7+$0x130]  }
0x2c7: {  	v15 =	vld [tilespmem:s7+$0xFFFFFE30];
	[tilespmem:s24+$0xFFFFFEA0] =	vst v10;
	v10 =	vmul.f32 v16, v4  }
0x2c8: {  	v16 =	vld [tilespmem:s7+$0xFFFFFEB0];
	[tilespmem:s24+$0xFFFFFF20] =	vst v12;
	v11 =	vmul.f32 v11, v3  }
0x2c9: {  	v12 =	vld [tilespmem:s7+$0xFFFFFF30];
	[tilespmem:s24+$0xFFFFFFA0] =	vst v10;
	v10 =	vmul.f32 v14, v2  }
0x2ca: {  	v14 =	vld [tilespmem:s7+$0xFFFFFFB0];
	[tilespmem:s24+$0x20] =	vst v11;
	v9 =	vmul.f32 v9, v1  }
0x2cb: {  	v11 =	vld [tilespmem:s7+$0x30];
	[tilespmem:s24+$0xA0] =	vst v10;
	v10 =	vmul.f32 v13, v8  }
0x2cc: {  	v13 =	vmul.f32 v15, v7;
	v15 =	vld [tilespmem:s7+$0xB0];
	[tilespmem:s24+$0x1A0] =	vst v9  }
0x2cd: {  	v9 =	vmul.f32 v16, v6;
	[tilespmem:s24+$0x130] =	vst v10;
	v10 =	vld [tilespmem:s7+$0x1B0]  }
0x2ce: {  	[tilespmem:s24+$0xFFFFFE30] =	vst v13;
	v12 =	vmul.f32 v12, v5;
	v13 =	vld [tilespmem:s7+$0x140]  }
0x2cf: {  	v16 =	vld [tilespmem:s7+$0xFFFFFE40];
	[tilespmem:s24+$0xFFFFFEB0] =	vst v9;
	v9 =	vmul.f32 v14, v4  }
0x2d0: {  	v14 =	vld [tilespmem:s7+$0xFFFFFEC0];
	[tilespmem:s24+$0xFFFFFF30] =	vst v12;
	v11 =	vmul.f32 v11, v3  }
0x2d1: {  	v12 =	vld [tilespmem:s7+$0xFFFFFF40];
	[tilespmem:s24+$0xFFFFFFB0] =	vst v9;
	v9 =	vmul.f32 v15, v2  }
0x2d2: {  	v15 =	vld [tilespmem:s7+$0xFFFFFFC0];
	[tilespmem:s24+$0x30] =	vst v11;
	v10 =	vmul.f32 v10, v1  }
0x2d3: {  	v11 =	vld [tilespmem:s7+$0x40];
	[tilespmem:s24+$0xB0] =	vst v9;
	v9 =	vmul.f32 v13, v8  }
0x2d4: {  	v13 =	vmul.f32 v16, v7;
	v16 =	vld [tilespmem:s7+$0xC0];
	[tilespmem:s24+$0x1B0] =	vst v10  }
0x2d5: {  	v10 =	vmul.f32 v14, v6;
	[tilespmem:s24+$0x140] =	vst v9;
	v9 =	vld [tilespmem:s7+$0x1C0]  }
0x2d6: {  	[tilespmem:s24+$0xFFFFFE40] =	vst v13;
	v12 =	vmul.f32 v12, v5;
	v13 =	vld [tilespmem:s7+$0x150]  }
0x2d7: {  	v14 =	vld [tilespmem:s7+$0xFFFFFE50];
	[tilespmem:s24+$0xFFFFFEC0] =	vst v10;
	v10 =	vmul.f32 v15, v4  }
0x2d8: {  	v15 =	vld [tilespmem:s7+$0xFFFFFED0];
	[tilespmem:s24+$0xFFFFFF40] =	vst v12;
	v11 =	vmul.f32 v11, v3  }
0x2d9: {  	v12 =	vld [tilespmem:s7+$0xFFFFFF50];
	[tilespmem:s24+$0xFFFFFFC0] =	vst v10;
	v10 =	vmul.f32 v16, v2  }
0x2da: {  	v16 =	vld [tilespmem:s7+$0xFFFFFFD0];
	[tilespmem:s24+$0x40] =	vst v11;
	v9 =	vmul.f32 v9, v1  }
0x2db: {  	v11 =	vld [tilespmem:s7+$0x50];
	[tilespmem:s24+$0xC0] =	vst v10;
	v10 =	vmul.f32 v13, v8  }
0x2dc: {  	v13 =	vmul.f32 v14, v7;
	v14 =	vld [tilespmem:s7+$0xD0];
	[tilespmem:s24+$0x1C0] =	vst v9  }
0x2dd: {  	v9 =	vmul.f32 v15, v6;
	[tilespmem:s24+$0x150] =	vst v10;
	v10 =	vld [tilespmem:s7+$0x1D0]  }
0x2de: {  	[tilespmem:s24+$0xFFFFFE50] =	vst v13;
	v12 =	vmul.f32 v12, v5;
	v13 =	vld [tilespmem:s7+$0x160]  }
0x2df: {  	v15 =	vld [tilespmem:s7+$0xFFFFFE60];
	[tilespmem:s24+$0xFFFFFED0] =	vst v9;
	v9 =	vmul.f32 v16, v4  }
0x2e0: {  	v16 =	vld [tilespmem:s7+$0xFFFFFEE0];
	[tilespmem:s24+$0xFFFFFF50] =	vst v12;
	v11 =	vmul.f32 v11, v3  }
0x2e1: {  	v12 =	vld [tilespmem:s7+$0xFFFFFF60];
	[tilespmem:s24+$0xFFFFFFD0] =	vst v9;
	v9 =	vmul.f32 v14, v2  }
0x2e2: {  	v14 =	vld [tilespmem:s7+$0xFFFFFFE0];
	[tilespmem:s24+$0x50] =	vst v11;
	v10 =	vmul.f32 v10, v1  }
0x2e3: {  	s25 =	simm.s32 $0x8;
	v11 =	vld [tilespmem:s7+$0x60];
	[tilespmem:s24+$0xD0] =	vst v9;
	v13 =	vmul.f32 v13, v8  }
0x2e4: {  	s28 =	simm.s32 $0xA;
	v9 =	vmov s25;
	s25 =	simm.s32 $0x9;
	v15 =	vmul.f32 v15, v7;
	v17 =	vld [tilespmem:s7+$0xE0];
	[tilespmem:s24+$0x1D0] =	vst v10  }
0x2e5: {  	v19 =	vmov s28;
	s12 =	simm.s32 $0xF;
	v18 =	vmov s25;
	v16 =	vmul.f32 v16, v6;
	[tilespmem:s24+$0x160] =	vst v13;
	v13 =	vld [tilespmem:s7+$0x1E0]  }
0x2e6: {  	s25 =	simm.s32 $0xC;
	v10 =	vand.u32 $0xFFFFFFF8, v9;
	v9 =	vmov s12;
	s12 =	simm.s32 $0xB;
	[tilespmem:s24+$0xFFFFFE60] =	vst v15;
	v12 =	vmul.f32 v12, v5;
	v20 =	vld [tilespmem:s7+$0x170]  }
0x2e7: {  	v22 =	vmov s25;
	s25 =	simm.s32 $0xD;
	v21 =	vmov s12;
	v23 =	vld [tilespmem:s7+$0xFFFFFE70];
	[tilespmem:s24+$0xFFFFFEE0] =	vst v16;
	v16 =	vmul.f32 v14, v4  }
0x2e8: {  	v10 =	vbroadcast v10, $0x0;
	v24 =	vmov s25;
	v15 =	vld [tilespmem:s7+$0xFFFFFEF0];
	[tilespmem:s24+$0xFFFFFF60] =	vst v12;
	v12 =	vmul.f32 v11, v3  }
0x2e9: {  	v11 =	vand.u32 $0xFFFFFFF9, v18;
	v18 =	vand.u32 $0xFFFFFFFA, v19;
	v14 =	vld [tilespmem:s7+$0xFFFFFF70];
	[tilespmem:s24+$0xFFFFFFE0] =	vst v16;
	v19 =	vmul.f32 v17, v2  }
0x2ea: {  	v21 =	vand.u32 $0xFFFFFFFB, v21;
	v11 =	vbroadcast v11, $0x0;
	v16 =	vld [tilespmem:s7+$0xFFFFFFF0];
	[tilespmem:s24+$0x60] =	vst v12;
	v25 =	vmul.f32 v13, v1  }
0x2eb: {  	v18 =	vbroadcast v18, $0x0;
	v12 =	vand.u32 $0xFFFFFFFC, v22;
	v17 =	vld [tilespmem:s7+$0x70];
	[tilespmem:s24+$0xE0] =	vst v19;
	v20 =	vmul.f32 v20, v8  }
0x2ec: {  	s28 =	simm.s32 $0xE;
	s8 =	simm.s32 $0x10;
	v13 =	vand.u32 $0xFFFFFFFD, v24;
	v8 =	vbroadcast v21, $0x0;
	v21 =	vmul.f32 v23, v7;
	v19 =	vld [tilespmem:s7+$0xF0];
	[tilespmem:s24+$0x1E0] =	vst v25  }
.LBB2_9:
0x2ed: {  	p3 =	slt.u32 s8, $0x38;
	v12 =	vbroadcast v12, $0x0;
	v7 =	vmov s28;
	v6 =	vmul.f32 v15, v6;
	[tilespmem:s24+$0x170] =	vst v20;
	v15 =	vld [tilespmem:s7+$0x1F0]  }
0x2ee: {  	v13 =	vbroadcast v13, $0x0;
	v20 =	vand.u32 $0xFFFFFFFE, v7;
	v9 =	vld.idx.msk [tilespmem:v9+s15+$0x0], $0xffff;
	[tilespmem:s24+$0xFFFFFE70] =	vst v21;
	v5 =	vmul.f32 v14, v5  }
0x2ef: {  	v7 =	vld.idx.msk [tilespmem:v10+s15+$0x0], $0xffff;
	v10 =	vbroadcast v20, $0x0;
	[tilespmem:s24+$0xFFFFFEF0] =	vst v6;
	v4 =	vmul.f32 v16, v4  }
0x2f0: {  	v6 =	vld.idx.msk [tilespmem:v11+s15+$0x0], $0xffff;
	[tilespmem:s24+$0xFFFFFF70] =	vst v5;
	v3 =	vmul.f32 v17, v3  }
0x2f1: {  	v5 =	vld.idx.msk [tilespmem:v18+s15+$0x0], $0xffff;
	[tilespmem:s24+$0xFFFFFFF0] =	vst v4;
	v2 =	vmul.f32 v19, v2  }
0x2f2: {  	v4 =	vld.idx.msk [tilespmem:v8+s15+$0x0], $0xffff;
	[tilespmem:s24+$0x70] =	vst v3;
	v8 =	vmul.f32 v15, v1  }
0x2f3: {  	v3 =	vld.idx.msk [tilespmem:v12+s15+$0x0], $0xffff;
	[tilespmem:s24+$0xF0] =	vst v2  }
0x2f4: {  	v1 =	vmov v9;
	v2 =	vld.idx.msk [tilespmem:v13+s15+$0x0], $0xffff;
	[tilespmem:s24+$0x1F0] =	vst v8  }
0x2f5: {  	s7 =	sadd.s32 $0x400, s7;
	v8 =	vld.idx.msk [tilespmem:v10+s15+$0x0], $0xffff  }
0x2f6: {  	v9 =	vld [tilespmem:s7+$0x100]  }
0x2f7: {  	v10 =	vld [tilespmem:s7+$0xFFFFFE00]  }
0x2f8: {  	v11 =	vld [tilespmem:s7+$0xFFFFFE80]  }
0x2f9: {  	v12 =	vld [tilespmem:s7+$0xFFFFFF00]  }
0x2fa: {  	v13 =	vld [tilespmem:s7+$0xFFFFFF80]  }
0x2fb: {  	v14 =	vld [tilespmem:s7+$0x0];
	v9 =	vmul.f32 v9, v8  }
0x2fc: {  	s24 =	sadd.s32 $0x400, s24;
	v10 =	vmul.f32 v10, v7;
	v15 =	vld [tilespmem:s7+$0x80]  }
0x2fd: {  	v11 =	vmul.f32 v11, v6;
	[tilespmem:s24+$0x100] =	vst v9;
	v9 =	vld [tilespmem:s7+$0x180]  }
0x2fe: {  	[tilespmem:s24+$0xFFFFFE00] =	vst v10;
	v10 =	vmul.f32 v12, v5;
	v12 =	vld [tilespmem:s7+$0x110]  }
0x2ff: {  	v16 =	vld [tilespmem:s7+$0xFFFFFE10];
	[tilespmem:s24+$0xFFFFFE80] =	vst v11;
	v11 =	vmul.f32 v13, v4  }
0x300: {  	v13 =	vld [tilespmem:s7+$0xFFFFFE90];
	[tilespmem:s24+$0xFFFFFF00] =	vst v10;
	v10 =	vmul.f32 v14, v3  }
0x301: {  	v14 =	vld [tilespmem:s7+$0xFFFFFF10];
	[tilespmem:s24+$0xFFFFFF80] =	vst v11;
	v11 =	vmul.f32 v15, v2  }
0x302: {  	v15 =	vld [tilespmem:s7+$0xFFFFFF90];
	[tilespmem:s24+$0x0] =	vst v10;
	v9 =	vmul.f32 v9, v1  }
0x303: {  	v10 =	vld [tilespmem:s7+$0x10];
	[tilespmem:s24+$0x80] =	vst v11;
	v11 =	vmul.f32 v12, v8  }
0x304: {  	v12 =	vmul.f32 v16, v7;
	v16 =	vld [tilespmem:s7+$0x90];
	[tilespmem:s24+$0x180] =	vst v9  }
0x305: {  	v9 =	vmul.f32 v13, v6;
	[tilespmem:s24+$0x110] =	vst v11;
	v11 =	vld [tilespmem:s7+$0x190]  }
0x306: {  	[tilespmem:s24+$0xFFFFFE10] =	vst v12;
	v12 =	vmul.f32 v14, v5;
	v13 =	vld [tilespmem:s7+$0x120]  }
0x307: {  	v14 =	vld [tilespmem:s7+$0xFFFFFE20];
	[tilespmem:s24+$0xFFFFFE90] =	vst v9;
	v9 =	vmul.f32 v15, v4  }
0x308: {  	v15 =	vld [tilespmem:s7+$0xFFFFFEA0];
	[tilespmem:s24+$0xFFFFFF10] =	vst v12;
	v10 =	vmul.f32 v10, v3  }
0x309: {  	v12 =	vld [tilespmem:s7+$0xFFFFFF20];
	[tilespmem:s24+$0xFFFFFF90] =	vst v9;
	v9 =	vmul.f32 v16, v2  }
0x30a: {  	v16 =	vld [tilespmem:s7+$0xFFFFFFA0];
	[tilespmem:s24+$0x10] =	vst v10;
	v10 =	vmul.f32 v11, v1  }
0x30b: {  	v11 =	vld [tilespmem:s7+$0x20];
	[tilespmem:s24+$0x90] =	vst v9;
	v9 =	vmul.f32 v13, v8  }
0x30c: {  	v13 =	vmul.f32 v14, v7;
	v14 =	vld [tilespmem:s7+$0xA0];
	[tilespmem:s24+$0x190] =	vst v10  }
0x30d: {  	v10 =	vmul.f32 v15, v6;
	[tilespmem:s24+$0x120] =	vst v9;
	v9 =	vld [tilespmem:s7+$0x1A0]  }
0x30e: {  	[tilespmem:s24+$0xFFFFFE20] =	vst v13;
	v12 =	vmul.f32 v12, v5;
	v13 =	vld [tilespmem:s7+$0x130]  }
0x30f: {  	v15 =	vld [tilespmem:s7+$0xFFFFFE30];
	[tilespmem:s24+$0xFFFFFEA0] =	vst v10;
	v10 =	vmul.f32 v16, v4  }
0x310: {  	v16 =	vld [tilespmem:s7+$0xFFFFFEB0];
	[tilespmem:s24+$0xFFFFFF20] =	vst v12;
	v11 =	vmul.f32 v11, v3  }
0x311: {  	v12 =	vld [tilespmem:s7+$0xFFFFFF30];
	[tilespmem:s24+$0xFFFFFFA0] =	vst v10;
	v10 =	vmul.f32 v14, v2  }
0x312: {  	v14 =	vld [tilespmem:s7+$0xFFFFFFB0];
	[tilespmem:s24+$0x20] =	vst v11;
	v9 =	vmul.f32 v9, v1  }
0x313: {  	v11 =	vld [tilespmem:s7+$0x30];
	[tilespmem:s24+$0xA0] =	vst v10;
	v10 =	vmul.f32 v13, v8  }
0x314: {  	v13 =	vmul.f32 v15, v7;
	v15 =	vld [tilespmem:s7+$0xB0];
	[tilespmem:s24+$0x1A0] =	vst v9  }
0x315: {  	v9 =	vmul.f32 v16, v6;
	[tilespmem:s24+$0x130] =	vst v10;
	v10 =	vld [tilespmem:s7+$0x1B0]  }
0x316: {  	[tilespmem:s24+$0xFFFFFE30] =	vst v13;
	v12 =	vmul.f32 v12, v5;
	v13 =	vld [tilespmem:s7+$0x140]  }
0x317: {  	v16 =	vld [tilespmem:s7+$0xFFFFFE40];
	[tilespmem:s24+$0xFFFFFEB0] =	vst v9;
	v9 =	vmul.f32 v14, v4  }
0x318: {  	v14 =	vld [tilespmem:s7+$0xFFFFFEC0];
	[tilespmem:s24+$0xFFFFFF30] =	vst v12;
	v11 =	vmul.f32 v11, v3  }
0x319: {  	v12 =	vld [tilespmem:s7+$0xFFFFFF40];
	[tilespmem:s24+$0xFFFFFFB0] =	vst v9;
	v9 =	vmul.f32 v15, v2  }
0x31a: {  	v15 =	vld [tilespmem:s7+$0xFFFFFFC0];
	[tilespmem:s24+$0x30] =	vst v11;
	v10 =	vmul.f32 v10, v1  }
0x31b: {  	v11 =	vld [tilespmem:s7+$0x40];
	[tilespmem:s24+$0xB0] =	vst v9;
	v9 =	vmul.f32 v13, v8  }
0x31c: {  	v13 =	vmul.f32 v16, v7;
	v16 =	vld [tilespmem:s7+$0xC0];
	[tilespmem:s24+$0x1B0] =	vst v10  }
0x31d: {  	v10 =	vmul.f32 v14, v6;
	[tilespmem:s24+$0x140] =	vst v9;
	v9 =	vld [tilespmem:s7+$0x1C0]  }
0x31e: {  	[tilespmem:s24+$0xFFFFFE40] =	vst v13;
	v12 =	vmul.f32 v12, v5;
	v13 =	vld [tilespmem:s7+$0x150]  }
0x31f: {  	v14 =	vld [tilespmem:s7+$0xFFFFFE50];
	[tilespmem:s24+$0xFFFFFEC0] =	vst v10;
	v10 =	vmul.f32 v15, v4  }
0x320: {  	v15 =	vld [tilespmem:s7+$0xFFFFFED0];
	[tilespmem:s24+$0xFFFFFF40] =	vst v12;
	v11 =	vmul.f32 v11, v3  }
0x321: {  	v12 =	vld [tilespmem:s7+$0xFFFFFF50];
	[tilespmem:s24+$0xFFFFFFC0] =	vst v10;
	v10 =	vmul.f32 v16, v2  }
0x322: {  	v16 =	vld [tilespmem:s7+$0xFFFFFFD0];
	[tilespmem:s24+$0x40] =	vst v11;
	v9 =	vmul.f32 v9, v1  }
0x323: {  	v11 =	vld [tilespmem:s7+$0x50];
	[tilespmem:s24+$0xC0] =	vst v10;
	v10 =	vmul.f32 v13, v8  }
0x324: {  	v13 =	vmul.f32 v14, v7;
	v14 =	vld [tilespmem:s7+$0xD0];
	[tilespmem:s24+$0x1C0] =	vst v9  }
0x325: {  	v9 =	vmul.f32 v15, v6;
	[tilespmem:s24+$0x150] =	vst v10;
	v10 =	vld [tilespmem:s7+$0x1D0]  }
0x326: {  	[tilespmem:s24+$0xFFFFFE50] =	vst v13;
	v12 =	vmul.f32 v12, v5;
	v13 =	vld [tilespmem:s7+$0x160]  }
0x327: {  	v15 =	vld [tilespmem:s7+$0xFFFFFE60];
	[tilespmem:s24+$0xFFFFFED0] =	vst v9;
	v9 =	vmul.f32 v16, v4  }
0x328: {  	v16 =	vld [tilespmem:s7+$0xFFFFFEE0];
	[tilespmem:s24+$0xFFFFFF50] =	vst v12;
	v11 =	vmul.f32 v11, v3  }
0x329: {  	v12 =	vld [tilespmem:s7+$0xFFFFFF60];
	[tilespmem:s24+$0xFFFFFFD0] =	vst v9;
	v9 =	vmul.f32 v14, v2  }
0x32a: {  	v14 =	vld [tilespmem:s7+$0xFFFFFFE0];
	[tilespmem:s24+$0x50] =	vst v11;
	v10 =	vmul.f32 v10, v1  }
0x32b: {  	v11 =	vld [tilespmem:s7+$0x60];
	[tilespmem:s24+$0xD0] =	vst v9;
	v13 =	vmul.f32 v13, v8  }
0x32c: {  	s12 =	sadd.s32 $0x7, s8;
	v9 =	vmov s8;
	v15 =	vmul.f32 v15, v7;
	v17 =	vld [tilespmem:s7+$0xE0];
	[tilespmem:s24+$0x1D0] =	vst v10  }
0x32d: {  	s28 =	sadd.s32 $0x1, s8;
	s25 =	sadd.s32 $0x2, s8;
	v10 =	vand.u32 $0xFFFFFFF8, v9;
	v9 =	vmov s12;
	v16 =	vmul.f32 v16, v6;
	[tilespmem:s24+$0x160] =	vst v13;
	v13 =	vld [tilespmem:s7+$0x1E0]  }
0x32e: {  	v18 =	vmov s28;
	v19 =	vmov s25;
	s25 =	sadd.s32 $0x4, s8;
	s12 =	sadd.s32 $0x3, s8;
	[tilespmem:s24+$0xFFFFFE60] =	vst v15;
	v12 =	vmul.f32 v12, v5;
	v20 =	vld [tilespmem:s7+$0x170]  }
0x32f: {  	v22 =	vmov s25;
	v21 =	vmov s12;
	s12 =	sadd.s32 $0x5, s8;
	v23 =	vld [tilespmem:s7+$0xFFFFFE70];
	[tilespmem:s24+$0xFFFFFEE0] =	vst v16;
	v16 =	vmul.f32 v14, v4  }
.Ltmp5:
0x330: {  	v10 =	vbroadcast v10, $0x0;
	v24 =	vmov s12;
	v15 =	vld [tilespmem:s7+$0xFFFFFEF0];
	[tilespmem:s24+$0xFFFFFF60] =	vst v12;
	v12 =	vmul.f32 v11, v3;
	(pc) =	sbr.rel @p3 .LBB2_9-.Ltmp5, $4  }
0x331: {  	v11 =	vand.u32 $0xFFFFFFF9, v18;
	v18 =	vand.u32 $0xFFFFFFFA, v19;
	v14 =	vld [tilespmem:s7+$0xFFFFFF70];
	[tilespmem:s24+$0xFFFFFFE0] =	vst v16;
	v19 =	vmul.f32 v17, v2  }
0x332: {  	v21 =	vand.u32 $0xFFFFFFFB, v21;
	v11 =	vbroadcast v11, $0x0;
	v16 =	vld [tilespmem:s7+$0xFFFFFFF0];
	[tilespmem:s24+$0x60] =	vst v12;
	v25 =	vmul.f32 v13, v1  }
0x333: {  	v18 =	vbroadcast v18, $0x0;
	v12 =	vand.u32 $0xFFFFFFFC, v22;
	v17 =	vld [tilespmem:s7+$0x70];
	[tilespmem:s24+$0xE0] =	vst v19;
	v20 =	vmul.f32 v20, v8  }
0x334: {  	s28 =	sadd.s32 $0x6, s8;
	s8 =	sadd.s32 $0x8, s8;
	v13 =	vand.u32 $0xFFFFFFFD, v24;
	v8 =	vbroadcast v21, $0x0;
	v21 =	vmul.f32 v23, v7;
	v19 =	vld [tilespmem:s7+$0xF0];
	[tilespmem:s24+$0x1E0] =	vst v25  }
0x335: {  	_ =	sdelay $0x2  }
0x336: {  	v23 =	vld [tilespmem:s7+$0x1F0]  }
0x337: {  	v7 =	vmov s28;
	v24 =	vbroadcast v13, $0x0;
	v13 =	vld.idx.msk [tilespmem:v10+s15+$0x0], $0xffff  }
0x338: {  	v22 =	vbroadcast v12, $0x0;
	v12 =	vand.u32 $0xFFFFFFFE, v7;
	v7 =	vld.idx.msk [tilespmem:v9+s15+$0x0], $0xffff  }
0x339: {  	s28 =	sadd.s32 $0x400, s7;
	v10 =	vld.idx.msk [tilespmem:v8+s15+$0x0], $0xffff;
	v25 =	vbroadcast v12, $0x0  }
0x33a: {  	v5 =	vmul.f32 v14, v5;
	v14 =	vld [tilespmem:s28+$0x100]  }
0x33b: {  	v15 =	vmul.f32 v15, v6;
	v12 =	vld.idx.msk [tilespmem:v11+s15+$0x0], $0xffff  }
0x33c: {  	v11 =	vld.idx.msk [tilespmem:v18+s15+$0x0], $0xffff  }
0x33d: {  	[tilespmem:s24+$0xFFFFFEF0] =	vst v15;
	v15 =	vld [tilespmem:s28+$0xFFFFFE00]  }
0x33e: {  	v4 =	vmul.f32 v16, v4;
	[tilespmem:s24+$0xFFFFFF70] =	vst v5;
	v5 =	vld [tilespmem:s28+$0xFFFFFE80]  }
0x33f: {  	v3 =	vmul.f32 v17, v3;
	v6 =	vld.idx.msk [tilespmem:v25+s15+$0x0], $0xffff  }
0x340: {  	[tilespmem:s24+$0xFFFFFFF0] =	vst v4;
	v4 =	vld [tilespmem:s28+$0xFFFFFF00]  }
0x341: {  	[tilespmem:s24+$0x70] =	vst v3;
	v3 =	vld [tilespmem:s28+$0xFFFFFF80]  }
0x342: {  	[tilespmem:s24+$0x170] =	vst v20;
	v2 =	vmul.f32 v19, v2;
	v9 =	vld.idx.msk [tilespmem:v22+s15+$0x0], $0xffff  }
0x343: {  	[tilespmem:s24+$0xFFFFFE70] =	vst v21;
	v1 =	vmul.f32 v23, v1;
	v8 =	vld.idx.msk [tilespmem:v24+s15+$0x0], $0xffff  }
0x344: {  	[tilespmem:s24+$0xF0] =	vst v2;
	v2 =	vld [tilespmem:s28+$0x0];
	v14 =	vmul.f32 v14, v6  }
0x345: {  	s8 =	sadd.s32 $0x400, s24;
	[tilespmem:s24+$0x1F0] =	vst v1;
	v1 =	vmul.f32 v15, v13;
	v15 =	vld [tilespmem:s28+$0x80]  }
0x346: {  	v5 =	vmul.f32 v5, v12;
	[tilespmem:s8+$0x100] =	vst v14;
	v14 =	vld [tilespmem:s28+$0x180]  }
0x347: {  	[tilespmem:s8+$0xFFFFFE00] =	vst v1;
	v1 =	vmul.f32 v4, v11;
	v4 =	vld [tilespmem:s28+$0x110]  }
0x348: {  	v16 =	vld [tilespmem:s28+$0xFFFFFE10];
	[tilespmem:s8+$0xFFFFFE80] =	vst v5;
	v3 =	vmul.f32 v3, v10  }
0x349: {  	v5 =	vld [tilespmem:s28+$0xFFFFFE90];
	[tilespmem:s8+$0xFFFFFF00] =	vst v1;
	v1 =	vmul.f32 v2, v9  }
0x34a: {  	v2 =	vld [tilespmem:s28+$0xFFFFFF10];
	[tilespmem:s8+$0xFFFFFF80] =	vst v3;
	v3 =	vmul.f32 v15, v8  }
0x34b: {  	v15 =	vld [tilespmem:s28+$0xFFFFFF90];
	[tilespmem:s8+$0x0] =	vst v1;
	v1 =	vmul.f32 v14, v7  }
0x34c: {  	[tilespmem:s8+$0x80] =	vst v3;
	v14 =	vld [tilespmem:s28+$0x10];
	v3 =	vmul.f32 v4, v6  }
0x34d: {  	v4 =	vmul.f32 v16, v13;
	v16 =	vld [tilespmem:s28+$0x90];
	[tilespmem:s8+$0x180] =	vst v1  }
0x34e: {  	v1 =	vmul.f32 v5, v12;
	[tilespmem:s8+$0x110] =	vst v3;
	v3 =	vld [tilespmem:s28+$0x190]  }
0x34f: {  	v2 =	vmul.f32 v2, v11;
	[tilespmem:s8+$0xFFFFFE10] =	vst v4;
	v4 =	vld [tilespmem:s28+$0x120]  }
0x350: {  	v5 =	vld [tilespmem:s28+$0xFFFFFE20];
	[tilespmem:s8+$0xFFFFFE90] =	vst v1;
	v1 =	vmul.f32 v15, v10  }
0x351: {  	[tilespmem:s8+$0xFFFFFF10] =	vst v2;
	v15 =	vld [tilespmem:s28+$0xFFFFFEA0];
	v2 =	vmul.f32 v14, v9  }
0x352: {  	v14 =	vld [tilespmem:s28+$0xFFFFFF20];
	[tilespmem:s8+$0xFFFFFF90] =	vst v1;
	v1 =	vmul.f32 v16, v8  }
0x353: {  	v16 =	vld [tilespmem:s28+$0xFFFFFFA0];
	[tilespmem:s8+$0x10] =	vst v2;
	v2 =	vmul.f32 v3, v7  }
0x354: {  	v3 =	vld [tilespmem:s28+$0x20];
	[tilespmem:s8+$0x90] =	vst v1;
	v1 =	vmul.f32 v4, v6  }
0x355: {  	v4 =	vmul.f32 v5, v13;
	v5 =	vld [tilespmem:s28+$0xA0];
	[tilespmem:s8+$0x190] =	vst v2  }
0x356: {  	v2 =	vmul.f32 v15, v12;
	[tilespmem:s8+$0x120] =	vst v1;
	v1 =	vld [tilespmem:s28+$0x1A0]  }
0x357: {  	[tilespmem:s8+$0xFFFFFE20] =	vst v4;
	v4 =	vmul.f32 v14, v11;
	v14 =	vld [tilespmem:s28+$0x130]  }
0x358: {  	v15 =	vld [tilespmem:s28+$0xFFFFFE30];
	[tilespmem:s8+$0xFFFFFEA0] =	vst v2;
	v2 =	vmul.f32 v16, v10  }
0x359: {  	v16 =	vld [tilespmem:s28+$0xFFFFFEB0];
	[tilespmem:s8+$0xFFFFFF20] =	vst v4;
	v3 =	vmul.f32 v3, v9  }
0x35a: {  	v4 =	vld [tilespmem:s28+$0xFFFFFF30];
	[tilespmem:s8+$0xFFFFFFA0] =	vst v2;
	v2 =	vmul.f32 v5, v8  }
0x35b: {  	v5 =	vld [tilespmem:s28+$0xFFFFFFB0];
	[tilespmem:s8+$0x20] =	vst v3;
	v1 =	vmul.f32 v1, v7  }
0x35c: {  	v3 =	vld [tilespmem:s28+$0x30];
	[tilespmem:s8+$0xA0] =	vst v2;
	v2 =	vmul.f32 v14, v6  }
0x35d: {  	v14 =	vmul.f32 v15, v13;
	v15 =	vld [tilespmem:s28+$0xB0];
	[tilespmem:s8+$0x1A0] =	vst v1  }
0x35e: {  	v1 =	vmul.f32 v16, v12;
	[tilespmem:s8+$0x130] =	vst v2;
	v2 =	vld [tilespmem:s28+$0x1B0]  }
0x35f: {  	[tilespmem:s8+$0xFFFFFE30] =	vst v14;
	v4 =	vmul.f32 v4, v11;
	v14 =	vld [tilespmem:s28+$0x140]  }
0x360: {  	v16 =	vld [tilespmem:s28+$0xFFFFFE40];
	[tilespmem:s8+$0xFFFFFEB0] =	vst v1;
	v1 =	vmul.f32 v5, v10  }
0x361: {  	v5 =	vld [tilespmem:s28+$0xFFFFFEC0];
	[tilespmem:s8+$0xFFFFFF30] =	vst v4;
	v3 =	vmul.f32 v3, v9  }
0x362: {  	v4 =	vld [tilespmem:s28+$0xFFFFFF40];
	[tilespmem:s8+$0xFFFFFFB0] =	vst v1;
	v1 =	vmul.f32 v15, v8  }
0x363: {  	v15 =	vld [tilespmem:s28+$0xFFFFFFC0];
	[tilespmem:s8+$0x30] =	vst v3;
	v2 =	vmul.f32 v2, v7  }
0x364: {  	v3 =	vld [tilespmem:s28+$0x40];
	[tilespmem:s8+$0xB0] =	vst v1;
	v1 =	vmul.f32 v14, v6  }
0x365: {  	v14 =	vmul.f32 v16, v13;
	v16 =	vld [tilespmem:s28+$0xC0];
	[tilespmem:s8+$0x1B0] =	vst v2  }
0x366: {  	v2 =	vmul.f32 v5, v12;
	[tilespmem:s8+$0x140] =	vst v1;
	v1 =	vld [tilespmem:s28+$0x1C0]  }
0x367: {  	[tilespmem:s8+$0xFFFFFE40] =	vst v14;
	v4 =	vmul.f32 v4, v11;
	v5 =	vld [tilespmem:s28+$0x150]  }
0x368: {  	v14 =	vld [tilespmem:s28+$0xFFFFFE50];
	[tilespmem:s8+$0xFFFFFEC0] =	vst v2;
	v2 =	vmul.f32 v15, v10  }
0x369: {  	v15 =	vld [tilespmem:s28+$0xFFFFFED0];
	[tilespmem:s8+$0xFFFFFF40] =	vst v4;
	v3 =	vmul.f32 v3, v9  }
0x36a: {  	v4 =	vld [tilespmem:s28+$0xFFFFFF50];
	[tilespmem:s8+$0xFFFFFFC0] =	vst v2;
	v2 =	vmul.f32 v16, v8  }
0x36b: {  	v16 =	vld [tilespmem:s28+$0xFFFFFFD0];
	[tilespmem:s8+$0x40] =	vst v3;
	v1 =	vmul.f32 v1, v7  }
0x36c: {  	v3 =	vld [tilespmem:s28+$0x50];
	[tilespmem:s8+$0xC0] =	vst v2;
	v2 =	vmul.f32 v5, v6  }
0x36d: {  	v5 =	vmul.f32 v14, v13;
	v14 =	vld [tilespmem:s28+$0xD0];
	[tilespmem:s8+$0x1C0] =	vst v1  }
0x36e: {  	v1 =	vmul.f32 v15, v12;
	[tilespmem:s8+$0x150] =	vst v2;
	v2 =	vld [tilespmem:s28+$0x1D0]  }
0x36f: {  	[tilespmem:s8+$0xFFFFFE50] =	vst v5;
	v4 =	vmul.f32 v4, v11;
	v5 =	vld [tilespmem:s28+$0x160]  }
0x370: {  	v15 =	vld [tilespmem:s28+$0xFFFFFE60];
	[tilespmem:s8+$0xFFFFFED0] =	vst v1;
	v1 =	vmul.f32 v16, v10  }
0x371: {  	v16 =	vld [tilespmem:s28+$0xFFFFFEE0];
	[tilespmem:s8+$0xFFFFFF50] =	vst v4;
	v3 =	vmul.f32 v3, v9  }
0x372: {  	v4 =	vld [tilespmem:s28+$0xFFFFFF60];
	[tilespmem:s8+$0xFFFFFFD0] =	vst v1;
	v1 =	vmul.f32 v14, v8  }
0x373: {  	v14 =	vld [tilespmem:s28+$0xFFFFFFE0];
	[tilespmem:s8+$0x50] =	vst v3;
	v2 =	vmul.f32 v2, v7  }
0x374: {  	v3 =	vld [tilespmem:s28+$0x60];
	[tilespmem:s8+$0xD0] =	vst v1;
	v1 =	vmul.f32 v5, v6  }
0x375: {  	v5 =	vmul.f32 v15, v13;
	v15 =	vld [tilespmem:s28+$0xE0];
	[tilespmem:s8+$0x1D0] =	vst v2  }
0x376: {  	v2 =	vmul.f32 v16, v12;
	[tilespmem:s8+$0x160] =	vst v1;
	v1 =	vld [tilespmem:s28+$0x1E0]  }
0x377: {  	[tilespmem:s8+$0xFFFFFE60] =	vst v5;
	v4 =	vmul.f32 v4, v11;
	v5 =	vld [tilespmem:s28+$0x170]  }
0x378: {  	v16 =	vld [tilespmem:s28+$0xFFFFFE70];
	[tilespmem:s8+$0xFFFFFEE0] =	vst v2;
	v2 =	vmul.f32 v14, v10  }
0x379: {  	v14 =	vld [tilespmem:s28+$0xFFFFFEF0];
	[tilespmem:s8+$0xFFFFFF60] =	vst v4;
	v3 =	vmul.f32 v3, v9  }
0x37a: {  	v4 =	vld [tilespmem:s28+$0xFFFFFF70];
	[tilespmem:s8+$0xFFFFFFE0] =	vst v2;
	v2 =	vmul.f32 v15, v8  }
0x37b: {  	v15 =	vld [tilespmem:s28+$0xFFFFFFF0];
	[tilespmem:s8+$0x60] =	vst v3;
	v1 =	vmul.f32 v1, v7  }
0x37c: {  	v3 =	vld [tilespmem:s28+$0x70];
	[tilespmem:s8+$0xE0] =	vst v2;
	v2 =	vmul.f32 v5, v6  }
0x37d: {  	v5 =	vmul.f32 v16, v13;
	v6 =	vld [tilespmem:s28+$0xF0];
	[tilespmem:s8+$0x1E0] =	vst v1  }
0x37e: {  	v1 =	vmul.f32 v14, v12;
	[tilespmem:s8+$0x170] =	vst v2;
	v2 =	vld [tilespmem:s28+$0x1F0]  }
0x37f: {  	[tilespmem:s8+$0xFFFFFE70] =	vst v5;
	v4 =	vmul.f32 v4, v11  }
0x380: {  	[tilespmem:s8+$0xFFFFFEF0] =	vst v1;
	v1 =	vmul.f32 v15, v10  }
0x381: {  	[tilespmem:s8+$0xFFFFFF70] =	vst v4;
	v3 =	vmul.f32 v3, v9  }
0x382: {  	[tilespmem:s8+$0xFFFFFFF0] =	vst v1;
	v1 =	vmul.f32 v6, v8  }
0x383: {  	[tilespmem:s8+$0x70] =	vst v3;
	v2 =	vmul.f32 v2, v7  }
0x384: {  	[tilespmem:s8+$0xF0] =	vst v1  }
0x385: {  	s12 =	simm.s32 $0x1DE80;
	[tilespmem:s8+$0x1F0] =	vst v2;
	s8 =	simm.s32 $0x13E00  }
0x386: {  	[spmem:s5] =	stream.indirect.scatter.add.f32 [tilespmem:s12], [sflag:$0xC], $0x80, s8, s23, $0xb8;
	[tilespmem:$0x1FE80] =	vst v63  }
0x387: {  	s24 =	simm.s32 $0x13B40  }
0x388: {  	[tilespmem:s0], [sflag:$0x9] =	stream.indirect.gather [hbm4b:s1+s23], $0x80, s24, s23, $0xb8;
	[tilespmem:$0x1FE80] =	vst v63  }
0x389: {  	_ =	swait.ge [sflag:s22], $0x2000  }
0x38a: {  	[sflag:s22] =	ssyncset.done $0x0  }
0x38b: {  	[sflag:s22] =	ssyncadd.s32 $0xFFFFE000  }
0x38c: {  	_ =	swait.ge [sflag:s26], $0x2000  }
0x38d: {  	[sflag:s26] =	ssyncset.done $0x0  }
0x38e: {  	[sflag:s26] =	ssyncadd.s32 $0xFFFFE000  }
0x38f: {  	s25 =	simm.s32 $0x40;
	v1 =	vld [tilespmem:$0x139C0]  }
0x390: {  	v4 =	vmov s25;
	s8 =	simm.s32 $0x42;
	v2 =	vld [tilespmem:$0x139D0]  }
0x391: {  	v4 =	vand.u32 $0xFFFFFFF8, v4;
	v8 =	vmov s8;
	v3 =	vld [tilespmem:$0x139E0]  }
0x392: {  	v4 =	vbroadcast v4, $0x0;
	s12 =	simm.s32 $0x41;
	v8 =	vand.u32 $0xFFFFFFFA, v8;
	v5 =	vld [tilespmem:$0x139F0]  }
0x393: {  	v7 =	vmov s12;
	v8 =	vbroadcast v8, $0x0  }
0x394: {  	s28 =	simm.s32 $0x47;
	s12 =	simm.s32 $0x43;
	v7 =	vand.u32 $0xFFFFFFF9, v7;
	[tilespmem:$0x13D00] =	vst v1  }
0x395: {  	v6 =	vmov s28;
	s24 =	simm.s32 $0x44;
	v9 =	vbroadcast v7, $0x0;
	v1 =	vmov s12;
	[tilespmem:$0x13D10] =	vst v2  }
0x396: {  	s25 =	simm.s32 $0x45;
	v2 =	vmov s24;
	[tilespmem:$0x13D20] =	vst v3;
	v1 =	vand.u32 $0xFFFFFFFB, v1  }
0x397: {  	s28 =	simm.s32 $0x46;
	v3 =	vmov s25;
	[tilespmem:$0x13D30] =	vst v5;
	v2 =	vand.u32 $0xFFFFFFFC, v2;
	v10 =	vbroadcast v1, $0x0  }
0x398: {  	v7 =	vld.idx.msk [tilespmem:v4+s15+$0x0], $0xffff;
	v1 =	vand.u32 $0xFFFFFFFD, v3;
	v2 =	vbroadcast v2, $0x0;
	v3 =	vmov s28  }
0x399: {  	v5 =	vld.idx.msk [tilespmem:v8+s15+$0x0], $0xffff;
	v3 =	vand.u32 $0xFFFFFFFE, v3  }
0x39a: {  	v11 =	vbroadcast v1, $0x0;
	v1 =	vld.idx.msk [tilespmem:v6+s15+$0x0], $0xffff;
	v12 =	vbroadcast v3, $0x0  }
0x39b: {  	s24 =	simm.s32 $0x14080;
	v6 =	vld.idx.msk [tilespmem:v9+s15+$0x0], $0xffff  }
0x39c: {  	v9 =	vld [tilespmem:s24+$0x100]  }
0x39d: {  	v4 =	vld.idx.msk [tilespmem:v10+s15+$0x0], $0xffff  }
0x39e: {  	v3 =	vld.idx.msk [tilespmem:v2+s15+$0x0], $0xffff  }
0x39f: {  	v10 =	vld [tilespmem:s24+$0xFFFFFE00]  }
0x3a0: {  	v8 =	vld.idx.msk [tilespmem:v12+s15+$0x0], $0xffff  }
0x3a1: {  	v2 =	vld.idx.msk [tilespmem:v11+s15+$0x0], $0xffff  }
0x3a2: {  	v11 =	vld [tilespmem:s24+$0xFFFFFE80]  }
0x3a3: {  	v12 =	vld [tilespmem:s24+$0xFFFFFF00]  }
0x3a4: {  	v13 =	vld [tilespmem:s24+$0xFFFFFF80]  }
0x3a5: {  	v14 =	vld [tilespmem:s24+$0x0];
	v9 =	vmul.f32 v9, v8  }
0x3a6: {  	s7 =	simm.s32 $0x1A080;
	v15 =	vld [tilespmem:s24+$0x80];
	v10 =	vmul.f32 v10, v7  }
0x3a7: {  	v11 =	vmul.f32 v11, v6;
	[tilespmem:s7+$0x100] =	vst v9;
	v9 =	vld [tilespmem:s24+$0x180]  }
0x3a8: {  	[tilespmem:s7+$0xFFFFFE00] =	vst v10;
	v10 =	vmul.f32 v12, v5;
	v12 =	vld [tilespmem:s24+$0x110]  }
0x3a9: {  	v16 =	vld [tilespmem:s24+$0xFFFFFE10];
	[tilespmem:s7+$0xFFFFFE80] =	vst v11;
	v11 =	vmul.f32 v13, v4  }
0x3aa: {  	v13 =	vld [tilespmem:s24+$0xFFFFFE90];
	[tilespmem:s7+$0xFFFFFF00] =	vst v10;
	v10 =	vmul.f32 v14, v3  }
0x3ab: {  	v14 =	vld [tilespmem:s24+$0xFFFFFF10];
	[tilespmem:s7+$0xFFFFFF80] =	vst v11;
	v11 =	vmul.f32 v15, v2  }
0x3ac: {  	v15 =	vld [tilespmem:s24+$0xFFFFFF90];
	[tilespmem:s7+$0x0] =	vst v10;
	v9 =	vmul.f32 v9, v1  }
0x3ad: {  	v10 =	vld [tilespmem:s24+$0x10];
	[tilespmem:s7+$0x80] =	vst v11;
	v11 =	vmul.f32 v12, v8  }
0x3ae: {  	v12 =	vmul.f32 v16, v7;
	v16 =	vld [tilespmem:s24+$0x90];
	[tilespmem:s7+$0x180] =	vst v9  }
0x3af: {  	v9 =	vmul.f32 v13, v6;
	[tilespmem:s7+$0x110] =	vst v11;
	v11 =	vld [tilespmem:s24+$0x190]  }
0x3b0: {  	[tilespmem:s7+$0xFFFFFE10] =	vst v12;
	v12 =	vmul.f32 v14, v5;
	v13 =	vld [tilespmem:s24+$0x120]  }
0x3b1: {  	v14 =	vld [tilespmem:s24+$0xFFFFFE20];
	[tilespmem:s7+$0xFFFFFE90] =	vst v9;
	v9 =	vmul.f32 v15, v4  }
0x3b2: {  	v10 =	vmul.f32 v10, v3;
	v15 =	vld [tilespmem:s24+$0xFFFFFEA0];
	[tilespmem:s7+$0xFFFFFF10] =	vst v12  }
0x3b3: {  	v12 =	vld [tilespmem:s24+$0xFFFFFF20];
	[tilespmem:s7+$0xFFFFFF90] =	vst v9;
	v9 =	vmul.f32 v16, v2  }
0x3b4: {  	[tilespmem:s7+$0x10] =	vst v10;
	v16 =	vld [tilespmem:s24+$0xFFFFFFA0];
	v10 =	vmul.f32 v11, v1  }
0x3b5: {  	v11 =	vld [tilespmem:s24+$0x20];
	[tilespmem:s7+$0x90] =	vst v9;
	v9 =	vmul.f32 v13, v8  }
0x3b6: {  	v13 =	vmul.f32 v14, v7;
	v14 =	vld [tilespmem:s24+$0xA0];
	[tilespmem:s7+$0x190] =	vst v10  }
0x3b7: {  	v10 =	vmul.f32 v15, v6;
	[tilespmem:s7+$0x120] =	vst v9;
	v9 =	vld [tilespmem:s24+$0x1A0]  }
0x3b8: {  	[tilespmem:s7+$0xFFFFFE20] =	vst v13;
	v12 =	vmul.f32 v12, v5;
	v13 =	vld [tilespmem:s24+$0x130]  }
0x3b9: {  	v15 =	vld [tilespmem:s24+$0xFFFFFE30];
	[tilespmem:s7+$0xFFFFFEA0] =	vst v10;
	v10 =	vmul.f32 v16, v4  }
0x3ba: {  	v16 =	vld [tilespmem:s24+$0xFFFFFEB0];
	[tilespmem:s7+$0xFFFFFF20] =	vst v12;
	v11 =	vmul.f32 v11, v3  }
0x3bb: {  	v12 =	vld [tilespmem:s24+$0xFFFFFF30];
	[tilespmem:s7+$0xFFFFFFA0] =	vst v10;
	v10 =	vmul.f32 v14, v2  }
0x3bc: {  	v14 =	vld [tilespmem:s24+$0xFFFFFFB0];
	[tilespmem:s7+$0x20] =	vst v11;
	v9 =	vmul.f32 v9, v1  }
0x3bd: {  	v11 =	vld [tilespmem:s24+$0x30];
	[tilespmem:s7+$0xA0] =	vst v10;
	v10 =	vmul.f32 v13, v8  }
0x3be: {  	v13 =	vmul.f32 v15, v7;
	v15 =	vld [tilespmem:s24+$0xB0];
	[tilespmem:s7+$0x1A0] =	vst v9  }
0x3bf: {  	v9 =	vmul.f32 v16, v6;
	[tilespmem:s7+$0x130] =	vst v10;
	v10 =	vld [tilespmem:s24+$0x1B0]  }
0x3c0: {  	[tilespmem:s7+$0xFFFFFE30] =	vst v13;
	v12 =	vmul.f32 v12, v5;
	v13 =	vld [tilespmem:s24+$0x140]  }
0x3c1: {  	v16 =	vld [tilespmem:s24+$0xFFFFFE40];
	[tilespmem:s7+$0xFFFFFEB0] =	vst v9;
	v9 =	vmul.f32 v14, v4  }
0x3c2: {  	v14 =	vld [tilespmem:s24+$0xFFFFFEC0];
	[tilespmem:s7+$0xFFFFFF30] =	vst v12;
	v11 =	vmul.f32 v11, v3  }
0x3c3: {  	v12 =	vld [tilespmem:s24+$0xFFFFFF40];
	[tilespmem:s7+$0xFFFFFFB0] =	vst v9;
	v9 =	vmul.f32 v15, v2  }
0x3c4: {  	v15 =	vld [tilespmem:s24+$0xFFFFFFC0];
	[tilespmem:s7+$0x30] =	vst v11;
	v10 =	vmul.f32 v10, v1  }
0x3c5: {  	v11 =	vld [tilespmem:s24+$0x40];
	[tilespmem:s7+$0xB0] =	vst v9;
	v9 =	vmul.f32 v13, v8  }
0x3c6: {  	v13 =	vmul.f32 v16, v7;
	v16 =	vld [tilespmem:s24+$0xC0];
	[tilespmem:s7+$0x1B0] =	vst v10  }
0x3c7: {  	v10 =	vmul.f32 v14, v6;
	[tilespmem:s7+$0x140] =	vst v9;
	v9 =	vld [tilespmem:s24+$0x1C0]  }
0x3c8: {  	[tilespmem:s7+$0xFFFFFE40] =	vst v13;
	v12 =	vmul.f32 v12, v5;
	v13 =	vld [tilespmem:s24+$0x150]  }
0x3c9: {  	v14 =	vld [tilespmem:s24+$0xFFFFFE50];
	[tilespmem:s7+$0xFFFFFEC0] =	vst v10;
	v10 =	vmul.f32 v15, v4  }
0x3ca: {  	v15 =	vld [tilespmem:s24+$0xFFFFFED0];
	[tilespmem:s7+$0xFFFFFF40] =	vst v12;
	v11 =	vmul.f32 v11, v3  }
0x3cb: {  	v12 =	vld [tilespmem:s24+$0xFFFFFF50];
	[tilespmem:s7+$0xFFFFFFC0] =	vst v10;
	v10 =	vmul.f32 v16, v2  }
0x3cc: {  	v16 =	vld [tilespmem:s24+$0xFFFFFFD0];
	[tilespmem:s7+$0x40] =	vst v11;
	v9 =	vmul.f32 v9, v1  }
0x3cd: {  	v17 =	vld [tilespmem:s24+$0x50];
	[tilespmem:s7+$0xC0] =	vst v10;
	v10 =	vmul.f32 v13, v8  }
0x3ce: {  	v11 =	vmul.f32 v14, v7;
	v14 =	vld [tilespmem:s24+$0xD0];
	[tilespmem:s7+$0x1C0] =	vst v9  }
0x3cf: {  	v9 =	vmul.f32 v15, v6;
	[tilespmem:s7+$0x150] =	vst v10;
	v63 =	vld [tilespmem:s24+$0x1D0]  }
0x3d0: {  	[tilespmem:s7+$0xFFFFFE50] =	vst v11;
	v10 =	vmul.f32 v12, v5;
	v13 =	vld [tilespmem:s24+$0x160]  }
0x3d1: {  	v12 =	vld [tilespmem:s24+$0xFFFFFE60];
	[tilespmem:s7+$0xFFFFFED0] =	vst v9;
	v9 =	vmul.f32 v16, v4  }
0x3d2: {  	v11 =	vld [tilespmem:s24+$0xFFFFFEE0];
	[tilespmem:s7+$0xFFFFFF50] =	vst v10;
	v16 =	vmul.f32 v17, v3  }
0x3d3: {  	v10 =	vld [tilespmem:s24+$0xFFFFFF60];
	[tilespmem:s7+$0xFFFFFFD0] =	vst v9;
	v15 =	vmul.f32 v14, v2  }
0x3d4: {  	s8 =	simm.s32 $0x0;
	v9 =	vld [tilespmem:s24+$0xFFFFFFE0];
	[tilespmem:s7+$0x50] =	vst v16;
	v14 =	vmul.f32 v63, v1  }
.LBB2_11:
0x3d5: {  	s12 =	sadd.s32 $0x4F, s8;
	v16 =	vld [tilespmem:s24+$0x60];
	[tilespmem:s7+$0xD0] =	vst v15;
	v13 =	vmul.f32 v13, v8  }
0x3d6: {  	s25 =	sadd.s32 $0x48, s8;
	s28 =	sadd.s32 $0x49, s8;
	v15 =	vmov s12;
	v12 =	vmul.f32 v12, v7;
	v17 =	vld [tilespmem:s24+$0xE0];
	[tilespmem:s7+$0x1D0] =	vst v14  }
0x3d7: {  	v14 =	vmov s25;
	v18 =	vmov s28;
	s12 =	sadd.s32 $0x4A, s8;
	s25 =	sadd.s32 $0x4B, s8;
	v11 =	vmul.f32 v11, v6;
	[tilespmem:s7+$0x160] =	vst v13;
	v13 =	vld [tilespmem:s24+$0x1E0]  }
0x3d8: {  	v19 =	vmov s12;
	v20 =	vmov s25;
	s12 =	sadd.s32 $0x4C, s8;
	s25 =	sadd.s32 $0x4D, s8;
	[tilespmem:s7+$0xFFFFFE60] =	vst v12;
	v10 =	vmul.f32 v10, v5;
	v12 =	vld [tilespmem:s24+$0x170]  }
0x3d9: {  	v21 =	vmov s12;
	v22 =	vmov s25;
	v23 =	vld [tilespmem:s24+$0xFFFFFE70];
	[tilespmem:s7+$0xFFFFFEE0] =	vst v11;
	v9 =	vmul.f32 v9, v4  }
0x3da: {  	v11 =	vand.u32 $0xFFFFFFF8, v14;
	v14 =	vand.u32 $0xFFFFFFF9, v18;
	v18 =	vld [tilespmem:s24+$0xFFFFFEF0];
	[tilespmem:s7+$0xFFFFFF60] =	vst v10;
	v10 =	vmul.f32 v16, v3  }
0x3db: {  	v11 =	vbroadcast v11, $0x0;
	v16 =	vand.u32 $0xFFFFFFFA, v19;
	v19 =	vld [tilespmem:s24+$0xFFFFFF70];
	[tilespmem:s7+$0xFFFFFFE0] =	vst v9;
	v9 =	vmul.f32 v17, v2  }
0x3dc: {  	v14 =	vbroadcast v14, $0x0;
	v17 =	vand.u32 $0xFFFFFFFB, v20;
	v20 =	vld [tilespmem:s24+$0xFFFFFFF0];
	[tilespmem:s7+$0x60] =	vst v10;
	v10 =	vmul.f32 v13, v1  }
0x3dd: {  	v13 =	vbroadcast v16, $0x0;
	v16 =	vand.u32 $0xFFFFFFFC, v21;
	v21 =	vld [tilespmem:s24+$0x70];
	[tilespmem:s7+$0xE0] =	vst v9;
	v8 =	vmul.f32 v12, v8  }
0x3de: {  	s12 =	sadd.s32 $0x4E, s8;
	s8 =	sadd.s32 $0x8, s8;
	v9 =	vbroadcast v17, $0x0;
	v12 =	vand.u32 $0xFFFFFFFD, v22;
	v7 =	vmul.f32 v23, v7;
	v17 =	vld [tilespmem:s24+$0xF0];
	[tilespmem:s7+$0x1E0] =	vst v10  }
0x3df: {  	p3 =	slt.u32 s8, $0x38;
	v10 =	vbroadcast v16, $0x0;
	v16 =	vmov s12;
	v6 =	vmul.f32 v18, v6;
	[tilespmem:s7+$0x170] =	vst v8;
	v8 =	vld [tilespmem:s24+$0x1F0]  }
0x3e0: {  	v12 =	vbroadcast v12, $0x0;
	v16 =	vand.u32 $0xFFFFFFFE, v16;
	v15 =	vld.idx.msk [tilespmem:v15+s15+$0x0], $0xffff;
	[tilespmem:s7+$0xFFFFFE70] =	vst v7;
	v5 =	vmul.f32 v19, v5  }
0x3e1: {  	v7 =	vld.idx.msk [tilespmem:v11+s15+$0x0], $0xffff;
	v11 =	vbroadcast v16, $0x0;
	[tilespmem:s7+$0xFFFFFEF0] =	vst v6;
	v4 =	vmul.f32 v20, v4  }
0x3e2: {  	v6 =	vld.idx.msk [tilespmem:v14+s15+$0x0], $0xffff;
	[tilespmem:s7+$0xFFFFFF70] =	vst v5;
	v3 =	vmul.f32 v21, v3  }
0x3e3: {  	v5 =	vld.idx.msk [tilespmem:v13+s15+$0x0], $0xffff;
	[tilespmem:s7+$0xFFFFFFF0] =	vst v4;
	v2 =	vmul.f32 v17, v2  }
0x3e4: {  	v4 =	vld.idx.msk [tilespmem:v9+s15+$0x0], $0xffff;
	[tilespmem:s7+$0x70] =	vst v3;
	v8 =	vmul.f32 v8, v1  }
0x3e5: {  	v3 =	vld.idx.msk [tilespmem:v10+s15+$0x0], $0xffff;
	[tilespmem:s7+$0xF0] =	vst v2  }
0x3e6: {  	v1 =	vmov v15;
	v2 =	vld.idx.msk [tilespmem:v12+s15+$0x0], $0xffff;
	[tilespmem:s7+$0x1F0] =	vst v8  }
0x3e7: {  	s24 =	sadd.s32 $0x400, s24;
	v8 =	vld.idx.msk [tilespmem:v11+s15+$0x0], $0xffff  }
0x3e8: {  	v9 =	vld [tilespmem:s24+$0x100]  }
0x3e9: {  	v10 =	vld [tilespmem:s24+$0xFFFFFE00]  }
0x3ea: {  	v11 =	vld [tilespmem:s24+$0xFFFFFE80]  }
0x3eb: {  	v12 =	vld [tilespmem:s24+$0xFFFFFF00]  }
0x3ec: {  	v13 =	vld [tilespmem:s24+$0xFFFFFF80]  }
0x3ed: {  	v14 =	vld [tilespmem:s24+$0x0];
	v9 =	vmul.f32 v9, v8  }
0x3ee: {  	s7 =	sadd.s32 $0x400, s7;
	v10 =	vmul.f32 v10, v7;
	v15 =	vld [tilespmem:s24+$0x80]  }
0x3ef: {  	v11 =	vmul.f32 v11, v6;
	[tilespmem:s7+$0x100] =	vst v9;
	v9 =	vld [tilespmem:s24+$0x180]  }
0x3f0: {  	[tilespmem:s7+$0xFFFFFE00] =	vst v10;
	v10 =	vmul.f32 v12, v5;
	v12 =	vld [tilespmem:s24+$0x110]  }
0x3f1: {  	v16 =	vld [tilespmem:s24+$0xFFFFFE10];
	[tilespmem:s7+$0xFFFFFE80] =	vst v11;
	v11 =	vmul.f32 v13, v4  }
0x3f2: {  	v13 =	vld [tilespmem:s24+$0xFFFFFE90];
	[tilespmem:s7+$0xFFFFFF00] =	vst v10;
	v10 =	vmul.f32 v14, v3  }
0x3f3: {  	v14 =	vld [tilespmem:s24+$0xFFFFFF10];
	[tilespmem:s7+$0xFFFFFF80] =	vst v11;
	v11 =	vmul.f32 v15, v2  }
0x3f4: {  	v15 =	vld [tilespmem:s24+$0xFFFFFF90];
	[tilespmem:s7+$0x0] =	vst v10;
	v9 =	vmul.f32 v9, v1  }
0x3f5: {  	v10 =	vld [tilespmem:s24+$0x10];
	[tilespmem:s7+$0x80] =	vst v11;
	v11 =	vmul.f32 v12, v8  }
0x3f6: {  	v12 =	vmul.f32 v16, v7;
	v16 =	vld [tilespmem:s24+$0x90];
	[tilespmem:s7+$0x180] =	vst v9  }
0x3f7: {  	v9 =	vmul.f32 v13, v6;
	[tilespmem:s7+$0x110] =	vst v11;
	v11 =	vld [tilespmem:s24+$0x190]  }
0x3f8: {  	[tilespmem:s7+$0xFFFFFE10] =	vst v12;
	v12 =	vmul.f32 v14, v5;
	v13 =	vld [tilespmem:s24+$0x120]  }
0x3f9: {  	v14 =	vld [tilespmem:s24+$0xFFFFFE20];
	[tilespmem:s7+$0xFFFFFE90] =	vst v9;
	v9 =	vmul.f32 v15, v4  }
0x3fa: {  	v15 =	vld [tilespmem:s24+$0xFFFFFEA0];
	[tilespmem:s7+$0xFFFFFF10] =	vst v12;
	v10 =	vmul.f32 v10, v3  }
0x3fb: {  	v12 =	vld [tilespmem:s24+$0xFFFFFF20];
	[tilespmem:s7+$0xFFFFFF90] =	vst v9;
	v9 =	vmul.f32 v16, v2  }
0x3fc: {  	v16 =	vld [tilespmem:s24+$0xFFFFFFA0];
	[tilespmem:s7+$0x10] =	vst v10;
	v10 =	vmul.f32 v11, v1  }
0x3fd: {  	v11 =	vld [tilespmem:s24+$0x20];
	[tilespmem:s7+$0x90] =	vst v9;
	v9 =	vmul.f32 v13, v8  }
0x3fe: {  	v13 =	vmul.f32 v14, v7;
	v14 =	vld [tilespmem:s24+$0xA0];
	[tilespmem:s7+$0x190] =	vst v10  }
0x3ff: {  	v10 =	vmul.f32 v15, v6;
	[tilespmem:s7+$0x120] =	vst v9;
	v9 =	vld [tilespmem:s24+$0x1A0]  }
0x400: {  	[tilespmem:s7+$0xFFFFFE20] =	vst v13;
	v12 =	vmul.f32 v12, v5;
	v13 =	vld [tilespmem:s24+$0x130]  }
0x401: {  	v15 =	vld [tilespmem:s24+$0xFFFFFE30];
	[tilespmem:s7+$0xFFFFFEA0] =	vst v10;
	v10 =	vmul.f32 v16, v4  }
0x402: {  	v16 =	vld [tilespmem:s24+$0xFFFFFEB0];
	[tilespmem:s7+$0xFFFFFF20] =	vst v12;
	v11 =	vmul.f32 v11, v3  }
0x403: {  	v12 =	vld [tilespmem:s24+$0xFFFFFF30];
	[tilespmem:s7+$0xFFFFFFA0] =	vst v10;
	v10 =	vmul.f32 v14, v2  }
0x404: {  	v14 =	vld [tilespmem:s24+$0xFFFFFFB0];
	[tilespmem:s7+$0x20] =	vst v11;
	v9 =	vmul.f32 v9, v1  }
0x405: {  	v11 =	vld [tilespmem:s24+$0x30];
	[tilespmem:s7+$0xA0] =	vst v10;
	v10 =	vmul.f32 v13, v8  }
0x406: {  	v13 =	vmul.f32 v15, v7;
	v15 =	vld [tilespmem:s24+$0xB0];
	[tilespmem:s7+$0x1A0] =	vst v9  }
0x407: {  	v9 =	vmul.f32 v16, v6;
	[tilespmem:s7+$0x130] =	vst v10;
	v10 =	vld [tilespmem:s24+$0x1B0]  }
0x408: {  	[tilespmem:s7+$0xFFFFFE30] =	vst v13;
	v12 =	vmul.f32 v12, v5;
	v13 =	vld [tilespmem:s24+$0x140]  }
0x409: {  	v16 =	vld [tilespmem:s24+$0xFFFFFE40];
	[tilespmem:s7+$0xFFFFFEB0] =	vst v9;
	v9 =	vmul.f32 v14, v4  }
0x40a: {  	v14 =	vld [tilespmem:s24+$0xFFFFFEC0];
	[tilespmem:s7+$0xFFFFFF30] =	vst v12;
	v11 =	vmul.f32 v11, v3  }
0x40b: {  	v12 =	vld [tilespmem:s24+$0xFFFFFF40];
	[tilespmem:s7+$0xFFFFFFB0] =	vst v9;
	v9 =	vmul.f32 v15, v2  }
0x40c: {  	v15 =	vld [tilespmem:s24+$0xFFFFFFC0];
	[tilespmem:s7+$0x30] =	vst v11;
	v10 =	vmul.f32 v10, v1  }
0x40d: {  	v11 =	vld [tilespmem:s24+$0x40];
	[tilespmem:s7+$0xB0] =	vst v9;
	v9 =	vmul.f32 v13, v8  }
0x40e: {  	v13 =	vmul.f32 v16, v7;
	v16 =	vld [tilespmem:s24+$0xC0];
	[tilespmem:s7+$0x1B0] =	vst v10  }
0x40f: {  	v10 =	vmul.f32 v14, v6;
	[tilespmem:s7+$0x140] =	vst v9;
	v9 =	vld [tilespmem:s24+$0x1C0]  }
0x410: {  	[tilespmem:s7+$0xFFFFFE40] =	vst v13;
	v12 =	vmul.f32 v12, v5;
	v13 =	vld [tilespmem:s24+$0x150]  }
0x411: {  	v14 =	vld [tilespmem:s24+$0xFFFFFE50];
	[tilespmem:s7+$0xFFFFFEC0] =	vst v10;
	v10 =	vmul.f32 v15, v4  }
0x412: {  	v15 =	vld [tilespmem:s24+$0xFFFFFED0];
	[tilespmem:s7+$0xFFFFFF40] =	vst v12;
	v11 =	vmul.f32 v11, v3  }
0x413: {  	v12 =	vld [tilespmem:s24+$0xFFFFFF50];
	[tilespmem:s7+$0xFFFFFFC0] =	vst v10;
	v10 =	vmul.f32 v16, v2  }
0x414: {  	v16 =	vld [tilespmem:s24+$0xFFFFFFD0];
	[tilespmem:s7+$0x40] =	vst v11;
	v9 =	vmul.f32 v9, v1  }
0x415: {  	v17 =	vld [tilespmem:s24+$0x50];
	[tilespmem:s7+$0xC0] =	vst v10;
	v10 =	vmul.f32 v13, v8  }
0x416: {  	v11 =	vmul.f32 v14, v7;
	v14 =	vld [tilespmem:s24+$0xD0];
	[tilespmem:s7+$0x1C0] =	vst v9  }
0x417: {  	v9 =	vmul.f32 v15, v6;
	[tilespmem:s7+$0x150] =	vst v10;
	v18 =	vld [tilespmem:s24+$0x1D0]  }
.Ltmp6:
0x418: {  	[tilespmem:s7+$0xFFFFFE50] =	vst v11;
	v10 =	vmul.f32 v12, v5;
	v13 =	vld [tilespmem:s24+$0x160];
	(pc) =	sbr.rel @p3 .LBB2_11-.Ltmp6, $4  }
0x419: {  	v12 =	vld [tilespmem:s24+$0xFFFFFE60];
	[tilespmem:s7+$0xFFFFFED0] =	vst v9;
	v9 =	vmul.f32 v16, v4  }
0x41a: {  	v11 =	vld [tilespmem:s24+$0xFFFFFEE0];
	[tilespmem:s7+$0xFFFFFF50] =	vst v10;
	v16 =	vmul.f32 v17, v3  }
0x41b: {  	v10 =	vld [tilespmem:s24+$0xFFFFFF60];
	[tilespmem:s7+$0xFFFFFFD0] =	vst v9;
	v15 =	vmul.f32 v14, v2  }
0x41c: {  	v9 =	vld [tilespmem:s24+$0xFFFFFFE0];
	[tilespmem:s7+$0x50] =	vst v16;
	v14 =	vmul.f32 v18, v1  }
0x41d: {  	v16 =	vld [tilespmem:s24+$0x60];
	[tilespmem:s7+$0xD0] =	vst v15;
	v13 =	vmul.f32 v13, v8  }
0x41e: {  	v12 =	vmul.f32 v12, v7;
	v15 =	vld [tilespmem:s24+$0xE0];
	[tilespmem:s7+$0x1D0] =	vst v14  }
0x41f: {  	v11 =	vmul.f32 v11, v6;
	[tilespmem:s7+$0x160] =	vst v13;
	v13 =	vld [tilespmem:s24+$0x1E0]  }
0x420: {  	[tilespmem:s7+$0xFFFFFE60] =	vst v12;
	v10 =	vmul.f32 v10, v5;
	v12 =	vld [tilespmem:s24+$0x170]  }
0x421: {  	v14 =	vld [tilespmem:s24+$0xFFFFFE70];
	[tilespmem:s7+$0xFFFFFEE0] =	vst v11;
	v9 =	vmul.f32 v9, v4  }
0x422: {  	v11 =	vld [tilespmem:s24+$0xFFFFFEF0];
	[tilespmem:s7+$0xFFFFFF60] =	vst v10;
	v10 =	vmul.f32 v16, v3  }
0x423: {  	v16 =	vld [tilespmem:s24+$0xFFFFFF70];
	[tilespmem:s7+$0xFFFFFFE0] =	vst v9;
	v9 =	vmul.f32 v15, v2  }
0x424: {  	v15 =	vld [tilespmem:s24+$0xFFFFFFF0];
	[tilespmem:s7+$0x60] =	vst v10;
	v10 =	vmul.f32 v13, v1  }
0x425: {  	v13 =	vld [tilespmem:s24+$0x70];
	[tilespmem:s7+$0xE0] =	vst v9;
	v8 =	vmul.f32 v12, v8  }
0x426: {  	v7 =	vmul.f32 v14, v7;
	v9 =	vld [tilespmem:s24+$0xF0];
	[tilespmem:s7+$0x1E0] =	vst v10  }
0x427: {  	v6 =	vmul.f32 v11, v6;
	[tilespmem:s7+$0x170] =	vst v8;
	v8 =	vld [tilespmem:s24+$0x1F0]  }
0x428: {  	[tilespmem:s7+$0xFFFFFE70] =	vst v7;
	v5 =	vmul.f32 v16, v5  }
0x429: {  	[tilespmem:s7+$0xFFFFFEF0] =	vst v6;
	v4 =	vmul.f32 v15, v4  }
0x42a: {  	[tilespmem:s7+$0xFFFFFF70] =	vst v5;
	v3 =	vmul.f32 v13, v3  }
0x42b: {  	[tilespmem:s7+$0xFFFFFFF0] =	vst v4;
	v2 =	vmul.f32 v9, v2  }
0x42c: {  	[tilespmem:s7+$0x70] =	vst v3;
	v1 =	vmul.f32 v8, v1  }
0x42d: {  	[tilespmem:s7+$0xF0] =	vst v2  }
0x42e: {  	s12 =	simm.s32 $0x13D00;
	s8 =	simm.s32 $0x19E80;
	[tilespmem:s7+$0x1F0] =	vst v1  }
0x42f: {  	[spmem:s5] =	stream.indirect.scatter.add.f32 [tilespmem:s8], [sflag:$0xA], $0x80, s12, s23, $0xb8;
	[tilespmem:$0x1FE80] =	vst v63  }
0x430: {  	_ =	swait.ge [sflag:s18], $0x100  }
0x431: {  	[sflag:s18] =	ssyncset.done $0x0;
	s12 =	sld [smem:$0x7F7]  }
0x432: {  	s25 =	simm.s32 $0x13E80;
	s24 =	simm.s32 $0x13900;
	[sflag:s18] =	ssyncadd.s32 $0xFFFFFF00  }
0x433: {  	[tilespmem:s25], [sflag:$0x7] =	stream.indirect.gather [hbm4b:s1+s23], $0x80, s24, s23, $0xb8;
	[tilespmem:$0x1FE80] =	vst v63  }
0x434: {  	s7 =	sadd.s32 s12, s16  }
0x435: {  	s7 =	sshll.u32 s7, $0x7  }
0x436: {  	s7 =	smin.u32 s7, $0x4E180  }
0x437: {  	s25 =	simm.s32 $0x13980;
	s24 =	sshrl.u32 s7, $0x2  }
0x438: {  	s12 =	simm.s32 $0x0;
	s7 =	sshrl.u32 s7, $0x3;
	s8 =	sadd.s32 s2, s24  }
0x439: {  	[tilespmem:s25], [sflag:$0x2] =	stream.linear.gather [hbm4b:s8+s12], $0x100, $0x38;
	[tilespmem:$0x1FE80] =	vst v63  }
0x43a: {  	s7 =	sadd.s32 s3, s7  }
0x43b: {  	[tilespmem:s15], [sflag:$0x5] =	stream.linear.gather [hbm4b:s7+s12], $0x80, $0x38;
	[tilespmem:$0x1FE80] =	vst v63  }
0x43c: {  	_ =	swait.ge [sflag:s10], $0x2000  }
0x43d: {  	[sflag:s10] =	ssyncset.done $0x0  }
0x43e: {  	[sflag:s10] =	ssyncadd.s32 $0xFFFFE000  }
0x43f: {  	_ =	swait.ge [sflag:s31], $0x2000  }
0x440: {  	[sflag:s31] =	ssyncset.done $0x0  }
0x441: {  	[sflag:s31] =	ssyncadd.s32 $0xFFFFE000  }
0x442: {  	v1 =	vld [tilespmem:$0x13A80]  }
0x443: {  	v2 =	vld [tilespmem:$0x13A90]  }
0x444: {  	v3 =	vld [tilespmem:$0x13AA0]  }
0x445: {  	v4 =	vld [tilespmem:$0x13AB0];
	_ =	sdelay $0x1  }
0x446: {  	[tilespmem:$0x13D80] =	vst v1  }
0x447: {  	s24 =	simm.s32 $0x1;
	s25 =	simm.s32 $0x2;
	v1 =	vmov s12;
	[tilespmem:$0x13D90] =	vst v2  }
0x448: {  	v5 =	vmov s24;
	s12 =	simm.s32 $0x7;
	[tilespmem:$0x13DA0] =	vst v3;
	v3 =	vmov s25;
	v1 =	vand.u32 $0xFFFFFFF8, v1  }
0x449: {  	[tilespmem:$0x13DB0] =	vst v4;
	v2 =	vmov s12;
	s12 =	simm.s32 $0x5;
	v6 =	vbroadcast v1, $0x0;
	v1 =	vand.u32 $0xFFFFFFF9, v5  }
0x44a: {  	s25 =	simm.s32 $0x4;
	v3 =	vand.u32 $0xFFFFFFFA, v3;
	_ =	swait.ge [sflag:s19], $0x80;
	v7 =	vmov s12;
	v5 =	vbroadcast v1, $0x0  }
0x44b: {  	s24 =	simm.s32 $0x3;
	v3 =	vbroadcast v3, $0x0;
	[sflag:s19] =	ssyncset.done $0x0;
	v1 =	vmov s25;
	v7 =	vand.u32 $0xFFFFFFFD, v7  }
0x44c: {  	s7 =	simm.s32 $0x16080;
	v4 =	vmov s24;
	s24 =	simm.s32 $0x6;
	[sflag:s19] =	ssyncadd.s32 $0xFFFFFF80;
	v1 =	vand.u32 $0xFFFFFFFC, v1;
	v9 =	vbroadcast v7, $0x0  }
0x44d: {  	v11 =	vld [tilespmem:s7+$0xFFFFFE80];
	v8 =	vbroadcast v1, $0x0;
	v1 =	vmov s24  }
0x44e: {  	v10 =	vand.u32 $0xFFFFFFFE, v1;
	v1 =	vld.idx.msk [tilespmem:v2+s17+$0x0], $0xffff  }
0x44f: {  	v10 =	vbroadcast v10, $0x0;
	v7 =	vld.idx.msk [tilespmem:v6+s17+$0x0], $0xffff  }
0x450: {  	v6 =	vld.idx.msk [tilespmem:v5+s17+$0x0], $0xffff  }
0x451: {  	v5 =	vld.idx.msk [tilespmem:v3+s17+$0x0], $0xffff  }
0x452: {  	v4 =	vand.u32 $0xFFFFFFFB, v4;
	v2 =	vld.idx.msk [tilespmem:v9+s17+$0x0], $0xffff  }
0x453: {  	v4 =	vbroadcast v4, $0x0;
	v9 =	vld [tilespmem:s7+$0x100]  }
0x454: {  	v3 =	vld.idx.msk [tilespmem:v8+s17+$0x0], $0xffff  }
0x455: {  	v8 =	vld.idx.msk [tilespmem:v10+s17+$0x0], $0xffff  }
0x456: {  	v10 =	vld [tilespmem:s7+$0xFFFFFE00]  }
0x457: {  	v12 =	vld [tilespmem:s7+$0xFFFFFF00]  }
0x458: {  	v13 =	vld [tilespmem:s7+$0xFFFFFF80]  }
0x459: {  	v4 =	vld.idx.msk [tilespmem:v4+s17+$0x0], $0xffff  }
0x45a: {  	v14 =	vld [tilespmem:s7+$0x0];
	v9 =	vmul.f32 v9, v8  }
0x45b: {  	v15 =	vld [tilespmem:s7+$0x80];
	s24 =	simm.s32 $0x1C080;
	v10 =	vmul.f32 v10, v7  }
0x45c: {  	v11 =	vmul.f32 v11, v6;
	[tilespmem:s24+$0x100] =	vst v9;
	v9 =	vld [tilespmem:s7+$0x180]  }
0x45d: {  	[tilespmem:s24+$0xFFFFFE00] =	vst v10;
	v10 =	vmul.f32 v12, v5;
	v12 =	vld [tilespmem:s7+$0x110]  }
0x45e: {  	[tilespmem:s24+$0xFFFFFE80] =	vst v11;
	v11 =	vmul.f32 v13, v4;
	v16 =	vld [tilespmem:s7+$0xFFFFFE10]  }
0x45f: {  	v13 =	vld [tilespmem:s7+$0xFFFFFE90];
	[tilespmem:s24+$0xFFFFFF00] =	vst v10;
	v10 =	vmul.f32 v14, v3  }
0x460: {  	[tilespmem:s24+$0xFFFFFF80] =	vst v11;
	v11 =	vmul.f32 v15, v2;
	v14 =	vld [tilespmem:s7+$0xFFFFFF10]  }
0x461: {  	v15 =	vld [tilespmem:s7+$0xFFFFFF90];
	[tilespmem:s24+$0x0] =	vst v10;
	v9 =	vmul.f32 v9, v1  }
0x462: {  	[tilespmem:s24+$0x80] =	vst v11;
	v10 =	vld [tilespmem:s7+$0x10];
	v11 =	vmul.f32 v12, v8  }
0x463: {  	v12 =	vmul.f32 v16, v7;
	v16 =	vld [tilespmem:s7+$0x90];
	[tilespmem:s24+$0x180] =	vst v9  }
0x464: {  	v9 =	vmul.f32 v13, v6;
	[tilespmem:s24+$0x110] =	vst v11;
	v11 =	vld [tilespmem:s7+$0x190]  }
0x465: {  	[tilespmem:s24+$0xFFFFFE10] =	vst v12;
	v12 =	vmul.f32 v14, v5;
	v13 =	vld [tilespmem:s7+$0x120]  }
0x466: {  	v14 =	vld [tilespmem:s7+$0xFFFFFE20];
	[tilespmem:s24+$0xFFFFFE90] =	vst v9;
	v9 =	vmul.f32 v15, v4  }
0x467: {  	v15 =	vld [tilespmem:s7+$0xFFFFFEA0];
	[tilespmem:s24+$0xFFFFFF10] =	vst v12;
	v10 =	vmul.f32 v10, v3  }
0x468: {  	v12 =	vld [tilespmem:s7+$0xFFFFFF20];
	[tilespmem:s24+$0xFFFFFF90] =	vst v9;
	v9 =	vmul.f32 v16, v2  }
0x469: {  	v16 =	vld [tilespmem:s7+$0xFFFFFFA0];
	[tilespmem:s24+$0x10] =	vst v10;
	v10 =	vmul.f32 v11, v1  }
0x46a: {  	v11 =	vld [tilespmem:s7+$0x20];
	[tilespmem:s24+$0x90] =	vst v9;
	v9 =	vmul.f32 v13, v8  }
0x46b: {  	v13 =	vmul.f32 v14, v7;
	v14 =	vld [tilespmem:s7+$0xA0];
	[tilespmem:s24+$0x190] =	vst v10  }
0x46c: {  	v10 =	vmul.f32 v15, v6;
	[tilespmem:s24+$0x120] =	vst v9;
	v9 =	vld [tilespmem:s7+$0x1A0]  }
0x46d: {  	[tilespmem:s24+$0xFFFFFE20] =	vst v13;
	v12 =	vmul.f32 v12, v5;
	v13 =	vld [tilespmem:s7+$0x130]  }
0x46e: {  	v15 =	vld [tilespmem:s7+$0xFFFFFE30];
	[tilespmem:s24+$0xFFFFFEA0] =	vst v10;
	v10 =	vmul.f32 v16, v4  }
0x46f: {  	v16 =	vld [tilespmem:s7+$0xFFFFFEB0];
	[tilespmem:s24+$0xFFFFFF20] =	vst v12;
	v11 =	vmul.f32 v11, v3  }
0x470: {  	v12 =	vld [tilespmem:s7+$0xFFFFFF30];
	[tilespmem:s24+$0xFFFFFFA0] =	vst v10;
	v10 =	vmul.f32 v14, v2  }
0x471: {  	v14 =	vld [tilespmem:s7+$0xFFFFFFB0];
	[tilespmem:s24+$0x20] =	vst v11;
	v9 =	vmul.f32 v9, v1  }
0x472: {  	v11 =	vld [tilespmem:s7+$0x30];
	[tilespmem:s24+$0xA0] =	vst v10;
	v10 =	vmul.f32 v13, v8  }
0x473: {  	v13 =	vmul.f32 v15, v7;
	v15 =	vld [tilespmem:s7+$0xB0];
	[tilespmem:s24+$0x1A0] =	vst v9  }
0x474: {  	v9 =	vmul.f32 v16, v6;
	[tilespmem:s24+$0x130] =	vst v10;
	v10 =	vld [tilespmem:s7+$0x1B0]  }
0x475: {  	[tilespmem:s24+$0xFFFFFE30] =	vst v13;
	v12 =	vmul.f32 v12, v5;
	v13 =	vld [tilespmem:s7+$0x140]  }
0x476: {  	v16 =	vld [tilespmem:s7+$0xFFFFFE40];
	[tilespmem:s24+$0xFFFFFEB0] =	vst v9;
	v9 =	vmul.f32 v14, v4  }
0x477: {  	v14 =	vld [tilespmem:s7+$0xFFFFFEC0];
	[tilespmem:s24+$0xFFFFFF30] =	vst v12;
	v11 =	vmul.f32 v11, v3  }
0x478: {  	v12 =	vld [tilespmem:s7+$0xFFFFFF40];
	[tilespmem:s24+$0xFFFFFFB0] =	vst v9;
	v9 =	vmul.f32 v15, v2  }
0x479: {  	v15 =	vld [tilespmem:s7+$0xFFFFFFC0];
	[tilespmem:s24+$0x30] =	vst v11;
	v10 =	vmul.f32 v10, v1  }
0x47a: {  	v11 =	vld [tilespmem:s7+$0x40];
	[tilespmem:s24+$0xB0] =	vst v9;
	v9 =	vmul.f32 v13, v8  }
0x47b: {  	v13 =	vmul.f32 v16, v7;
	v16 =	vld [tilespmem:s7+$0xC0];
	[tilespmem:s24+$0x1B0] =	vst v10  }
0x47c: {  	v10 =	vmul.f32 v14, v6;
	[tilespmem:s24+$0x140] =	vst v9;
	v9 =	vld [tilespmem:s7+$0x1C0]  }
0x47d: {  	[tilespmem:s24+$0xFFFFFE40] =	vst v13;
	v12 =	vmul.f32 v12, v5;
	v13 =	vld [tilespmem:s7+$0x150]  }
0x47e: {  	v14 =	vld [tilespmem:s7+$0xFFFFFE50];
	[tilespmem:s24+$0xFFFFFEC0] =	vst v10;
	v10 =	vmul.f32 v15, v4  }
0x47f: {  	v15 =	vld [tilespmem:s7+$0xFFFFFED0];
	[tilespmem:s24+$0xFFFFFF40] =	vst v12;
	v11 =	vmul.f32 v11, v3  }
0x480: {  	v12 =	vld [tilespmem:s7+$0xFFFFFF50];
	[tilespmem:s24+$0xFFFFFFC0] =	vst v10;
	v10 =	vmul.f32 v16, v2  }
0x481: {  	v16 =	vld [tilespmem:s7+$0xFFFFFFD0];
	[tilespmem:s24+$0x40] =	vst v11;
	v9 =	vmul.f32 v9, v1  }
0x482: {  	v11 =	vld [tilespmem:s7+$0x50];
	[tilespmem:s24+$0xC0] =	vst v10;
	v10 =	vmul.f32 v13, v8  }
0x483: {  	v13 =	vmul.f32 v14, v7;
	v14 =	vld [tilespmem:s7+$0xD0];
	[tilespmem:s24+$0x1C0] =	vst v9  }
0x484: {  	v9 =	vmul.f32 v15, v6;
	[tilespmem:s24+$0x150] =	vst v10;
	v10 =	vld [tilespmem:s7+$0x1D0]  }
0x485: {  	[tilespmem:s24+$0xFFFFFE50] =	vst v13;
	v12 =	vmul.f32 v12, v5;
	v13 =	vld [tilespmem:s7+$0x160]  }
0x486: {  	v15 =	vld [tilespmem:s7+$0xFFFFFE60];
	[tilespmem:s24+$0xFFFFFED0] =	vst v9;
	v9 =	vmul.f32 v16, v4  }
0x487: {  	v16 =	vld [tilespmem:s7+$0xFFFFFEE0];
	[tilespmem:s24+$0xFFFFFF50] =	vst v12;
	v11 =	vmul.f32 v11, v3  }
0x488: {  	v12 =	vld [tilespmem:s7+$0xFFFFFF60];
	[tilespmem:s24+$0xFFFFFFD0] =	vst v9;
	v9 =	vmul.f32 v14, v2  }
0x489: {  	v14 =	vld [tilespmem:s7+$0xFFFFFFE0];
	[tilespmem:s24+$0x50] =	vst v11;
	v10 =	vmul.f32 v10, v1  }
0x48a: {  	s12 =	simm.s32 $0x9;
	v11 =	vld [tilespmem:s7+$0x60];
	[tilespmem:s24+$0xD0] =	vst v9;
	v13 =	vmul.f32 v13, v8  }
0x48b: {  	s25 =	simm.s32 $0x8;
	v18 =	vmov s12;
	s12 =	simm.s32 $0xB;
	v15 =	vmul.f32 v15, v7;
	v17 =	vld [tilespmem:s7+$0xE0];
	[tilespmem:s24+$0x1D0] =	vst v10  }
0x48c: {  	v21 =	vmov s12;
	v9 =	vmov s25;
	s25 =	simm.s32 $0xA;
	v16 =	vmul.f32 v16, v6;
	[tilespmem:s24+$0x160] =	vst v13;
	v13 =	vld [tilespmem:s7+$0x1E0]  }
0x48d: {  	s8 =	simm.s32 $0xF;
	v21 =	vand.u32 $0xFFFFFFFB, v21;
	v19 =	vmov s25;
	[tilespmem:s24+$0xFFFFFE60] =	vst v15;
	v12 =	vmul.f32 v12, v5;
	v20 =	vld [tilespmem:s7+$0x170]  }
0x48e: {  	s25 =	simm.s32 $0xC;
	v10 =	vand.u32 $0xFFFFFFF8, v9;
	v9 =	vmov s8;
	v23 =	vld [tilespmem:s7+$0xFFFFFE70];
	[tilespmem:s24+$0xFFFFFEE0] =	vst v16;
	v16 =	vmul.f32 v14, v4  }
0x48f: {  	v22 =	vmov s25;
	v10 =	vbroadcast v10, $0x0;
	v15 =	vld [tilespmem:s7+$0xFFFFFEF0];
	[tilespmem:s24+$0xFFFFFF60] =	vst v12;
	v12 =	vmul.f32 v11, v3  }
0x490: {  	s25 =	simm.s32 $0xD;
	v11 =	vand.u32 $0xFFFFFFF9, v18;
	v18 =	vand.u32 $0xFFFFFFFA, v19;
	v14 =	vld [tilespmem:s7+$0xFFFFFF70];
	[tilespmem:s24+$0xFFFFFFE0] =	vst v16;
	v19 =	vmul.f32 v17, v2  }
0x491: {  	v24 =	vmov s25;
	v11 =	vbroadcast v11, $0x0;
	v16 =	vld [tilespmem:s7+$0xFFFFFFF0];
	[tilespmem:s24+$0x60] =	vst v12;
	v25 =	vmul.f32 v13, v1  }
0x492: {  	v18 =	vbroadcast v18, $0x0;
	v12 =	vand.u32 $0xFFFFFFFC, v22;
	v17 =	vld [tilespmem:s7+$0x70];
	[tilespmem:s24+$0xE0] =	vst v19;
	v20 =	vmul.f32 v20, v8  }
0x493: {  	s28 =	simm.s32 $0xE;
	s8 =	simm.s32 $0x10;
	v13 =	vand.u32 $0xFFFFFFFD, v24;
	v8 =	vbroadcast v21, $0x0;
	v21 =	vmul.f32 v23, v7;
	v19 =	vld [tilespmem:s7+$0xF0];
	[tilespmem:s24+$0x1E0] =	vst v25  }
.LBB2_13:
0x494: {  	p3 =	slt.u32 s8, $0x38;
	v12 =	vbroadcast v12, $0x0;
	v7 =	vmov s28;
	v6 =	vmul.f32 v15, v6;
	[tilespmem:s24+$0x170] =	vst v20;
	v15 =	vld [tilespmem:s7+$0x1F0]  }
0x495: {  	v13 =	vbroadcast v13, $0x0;
	v20 =	vand.u32 $0xFFFFFFFE, v7;
	v9 =	vld.idx.msk [tilespmem:v9+s17+$0x0], $0xffff;
	[tilespmem:s24+$0xFFFFFE70] =	vst v21;
	v5 =	vmul.f32 v14, v5  }
0x496: {  	v7 =	vld.idx.msk [tilespmem:v10+s17+$0x0], $0xffff;
	v10 =	vbroadcast v20, $0x0;
	[tilespmem:s24+$0xFFFFFEF0] =	vst v6;
	v4 =	vmul.f32 v16, v4  }
0x497: {  	v6 =	vld.idx.msk [tilespmem:v11+s17+$0x0], $0xffff;
	[tilespmem:s24+$0xFFFFFF70] =	vst v5;
	v3 =	vmul.f32 v17, v3  }
0x498: {  	v5 =	vld.idx.msk [tilespmem:v18+s17+$0x0], $0xffff;
	[tilespmem:s24+$0xFFFFFFF0] =	vst v4;
	v2 =	vmul.f32 v19, v2  }
0x499: {  	v4 =	vld.idx.msk [tilespmem:v8+s17+$0x0], $0xffff;
	[tilespmem:s24+$0x70] =	vst v3;
	v8 =	vmul.f32 v15, v1  }
0x49a: {  	v3 =	vld.idx.msk [tilespmem:v12+s17+$0x0], $0xffff;
	[tilespmem:s24+$0xF0] =	vst v2  }
0x49b: {  	v1 =	vmov v9;
	v2 =	vld.idx.msk [tilespmem:v13+s17+$0x0], $0xffff;
	[tilespmem:s24+$0x1F0] =	vst v8  }
0x49c: {  	s7 =	sadd.s32 $0x400, s7;
	v8 =	vld.idx.msk [tilespmem:v10+s17+$0x0], $0xffff  }
0x49d: {  	v9 =	vld [tilespmem:s7+$0x100]  }
0x49e: {  	v10 =	vld [tilespmem:s7+$0xFFFFFE00]  }
0x49f: {  	v11 =	vld [tilespmem:s7+$0xFFFFFE80]  }
0x4a0: {  	v12 =	vld [tilespmem:s7+$0xFFFFFF00]  }
0x4a1: {  	v13 =	vld [tilespmem:s7+$0xFFFFFF80]  }
0x4a2: {  	v14 =	vld [tilespmem:s7+$0x0];
	v9 =	vmul.f32 v9, v8  }
0x4a3: {  	s24 =	sadd.s32 $0x400, s24;
	v10 =	vmul.f32 v10, v7;
	v15 =	vld [tilespmem:s7+$0x80]  }
0x4a4: {  	v11 =	vmul.f32 v11, v6;
	[tilespmem:s24+$0x100] =	vst v9;
	v9 =	vld [tilespmem:s7+$0x180]  }
0x4a5: {  	[tilespmem:s24+$0xFFFFFE00] =	vst v10;
	v10 =	vmul.f32 v12, v5;
	v12 =	vld [tilespmem:s7+$0x110]  }
0x4a6: {  	v16 =	vld [tilespmem:s7+$0xFFFFFE10];
	[tilespmem:s24+$0xFFFFFE80] =	vst v11;
	v11 =	vmul.f32 v13, v4  }
0x4a7: {  	v13 =	vld [tilespmem:s7+$0xFFFFFE90];
	[tilespmem:s24+$0xFFFFFF00] =	vst v10;
	v10 =	vmul.f32 v14, v3  }
0x4a8: {  	v14 =	vld [tilespmem:s7+$0xFFFFFF10];
	[tilespmem:s24+$0xFFFFFF80] =	vst v11;
	v11 =	vmul.f32 v15, v2  }
0x4a9: {  	v15 =	vld [tilespmem:s7+$0xFFFFFF90];
	[tilespmem:s24+$0x0] =	vst v10;
	v9 =	vmul.f32 v9, v1  }
0x4aa: {  	v10 =	vld [tilespmem:s7+$0x10];
	[tilespmem:s24+$0x80] =	vst v11;
	v11 =	vmul.f32 v12, v8  }
0x4ab: {  	v12 =	vmul.f32 v16, v7;
	v16 =	vld [tilespmem:s7+$0x90];
	[tilespmem:s24+$0x180] =	vst v9  }
0x4ac: {  	v9 =	vmul.f32 v13, v6;
	[tilespmem:s24+$0x110] =	vst v11;
	v11 =	vld [tilespmem:s7+$0x190]  }
0x4ad: {  	[tilespmem:s24+$0xFFFFFE10] =	vst v12;
	v12 =	vmul.f32 v14, v5;
	v13 =	vld [tilespmem:s7+$0x120]  }
0x4ae: {  	v14 =	vld [tilespmem:s7+$0xFFFFFE20];
	[tilespmem:s24+$0xFFFFFE90] =	vst v9;
	v9 =	vmul.f32 v15, v4  }
0x4af: {  	v15 =	vld [tilespmem:s7+$0xFFFFFEA0];
	[tilespmem:s24+$0xFFFFFF10] =	vst v12;
	v10 =	vmul.f32 v10, v3  }
0x4b0: {  	v12 =	vld [tilespmem:s7+$0xFFFFFF20];
	[tilespmem:s24+$0xFFFFFF90] =	vst v9;
	v9 =	vmul.f32 v16, v2  }
0x4b1: {  	v16 =	vld [tilespmem:s7+$0xFFFFFFA0];
	[tilespmem:s24+$0x10] =	vst v10;
	v10 =	vmul.f32 v11, v1  }
0x4b2: {  	v11 =	vld [tilespmem:s7+$0x20];
	[tilespmem:s24+$0x90] =	vst v9;
	v9 =	vmul.f32 v13, v8  }
0x4b3: {  	v13 =	vmul.f32 v14, v7;
	v14 =	vld [tilespmem:s7+$0xA0];
	[tilespmem:s24+$0x190] =	vst v10  }
0x4b4: {  	v10 =	vmul.f32 v15, v6;
	[tilespmem:s24+$0x120] =	vst v9;
	v9 =	vld [tilespmem:s7+$0x1A0]  }
0x4b5: {  	[tilespmem:s24+$0xFFFFFE20] =	vst v13;
	v12 =	vmul.f32 v12, v5;
	v13 =	vld [tilespmem:s7+$0x130]  }
0x4b6: {  	v15 =	vld [tilespmem:s7+$0xFFFFFE30];
	[tilespmem:s24+$0xFFFFFEA0] =	vst v10;
	v10 =	vmul.f32 v16, v4  }
0x4b7: {  	v16 =	vld [tilespmem:s7+$0xFFFFFEB0];
	[tilespmem:s24+$0xFFFFFF20] =	vst v12;
	v11 =	vmul.f32 v11, v3  }
0x4b8: {  	v12 =	vld [tilespmem:s7+$0xFFFFFF30];
	[tilespmem:s24+$0xFFFFFFA0] =	vst v10;
	v10 =	vmul.f32 v14, v2  }
0x4b9: {  	v14 =	vld [tilespmem:s7+$0xFFFFFFB0];
	[tilespmem:s24+$0x20] =	vst v11;
	v9 =	vmul.f32 v9, v1  }
0x4ba: {  	v11 =	vld [tilespmem:s7+$0x30];
	[tilespmem:s24+$0xA0] =	vst v10;
	v10 =	vmul.f32 v13, v8  }
0x4bb: {  	v13 =	vmul.f32 v15, v7;
	v15 =	vld [tilespmem:s7+$0xB0];
	[tilespmem:s24+$0x1A0] =	vst v9  }
0x4bc: {  	v9 =	vmul.f32 v16, v6;
	[tilespmem:s24+$0x130] =	vst v10;
	v10 =	vld [tilespmem:s7+$0x1B0]  }
0x4bd: {  	[tilespmem:s24+$0xFFFFFE30] =	vst v13;
	v12 =	vmul.f32 v12, v5;
	v13 =	vld [tilespmem:s7+$0x140]  }
0x4be: {  	v16 =	vld [tilespmem:s7+$0xFFFFFE40];
	[tilespmem:s24+$0xFFFFFEB0] =	vst v9;
	v9 =	vmul.f32 v14, v4  }
0x4bf: {  	v14 =	vld [tilespmem:s7+$0xFFFFFEC0];
	[tilespmem:s24+$0xFFFFFF30] =	vst v12;
	v11 =	vmul.f32 v11, v3  }
0x4c0: {  	v12 =	vld [tilespmem:s7+$0xFFFFFF40];
	[tilespmem:s24+$0xFFFFFFB0] =	vst v9;
	v9 =	vmul.f32 v15, v2  }
0x4c1: {  	v15 =	vld [tilespmem:s7+$0xFFFFFFC0];
	[tilespmem:s24+$0x30] =	vst v11;
	v10 =	vmul.f32 v10, v1  }
0x4c2: {  	v11 =	vld [tilespmem:s7+$0x40];
	[tilespmem:s24+$0xB0] =	vst v9;
	v9 =	vmul.f32 v13, v8  }
0x4c3: {  	v13 =	vmul.f32 v16, v7;
	v16 =	vld [tilespmem:s7+$0xC0];
	[tilespmem:s24+$0x1B0] =	vst v10  }
0x4c4: {  	v10 =	vmul.f32 v14, v6;
	[tilespmem:s24+$0x140] =	vst v9;
	v9 =	vld [tilespmem:s7+$0x1C0]  }
0x4c5: {  	[tilespmem:s24+$0xFFFFFE40] =	vst v13;
	v12 =	vmul.f32 v12, v5;
	v13 =	vld [tilespmem:s7+$0x150]  }
0x4c6: {  	v14 =	vld [tilespmem:s7+$0xFFFFFE50];
	[tilespmem:s24+$0xFFFFFEC0] =	vst v10;
	v10 =	vmul.f32 v15, v4  }
0x4c7: {  	v15 =	vld [tilespmem:s7+$0xFFFFFED0];
	[tilespmem:s24+$0xFFFFFF40] =	vst v12;
	v11 =	vmul.f32 v11, v3  }
0x4c8: {  	v12 =	vld [tilespmem:s7+$0xFFFFFF50];
	[tilespmem:s24+$0xFFFFFFC0] =	vst v10;
	v10 =	vmul.f32 v16, v2  }
0x4c9: {  	v16 =	vld [tilespmem:s7+$0xFFFFFFD0];
	[tilespmem:s24+$0x40] =	vst v11;
	v9 =	vmul.f32 v9, v1  }
0x4ca: {  	v11 =	vld [tilespmem:s7+$0x50];
	[tilespmem:s24+$0xC0] =	vst v10;
	v10 =	vmul.f32 v13, v8  }
0x4cb: {  	v13 =	vmul.f32 v14, v7;
	v14 =	vld [tilespmem:s7+$0xD0];
	[tilespmem:s24+$0x1C0] =	vst v9  }
0x4cc: {  	v9 =	vmul.f32 v15, v6;
	[tilespmem:s24+$0x150] =	vst v10;
	v10 =	vld [tilespmem:s7+$0x1D0]  }
0x4cd: {  	[tilespmem:s24+$0xFFFFFE50] =	vst v13;
	v12 =	vmul.f32 v12, v5;
	v13 =	vld [tilespmem:s7+$0x160]  }
0x4ce: {  	v15 =	vld [tilespmem:s7+$0xFFFFFE60];
	[tilespmem:s24+$0xFFFFFED0] =	vst v9;
	v9 =	vmul.f32 v16, v4  }
0x4cf: {  	v16 =	vld [tilespmem:s7+$0xFFFFFEE0];
	[tilespmem:s24+$0xFFFFFF50] =	vst v12;
	v11 =	vmul.f32 v11, v3  }
0x4d0: {  	v12 =	vld [tilespmem:s7+$0xFFFFFF60];
	[tilespmem:s24+$0xFFFFFFD0] =	vst v9;
	v9 =	vmul.f32 v14, v2  }
0x4d1: {  	v14 =	vld [tilespmem:s7+$0xFFFFFFE0];
	[tilespmem:s24+$0x50] =	vst v11;
	v10 =	vmul.f32 v10, v1  }
0x4d2: {  	v11 =	vld [tilespmem:s7+$0x60];
	[tilespmem:s24+$0xD0] =	vst v9;
	v13 =	vmul.f32 v13, v8  }
0x4d3: {  	s12 =	sadd.s32 $0x7, s8;
	v9 =	vmov s8;
	v15 =	vmul.f32 v15, v7;
	v17 =	vld [tilespmem:s7+$0xE0];
	[tilespmem:s24+$0x1D0] =	vst v10  }
0x4d4: {  	s25 =	sadd.s32 $0x1, s8;
	s28 =	sadd.s32 $0x2, s8;
	v10 =	vand.u32 $0xFFFFFFF8, v9;
	v9 =	vmov s12;
	v16 =	vmul.f32 v16, v6;
	[tilespmem:s24+$0x160] =	vst v13;
	v13 =	vld [tilespmem:s7+$0x1E0]  }
0x4d5: {  	v18 =	vmov s25;
	v19 =	vmov s28;
	s25 =	sadd.s32 $0x4, s8;
	s12 =	sadd.s32 $0x3, s8;
	[tilespmem:s24+$0xFFFFFE60] =	vst v15;
	v12 =	vmul.f32 v12, v5;
	v20 =	vld [tilespmem:s7+$0x170]  }
0x4d6: {  	v22 =	vmov s25;
	v21 =	vmov s12;
	s12 =	sadd.s32 $0x5, s8;
	v23 =	vld [tilespmem:s7+$0xFFFFFE70];
	[tilespmem:s24+$0xFFFFFEE0] =	vst v16;
	v16 =	vmul.f32 v14, v4  }
.Ltmp7:
0x4d7: {  	v10 =	vbroadcast v10, $0x0;
	v24 =	vmov s12;
	v15 =	vld [tilespmem:s7+$0xFFFFFEF0];
	[tilespmem:s24+$0xFFFFFF60] =	vst v12;
	v12 =	vmul.f32 v11, v3;
	(pc) =	sbr.rel @p3 .LBB2_13-.Ltmp7, $4  }
0x4d8: {  	v11 =	vand.u32 $0xFFFFFFF9, v18;
	v18 =	vand.u32 $0xFFFFFFFA, v19;
	v14 =	vld [tilespmem:s7+$0xFFFFFF70];
	[tilespmem:s24+$0xFFFFFFE0] =	vst v16;
	v19 =	vmul.f32 v17, v2  }
0x4d9: {  	v21 =	vand.u32 $0xFFFFFFFB, v21;
	v11 =	vbroadcast v11, $0x0;
	v16 =	vld [tilespmem:s7+$0xFFFFFFF0];
	[tilespmem:s24+$0x60] =	vst v12;
	v25 =	vmul.f32 v13, v1  }
0x4da: {  	v18 =	vbroadcast v18, $0x0;
	v12 =	vand.u32 $0xFFFFFFFC, v22;
	v17 =	vld [tilespmem:s7+$0x70];
	[tilespmem:s24+$0xE0] =	vst v19;
	v20 =	vmul.f32 v20, v8  }
0x4db: {  	s28 =	sadd.s32 $0x6, s8;
	s8 =	sadd.s32 $0x8, s8;
	v13 =	vand.u32 $0xFFFFFFFD, v24;
	v8 =	vbroadcast v21, $0x0;
	v21 =	vmul.f32 v23, v7;
	v19 =	vld [tilespmem:s7+$0xF0];
	[tilespmem:s24+$0x1E0] =	vst v25  }
0x4dc: {  	_ =	sdelay $0x2  }
0x4dd: {  	v23 =	vld [tilespmem:s7+$0x1F0]  }
0x4de: {  	v7 =	vmov s28;
	v24 =	vbroadcast v13, $0x0;
	v13 =	vld.idx.msk [tilespmem:v10+s17+$0x0], $0xffff  }
0x4df: {  	v22 =	vbroadcast v12, $0x0;
	v12 =	vand.u32 $0xFFFFFFFE, v7;
	v7 =	vld.idx.msk [tilespmem:v9+s17+$0x0], $0xffff  }
0x4e0: {  	s28 =	sadd.s32 $0x400, s7;
	v10 =	vld.idx.msk [tilespmem:v8+s17+$0x0], $0xffff;
	v25 =	vbroadcast v12, $0x0  }
0x4e1: {  	v5 =	vmul.f32 v14, v5;
	v14 =	vld [tilespmem:s28+$0x100]  }
0x4e2: {  	v15 =	vmul.f32 v15, v6;
	v12 =	vld.idx.msk [tilespmem:v11+s17+$0x0], $0xffff  }
0x4e3: {  	v11 =	vld.idx.msk [tilespmem:v18+s17+$0x0], $0xffff  }
0x4e4: {  	[tilespmem:s24+$0xFFFFFEF0] =	vst v15;
	v15 =	vld [tilespmem:s28+$0xFFFFFE00]  }
0x4e5: {  	v4 =	vmul.f32 v16, v4;
	[tilespmem:s24+$0xFFFFFF70] =	vst v5;
	v5 =	vld [tilespmem:s28+$0xFFFFFE80]  }
0x4e6: {  	v3 =	vmul.f32 v17, v3;
	v6 =	vld.idx.msk [tilespmem:v25+s17+$0x0], $0xffff  }
0x4e7: {  	[tilespmem:s24+$0xFFFFFFF0] =	vst v4;
	v4 =	vld [tilespmem:s28+$0xFFFFFF00]  }
0x4e8: {  	[tilespmem:s24+$0x70] =	vst v3;
	v3 =	vld [tilespmem:s28+$0xFFFFFF80]  }
0x4e9: {  	[tilespmem:s24+$0x170] =	vst v20;
	v2 =	vmul.f32 v19, v2;
	v9 =	vld.idx.msk [tilespmem:v22+s17+$0x0], $0xffff  }
0x4ea: {  	[tilespmem:s24+$0xFFFFFE70] =	vst v21;
	v1 =	vmul.f32 v23, v1;
	v8 =	vld.idx.msk [tilespmem:v24+s17+$0x0], $0xffff  }
0x4eb: {  	[tilespmem:s24+$0xF0] =	vst v2;
	v2 =	vld [tilespmem:s28+$0x0];
	v14 =	vmul.f32 v14, v6  }
0x4ec: {  	s8 =	sadd.s32 $0x400, s24;
	[tilespmem:s24+$0x1F0] =	vst v1;
	v1 =	vmul.f32 v15, v13;
	v15 =	vld [tilespmem:s28+$0x80]  }
0x4ed: {  	v5 =	vmul.f32 v5, v12;
	[tilespmem:s8+$0x100] =	vst v14;
	v14 =	vld [tilespmem:s28+$0x180]  }
0x4ee: {  	[tilespmem:s8+$0xFFFFFE00] =	vst v1;
	v1 =	vmul.f32 v4, v11;
	v4 =	vld [tilespmem:s28+$0x110]  }
0x4ef: {  	v16 =	vld [tilespmem:s28+$0xFFFFFE10];
	[tilespmem:s8+$0xFFFFFE80] =	vst v5;
	v3 =	vmul.f32 v3, v10  }
0x4f0: {  	v5 =	vld [tilespmem:s28+$0xFFFFFE90];
	[tilespmem:s8+$0xFFFFFF00] =	vst v1;
	v1 =	vmul.f32 v2, v9  }
0x4f1: {  	v2 =	vld [tilespmem:s28+$0xFFFFFF10];
	[tilespmem:s8+$0xFFFFFF80] =	vst v3;
	v3 =	vmul.f32 v15, v8  }
0x4f2: {  	v15 =	vld [tilespmem:s28+$0xFFFFFF90];
	[tilespmem:s8+$0x0] =	vst v1;
	v1 =	vmul.f32 v14, v7  }
0x4f3: {  	[tilespmem:s8+$0x80] =	vst v3;
	v14 =	vld [tilespmem:s28+$0x10];
	v3 =	vmul.f32 v4, v6  }
0x4f4: {  	v4 =	vmul.f32 v16, v13;
	v16 =	vld [tilespmem:s28+$0x90];
	[tilespmem:s8+$0x180] =	vst v1  }
0x4f5: {  	v1 =	vmul.f32 v5, v12;
	[tilespmem:s8+$0x110] =	vst v3;
	v3 =	vld [tilespmem:s28+$0x190]  }
0x4f6: {  	v2 =	vmul.f32 v2, v11;
	[tilespmem:s8+$0xFFFFFE10] =	vst v4;
	v4 =	vld [tilespmem:s28+$0x120]  }
0x4f7: {  	v5 =	vld [tilespmem:s28+$0xFFFFFE20];
	[tilespmem:s8+$0xFFFFFE90] =	vst v1;
	v1 =	vmul.f32 v15, v10  }
0x4f8: {  	[tilespmem:s8+$0xFFFFFF10] =	vst v2;
	v15 =	vld [tilespmem:s28+$0xFFFFFEA0];
	v2 =	vmul.f32 v14, v9  }
0x4f9: {  	v14 =	vld [tilespmem:s28+$0xFFFFFF20];
	[tilespmem:s8+$0xFFFFFF90] =	vst v1;
	v1 =	vmul.f32 v16, v8  }
0x4fa: {  	v16 =	vld [tilespmem:s28+$0xFFFFFFA0];
	[tilespmem:s8+$0x10] =	vst v2;
	v2 =	vmul.f32 v3, v7  }
0x4fb: {  	v3 =	vld [tilespmem:s28+$0x20];
	[tilespmem:s8+$0x90] =	vst v1;
	v1 =	vmul.f32 v4, v6  }
0x4fc: {  	v4 =	vmul.f32 v5, v13;
	v5 =	vld [tilespmem:s28+$0xA0];
	[tilespmem:s8+$0x190] =	vst v2  }
0x4fd: {  	v2 =	vmul.f32 v15, v12;
	[tilespmem:s8+$0x120] =	vst v1;
	v1 =	vld [tilespmem:s28+$0x1A0]  }
0x4fe: {  	[tilespmem:s8+$0xFFFFFE20] =	vst v4;
	v4 =	vmul.f32 v14, v11;
	v14 =	vld [tilespmem:s28+$0x130]  }
0x4ff: {  	v15 =	vld [tilespmem:s28+$0xFFFFFE30];
	[tilespmem:s8+$0xFFFFFEA0] =	vst v2;
	v2 =	vmul.f32 v16, v10  }
0x500: {  	v16 =	vld [tilespmem:s28+$0xFFFFFEB0];
	[tilespmem:s8+$0xFFFFFF20] =	vst v4;
	v3 =	vmul.f32 v3, v9  }
0x501: {  	v4 =	vld [tilespmem:s28+$0xFFFFFF30];
	[tilespmem:s8+$0xFFFFFFA0] =	vst v2;
	v2 =	vmul.f32 v5, v8  }
0x502: {  	v5 =	vld [tilespmem:s28+$0xFFFFFFB0];
	[tilespmem:s8+$0x20] =	vst v3;
	v1 =	vmul.f32 v1, v7  }
0x503: {  	v3 =	vld [tilespmem:s28+$0x30];
	[tilespmem:s8+$0xA0] =	vst v2;
	v2 =	vmul.f32 v14, v6  }
0x504: {  	v14 =	vmul.f32 v15, v13;
	v15 =	vld [tilespmem:s28+$0xB0];
	[tilespmem:s8+$0x1A0] =	vst v1  }
0x505: {  	v1 =	vmul.f32 v16, v12;
	[tilespmem:s8+$0x130] =	vst v2;
	v2 =	vld [tilespmem:s28+$0x1B0]  }
0x506: {  	[tilespmem:s8+$0xFFFFFE30] =	vst v14;
	v4 =	vmul.f32 v4, v11;
	v14 =	vld [tilespmem:s28+$0x140]  }
0x507: {  	v16 =	vld [tilespmem:s28+$0xFFFFFE40];
	[tilespmem:s8+$0xFFFFFEB0] =	vst v1;
	v1 =	vmul.f32 v5, v10  }
0x508: {  	v5 =	vld [tilespmem:s28+$0xFFFFFEC0];
	[tilespmem:s8+$0xFFFFFF30] =	vst v4;
	v3 =	vmul.f32 v3, v9  }
0x509: {  	v4 =	vld [tilespmem:s28+$0xFFFFFF40];
	[tilespmem:s8+$0xFFFFFFB0] =	vst v1;
	v1 =	vmul.f32 v15, v8  }
0x50a: {  	v15 =	vld [tilespmem:s28+$0xFFFFFFC0];
	[tilespmem:s8+$0x30] =	vst v3;
	v2 =	vmul.f32 v2, v7  }
0x50b: {  	v3 =	vld [tilespmem:s28+$0x40];
	[tilespmem:s8+$0xB0] =	vst v1;
	v1 =	vmul.f32 v14, v6  }
0x50c: {  	v14 =	vmul.f32 v16, v13;
	v16 =	vld [tilespmem:s28+$0xC0];
	[tilespmem:s8+$0x1B0] =	vst v2  }
0x50d: {  	v2 =	vmul.f32 v5, v12;
	[tilespmem:s8+$0x140] =	vst v1;
	v1 =	vld [tilespmem:s28+$0x1C0]  }
0x50e: {  	[tilespmem:s8+$0xFFFFFE40] =	vst v14;
	v4 =	vmul.f32 v4, v11;
	v5 =	vld [tilespmem:s28+$0x150]  }
0x50f: {  	v14 =	vld [tilespmem:s28+$0xFFFFFE50];
	[tilespmem:s8+$0xFFFFFEC0] =	vst v2;
	v2 =	vmul.f32 v15, v10  }
0x510: {  	v15 =	vld [tilespmem:s28+$0xFFFFFED0];
	[tilespmem:s8+$0xFFFFFF40] =	vst v4;
	v3 =	vmul.f32 v3, v9  }
0x511: {  	v4 =	vld [tilespmem:s28+$0xFFFFFF50];
	[tilespmem:s8+$0xFFFFFFC0] =	vst v2;
	v2 =	vmul.f32 v16, v8  }
0x512: {  	v16 =	vld [tilespmem:s28+$0xFFFFFFD0];
	[tilespmem:s8+$0x40] =	vst v3;
	v1 =	vmul.f32 v1, v7  }
0x513: {  	v3 =	vld [tilespmem:s28+$0x50];
	[tilespmem:s8+$0xC0] =	vst v2;
	v2 =	vmul.f32 v5, v6  }
0x514: {  	v5 =	vmul.f32 v14, v13;
	v14 =	vld [tilespmem:s28+$0xD0];
	[tilespmem:s8+$0x1C0] =	vst v1  }
0x515: {  	v1 =	vmul.f32 v15, v12;
	[tilespmem:s8+$0x150] =	vst v2;
	v2 =	vld [tilespmem:s28+$0x1D0]  }
0x516: {  	[tilespmem:s8+$0xFFFFFE50] =	vst v5;
	v4 =	vmul.f32 v4, v11;
	v5 =	vld [tilespmem:s28+$0x160]  }
0x517: {  	v15 =	vld [tilespmem:s28+$0xFFFFFE60];
	[tilespmem:s8+$0xFFFFFED0] =	vst v1;
	v1 =	vmul.f32 v16, v10  }
0x518: {  	v16 =	vld [tilespmem:s28+$0xFFFFFEE0];
	[tilespmem:s8+$0xFFFFFF50] =	vst v4;
	v3 =	vmul.f32 v3, v9  }
0x519: {  	v4 =	vld [tilespmem:s28+$0xFFFFFF60];
	[tilespmem:s8+$0xFFFFFFD0] =	vst v1;
	v1 =	vmul.f32 v14, v8  }
0x51a: {  	v14 =	vld [tilespmem:s28+$0xFFFFFFE0];
	[tilespmem:s8+$0x50] =	vst v3;
	v2 =	vmul.f32 v2, v7  }
0x51b: {  	v3 =	vld [tilespmem:s28+$0x60];
	[tilespmem:s8+$0xD0] =	vst v1;
	v1 =	vmul.f32 v5, v6  }
0x51c: {  	v5 =	vmul.f32 v15, v13;
	v15 =	vld [tilespmem:s28+$0xE0];
	[tilespmem:s8+$0x1D0] =	vst v2  }
0x51d: {  	v2 =	vmul.f32 v16, v12;
	[tilespmem:s8+$0x160] =	vst v1;
	v1 =	vld [tilespmem:s28+$0x1E0]  }
0x51e: {  	[tilespmem:s8+$0xFFFFFE60] =	vst v5;
	v4 =	vmul.f32 v4, v11;
	v5 =	vld [tilespmem:s28+$0x170]  }
0x51f: {  	v16 =	vld [tilespmem:s28+$0xFFFFFE70];
	[tilespmem:s8+$0xFFFFFEE0] =	vst v2;
	v2 =	vmul.f32 v14, v10  }
0x520: {  	v14 =	vld [tilespmem:s28+$0xFFFFFEF0];
	[tilespmem:s8+$0xFFFFFF60] =	vst v4;
	v3 =	vmul.f32 v3, v9  }
0x521: {  	v4 =	vld [tilespmem:s28+$0xFFFFFF70];
	[tilespmem:s8+$0xFFFFFFE0] =	vst v2;
	v2 =	vmul.f32 v15, v8  }
0x522: {  	v15 =	vld [tilespmem:s28+$0xFFFFFFF0];
	[tilespmem:s8+$0x60] =	vst v3;
	v1 =	vmul.f32 v1, v7  }
0x523: {  	v3 =	vld [tilespmem:s28+$0x70];
	[tilespmem:s8+$0xE0] =	vst v2;
	v2 =	vmul.f32 v5, v6  }
0x524: {  	v5 =	vmul.f32 v16, v13;
	v6 =	vld [tilespmem:s28+$0xF0];
	[tilespmem:s8+$0x1E0] =	vst v1  }
0x525: {  	v1 =	vmul.f32 v14, v12;
	[tilespmem:s8+$0x170] =	vst v2;
	v2 =	vld [tilespmem:s28+$0x1F0]  }
0x526: {  	[tilespmem:s8+$0xFFFFFE70] =	vst v5;
	v4 =	vmul.f32 v4, v11  }
0x527: {  	[tilespmem:s8+$0xFFFFFEF0] =	vst v1;
	v1 =	vmul.f32 v15, v10  }
0x528: {  	[tilespmem:s8+$0xFFFFFF70] =	vst v4;
	v3 =	vmul.f32 v3, v9  }
0x529: {  	[tilespmem:s8+$0xFFFFFFF0] =	vst v1;
	v1 =	vmul.f32 v6, v8  }
0x52a: {  	[tilespmem:s8+$0x70] =	vst v3;
	v2 =	vmul.f32 v2, v7  }
0x52b: {  	[tilespmem:s8+$0xF0] =	vst v1  }
0x52c: {  	s12 =	simm.s32 $0x1BE80;
	[tilespmem:s8+$0x1F0] =	vst v2;
	s8 =	simm.s32 $0x13D80  }
0x52d: {  	[spmem:s5] =	stream.indirect.scatter.add.f32 [tilespmem:s12], [sflag:$0xB], $0x80, s8, s23, $0xb8;
	[tilespmem:$0x1FE80] =	vst v63  }
0x52e: {  	s24 =	simm.s32 $0x13940  }
0x52f: {  	[tilespmem:s29], [sflag:$0x8] =	stream.indirect.gather [hbm4b:s1+s23], $0x80, s24, s23, $0xb8;
	[tilespmem:$0x1FE80] =	vst v63  }
0x530: {  	_ =	swait.ge [sflag:s11], $0x2000  }
0x531: {  	[sflag:s11] =	ssyncset.done $0x0  }
0x532: {  	[sflag:s11] =	ssyncadd.s32 $0xFFFFE000  }
0x533: {  	_ =	swait.ge [sflag:s20], $0x2000  }
0x534: {  	[sflag:s20] =	ssyncset.done $0x0  }
0x535: {  	[sflag:s20] =	ssyncadd.s32 $0xFFFFE000  }
0x536: {  	s25 =	simm.s32 $0x40;
	v1 =	vld [tilespmem:$0x13AC0]  }
0x537: {  	v4 =	vmov s25;
	s8 =	simm.s32 $0x42;
	v2 =	vld [tilespmem:$0x13AD0]  }
0x538: {  	v4 =	vand.u32 $0xFFFFFFF8, v4;
	v8 =	vmov s8;
	v3 =	vld [tilespmem:$0x13AE0]  }
0x539: {  	v4 =	vbroadcast v4, $0x0;
	s12 =	simm.s32 $0x41;
	v8 =	vand.u32 $0xFFFFFFFA, v8;
	v5 =	vld [tilespmem:$0x13AF0]  }
0x53a: {  	v7 =	vmov s12;
	v8 =	vbroadcast v8, $0x0  }
0x53b: {  	s28 =	simm.s32 $0x47;
	s12 =	simm.s32 $0x43;
	v7 =	vand.u32 $0xFFFFFFF9, v7;
	[tilespmem:$0x13E00] =	vst v1  }
0x53c: {  	v6 =	vmov s28;
	s24 =	simm.s32 $0x44;
	v9 =	vbroadcast v7, $0x0;
	v1 =	vmov s12;
	[tilespmem:$0x13E10] =	vst v2  }
0x53d: {  	s25 =	simm.s32 $0x45;
	v2 =	vmov s24;
	[tilespmem:$0x13E20] =	vst v3;
	v1 =	vand.u32 $0xFFFFFFFB, v1  }
0x53e: {  	s28 =	simm.s32 $0x46;
	v3 =	vmov s25;
	[tilespmem:$0x13E30] =	vst v5;
	v2 =	vand.u32 $0xFFFFFFFC, v2;
	v10 =	vbroadcast v1, $0x0  }
0x53f: {  	v7 =	vld.idx.msk [tilespmem:v4+s17+$0x0], $0xffff;
	v1 =	vand.u32 $0xFFFFFFFD, v3;
	v2 =	vbroadcast v2, $0x0;
	v3 =	vmov s28  }
0x540: {  	v5 =	vld.idx.msk [tilespmem:v8+s17+$0x0], $0xffff;
	v3 =	vand.u32 $0xFFFFFFFE, v3  }
0x541: {  	v11 =	vbroadcast v1, $0x0;
	v1 =	vld.idx.msk [tilespmem:v6+s17+$0x0], $0xffff;
	v12 =	vbroadcast v3, $0x0  }
0x542: {  	s24 =	simm.s32 $0x18080;
	v6 =	vld.idx.msk [tilespmem:v9+s17+$0x0], $0xffff  }
0x543: {  	v9 =	vld [tilespmem:s24+$0x100]  }
0x544: {  	v4 =	vld.idx.msk [tilespmem:v10+s17+$0x0], $0xffff  }
0x545: {  	v3 =	vld.idx.msk [tilespmem:v2+s17+$0x0], $0xffff  }
0x546: {  	v10 =	vld [tilespmem:s24+$0xFFFFFE00]  }
0x547: {  	v8 =	vld.idx.msk [tilespmem:v12+s17+$0x0], $0xffff  }
0x548: {  	v2 =	vld.idx.msk [tilespmem:v11+s17+$0x0], $0xffff  }
0x549: {  	v11 =	vld [tilespmem:s24+$0xFFFFFE80]  }
0x54a: {  	v12 =	vld [tilespmem:s24+$0xFFFFFF00]  }
0x54b: {  	v13 =	vld [tilespmem:s24+$0xFFFFFF80]  }
0x54c: {  	v14 =	vld [tilespmem:s24+$0x0];
	v9 =	vmul.f32 v9, v8  }
0x54d: {  	s7 =	simm.s32 $0x1E080;
	v15 =	vld [tilespmem:s24+$0x80];
	v10 =	vmul.f32 v10, v7  }
0x54e: {  	v11 =	vmul.f32 v11, v6;
	[tilespmem:s7+$0x100] =	vst v9;
	v9 =	vld [tilespmem:s24+$0x180]  }
0x54f: {  	[tilespmem:s7+$0xFFFFFE00] =	vst v10;
	v10 =	vmul.f32 v12, v5;
	v12 =	vld [tilespmem:s24+$0x110]  }
0x550: {  	v16 =	vld [tilespmem:s24+$0xFFFFFE10];
	[tilespmem:s7+$0xFFFFFE80] =	vst v11;
	v11 =	vmul.f32 v13, v4  }
0x551: {  	v13 =	vld [tilespmem:s24+$0xFFFFFE90];
	[tilespmem:s7+$0xFFFFFF00] =	vst v10;
	v10 =	vmul.f32 v14, v3  }
0x552: {  	v14 =	vld [tilespmem:s24+$0xFFFFFF10];
	[tilespmem:s7+$0xFFFFFF80] =	vst v11;
	v11 =	vmul.f32 v15, v2  }
0x553: {  	v15 =	vld [tilespmem:s24+$0xFFFFFF90];
	[tilespmem:s7+$0x0] =	vst v10;
	v9 =	vmul.f32 v9, v1  }
0x554: {  	v10 =	vld [tilespmem:s24+$0x10];
	[tilespmem:s7+$0x80] =	vst v11;
	v11 =	vmul.f32 v12, v8  }
0x555: {  	v12 =	vmul.f32 v16, v7;
	v16 =	vld [tilespmem:s24+$0x90];
	[tilespmem:s7+$0x180] =	vst v9  }
0x556: {  	v9 =	vmul.f32 v13, v6;
	[tilespmem:s7+$0x110] =	vst v11;
	v11 =	vld [tilespmem:s24+$0x190]  }
0x557: {  	[tilespmem:s7+$0xFFFFFE10] =	vst v12;
	v12 =	vmul.f32 v14, v5;
	v13 =	vld [tilespmem:s24+$0x120]  }
0x558: {  	v14 =	vld [tilespmem:s24+$0xFFFFFE20];
	[tilespmem:s7+$0xFFFFFE90] =	vst v9;
	v9 =	vmul.f32 v15, v4  }
0x559: {  	v10 =	vmul.f32 v10, v3;
	v15 =	vld [tilespmem:s24+$0xFFFFFEA0];
	[tilespmem:s7+$0xFFFFFF10] =	vst v12  }
0x55a: {  	v12 =	vld [tilespmem:s24+$0xFFFFFF20];
	[tilespmem:s7+$0xFFFFFF90] =	vst v9;
	v9 =	vmul.f32 v16, v2  }
0x55b: {  	[tilespmem:s7+$0x10] =	vst v10;
	v16 =	vld [tilespmem:s24+$0xFFFFFFA0];
	v10 =	vmul.f32 v11, v1  }
0x55c: {  	v11 =	vld [tilespmem:s24+$0x20];
	[tilespmem:s7+$0x90] =	vst v9;
	v9 =	vmul.f32 v13, v8  }
0x55d: {  	v13 =	vmul.f32 v14, v7;
	v14 =	vld [tilespmem:s24+$0xA0];
	[tilespmem:s7+$0x190] =	vst v10  }
0x55e: {  	v10 =	vmul.f32 v15, v6;
	[tilespmem:s7+$0x120] =	vst v9;
	v9 =	vld [tilespmem:s24+$0x1A0]  }
0x55f: {  	[tilespmem:s7+$0xFFFFFE20] =	vst v13;
	v12 =	vmul.f32 v12, v5;
	v13 =	vld [tilespmem:s24+$0x130]  }
0x560: {  	v15 =	vld [tilespmem:s24+$0xFFFFFE30];
	[tilespmem:s7+$0xFFFFFEA0] =	vst v10;
	v10 =	vmul.f32 v16, v4  }
0x561: {  	v16 =	vld [tilespmem:s24+$0xFFFFFEB0];
	[tilespmem:s7+$0xFFFFFF20] =	vst v12;
	v11 =	vmul.f32 v11, v3  }
0x562: {  	v12 =	vld [tilespmem:s24+$0xFFFFFF30];
	[tilespmem:s7+$0xFFFFFFA0] =	vst v10;
	v10 =	vmul.f32 v14, v2  }
0x563: {  	v14 =	vld [tilespmem:s24+$0xFFFFFFB0];
	[tilespmem:s7+$0x20] =	vst v11;
	v9 =	vmul.f32 v9, v1  }
0x564: {  	v11 =	vld [tilespmem:s24+$0x30];
	[tilespmem:s7+$0xA0] =	vst v10;
	v10 =	vmul.f32 v13, v8  }
0x565: {  	v13 =	vmul.f32 v15, v7;
	v15 =	vld [tilespmem:s24+$0xB0];
	[tilespmem:s7+$0x1A0] =	vst v9  }
0x566: {  	v9 =	vmul.f32 v16, v6;
	[tilespmem:s7+$0x130] =	vst v10;
	v10 =	vld [tilespmem:s24+$0x1B0]  }
0x567: {  	[tilespmem:s7+$0xFFFFFE30] =	vst v13;
	v12 =	vmul.f32 v12, v5;
	v13 =	vld [tilespmem:s24+$0x140]  }
0x568: {  	v16 =	vld [tilespmem:s24+$0xFFFFFE40];
	[tilespmem:s7+$0xFFFFFEB0] =	vst v9;
	v9 =	vmul.f32 v14, v4  }
0x569: {  	v14 =	vld [tilespmem:s24+$0xFFFFFEC0];
	[tilespmem:s7+$0xFFFFFF30] =	vst v12;
	v11 =	vmul.f32 v11, v3  }
0x56a: {  	v12 =	vld [tilespmem:s24+$0xFFFFFF40];
	[tilespmem:s7+$0xFFFFFFB0] =	vst v9;
	v9 =	vmul.f32 v15, v2  }
0x56b: {  	v15 =	vld [tilespmem:s24+$0xFFFFFFC0];
	[tilespmem:s7+$0x30] =	vst v11;
	v10 =	vmul.f32 v10, v1  }
0x56c: {  	v11 =	vld [tilespmem:s24+$0x40];
	[tilespmem:s7+$0xB0] =	vst v9;
	v9 =	vmul.f32 v13, v8  }
0x56d: {  	v13 =	vmul.f32 v16, v7;
	v16 =	vld [tilespmem:s24+$0xC0];
	[tilespmem:s7+$0x1B0] =	vst v10  }
0x56e: {  	v10 =	vmul.f32 v14, v6;
	[tilespmem:s7+$0x140] =	vst v9;
	v9 =	vld [tilespmem:s24+$0x1C0]  }
0x56f: {  	[tilespmem:s7+$0xFFFFFE40] =	vst v13;
	v12 =	vmul.f32 v12, v5;
	v13 =	vld [tilespmem:s24+$0x150]  }
0x570: {  	v14 =	vld [tilespmem:s24+$0xFFFFFE50];
	[tilespmem:s7+$0xFFFFFEC0] =	vst v10;
	v10 =	vmul.f32 v15, v4  }
0x571: {  	v15 =	vld [tilespmem:s24+$0xFFFFFED0];
	[tilespmem:s7+$0xFFFFFF40] =	vst v12;
	v11 =	vmul.f32 v11, v3  }
0x572: {  	v12 =	vld [tilespmem:s24+$0xFFFFFF50];
	[tilespmem:s7+$0xFFFFFFC0] =	vst v10;
	v10 =	vmul.f32 v16, v2  }
0x573: {  	v16 =	vld [tilespmem:s24+$0xFFFFFFD0];
	[tilespmem:s7+$0x40] =	vst v11;
	v9 =	vmul.f32 v9, v1  }
0x574: {  	v17 =	vld [tilespmem:s24+$0x50];
	[tilespmem:s7+$0xC0] =	vst v10;
	v10 =	vmul.f32 v13, v8  }
0x575: {  	v11 =	vmul.f32 v14, v7;
	v14 =	vld [tilespmem:s24+$0xD0];
	[tilespmem:s7+$0x1C0] =	vst v9  }
0x576: {  	v9 =	vmul.f32 v15, v6;
	[tilespmem:s7+$0x150] =	vst v10;
	v63 =	vld [tilespmem:s24+$0x1D0]  }
0x577: {  	[tilespmem:s7+$0xFFFFFE50] =	vst v11;
	v10 =	vmul.f32 v12, v5;
	v13 =	vld [tilespmem:s24+$0x160]  }
0x578: {  	v12 =	vld [tilespmem:s24+$0xFFFFFE60];
	[tilespmem:s7+$0xFFFFFED0] =	vst v9;
	v9 =	vmul.f32 v16, v4  }
0x579: {  	v11 =	vld [tilespmem:s24+$0xFFFFFEE0];
	[tilespmem:s7+$0xFFFFFF50] =	vst v10;
	v16 =	vmul.f32 v17, v3  }
0x57a: {  	v10 =	vld [tilespmem:s24+$0xFFFFFF60];
	[tilespmem:s7+$0xFFFFFFD0] =	vst v9;
	v15 =	vmul.f32 v14, v2  }
0x57b: {  	s8 =	simm.s32 $0x0;
	v9 =	vld [tilespmem:s24+$0xFFFFFFE0];
	[tilespmem:s7+$0x50] =	vst v16;
	v14 =	vmul.f32 v63, v1  }
.LBB2_15:
0x57c: {  	s12 =	sadd.s32 $0x4F, s8;
	v16 =	vld [tilespmem:s24+$0x60];
	[tilespmem:s7+$0xD0] =	vst v15;
	v13 =	vmul.f32 v13, v8  }
0x57d: {  	s25 =	sadd.s32 $0x48, s8;
	s28 =	sadd.s32 $0x49, s8;
	v15 =	vmov s12;
	v12 =	vmul.f32 v12, v7;
	v17 =	vld [tilespmem:s24+$0xE0];
	[tilespmem:s7+$0x1D0] =	vst v14  }
0x57e: {  	v14 =	vmov s25;
	v18 =	vmov s28;
	s12 =	sadd.s32 $0x4A, s8;
	s25 =	sadd.s32 $0x4B, s8;
	v11 =	vmul.f32 v11, v6;
	[tilespmem:s7+$0x160] =	vst v13;
	v13 =	vld [tilespmem:s24+$0x1E0]  }
0x57f: {  	v19 =	vmov s12;
	v20 =	vmov s25;
	s12 =	sadd.s32 $0x4C, s8;
	s25 =	sadd.s32 $0x4D, s8;
	[tilespmem:s7+$0xFFFFFE60] =	vst v12;
	v10 =	vmul.f32 v10, v5;
	v12 =	vld [tilespmem:s24+$0x170]  }
0x580: {  	v21 =	vmov s12;
	v22 =	vmov s25;
	v23 =	vld [tilespmem:s24+$0xFFFFFE70];
	[tilespmem:s7+$0xFFFFFEE0] =	vst v11;
	v9 =	vmul.f32 v9, v4  }
0x581: {  	v11 =	vand.u32 $0xFFFFFFF8, v14;
	v14 =	vand.u32 $0xFFFFFFF9, v18;
	v18 =	vld [tilespmem:s24+$0xFFFFFEF0];
	[tilespmem:s7+$0xFFFFFF60] =	vst v10;
	v10 =	vmul.f32 v16, v3  }
0x582: {  	v11 =	vbroadcast v11, $0x0;
	v16 =	vand.u32 $0xFFFFFFFA, v19;
	v19 =	vld [tilespmem:s24+$0xFFFFFF70];
	[tilespmem:s7+$0xFFFFFFE0] =	vst v9;
	v9 =	vmul.f32 v17, v2  }
0x583: {  	v14 =	vbroadcast v14, $0x0;
	v17 =	vand.u32 $0xFFFFFFFB, v20;
	v20 =	vld [tilespmem:s24+$0xFFFFFFF0];
	[tilespmem:s7+$0x60] =	vst v10;
	v10 =	vmul.f32 v13, v1  }
0x584: {  	v13 =	vbroadcast v16, $0x0;
	v16 =	vand.u32 $0xFFFFFFFC, v21;
	v21 =	vld [tilespmem:s24+$0x70];
	[tilespmem:s7+$0xE0] =	vst v9;
	v8 =	vmul.f32 v12, v8  }
0x585: {  	s12 =	sadd.s32 $0x4E, s8;
	s8 =	sadd.s32 $0x8, s8;
	v9 =	vbroadcast v17, $0x0;
	v12 =	vand.u32 $0xFFFFFFFD, v22;
	v7 =	vmul.f32 v23, v7;
	v17 =	vld [tilespmem:s24+$0xF0];
	[tilespmem:s7+$0x1E0] =	vst v10  }
0x586: {  	p3 =	slt.u32 s8, $0x38;
	v10 =	vbroadcast v16, $0x0;
	v16 =	vmov s12;
	v6 =	vmul.f32 v18, v6;
	[tilespmem:s7+$0x170] =	vst v8;
	v8 =	vld [tilespmem:s24+$0x1F0]  }
0x587: {  	v12 =	vbroadcast v12, $0x0;
	v16 =	vand.u32 $0xFFFFFFFE, v16;
	v15 =	vld.idx.msk [tilespmem:v15+s17+$0x0], $0xffff;
	[tilespmem:s7+$0xFFFFFE70] =	vst v7;
	v5 =	vmul.f32 v19, v5  }
0x588: {  	v7 =	vld.idx.msk [tilespmem:v11+s17+$0x0], $0xffff;
	v11 =	vbroadcast v16, $0x0;
	[tilespmem:s7+$0xFFFFFEF0] =	vst v6;
	v4 =	vmul.f32 v20, v4  }
0x589: {  	v6 =	vld.idx.msk [tilespmem:v14+s17+$0x0], $0xffff;
	[tilespmem:s7+$0xFFFFFF70] =	vst v5;
	v3 =	vmul.f32 v21, v3  }
0x58a: {  	v5 =	vld.idx.msk [tilespmem:v13+s17+$0x0], $0xffff;
	[tilespmem:s7+$0xFFFFFFF0] =	vst v4;
	v2 =	vmul.f32 v17, v2  }
0x58b: {  	v4 =	vld.idx.msk [tilespmem:v9+s17+$0x0], $0xffff;
	[tilespmem:s7+$0x70] =	vst v3;
	v8 =	vmul.f32 v8, v1  }
0x58c: {  	v3 =	vld.idx.msk [tilespmem:v10+s17+$0x0], $0xffff;
	[tilespmem:s7+$0xF0] =	vst v2  }
0x58d: {  	v1 =	vmov v15;
	v2 =	vld.idx.msk [tilespmem:v12+s17+$0x0], $0xffff;
	[tilespmem:s7+$0x1F0] =	vst v8  }
0x58e: {  	s24 =	sadd.s32 $0x400, s24;
	v8 =	vld.idx.msk [tilespmem:v11+s17+$0x0], $0xffff  }
0x58f: {  	v9 =	vld [tilespmem:s24+$0x100]  }
0x590: {  	v10 =	vld [tilespmem:s24+$0xFFFFFE00]  }
0x591: {  	v11 =	vld [tilespmem:s24+$0xFFFFFE80]  }
0x592: {  	v12 =	vld [tilespmem:s24+$0xFFFFFF00]  }
0x593: {  	v13 =	vld [tilespmem:s24+$0xFFFFFF80]  }
0x594: {  	v14 =	vld [tilespmem:s24+$0x0];
	v9 =	vmul.f32 v9, v8  }
0x595: {  	s7 =	sadd.s32 $0x400, s7;
	v10 =	vmul.f32 v10, v7;
	v15 =	vld [tilespmem:s24+$0x80]  }
0x596: {  	v11 =	vmul.f32 v11, v6;
	[tilespmem:s7+$0x100] =	vst v9;
	v9 =	vld [tilespmem:s24+$0x180]  }
0x597: {  	[tilespmem:s7+$0xFFFFFE00] =	vst v10;
	v10 =	vmul.f32 v12, v5;
	v12 =	vld [tilespmem:s24+$0x110]  }
0x598: {  	v16 =	vld [tilespmem:s24+$0xFFFFFE10];
	[tilespmem:s7+$0xFFFFFE80] =	vst v11;
	v11 =	vmul.f32 v13, v4  }
0x599: {  	v13 =	vld [tilespmem:s24+$0xFFFFFE90];
	[tilespmem:s7+$0xFFFFFF00] =	vst v10;
	v10 =	vmul.f32 v14, v3  }
0x59a: {  	v14 =	vld [tilespmem:s24+$0xFFFFFF10];
	[tilespmem:s7+$0xFFFFFF80] =	vst v11;
	v11 =	vmul.f32 v15, v2  }
0x59b: {  	v15 =	vld [tilespmem:s24+$0xFFFFFF90];
	[tilespmem:s7+$0x0] =	vst v10;
	v9 =	vmul.f32 v9, v1  }
0x59c: {  	v10 =	vld [tilespmem:s24+$0x10];
	[tilespmem:s7+$0x80] =	vst v11;
	v11 =	vmul.f32 v12, v8  }
0x59d: {  	v12 =	vmul.f32 v16, v7;
	v16 =	vld [tilespmem:s24+$0x90];
	[tilespmem:s7+$0x180] =	vst v9  }
0x59e: {  	v9 =	vmul.f32 v13, v6;
	[tilespmem:s7+$0x110] =	vst v11;
	v11 =	vld [tilespmem:s24+$0x190]  }
0x59f: {  	[tilespmem:s7+$0xFFFFFE10] =	vst v12;
	v12 =	vmul.f32 v14, v5;
	v13 =	vld [tilespmem:s24+$0x120]  }
0x5a0: {  	v14 =	vld [tilespmem:s24+$0xFFFFFE20];
	[tilespmem:s7+$0xFFFFFE90] =	vst v9;
	v9 =	vmul.f32 v15, v4  }
0x5a1: {  	v15 =	vld [tilespmem:s24+$0xFFFFFEA0];
	[tilespmem:s7+$0xFFFFFF10] =	vst v12;
	v10 =	vmul.f32 v10, v3  }
0x5a2: {  	v12 =	vld [tilespmem:s24+$0xFFFFFF20];
	[tilespmem:s7+$0xFFFFFF90] =	vst v9;
	v9 =	vmul.f32 v16, v2  }
0x5a3: {  	v16 =	vld [tilespmem:s24+$0xFFFFFFA0];
	[tilespmem:s7+$0x10] =	vst v10;
	v10 =	vmul.f32 v11, v1  }
0x5a4: {  	v11 =	vld [tilespmem:s24+$0x20];
	[tilespmem:s7+$0x90] =	vst v9;
	v9 =	vmul.f32 v13, v8  }
0x5a5: {  	v13 =	vmul.f32 v14, v7;
	v14 =	vld [tilespmem:s24+$0xA0];
	[tilespmem:s7+$0x190] =	vst v10  }
0x5a6: {  	v10 =	vmul.f32 v15, v6;
	[tilespmem:s7+$0x120] =	vst v9;
	v9 =	vld [tilespmem:s24+$0x1A0]  }
0x5a7: {  	[tilespmem:s7+$0xFFFFFE20] =	vst v13;
	v12 =	vmul.f32 v12, v5;
	v13 =	vld [tilespmem:s24+$0x130]  }
0x5a8: {  	v15 =	vld [tilespmem:s24+$0xFFFFFE30];
	[tilespmem:s7+$0xFFFFFEA0] =	vst v10;
	v10 =	vmul.f32 v16, v4  }
0x5a9: {  	v16 =	vld [tilespmem:s24+$0xFFFFFEB0];
	[tilespmem:s7+$0xFFFFFF20] =	vst v12;
	v11 =	vmul.f32 v11, v3  }
0x5aa: {  	v12 =	vld [tilespmem:s24+$0xFFFFFF30];
	[tilespmem:s7+$0xFFFFFFA0] =	vst v10;
	v10 =	vmul.f32 v14, v2  }
0x5ab: {  	v14 =	vld [tilespmem:s24+$0xFFFFFFB0];
	[tilespmem:s7+$0x20] =	vst v11;
	v9 =	vmul.f32 v9, v1  }
0x5ac: {  	v11 =	vld [tilespmem:s24+$0x30];
	[tilespmem:s7+$0xA0] =	vst v10;
	v10 =	vmul.f32 v13, v8  }
0x5ad: {  	v13 =	vmul.f32 v15, v7;
	v15 =	vld [tilespmem:s24+$0xB0];
	[tilespmem:s7+$0x1A0] =	vst v9  }
0x5ae: {  	v9 =	vmul.f32 v16, v6;
	[tilespmem:s7+$0x130] =	vst v10;
	v10 =	vld [tilespmem:s24+$0x1B0]  }
0x5af: {  	[tilespmem:s7+$0xFFFFFE30] =	vst v13;
	v12 =	vmul.f32 v12, v5;
	v13 =	vld [tilespmem:s24+$0x140]  }
0x5b0: {  	v16 =	vld [tilespmem:s24+$0xFFFFFE40];
	[tilespmem:s7+$0xFFFFFEB0] =	vst v9;
	v9 =	vmul.f32 v14, v4  }
0x5b1: {  	v14 =	vld [tilespmem:s24+$0xFFFFFEC0];
	[tilespmem:s7+$0xFFFFFF30] =	vst v12;
	v11 =	vmul.f32 v11, v3  }
0x5b2: {  	v12 =	vld [tilespmem:s24+$0xFFFFFF40];
	[tilespmem:s7+$0xFFFFFFB0] =	vst v9;
	v9 =	vmul.f32 v15, v2  }
0x5b3: {  	v15 =	vld [tilespmem:s24+$0xFFFFFFC0];
	[tilespmem:s7+$0x30] =	vst v11;
	v10 =	vmul.f32 v10, v1  }
0x5b4: {  	v11 =	vld [tilespmem:s24+$0x40];
	[tilespmem:s7+$0xB0] =	vst v9;
	v9 =	vmul.f32 v13, v8  }
0x5b5: {  	v13 =	vmul.f32 v16, v7;
	v16 =	vld [tilespmem:s24+$0xC0];
	[tilespmem:s7+$0x1B0] =	vst v10  }
0x5b6: {  	v10 =	vmul.f32 v14, v6;
	[tilespmem:s7+$0x140] =	vst v9;
	v9 =	vld [tilespmem:s24+$0x1C0]  }
0x5b7: {  	[tilespmem:s7+$0xFFFFFE40] =	vst v13;
	v12 =	vmul.f32 v12, v5;
	v13 =	vld [tilespmem:s24+$0x150]  }
0x5b8: {  	v14 =	vld [tilespmem:s24+$0xFFFFFE50];
	[tilespmem:s7+$0xFFFFFEC0] =	vst v10;
	v10 =	vmul.f32 v15, v4  }
0x5b9: {  	v15 =	vld [tilespmem:s24+$0xFFFFFED0];
	[tilespmem:s7+$0xFFFFFF40] =	vst v12;
	v11 =	vmul.f32 v11, v3  }
0x5ba: {  	v12 =	vld [tilespmem:s24+$0xFFFFFF50];
	[tilespmem:s7+$0xFFFFFFC0] =	vst v10;
	v10 =	vmul.f32 v16, v2  }
0x5bb: {  	v16 =	vld [tilespmem:s24+$0xFFFFFFD0];
	[tilespmem:s7+$0x40] =	vst v11;
	v9 =	vmul.f32 v9, v1  }
0x5bc: {  	v17 =	vld [tilespmem:s24+$0x50];
	[tilespmem:s7+$0xC0] =	vst v10;
	v10 =	vmul.f32 v13, v8  }
0x5bd: {  	v11 =	vmul.f32 v14, v7;
	v14 =	vld [tilespmem:s24+$0xD0];
	[tilespmem:s7+$0x1C0] =	vst v9  }
0x5be: {  	v9 =	vmul.f32 v15, v6;
	[tilespmem:s7+$0x150] =	vst v10;
	v18 =	vld [tilespmem:s24+$0x1D0]  }
.Ltmp8:
0x5bf: {  	[tilespmem:s7+$0xFFFFFE50] =	vst v11;
	v10 =	vmul.f32 v12, v5;
	v13 =	vld [tilespmem:s24+$0x160];
	(pc) =	sbr.rel @p3 .LBB2_15-.Ltmp8, $4  }
0x5c0: {  	v12 =	vld [tilespmem:s24+$0xFFFFFE60];
	[tilespmem:s7+$0xFFFFFED0] =	vst v9;
	v9 =	vmul.f32 v16, v4  }
0x5c1: {  	v11 =	vld [tilespmem:s24+$0xFFFFFEE0];
	[tilespmem:s7+$0xFFFFFF50] =	vst v10;
	v16 =	vmul.f32 v17, v3  }
0x5c2: {  	v10 =	vld [tilespmem:s24+$0xFFFFFF60];
	[tilespmem:s7+$0xFFFFFFD0] =	vst v9;
	v15 =	vmul.f32 v14, v2  }
0x5c3: {  	v9 =	vld [tilespmem:s24+$0xFFFFFFE0];
	[tilespmem:s7+$0x50] =	vst v16;
	v14 =	vmul.f32 v18, v1  }
0x5c4: {  	v16 =	vld [tilespmem:s24+$0x60];
	[tilespmem:s7+$0xD0] =	vst v15;
	v13 =	vmul.f32 v13, v8  }
0x5c5: {  	v12 =	vmul.f32 v12, v7;
	v15 =	vld [tilespmem:s24+$0xE0];
	[tilespmem:s7+$0x1D0] =	vst v14  }
0x5c6: {  	v11 =	vmul.f32 v11, v6;
	[tilespmem:s7+$0x160] =	vst v13;
	v49 =	vld [tilespmem:s24+$0x1E0]  }
0x5c7: {  	[tilespmem:s7+$0xFFFFFE60] =	vst v12;
	v10 =	vmul.f32 v10, v5;
	v50 =	vld [tilespmem:s24+$0x170]  }
0x5c8: {  	v51 =	vld [tilespmem:s24+$0xFFFFFE70];
	[tilespmem:s7+$0xFFFFFEE0] =	vst v11;
	v9 =	vmul.f32 v9, v4  }
0x5c9: {  	v11 =	vld [tilespmem:s24+$0xFFFFFEF0];
	[tilespmem:s7+$0xFFFFFF60] =	vst v10;
	v52 =	vmul.f32 v16, v3  }
0x5ca: {  	v53 =	vld [tilespmem:s24+$0xFFFFFF70];
	[tilespmem:s7+$0xFFFFFFE0] =	vst v9;
	v54 =	vmul.f32 v15, v2  }
0x5cb: {  	v55 =	vld [tilespmem:s24+$0xFFFFFFF0];
	[tilespmem:s7+$0x60] =	vst v52;
	v56 =	vmul.f32 v49, v1  }
0x5cc: {  	v57 =	vld [tilespmem:s24+$0x70];
	[tilespmem:s7+$0xE0] =	vst v54;
	v58 =	vmul.f32 v50, v8  }
0x5cd: {  	v59 =	vmul.f32 v51, v7;
	v9 =	vld [tilespmem:s24+$0xF0];
	[tilespmem:s7+$0x1E0] =	vst v56  }
0x5ce: {  	v60 =	vmul.f32 v11, v6;
	[tilespmem:s7+$0x170] =	vst v58;
	v61 =	vld [tilespmem:s24+$0x1F0]  }
0x5cf: {  	[tilespmem:s7+$0xFFFFFE70] =	vst v59;
	v62 =	vmul.f32 v53, v5  }
0x5d0: {  	[tilespmem:s7+$0xFFFFFEF0] =	vst v60;
	v63 =	vmul.f32 v55, v4  }
0x5d1: {  	[tilespmem:s7+$0xFFFFFF70] =	vst v62;
	v3 =	vmul.f32 v57, v3  }
0x5d2: {  	[tilespmem:s7+$0xFFFFFFF0] =	vst v63;
	v2 =	vmul.f32 v9, v2  }
0x5d3: {  	[tilespmem:s7+$0x70] =	vst v3;
	v1 =	vmul.f32 v61, v1  }
0x5d4: {  	[tilespmem:s7+$0xF0] =	vst v2  }
0x5d5: {  	s12 =	simm.s32 $0x13E00;
	s8 =	simm.s32 $0x1DE80;
	[tilespmem:s7+$0x1F0] =	vst v1  }
0x5d6: {  	[spmem:s5] =	stream.indirect.scatter.add.f32 [tilespmem:s8], [sflag:$0xC], $0x80, s12, s23, $0xb8;
	[tilespmem:$0x1FE80] =	vst v63  }
0x5d7: {  	_ =	swait.ge [sflag:s30], $0x100  }
0x5d8: {  	[sflag:s30] =	ssyncset.done $0x0;
	s25 =	sld [smem:$0x7F6]  }
0x5d9: {  	s24 =	simm.s32 $0x13A00;
	[sflag:s30] =	ssyncadd.s32 $0xFFFFFF00  }
0x5da: {  	[tilespmem:s0], [sflag:$0x9] =	stream.indirect.gather [hbm4b:s1+s23], $0x80, s24, s23, $0xb8;
	[tilespmem:$0x1FE80] =	vst v63  }
0x5db: {  	s7 =	sadd.s32 s25, s16  }
0x5dc: {  	s21 =	sadd.s32 $0x1, s21;
	s7 =	sshll.u32 s7, $0x7  }
0x5dd: {  	p3 =	sne.s32 s21, $0x1A;
	s7 =	smin.u32 s7, $0x4E180  }
.Ltmp9:
0x5de: {  	s28 =	sshrl.u32 s7, $0x2;
	(pc) =	sbr.rel @p3 .LBB2_4-.Ltmp9, $4  }
0x5df: {  	s12 =	simm.s32 $0x13A80;
	s7 =	sshrl.u32 s7, $0x3;
	s8 =	sadd.s32 s2, s28  }
0x5e0: {  	[tilespmem:s12], [sflag:$0x3] =	stream.linear.gather [hbm4b:s8+s6], $0x100, $0x38;
	[tilespmem:$0x1FE80] =	vst v63  }
0x5e1: {  	s7 =	sadd.s32 s3, s7  }
0x5e2: {  	[tilespmem:s17], [sflag:$0x6] =	stream.linear.gather [hbm4b:s7+s6], $0x80, $0x38;
	[tilespmem:$0x1FE80] =	vst v63  }
0x5e3: {  	_ =	swait.ge [sflag:s22], $0x2000  }
.Ltmp10:
0x5e4: {  	[sflag:s22] =	ssyncset.done $0x0;
	(pc) =	sbr.rel @p2 .LBB2_23-.Ltmp10, $4  }
0x5e5: {  	[sflag:s22] =	ssyncadd.s32 $0xFFFFE000  }
0x5e6: {  	_ =	swait.ge [sflag:s26], $0x2000  }
0x5e7: {  	[sflag:s26] =	ssyncset.done $0x0  }
0x5e8: {  	[sflag:s26] =	ssyncadd.s32 $0xFFFFE000  }
0x5e9: {  	v1 =	vld [tilespmem:$0x13880]  }
0x5ea: {  	v2 =	vld [tilespmem:$0x13890]  }
0x5eb: {  	v3 =	vld [tilespmem:$0x138A0]  }
0x5ec: {  	v4 =	vld [tilespmem:$0x138B0];
	_ =	sdelay $0x1  }
0x5ed: {  	s16 =	simm.s32 $0x5;
	[tilespmem:$0x13D00] =	vst v1  }
0x5ee: {  	s7 =	simm.s32 $0x0;
	s8 =	simm.s32 $0x1;
	v7 =	vmov s16;
	[tilespmem:$0x13D10] =	vst v2  }
0x5ef: {  	s28 =	simm.s32 $0x7;
	v5 =	vmov s8;
	v7 =	vand.u32 $0xFFFFFFFD, v7;
	v1 =	vmov s7;
	[tilespmem:$0x13D20] =	vst v3  }
0x5f0: {  	s12 =	simm.s32 $0x2;
	v9 =	vbroadcast v7, $0x0;
	v2 =	vmov s28;
	[tilespmem:$0x13D30] =	vst v4;
	v1 =	vand.u32 $0xFFFFFFF8, v1  }
0x5f1: {  	v3 =	vmov s12;
	s12 =	simm.s32 $0x4;
	_ =	swait.ge [sflag:s4], $0x80;
	v6 =	vbroadcast v1, $0x0;
	v1 =	vand.u32 $0xFFFFFFF9, v5  }
0x5f2: {  	[sflag:s4] =	ssyncset.done $0x0;
	v5 =	vbroadcast v1, $0x0;
	v1 =	vmov s12  }
0x5f3: {  	s21 =	simm.s32 $0x6;
	s7 =	simm.s32 $0x14080;
	v3 =	vand.u32 $0xFFFFFFFA, v3;
	[sflag:s4] =	ssyncadd.s32 $0xFFFFFF80;
	v1 =	vand.u32 $0xFFFFFFFC, v1  }
0x5f4: {  	v3 =	vbroadcast v3, $0x0;
	v11 =	vld [tilespmem:s7+$0xFFFFFE80];
	v8 =	vbroadcast v1, $0x0;
	v1 =	vmov s21  }
0x5f5: {  	v10 =	vand.u32 $0xFFFFFFFE, v1;
	v1 =	vld.idx.msk [tilespmem:v2+s13+$0x0], $0xffff  }
0x5f6: {  	v2 =	vld.idx.msk [tilespmem:v9+s13+$0x0], $0xffff;
	v10 =	vbroadcast v10, $0x0  }
0x5f7: {  	s8 =	simm.s32 $0x3;
	v9 =	vld [tilespmem:s7+$0x100]  }
0x5f8: {  	v4 =	vmov s8;
	v7 =	vld.idx.msk [tilespmem:v6+s13+$0x0], $0xffff  }
0x5f9: {  	v4 =	vand.u32 $0xFFFFFFFB, v4;
	v6 =	vld.idx.msk [tilespmem:v5+s13+$0x0], $0xffff  }
0x5fa: {  	v4 =	vbroadcast v4, $0x0;
	v5 =	vld.idx.msk [tilespmem:v3+s13+$0x0], $0xffff  }
0x5fb: {  	v3 =	vld.idx.msk [tilespmem:v8+s13+$0x0], $0xffff  }
0x5fc: {  	v8 =	vld.idx.msk [tilespmem:v10+s13+$0x0], $0xffff  }
0x5fd: {  	v10 =	vld [tilespmem:s7+$0xFFFFFE00]  }
0x5fe: {  	v12 =	vld [tilespmem:s7+$0xFFFFFF00]  }
0x5ff: {  	v13 =	vld [tilespmem:s7+$0xFFFFFF80]  }
0x600: {  	v4 =	vld.idx.msk [tilespmem:v4+s13+$0x0], $0xffff  }
0x601: {  	v14 =	vld [tilespmem:s7+$0x0];
	v9 =	vmul.f32 v9, v8  }
0x602: {  	s16 =	simm.s32 $0x1A080;
	v15 =	vld [tilespmem:s7+$0x80];
	v10 =	vmul.f32 v10, v7  }
0x603: {  	v11 =	vmul.f32 v11, v6;
	[tilespmem:s16+$0x100] =	vst v9;
	v9 =	vld [tilespmem:s7+$0x180]  }
0x604: {  	[tilespmem:s16+$0xFFFFFE00] =	vst v10;
	v10 =	vmul.f32 v12, v5;
	v12 =	vld [tilespmem:s7+$0x110]  }
0x605: {  	[tilespmem:s16+$0xFFFFFE80] =	vst v11;
	v11 =	vmul.f32 v13, v4;
	v16 =	vld [tilespmem:s7+$0xFFFFFE10]  }
0x606: {  	v13 =	vld [tilespmem:s7+$0xFFFFFE90];
	[tilespmem:s16+$0xFFFFFF00] =	vst v10;
	v10 =	vmul.f32 v14, v3  }
0x607: {  	[tilespmem:s16+$0xFFFFFF80] =	vst v11;
	v11 =	vmul.f32 v15, v2;
	v14 =	vld [tilespmem:s7+$0xFFFFFF10]  }
0x608: {  	v15 =	vld [tilespmem:s7+$0xFFFFFF90];
	[tilespmem:s16+$0x0] =	vst v10;
	v9 =	vmul.f32 v9, v1  }
0x609: {  	[tilespmem:s16+$0x80] =	vst v11;
	v10 =	vld [tilespmem:s7+$0x10];
	v11 =	vmul.f32 v12, v8  }
0x60a: {  	v12 =	vmul.f32 v16, v7;
	v16 =	vld [tilespmem:s7+$0x90];
	[tilespmem:s16+$0x180] =	vst v9  }
0x60b: {  	v9 =	vmul.f32 v13, v6;
	[tilespmem:s16+$0x110] =	vst v11;
	v11 =	vld [tilespmem:s7+$0x190]  }
0x60c: {  	[tilespmem:s16+$0xFFFFFE10] =	vst v12;
	v12 =	vmul.f32 v14, v5;
	v13 =	vld [tilespmem:s7+$0x120]  }
0x60d: {  	v14 =	vld [tilespmem:s7+$0xFFFFFE20];
	[tilespmem:s16+$0xFFFFFE90] =	vst v9;
	v9 =	vmul.f32 v15, v4  }
0x60e: {  	v15 =	vld [tilespmem:s7+$0xFFFFFEA0];
	[tilespmem:s16+$0xFFFFFF10] =	vst v12;
	v10 =	vmul.f32 v10, v3  }
0x60f: {  	v12 =	vld [tilespmem:s7+$0xFFFFFF20];
	[tilespmem:s16+$0xFFFFFF90] =	vst v9;
	v9 =	vmul.f32 v16, v2  }
0x610: {  	v16 =	vld [tilespmem:s7+$0xFFFFFFA0];
	[tilespmem:s16+$0x10] =	vst v10;
	v10 =	vmul.f32 v11, v1  }
0x611: {  	v11 =	vld [tilespmem:s7+$0x20];
	[tilespmem:s16+$0x90] =	vst v9;
	v9 =	vmul.f32 v13, v8  }
0x612: {  	v13 =	vmul.f32 v14, v7;
	v14 =	vld [tilespmem:s7+$0xA0];
	[tilespmem:s16+$0x190] =	vst v10  }
0x613: {  	v10 =	vmul.f32 v15, v6;
	[tilespmem:s16+$0x120] =	vst v9;
	v9 =	vld [tilespmem:s7+$0x1A0]  }
0x614: {  	[tilespmem:s16+$0xFFFFFE20] =	vst v13;
	v12 =	vmul.f32 v12, v5;
	v13 =	vld [tilespmem:s7+$0x130]  }
0x615: {  	v15 =	vld [tilespmem:s7+$0xFFFFFE30];
	[tilespmem:s16+$0xFFFFFEA0] =	vst v10;
	v10 =	vmul.f32 v16, v4  }
0x616: {  	v16 =	vld [tilespmem:s7+$0xFFFFFEB0];
	[tilespmem:s16+$0xFFFFFF20] =	vst v12;
	v11 =	vmul.f32 v11, v3  }
0x617: {  	v12 =	vld [tilespmem:s7+$0xFFFFFF30];
	[tilespmem:s16+$0xFFFFFFA0] =	vst v10;
	v10 =	vmul.f32 v14, v2  }
0x618: {  	v14 =	vld [tilespmem:s7+$0xFFFFFFB0];
	[tilespmem:s16+$0x20] =	vst v11;
	v9 =	vmul.f32 v9, v1  }
0x619: {  	v11 =	vld [tilespmem:s7+$0x30];
	[tilespmem:s16+$0xA0] =	vst v10;
	v10 =	vmul.f32 v13, v8  }
0x61a: {  	v13 =	vmul.f32 v15, v7;
	v15 =	vld [tilespmem:s7+$0xB0];
	[tilespmem:s16+$0x1A0] =	vst v9  }
0x61b: {  	v9 =	vmul.f32 v16, v6;
	[tilespmem:s16+$0x130] =	vst v10;
	v10 =	vld [tilespmem:s7+$0x1B0]  }
0x61c: {  	[tilespmem:s16+$0xFFFFFE30] =	vst v13;
	v12 =	vmul.f32 v12, v5;
	v13 =	vld [tilespmem:s7+$0x140]  }
0x61d: {  	v16 =	vld [tilespmem:s7+$0xFFFFFE40];
	[tilespmem:s16+$0xFFFFFEB0] =	vst v9;
	v9 =	vmul.f32 v14, v4  }
0x61e: {  	v14 =	vld [tilespmem:s7+$0xFFFFFEC0];
	[tilespmem:s16+$0xFFFFFF30] =	vst v12;
	v11 =	vmul.f32 v11, v3  }
0x61f: {  	v12 =	vld [tilespmem:s7+$0xFFFFFF40];
	[tilespmem:s16+$0xFFFFFFB0] =	vst v9;
	v9 =	vmul.f32 v15, v2  }
0x620: {  	v15 =	vld [tilespmem:s7+$0xFFFFFFC0];
	[tilespmem:s16+$0x30] =	vst v11;
	v10 =	vmul.f32 v10, v1  }
0x621: {  	v11 =	vld [tilespmem:s7+$0x40];
	[tilespmem:s16+$0xB0] =	vst v9;
	v9 =	vmul.f32 v13, v8  }
0x622: {  	v13 =	vmul.f32 v16, v7;
	v16 =	vld [tilespmem:s7+$0xC0];
	[tilespmem:s16+$0x1B0] =	vst v10  }
0x623: {  	v10 =	vmul.f32 v14, v6;
	[tilespmem:s16+$0x140] =	vst v9;
	v9 =	vld [tilespmem:s7+$0x1C0]  }
0x624: {  	[tilespmem:s16+$0xFFFFFE40] =	vst v13;
	v12 =	vmul.f32 v12, v5;
	v13 =	vld [tilespmem:s7+$0x150]  }
0x625: {  	v14 =	vld [tilespmem:s7+$0xFFFFFE50];
	[tilespmem:s16+$0xFFFFFEC0] =	vst v10;
	v10 =	vmul.f32 v15, v4  }
0x626: {  	v15 =	vld [tilespmem:s7+$0xFFFFFED0];
	[tilespmem:s16+$0xFFFFFF40] =	vst v12;
	v11 =	vmul.f32 v11, v3  }
0x627: {  	v12 =	vld [tilespmem:s7+$0xFFFFFF50];
	[tilespmem:s16+$0xFFFFFFC0] =	vst v10;
	v10 =	vmul.f32 v16, v2  }
0x628: {  	v16 =	vld [tilespmem:s7+$0xFFFFFFD0];
	[tilespmem:s16+$0x40] =	vst v11;
	v9 =	vmul.f32 v9, v1  }
0x629: {  	v11 =	vld [tilespmem:s7+$0x50];
	[tilespmem:s16+$0xC0] =	vst v10;
	v10 =	vmul.f32 v13, v8  }
0x62a: {  	v13 =	vmul.f32 v14, v7;
	v14 =	vld [tilespmem:s7+$0xD0];
	[tilespmem:s16+$0x1C0] =	vst v9  }
0x62b: {  	v9 =	vmul.f32 v15, v6;
	[tilespmem:s16+$0x150] =	vst v10;
	v10 =	vld [tilespmem:s7+$0x1D0]  }
0x62c: {  	[tilespmem:s16+$0xFFFFFE50] =	vst v13;
	v12 =	vmul.f32 v12, v5;
	v13 =	vld [tilespmem:s7+$0x160]  }
0x62d: {  	v15 =	vld [tilespmem:s7+$0xFFFFFE60];
	[tilespmem:s16+$0xFFFFFED0] =	vst v9;
	v9 =	vmul.f32 v16, v4  }
0x62e: {  	v16 =	vld [tilespmem:s7+$0xFFFFFEE0];
	[tilespmem:s16+$0xFFFFFF50] =	vst v12;
	v11 =	vmul.f32 v11, v3  }
0x62f: {  	v12 =	vld [tilespmem:s7+$0xFFFFFF60];
	[tilespmem:s16+$0xFFFFFFD0] =	vst v9;
	v9 =	vmul.f32 v14, v2  }
0x630: {  	v14 =	vld [tilespmem:s7+$0xFFFFFFE0];
	[tilespmem:s16+$0x50] =	vst v11;
	v10 =	vmul.f32 v10, v1  }
0x631: {  	s28 =	simm.s32 $0x9;
	v11 =	vld [tilespmem:s7+$0x60];
	[tilespmem:s16+$0xD0] =	vst v9;
	v13 =	vmul.f32 v13, v8  }
0x632: {  	s24 =	simm.s32 $0x8;
	v18 =	vmov s28;
	s28 =	simm.s32 $0xD;
	v15 =	vmul.f32 v15, v7;
	v17 =	vld [tilespmem:s7+$0xE0];
	[tilespmem:s16+$0x1D0] =	vst v10  }
0x633: {  	v24 =	vmov s28;
	s21 =	simm.s32 $0xA;
	v9 =	vmov s24;
	s24 =	simm.s32 $0xB;
	v16 =	vmul.f32 v16, v6;
	[tilespmem:s16+$0x160] =	vst v13;
	v13 =	vld [tilespmem:s7+$0x1E0]  }
0x634: {  	s25 =	simm.s32 $0xF;
	v19 =	vmov s21;
	v21 =	vmov s24;
	[tilespmem:s16+$0xFFFFFE60] =	vst v15;
	v12 =	vmul.f32 v12, v5;
	v20 =	vld [tilespmem:s7+$0x170]  }
0x635: {  	v10 =	vand.u32 $0xFFFFFFF8, v9;
	v9 =	vmov s25;
	v23 =	vld [tilespmem:s7+$0xFFFFFE70];
	[tilespmem:s16+$0xFFFFFEE0] =	vst v16;
	v16 =	vmul.f32 v14, v4  }
0x636: {  	v21 =	vand.u32 $0xFFFFFFFB, v21;
	v10 =	vbroadcast v10, $0x0;
	v15 =	vld [tilespmem:s7+$0xFFFFFEF0];
	[tilespmem:s16+$0xFFFFFF60] =	vst v12;
	v12 =	vmul.f32 v11, v3  }
0x637: {  	s25 =	simm.s32 $0xC;
	v11 =	vand.u32 $0xFFFFFFF9, v18;
	v18 =	vand.u32 $0xFFFFFFFA, v19;
	v14 =	vld [tilespmem:s7+$0xFFFFFF70];
	[tilespmem:s16+$0xFFFFFFE0] =	vst v16;
	v19 =	vmul.f32 v17, v2  }
0x638: {  	v22 =	vmov s25;
	v11 =	vbroadcast v11, $0x0;
	v16 =	vld [tilespmem:s7+$0xFFFFFFF0];
	[tilespmem:s16+$0x60] =	vst v12;
	v25 =	vmul.f32 v13, v1  }
0x639: {  	v18 =	vbroadcast v18, $0x0;
	v12 =	vand.u32 $0xFFFFFFFC, v22;
	v17 =	vld [tilespmem:s7+$0x70];
	[tilespmem:s16+$0xE0] =	vst v19;
	v20 =	vmul.f32 v20, v8  }
0x63a: {  	s8 =	simm.s32 $0x10;
	s21 =	simm.s32 $0xE;
	v13 =	vand.u32 $0xFFFFFFFD, v24;
	v8 =	vbroadcast v21, $0x0;
	v21 =	vmul.f32 v23, v7;
	v19 =	vld [tilespmem:s7+$0xF0];
	[tilespmem:s16+$0x1E0] =	vst v25  }
.LBB2_19:
0x63b: {  	p3 =	slt.u32 s8, $0x38;
	v12 =	vbroadcast v12, $0x0;
	v7 =	vmov s21;
	v6 =	vmul.f32 v15, v6;
	[tilespmem:s16+$0x170] =	vst v20;
	v15 =	vld [tilespmem:s7+$0x1F0]  }
0x63c: {  	v13 =	vbroadcast v13, $0x0;
	v20 =	vand.u32 $0xFFFFFFFE, v7;
	v9 =	vld.idx.msk [tilespmem:v9+s13+$0x0], $0xffff;
	[tilespmem:s16+$0xFFFFFE70] =	vst v21;
	v5 =	vmul.f32 v14, v5  }
0x63d: {  	v7 =	vld.idx.msk [tilespmem:v10+s13+$0x0], $0xffff;
	v10 =	vbroadcast v20, $0x0;
	[tilespmem:s16+$0xFFFFFEF0] =	vst v6;
	v4 =	vmul.f32 v16, v4  }
0x63e: {  	v6 =	vld.idx.msk [tilespmem:v11+s13+$0x0], $0xffff;
	[tilespmem:s16+$0xFFFFFF70] =	vst v5;
	v3 =	vmul.f32 v17, v3  }
0x63f: {  	v5 =	vld.idx.msk [tilespmem:v18+s13+$0x0], $0xffff;
	[tilespmem:s16+$0xFFFFFFF0] =	vst v4;
	v2 =	vmul.f32 v19, v2  }
0x640: {  	v4 =	vld.idx.msk [tilespmem:v8+s13+$0x0], $0xffff;
	[tilespmem:s16+$0x70] =	vst v3;
	v8 =	vmul.f32 v15, v1  }
0x641: {  	v3 =	vld.idx.msk [tilespmem:v12+s13+$0x0], $0xffff;
	[tilespmem:s16+$0xF0] =	vst v2  }
0x642: {  	v1 =	vmov v9;
	v2 =	vld.idx.msk [tilespmem:v13+s13+$0x0], $0xffff;
	[tilespmem:s16+$0x1F0] =	vst v8  }
0x643: {  	s7 =	sadd.s32 $0x400, s7;
	v8 =	vld.idx.msk [tilespmem:v10+s13+$0x0], $0xffff  }
0x644: {  	v9 =	vld [tilespmem:s7+$0x100]  }
0x645: {  	v10 =	vld [tilespmem:s7+$0xFFFFFE00]  }
0x646: {  	v11 =	vld [tilespmem:s7+$0xFFFFFE80]  }
0x647: {  	v12 =	vld [tilespmem:s7+$0xFFFFFF00]  }
0x648: {  	v13 =	vld [tilespmem:s7+$0xFFFFFF80]  }
0x649: {  	v14 =	vld [tilespmem:s7+$0x0];
	v9 =	vmul.f32 v9, v8  }
0x64a: {  	s16 =	sadd.s32 $0x400, s16;
	v10 =	vmul.f32 v10, v7;
	v15 =	vld [tilespmem:s7+$0x80]  }
0x64b: {  	v11 =	vmul.f32 v11, v6;
	[tilespmem:s16+$0x100] =	vst v9;
	v9 =	vld [tilespmem:s7+$0x180]  }
0x64c: {  	[tilespmem:s16+$0xFFFFFE00] =	vst v10;
	v10 =	vmul.f32 v12, v5;
	v12 =	vld [tilespmem:s7+$0x110]  }
0x64d: {  	v16 =	vld [tilespmem:s7+$0xFFFFFE10];
	[tilespmem:s16+$0xFFFFFE80] =	vst v11;
	v11 =	vmul.f32 v13, v4  }
0x64e: {  	v13 =	vld [tilespmem:s7+$0xFFFFFE90];
	[tilespmem:s16+$0xFFFFFF00] =	vst v10;
	v10 =	vmul.f32 v14, v3  }
0x64f: {  	v14 =	vld [tilespmem:s7+$0xFFFFFF10];
	[tilespmem:s16+$0xFFFFFF80] =	vst v11;
	v11 =	vmul.f32 v15, v2  }
0x650: {  	v15 =	vld [tilespmem:s7+$0xFFFFFF90];
	[tilespmem:s16+$0x0] =	vst v10;
	v9 =	vmul.f32 v9, v1  }
0x651: {  	v10 =	vld [tilespmem:s7+$0x10];
	[tilespmem:s16+$0x80] =	vst v11;
	v11 =	vmul.f32 v12, v8  }
0x652: {  	v12 =	vmul.f32 v16, v7;
	v16 =	vld [tilespmem:s7+$0x90];
	[tilespmem:s16+$0x180] =	vst v9  }
0x653: {  	v9 =	vmul.f32 v13, v6;
	[tilespmem:s16+$0x110] =	vst v11;
	v11 =	vld [tilespmem:s7+$0x190]  }
0x654: {  	[tilespmem:s16+$0xFFFFFE10] =	vst v12;
	v12 =	vmul.f32 v14, v5;
	v13 =	vld [tilespmem:s7+$0x120]  }
0x655: {  	v14 =	vld [tilespmem:s7+$0xFFFFFE20];
	[tilespmem:s16+$0xFFFFFE90] =	vst v9;
	v9 =	vmul.f32 v15, v4  }
0x656: {  	v15 =	vld [tilespmem:s7+$0xFFFFFEA0];
	[tilespmem:s16+$0xFFFFFF10] =	vst v12;
	v10 =	vmul.f32 v10, v3  }
0x657: {  	v12 =	vld [tilespmem:s7+$0xFFFFFF20];
	[tilespmem:s16+$0xFFFFFF90] =	vst v9;
	v9 =	vmul.f32 v16, v2  }
0x658: {  	v16 =	vld [tilespmem:s7+$0xFFFFFFA0];
	[tilespmem:s16+$0x10] =	vst v10;
	v10 =	vmul.f32 v11, v1  }
0x659: {  	v11 =	vld [tilespmem:s7+$0x20];
	[tilespmem:s16+$0x90] =	vst v9;
	v9 =	vmul.f32 v13, v8  }
0x65a: {  	v13 =	vmul.f32 v14, v7;
	v14 =	vld [tilespmem:s7+$0xA0];
	[tilespmem:s16+$0x190] =	vst v10  }
0x65b: {  	v10 =	vmul.f32 v15, v6;
	[tilespmem:s16+$0x120] =	vst v9;
	v9 =	vld [tilespmem:s7+$0x1A0]  }
0x65c: {  	[tilespmem:s16+$0xFFFFFE20] =	vst v13;
	v12 =	vmul.f32 v12, v5;
	v13 =	vld [tilespmem:s7+$0x130]  }
0x65d: {  	v15 =	vld [tilespmem:s7+$0xFFFFFE30];
	[tilespmem:s16+$0xFFFFFEA0] =	vst v10;
	v10 =	vmul.f32 v16, v4  }
0x65e: {  	v16 =	vld [tilespmem:s7+$0xFFFFFEB0];
	[tilespmem:s16+$0xFFFFFF20] =	vst v12;
	v11 =	vmul.f32 v11, v3  }
0x65f: {  	v12 =	vld [tilespmem:s7+$0xFFFFFF30];
	[tilespmem:s16+$0xFFFFFFA0] =	vst v10;
	v10 =	vmul.f32 v14, v2  }
0x660: {  	v14 =	vld [tilespmem:s7+$0xFFFFFFB0];
	[tilespmem:s16+$0x20] =	vst v11;
	v9 =	vmul.f32 v9, v1  }
0x661: {  	v11 =	vld [tilespmem:s7+$0x30];
	[tilespmem:s16+$0xA0] =	vst v10;
	v10 =	vmul.f32 v13, v8  }
0x662: {  	v13 =	vmul.f32 v15, v7;
	v15 =	vld [tilespmem:s7+$0xB0];
	[tilespmem:s16+$0x1A0] =	vst v9  }
0x663: {  	v9 =	vmul.f32 v16, v6;
	[tilespmem:s16+$0x130] =	vst v10;
	v10 =	vld [tilespmem:s7+$0x1B0]  }
0x664: {  	[tilespmem:s16+$0xFFFFFE30] =	vst v13;
	v12 =	vmul.f32 v12, v5;
	v13 =	vld [tilespmem:s7+$0x140]  }
0x665: {  	v16 =	vld [tilespmem:s7+$0xFFFFFE40];
	[tilespmem:s16+$0xFFFFFEB0] =	vst v9;
	v9 =	vmul.f32 v14, v4  }
0x666: {  	v14 =	vld [tilespmem:s7+$0xFFFFFEC0];
	[tilespmem:s16+$0xFFFFFF30] =	vst v12;
	v11 =	vmul.f32 v11, v3  }
0x667: {  	v12 =	vld [tilespmem:s7+$0xFFFFFF40];
	[tilespmem:s16+$0xFFFFFFB0] =	vst v9;
	v9 =	vmul.f32 v15, v2  }
0x668: {  	v15 =	vld [tilespmem:s7+$0xFFFFFFC0];
	[tilespmem:s16+$0x30] =	vst v11;
	v10 =	vmul.f32 v10, v1  }
0x669: {  	v11 =	vld [tilespmem:s7+$0x40];
	[tilespmem:s16+$0xB0] =	vst v9;
	v9 =	vmul.f32 v13, v8  }
0x66a: {  	v13 =	vmul.f32 v16, v7;
	v16 =	vld [tilespmem:s7+$0xC0];
	[tilespmem:s16+$0x1B0] =	vst v10  }
0x66b: {  	v10 =	vmul.f32 v14, v6;
	[tilespmem:s16+$0x140] =	vst v9;
	v9 =	vld [tilespmem:s7+$0x1C0]  }
0x66c: {  	[tilespmem:s16+$0xFFFFFE40] =	vst v13;
	v12 =	vmul.f32 v12, v5;
	v13 =	vld [tilespmem:s7+$0x150]  }
0x66d: {  	v14 =	vld [tilespmem:s7+$0xFFFFFE50];
	[tilespmem:s16+$0xFFFFFEC0] =	vst v10;
	v10 =	vmul.f32 v15, v4  }
0x66e: {  	v15 =	vld [tilespmem:s7+$0xFFFFFED0];
	[tilespmem:s16+$0xFFFFFF40] =	vst v12;
	v11 =	vmul.f32 v11, v3  }
0x66f: {  	v12 =	vld [tilespmem:s7+$0xFFFFFF50];
	[tilespmem:s16+$0xFFFFFFC0] =	vst v10;
	v10 =	vmul.f32 v16, v2  }
0x670: {  	v16 =	vld [tilespmem:s7+$0xFFFFFFD0];
	[tilespmem:s16+$0x40] =	vst v11;
	v9 =	vmul.f32 v9, v1  }
0x671: {  	v11 =	vld [tilespmem:s7+$0x50];
	[tilespmem:s16+$0xC0] =	vst v10;
	v10 =	vmul.f32 v13, v8  }
0x672: {  	v13 =	vmul.f32 v14, v7;
	v14 =	vld [tilespmem:s7+$0xD0];
	[tilespmem:s16+$0x1C0] =	vst v9  }
0x673: {  	v9 =	vmul.f32 v15, v6;
	[tilespmem:s16+$0x150] =	vst v10;
	v10 =	vld [tilespmem:s7+$0x1D0]  }
0x674: {  	[tilespmem:s16+$0xFFFFFE50] =	vst v13;
	v12 =	vmul.f32 v12, v5;
	v13 =	vld [tilespmem:s7+$0x160]  }
0x675: {  	v15 =	vld [tilespmem:s7+$0xFFFFFE60];
	[tilespmem:s16+$0xFFFFFED0] =	vst v9;
	v9 =	vmul.f32 v16, v4  }
0x676: {  	v16 =	vld [tilespmem:s7+$0xFFFFFEE0];
	[tilespmem:s16+$0xFFFFFF50] =	vst v12;
	v11 =	vmul.f32 v11, v3  }
0x677: {  	v12 =	vld [tilespmem:s7+$0xFFFFFF60];
	[tilespmem:s16+$0xFFFFFFD0] =	vst v9;
	v9 =	vmul.f32 v14, v2  }
0x678: {  	v14 =	vld [tilespmem:s7+$0xFFFFFFE0];
	[tilespmem:s16+$0x50] =	vst v11;
	v10 =	vmul.f32 v10, v1  }
0x679: {  	v11 =	vld [tilespmem:s7+$0x60];
	[tilespmem:s16+$0xD0] =	vst v9;
	v13 =	vmul.f32 v13, v8  }
0x67a: {  	s12 =	sadd.s32 $0x7, s8;
	v9 =	vmov s8;
	v15 =	vmul.f32 v15, v7;
	v17 =	vld [tilespmem:s7+$0xE0];
	[tilespmem:s16+$0x1D0] =	vst v10  }
0x67b: {  	s21 =	sadd.s32 $0x1, s8;
	s24 =	sadd.s32 $0x2, s8;
	v10 =	vand.u32 $0xFFFFFFF8, v9;
	v9 =	vmov s12;
	v16 =	vmul.f32 v16, v6;
	[tilespmem:s16+$0x160] =	vst v13;
	v13 =	vld [tilespmem:s7+$0x1E0]  }
0x67c: {  	v18 =	vmov s21;
	v19 =	vmov s24;
	s21 =	sadd.s32 $0x4, s8;
	s12 =	sadd.s32 $0x3, s8;
	[tilespmem:s16+$0xFFFFFE60] =	vst v15;
	v12 =	vmul.f32 v12, v5;
	v20 =	vld [tilespmem:s7+$0x170]  }
0x67d: {  	v22 =	vmov s21;
	v21 =	vmov s12;
	s12 =	sadd.s32 $0x5, s8;
	v23 =	vld [tilespmem:s7+$0xFFFFFE70];
	[tilespmem:s16+$0xFFFFFEE0] =	vst v16;
	v16 =	vmul.f32 v14, v4  }
.Ltmp11:
0x67e: {  	v10 =	vbroadcast v10, $0x0;
	v24 =	vmov s12;
	v15 =	vld [tilespmem:s7+$0xFFFFFEF0];
	[tilespmem:s16+$0xFFFFFF60] =	vst v12;
	v12 =	vmul.f32 v11, v3;
	(pc) =	sbr.rel @p3 .LBB2_19-.Ltmp11, $4  }
0x67f: {  	v11 =	vand.u32 $0xFFFFFFF9, v18;
	v18 =	vand.u32 $0xFFFFFFFA, v19;
	v14 =	vld [tilespmem:s7+$0xFFFFFF70];
	[tilespmem:s16+$0xFFFFFFE0] =	vst v16;
	v19 =	vmul.f32 v17, v2  }
0x680: {  	v21 =	vand.u32 $0xFFFFFFFB, v21;
	v11 =	vbroadcast v11, $0x0;
	v16 =	vld [tilespmem:s7+$0xFFFFFFF0];
	[tilespmem:s16+$0x60] =	vst v12;
	v25 =	vmul.f32 v13, v1  }
0x681: {  	v18 =	vbroadcast v18, $0x0;
	v12 =	vand.u32 $0xFFFFFFFC, v22;
	v17 =	vld [tilespmem:s7+$0x70];
	[tilespmem:s16+$0xE0] =	vst v19;
	v20 =	vmul.f32 v20, v8  }
0x682: {  	s21 =	sadd.s32 $0x6, s8;
	s8 =	sadd.s32 $0x8, s8;
	v13 =	vand.u32 $0xFFFFFFFD, v24;
	v8 =	vbroadcast v21, $0x0;
	v21 =	vmul.f32 v23, v7;
	v19 =	vld [tilespmem:s7+$0xF0];
	[tilespmem:s16+$0x1E0] =	vst v25  }
0x683: {  	_ =	sdelay $0x2  }
0x684: {  	v23 =	vld [tilespmem:s7+$0x1F0]  }
0x685: {  	v7 =	vmov s21;
	v24 =	vbroadcast v13, $0x0;
	v13 =	vld.idx.msk [tilespmem:v10+s13+$0x0], $0xffff  }
0x686: {  	v22 =	vbroadcast v12, $0x0;
	v12 =	vand.u32 $0xFFFFFFFE, v7;
	v7 =	vld.idx.msk [tilespmem:v9+s13+$0x0], $0xffff  }
0x687: {  	s12 =	sadd.s32 $0x400, s7;
	v10 =	vld.idx.msk [tilespmem:v8+s13+$0x0], $0xffff;
	v25 =	vbroadcast v12, $0x0  }
0x688: {  	v5 =	vmul.f32 v14, v5;
	v14 =	vld [tilespmem:s12+$0x100]  }
0x689: {  	v15 =	vmul.f32 v15, v6;
	v12 =	vld.idx.msk [tilespmem:v11+s13+$0x0], $0xffff  }
0x68a: {  	v11 =	vld.idx.msk [tilespmem:v18+s13+$0x0], $0xffff  }
0x68b: {  	[tilespmem:s16+$0xFFFFFEF0] =	vst v15;
	v15 =	vld [tilespmem:s12+$0xFFFFFE00]  }
0x68c: {  	v4 =	vmul.f32 v16, v4;
	[tilespmem:s16+$0xFFFFFF70] =	vst v5;
	v5 =	vld [tilespmem:s12+$0xFFFFFE80]  }
0x68d: {  	v3 =	vmul.f32 v17, v3;
	v6 =	vld.idx.msk [tilespmem:v25+s13+$0x0], $0xffff  }
0x68e: {  	[tilespmem:s16+$0xFFFFFFF0] =	vst v4;
	v4 =	vld [tilespmem:s12+$0xFFFFFF00]  }
0x68f: {  	[tilespmem:s16+$0x70] =	vst v3;
	v3 =	vld [tilespmem:s12+$0xFFFFFF80]  }
0x690: {  	[tilespmem:s16+$0x170] =	vst v20;
	v2 =	vmul.f32 v19, v2;
	v9 =	vld.idx.msk [tilespmem:v22+s13+$0x0], $0xffff  }
0x691: {  	[tilespmem:s16+$0xFFFFFE70] =	vst v21;
	v1 =	vmul.f32 v23, v1;
	v8 =	vld.idx.msk [tilespmem:v24+s13+$0x0], $0xffff  }
0x692: {  	[tilespmem:s16+$0xF0] =	vst v2;
	v2 =	vld [tilespmem:s12+$0x0];
	v14 =	vmul.f32 v14, v6  }
0x693: {  	s8 =	sadd.s32 $0x400, s16;
	[tilespmem:s16+$0x1F0] =	vst v1;
	v1 =	vmul.f32 v15, v13;
	v15 =	vld [tilespmem:s12+$0x80]  }
0x694: {  	v5 =	vmul.f32 v5, v12;
	[tilespmem:s8+$0x100] =	vst v14;
	v14 =	vld [tilespmem:s12+$0x180]  }
0x695: {  	[tilespmem:s8+$0xFFFFFE00] =	vst v1;
	v1 =	vmul.f32 v4, v11;
	v4 =	vld [tilespmem:s12+$0x110]  }
0x696: {  	v16 =	vld [tilespmem:s12+$0xFFFFFE10];
	[tilespmem:s8+$0xFFFFFE80] =	vst v5;
	v3 =	vmul.f32 v3, v10  }
0x697: {  	v5 =	vld [tilespmem:s12+$0xFFFFFE90];
	[tilespmem:s8+$0xFFFFFF00] =	vst v1;
	v1 =	vmul.f32 v2, v9  }
0x698: {  	v2 =	vld [tilespmem:s12+$0xFFFFFF10];
	[tilespmem:s8+$0xFFFFFF80] =	vst v3;
	v3 =	vmul.f32 v15, v8  }
0x699: {  	v15 =	vld [tilespmem:s12+$0xFFFFFF90];
	[tilespmem:s8+$0x0] =	vst v1;
	v1 =	vmul.f32 v14, v7  }
0x69a: {  	[tilespmem:s8+$0x80] =	vst v3;
	v14 =	vld [tilespmem:s12+$0x10];
	v3 =	vmul.f32 v4, v6  }
0x69b: {  	v4 =	vmul.f32 v16, v13;
	v16 =	vld [tilespmem:s12+$0x90];
	[tilespmem:s8+$0x180] =	vst v1  }
0x69c: {  	v1 =	vmul.f32 v5, v12;
	[tilespmem:s8+$0x110] =	vst v3;
	v3 =	vld [tilespmem:s12+$0x190]  }
0x69d: {  	v2 =	vmul.f32 v2, v11;
	[tilespmem:s8+$0xFFFFFE10] =	vst v4;
	v4 =	vld [tilespmem:s12+$0x120]  }
0x69e: {  	v5 =	vld [tilespmem:s12+$0xFFFFFE20];
	[tilespmem:s8+$0xFFFFFE90] =	vst v1;
	v1 =	vmul.f32 v15, v10  }
0x69f: {  	[tilespmem:s8+$0xFFFFFF10] =	vst v2;
	v15 =	vld [tilespmem:s12+$0xFFFFFEA0];
	v2 =	vmul.f32 v14, v9  }
0x6a0: {  	v14 =	vld [tilespmem:s12+$0xFFFFFF20];
	[tilespmem:s8+$0xFFFFFF90] =	vst v1;
	v1 =	vmul.f32 v16, v8  }
0x6a1: {  	v16 =	vld [tilespmem:s12+$0xFFFFFFA0];
	[tilespmem:s8+$0x10] =	vst v2;
	v2 =	vmul.f32 v3, v7  }
0x6a2: {  	v3 =	vld [tilespmem:s12+$0x20];
	[tilespmem:s8+$0x90] =	vst v1;
	v1 =	vmul.f32 v4, v6  }
0x6a3: {  	v4 =	vmul.f32 v5, v13;
	v5 =	vld [tilespmem:s12+$0xA0];
	[tilespmem:s8+$0x190] =	vst v2  }
0x6a4: {  	v2 =	vmul.f32 v15, v12;
	[tilespmem:s8+$0x120] =	vst v1;
	v1 =	vld [tilespmem:s12+$0x1A0]  }
0x6a5: {  	[tilespmem:s8+$0xFFFFFE20] =	vst v4;
	v4 =	vmul.f32 v14, v11;
	v14 =	vld [tilespmem:s12+$0x130]  }
0x6a6: {  	v15 =	vld [tilespmem:s12+$0xFFFFFE30];
	[tilespmem:s8+$0xFFFFFEA0] =	vst v2;
	v2 =	vmul.f32 v16, v10  }
0x6a7: {  	v16 =	vld [tilespmem:s12+$0xFFFFFEB0];
	[tilespmem:s8+$0xFFFFFF20] =	vst v4;
	v3 =	vmul.f32 v3, v9  }
0x6a8: {  	v4 =	vld [tilespmem:s12+$0xFFFFFF30];
	[tilespmem:s8+$0xFFFFFFA0] =	vst v2;
	v2 =	vmul.f32 v5, v8  }
0x6a9: {  	v5 =	vld [tilespmem:s12+$0xFFFFFFB0];
	[tilespmem:s8+$0x20] =	vst v3;
	v1 =	vmul.f32 v1, v7  }
0x6aa: {  	v3 =	vld [tilespmem:s12+$0x30];
	[tilespmem:s8+$0xA0] =	vst v2;
	v2 =	vmul.f32 v14, v6  }
0x6ab: {  	v14 =	vmul.f32 v15, v13;
	v15 =	vld [tilespmem:s12+$0xB0];
	[tilespmem:s8+$0x1A0] =	vst v1  }
0x6ac: {  	v1 =	vmul.f32 v16, v12;
	[tilespmem:s8+$0x130] =	vst v2;
	v2 =	vld [tilespmem:s12+$0x1B0]  }
0x6ad: {  	[tilespmem:s8+$0xFFFFFE30] =	vst v14;
	v4 =	vmul.f32 v4, v11;
	v14 =	vld [tilespmem:s12+$0x140]  }
0x6ae: {  	v16 =	vld [tilespmem:s12+$0xFFFFFE40];
	[tilespmem:s8+$0xFFFFFEB0] =	vst v1;
	v1 =	vmul.f32 v5, v10  }
0x6af: {  	v5 =	vld [tilespmem:s12+$0xFFFFFEC0];
	[tilespmem:s8+$0xFFFFFF30] =	vst v4;
	v3 =	vmul.f32 v3, v9  }
0x6b0: {  	v4 =	vld [tilespmem:s12+$0xFFFFFF40];
	[tilespmem:s8+$0xFFFFFFB0] =	vst v1;
	v1 =	vmul.f32 v15, v8  }
0x6b1: {  	v15 =	vld [tilespmem:s12+$0xFFFFFFC0];
	[tilespmem:s8+$0x30] =	vst v3;
	v2 =	vmul.f32 v2, v7  }
0x6b2: {  	v3 =	vld [tilespmem:s12+$0x40];
	[tilespmem:s8+$0xB0] =	vst v1;
	v1 =	vmul.f32 v14, v6  }
0x6b3: {  	v14 =	vmul.f32 v16, v13;
	v16 =	vld [tilespmem:s12+$0xC0];
	[tilespmem:s8+$0x1B0] =	vst v2  }
0x6b4: {  	v2 =	vmul.f32 v5, v12;
	[tilespmem:s8+$0x140] =	vst v1;
	v1 =	vld [tilespmem:s12+$0x1C0]  }
0x6b5: {  	[tilespmem:s8+$0xFFFFFE40] =	vst v14;
	v4 =	vmul.f32 v4, v11;
	v5 =	vld [tilespmem:s12+$0x150]  }
0x6b6: {  	v14 =	vld [tilespmem:s12+$0xFFFFFE50];
	[tilespmem:s8+$0xFFFFFEC0] =	vst v2;
	v2 =	vmul.f32 v15, v10  }
0x6b7: {  	v15 =	vld [tilespmem:s12+$0xFFFFFED0];
	[tilespmem:s8+$0xFFFFFF40] =	vst v4;
	v3 =	vmul.f32 v3, v9  }
0x6b8: {  	v4 =	vld [tilespmem:s12+$0xFFFFFF50];
	[tilespmem:s8+$0xFFFFFFC0] =	vst v2;
	v2 =	vmul.f32 v16, v8  }
0x6b9: {  	v16 =	vld [tilespmem:s12+$0xFFFFFFD0];
	[tilespmem:s8+$0x40] =	vst v3;
	v1 =	vmul.f32 v1, v7  }
0x6ba: {  	v3 =	vld [tilespmem:s12+$0x50];
	[tilespmem:s8+$0xC0] =	vst v2;
	v2 =	vmul.f32 v5, v6  }
0x6bb: {  	v5 =	vmul.f32 v14, v13;
	v14 =	vld [tilespmem:s12+$0xD0];
	[tilespmem:s8+$0x1C0] =	vst v1  }
0x6bc: {  	v1 =	vmul.f32 v15, v12;
	[tilespmem:s8+$0x150] =	vst v2;
	v2 =	vld [tilespmem:s12+$0x1D0]  }
0x6bd: {  	[tilespmem:s8+$0xFFFFFE50] =	vst v5;
	v4 =	vmul.f32 v4, v11;
	v5 =	vld [tilespmem:s12+$0x160]  }
0x6be: {  	v15 =	vld [tilespmem:s12+$0xFFFFFE60];
	[tilespmem:s8+$0xFFFFFED0] =	vst v1;
	v1 =	vmul.f32 v16, v10  }
0x6bf: {  	v16 =	vld [tilespmem:s12+$0xFFFFFEE0];
	[tilespmem:s8+$0xFFFFFF50] =	vst v4;
	v3 =	vmul.f32 v3, v9  }
0x6c0: {  	v4 =	vld [tilespmem:s12+$0xFFFFFF60];
	[tilespmem:s8+$0xFFFFFFD0] =	vst v1;
	v1 =	vmul.f32 v14, v8  }
0x6c1: {  	v14 =	vld [tilespmem:s12+$0xFFFFFFE0];
	[tilespmem:s8+$0x50] =	vst v3;
	v2 =	vmul.f32 v2, v7  }
0x6c2: {  	v3 =	vld [tilespmem:s12+$0x60];
	[tilespmem:s8+$0xD0] =	vst v1;
	v1 =	vmul.f32 v5, v6  }
0x6c3: {  	v5 =	vmul.f32 v15, v13;
	v15 =	vld [tilespmem:s12+$0xE0];
	[tilespmem:s8+$0x1D0] =	vst v2  }
0x6c4: {  	v2 =	vmul.f32 v16, v12;
	[tilespmem:s8+$0x160] =	vst v1;
	v1 =	vld [tilespmem:s12+$0x1E0]  }
0x6c5: {  	[tilespmem:s8+$0xFFFFFE60] =	vst v5;
	v4 =	vmul.f32 v4, v11;
	v5 =	vld [tilespmem:s12+$0x170]  }
0x6c6: {  	v16 =	vld [tilespmem:s12+$0xFFFFFE70];
	[tilespmem:s8+$0xFFFFFEE0] =	vst v2;
	v2 =	vmul.f32 v14, v10  }
0x6c7: {  	v14 =	vld [tilespmem:s12+$0xFFFFFEF0];
	[tilespmem:s8+$0xFFFFFF60] =	vst v4;
	v3 =	vmul.f32 v3, v9  }
0x6c8: {  	v4 =	vld [tilespmem:s12+$0xFFFFFF70];
	[tilespmem:s8+$0xFFFFFFE0] =	vst v2;
	v2 =	vmul.f32 v15, v8  }
0x6c9: {  	v15 =	vld [tilespmem:s12+$0xFFFFFFF0];
	[tilespmem:s8+$0x60] =	vst v3;
	v1 =	vmul.f32 v1, v7  }
0x6ca: {  	v3 =	vld [tilespmem:s12+$0x70];
	[tilespmem:s8+$0xE0] =	vst v2;
	v2 =	vmul.f32 v5, v6  }
0x6cb: {  	v5 =	vmul.f32 v16, v13;
	v6 =	vld [tilespmem:s12+$0xF0];
	[tilespmem:s8+$0x1E0] =	vst v1  }
0x6cc: {  	v1 =	vmul.f32 v14, v12;
	[tilespmem:s8+$0x170] =	vst v2;
	v2 =	vld [tilespmem:s12+$0x1F0]  }
0x6cd: {  	[tilespmem:s8+$0xFFFFFE70] =	vst v5;
	v4 =	vmul.f32 v4, v11  }
0x6ce: {  	[tilespmem:s8+$0xFFFFFEF0] =	vst v1;
	v1 =	vmul.f32 v15, v10  }
0x6cf: {  	[tilespmem:s8+$0xFFFFFF70] =	vst v4;
	v3 =	vmul.f32 v3, v9  }
0x6d0: {  	[tilespmem:s8+$0xFFFFFFF0] =	vst v1;
	v1 =	vmul.f32 v6, v8  }
0x6d1: {  	[tilespmem:s8+$0x70] =	vst v3;
	v2 =	vmul.f32 v2, v7  }
0x6d2: {  	[tilespmem:s8+$0xF0] =	vst v1  }
0x6d3: {  	s21 =	simm.s32 $0x13D00;
	s24 =	simm.s32 $0x19E80;
	[tilespmem:s8+$0x1F0] =	vst v2  }
0x6d4: {  	[spmem:s5] =	stream.indirect.scatter.add.f32 [tilespmem:s24], [sflag:$0xA], $0x80, s21, s23, $0xb8;
	[tilespmem:$0x1FE80] =	vst v63  }
0x6d5: {  	_ =	swait.ge [sflag:s10], $0x2000  }
0x6d6: {  	[sflag:s10] =	ssyncset.done $0x0  }
0x6d7: {  	[sflag:s10] =	ssyncadd.s32 $0xFFFFE000  }
0x6d8: {  	_ =	swait.ge [sflag:s31], $0x2000  }
0x6d9: {  	[sflag:s31] =	ssyncset.done $0x0  }
0x6da: {  	[sflag:s31] =	ssyncadd.s32 $0xFFFFE000  }
0x6db: {  	s25 =	simm.s32 $0x40;
	v1 =	vld [tilespmem:$0x138C0]  }
0x6dc: {  	s16 =	simm.s32 $0x42;
	v4 =	vmov s25;
	v2 =	vld [tilespmem:$0x138D0]  }
0x6dd: {  	v4 =	vand.u32 $0xFFFFFFF8, v4;
	v8 =	vmov s16;
	v3 =	vld [tilespmem:$0x138E0]  }
0x6de: {  	s12 =	simm.s32 $0x41;
	v4 =	vbroadcast v4, $0x0;
	v8 =	vand.u32 $0xFFFFFFFA, v8;
	v5 =	vld [tilespmem:$0x138F0]  }
0x6df: {  	v7 =	vmov s12;
	v8 =	vbroadcast v8, $0x0  }
0x6e0: {  	s28 =	simm.s32 $0x47;
	v7 =	vand.u32 $0xFFFFFFF9, v7;
	s21 =	simm.s32 $0x43;
	[tilespmem:$0x13D80] =	vst v1  }
0x6e1: {  	v6 =	vmov s28;
	v9 =	vbroadcast v7, $0x0;
	s24 =	simm.s32 $0x44;
	v1 =	vmov s21;
	[tilespmem:$0x13D90] =	vst v2  }
0x6e2: {  	s25 =	simm.s32 $0x45;
	v2 =	vmov s24;
	[tilespmem:$0x13DA0] =	vst v3;
	v1 =	vand.u32 $0xFFFFFFFB, v1  }
0x6e3: {  	s28 =	simm.s32 $0x46;
	v3 =	vmov s25;
	[tilespmem:$0x13DB0] =	vst v5;
	v2 =	vand.u32 $0xFFFFFFFC, v2;
	v10 =	vbroadcast v1, $0x0  }
0x6e4: {  	v7 =	vld.idx.msk [tilespmem:v4+s13+$0x0], $0xffff;
	v1 =	vand.u32 $0xFFFFFFFD, v3;
	v2 =	vbroadcast v2, $0x0;
	v3 =	vmov s28  }
0x6e5: {  	v5 =	vld.idx.msk [tilespmem:v8+s13+$0x0], $0xffff;
	v3 =	vand.u32 $0xFFFFFFFE, v3  }
0x6e6: {  	v11 =	vbroadcast v1, $0x0;
	v1 =	vld.idx.msk [tilespmem:v6+s13+$0x0], $0xffff;
	v12 =	vbroadcast v3, $0x0  }
0x6e7: {  	s16 =	simm.s32 $0x16080;
	v6 =	vld.idx.msk [tilespmem:v9+s13+$0x0], $0xffff  }
0x6e8: {  	v9 =	vld [tilespmem:s16+$0x100]  }
0x6e9: {  	v4 =	vld.idx.msk [tilespmem:v10+s13+$0x0], $0xffff  }
0x6ea: {  	v3 =	vld.idx.msk [tilespmem:v2+s13+$0x0], $0xffff  }
0x6eb: {  	v10 =	vld [tilespmem:s16+$0xFFFFFE00]  }
0x6ec: {  	v8 =	vld.idx.msk [tilespmem:v12+s13+$0x0], $0xffff  }
0x6ed: {  	v2 =	vld.idx.msk [tilespmem:v11+s13+$0x0], $0xffff  }
0x6ee: {  	v11 =	vld [tilespmem:s16+$0xFFFFFE80]  }
0x6ef: {  	v12 =	vld [tilespmem:s16+$0xFFFFFF00]  }
0x6f0: {  	v13 =	vld [tilespmem:s16+$0xFFFFFF80]  }
0x6f1: {  	v14 =	vld [tilespmem:s16+$0x0];
	v9 =	vmul.f32 v9, v8  }
0x6f2: {  	s7 =	simm.s32 $0x1C080;
	v15 =	vld [tilespmem:s16+$0x80];
	v10 =	vmul.f32 v10, v7  }
0x6f3: {  	v11 =	vmul.f32 v11, v6;
	[tilespmem:s7+$0x100] =	vst v9;
	v9 =	vld [tilespmem:s16+$0x180]  }
0x6f4: {  	[tilespmem:s7+$0xFFFFFE00] =	vst v10;
	v10 =	vmul.f32 v12, v5;
	v12 =	vld [tilespmem:s16+$0x110]  }
0x6f5: {  	v16 =	vld [tilespmem:s16+$0xFFFFFE10];
	[tilespmem:s7+$0xFFFFFE80] =	vst v11;
	v11 =	vmul.f32 v13, v4  }
0x6f6: {  	v13 =	vld [tilespmem:s16+$0xFFFFFE90];
	[tilespmem:s7+$0xFFFFFF00] =	vst v10;
	v10 =	vmul.f32 v14, v3  }
0x6f7: {  	v14 =	vld [tilespmem:s16+$0xFFFFFF10];
	[tilespmem:s7+$0xFFFFFF80] =	vst v11;
	v11 =	vmul.f32 v15, v2  }
0x6f8: {  	v15 =	vld [tilespmem:s16+$0xFFFFFF90];
	[tilespmem:s7+$0x0] =	vst v10;
	v9 =	vmul.f32 v9, v1  }
0x6f9: {  	v10 =	vld [tilespmem:s16+$0x10];
	[tilespmem:s7+$0x80] =	vst v11;
	v11 =	vmul.f32 v12, v8  }
0x6fa: {  	v12 =	vmul.f32 v16, v7;
	v16 =	vld [tilespmem:s16+$0x90];
	[tilespmem:s7+$0x180] =	vst v9  }
0x6fb: {  	v9 =	vmul.f32 v13, v6;
	[tilespmem:s7+$0x110] =	vst v11;
	v11 =	vld [tilespmem:s16+$0x190]  }
0x6fc: {  	[tilespmem:s7+$0xFFFFFE10] =	vst v12;
	v12 =	vmul.f32 v14, v5;
	v13 =	vld [tilespmem:s16+$0x120]  }
0x6fd: {  	v14 =	vld [tilespmem:s16+$0xFFFFFE20];
	[tilespmem:s7+$0xFFFFFE90] =	vst v9;
	v9 =	vmul.f32 v15, v4  }
0x6fe: {  	v10 =	vmul.f32 v10, v3;
	v15 =	vld [tilespmem:s16+$0xFFFFFEA0];
	[tilespmem:s7+$0xFFFFFF10] =	vst v12  }
0x6ff: {  	v12 =	vld [tilespmem:s16+$0xFFFFFF20];
	[tilespmem:s7+$0xFFFFFF90] =	vst v9;
	v9 =	vmul.f32 v16, v2  }
0x700: {  	[tilespmem:s7+$0x10] =	vst v10;
	v16 =	vld [tilespmem:s16+$0xFFFFFFA0];
	v10 =	vmul.f32 v11, v1  }
0x701: {  	v11 =	vld [tilespmem:s16+$0x20];
	[tilespmem:s7+$0x90] =	vst v9;
	v9 =	vmul.f32 v13, v8  }
0x702: {  	v13 =	vmul.f32 v14, v7;
	v14 =	vld [tilespmem:s16+$0xA0];
	[tilespmem:s7+$0x190] =	vst v10  }
0x703: {  	v10 =	vmul.f32 v15, v6;
	[tilespmem:s7+$0x120] =	vst v9;
	v9 =	vld [tilespmem:s16+$0x1A0]  }
0x704: {  	[tilespmem:s7+$0xFFFFFE20] =	vst v13;
	v12 =	vmul.f32 v12, v5;
	v13 =	vld [tilespmem:s16+$0x130]  }
0x705: {  	v15 =	vld [tilespmem:s16+$0xFFFFFE30];
	[tilespmem:s7+$0xFFFFFEA0] =	vst v10;
	v10 =	vmul.f32 v16, v4  }
0x706: {  	v16 =	vld [tilespmem:s16+$0xFFFFFEB0];
	[tilespmem:s7+$0xFFFFFF20] =	vst v12;
	v11 =	vmul.f32 v11, v3  }
0x707: {  	v12 =	vld [tilespmem:s16+$0xFFFFFF30];
	[tilespmem:s7+$0xFFFFFFA0] =	vst v10;
	v10 =	vmul.f32 v14, v2  }
0x708: {  	v14 =	vld [tilespmem:s16+$0xFFFFFFB0];
	[tilespmem:s7+$0x20] =	vst v11;
	v9 =	vmul.f32 v9, v1  }
0x709: {  	v11 =	vld [tilespmem:s16+$0x30];
	[tilespmem:s7+$0xA0] =	vst v10;
	v10 =	vmul.f32 v13, v8  }
0x70a: {  	v13 =	vmul.f32 v15, v7;
	v15 =	vld [tilespmem:s16+$0xB0];
	[tilespmem:s7+$0x1A0] =	vst v9  }
0x70b: {  	v9 =	vmul.f32 v16, v6;
	[tilespmem:s7+$0x130] =	vst v10;
	v10 =	vld [tilespmem:s16+$0x1B0]  }
0x70c: {  	[tilespmem:s7+$0xFFFFFE30] =	vst v13;
	v12 =	vmul.f32 v12, v5;
	v13 =	vld [tilespmem:s16+$0x140]  }
0x70d: {  	v16 =	vld [tilespmem:s16+$0xFFFFFE40];
	[tilespmem:s7+$0xFFFFFEB0] =	vst v9;
	v9 =	vmul.f32 v14, v4  }
0x70e: {  	v14 =	vld [tilespmem:s16+$0xFFFFFEC0];
	[tilespmem:s7+$0xFFFFFF30] =	vst v12;
	v11 =	vmul.f32 v11, v3  }
0x70f: {  	v12 =	vld [tilespmem:s16+$0xFFFFFF40];
	[tilespmem:s7+$0xFFFFFFB0] =	vst v9;
	v9 =	vmul.f32 v15, v2  }
0x710: {  	v15 =	vld [tilespmem:s16+$0xFFFFFFC0];
	[tilespmem:s7+$0x30] =	vst v11;
	v10 =	vmul.f32 v10, v1  }
0x711: {  	v11 =	vld [tilespmem:s16+$0x40];
	[tilespmem:s7+$0xB0] =	vst v9;
	v9 =	vmul.f32 v13, v8  }
0x712: {  	v13 =	vmul.f32 v16, v7;
	v16 =	vld [tilespmem:s16+$0xC0];
	[tilespmem:s7+$0x1B0] =	vst v10  }
0x713: {  	v10 =	vmul.f32 v14, v6;
	[tilespmem:s7+$0x140] =	vst v9;
	v9 =	vld [tilespmem:s16+$0x1C0]  }
0x714: {  	[tilespmem:s7+$0xFFFFFE40] =	vst v13;
	v12 =	vmul.f32 v12, v5;
	v13 =	vld [tilespmem:s16+$0x150]  }
0x715: {  	v14 =	vld [tilespmem:s16+$0xFFFFFE50];
	[tilespmem:s7+$0xFFFFFEC0] =	vst v10;
	v10 =	vmul.f32 v15, v4  }
0x716: {  	v15 =	vld [tilespmem:s16+$0xFFFFFED0];
	[tilespmem:s7+$0xFFFFFF40] =	vst v12;
	v11 =	vmul.f32 v11, v3  }
0x717: {  	v12 =	vld [tilespmem:s16+$0xFFFFFF50];
	[tilespmem:s7+$0xFFFFFFC0] =	vst v10;
	v10 =	vmul.f32 v16, v2  }
0x718: {  	v16 =	vld [tilespmem:s16+$0xFFFFFFD0];
	[tilespmem:s7+$0x40] =	vst v11;
	v9 =	vmul.f32 v9, v1  }
0x719: {  	v17 =	vld [tilespmem:s16+$0x50];
	[tilespmem:s7+$0xC0] =	vst v10;
	v10 =	vmul.f32 v13, v8  }
0x71a: {  	v11 =	vmul.f32 v14, v7;
	v14 =	vld [tilespmem:s16+$0xD0];
	[tilespmem:s7+$0x1C0] =	vst v9  }
0x71b: {  	v9 =	vmul.f32 v15, v6;
	[tilespmem:s7+$0x150] =	vst v10;
	v63 =	vld [tilespmem:s16+$0x1D0]  }
0x71c: {  	[tilespmem:s7+$0xFFFFFE50] =	vst v11;
	v10 =	vmul.f32 v12, v5;
	v13 =	vld [tilespmem:s16+$0x160]  }
0x71d: {  	v12 =	vld [tilespmem:s16+$0xFFFFFE60];
	[tilespmem:s7+$0xFFFFFED0] =	vst v9;
	v9 =	vmul.f32 v16, v4  }
0x71e: {  	v11 =	vld [tilespmem:s16+$0xFFFFFEE0];
	[tilespmem:s7+$0xFFFFFF50] =	vst v10;
	v16 =	vmul.f32 v17, v3  }
0x71f: {  	v10 =	vld [tilespmem:s16+$0xFFFFFF60];
	[tilespmem:s7+$0xFFFFFFD0] =	vst v9;
	v15 =	vmul.f32 v14, v2  }
0x720: {  	s8 =	simm.s32 $0x0;
	v9 =	vld [tilespmem:s16+$0xFFFFFFE0];
	[tilespmem:s7+$0x50] =	vst v16;
	v14 =	vmul.f32 v63, v1  }
.LBB2_21:
0x721: {  	s12 =	sadd.s32 $0x4F, s8;
	v16 =	vld [tilespmem:s16+$0x60];
	[tilespmem:s7+$0xD0] =	vst v15;
	v13 =	vmul.f32 v13, v8  }
0x722: {  	s21 =	sadd.s32 $0x48, s8;
	s24 =	sadd.s32 $0x49, s8;
	v15 =	vmov s12;
	v12 =	vmul.f32 v12, v7;
	v17 =	vld [tilespmem:s16+$0xE0];
	[tilespmem:s7+$0x1D0] =	vst v14  }
0x723: {  	v14 =	vmov s21;
	v18 =	vmov s24;
	s12 =	sadd.s32 $0x4A, s8;
	s21 =	sadd.s32 $0x4B, s8;
	v11 =	vmul.f32 v11, v6;
	[tilespmem:s7+$0x160] =	vst v13;
	v13 =	vld [tilespmem:s16+$0x1E0]  }
0x724: {  	v19 =	vmov s12;
	v20 =	vmov s21;
	s12 =	sadd.s32 $0x4C, s8;
	s21 =	sadd.s32 $0x4D, s8;
	[tilespmem:s7+$0xFFFFFE60] =	vst v12;
	v10 =	vmul.f32 v10, v5;
	v12 =	vld [tilespmem:s16+$0x170]  }
0x725: {  	v21 =	vmov s12;
	v22 =	vmov s21;
	v23 =	vld [tilespmem:s16+$0xFFFFFE70];
	[tilespmem:s7+$0xFFFFFEE0] =	vst v11;
	v9 =	vmul.f32 v9, v4  }
0x726: {  	v11 =	vand.u32 $0xFFFFFFF8, v14;
	v14 =	vand.u32 $0xFFFFFFF9, v18;
	v18 =	vld [tilespmem:s16+$0xFFFFFEF0];
	[tilespmem:s7+$0xFFFFFF60] =	vst v10;
	v10 =	vmul.f32 v16, v3  }
0x727: {  	v11 =	vbroadcast v11, $0x0;
	v16 =	vand.u32 $0xFFFFFFFA, v19;
	v19 =	vld [tilespmem:s16+$0xFFFFFF70];
	[tilespmem:s7+$0xFFFFFFE0] =	vst v9;
	v9 =	vmul.f32 v17, v2  }
0x728: {  	v14 =	vbroadcast v14, $0x0;
	v17 =	vand.u32 $0xFFFFFFFB, v20;
	v20 =	vld [tilespmem:s16+$0xFFFFFFF0];
	[tilespmem:s7+$0x60] =	vst v10;
	v10 =	vmul.f32 v13, v1  }
0x729: {  	v13 =	vbroadcast v16, $0x0;
	v16 =	vand.u32 $0xFFFFFFFC, v21;
	v21 =	vld [tilespmem:s16+$0x70];
	[tilespmem:s7+$0xE0] =	vst v9;
	v8 =	vmul.f32 v12, v8  }
0x72a: {  	s12 =	sadd.s32 $0x4E, s8;
	s8 =	sadd.s32 $0x8, s8;
	v9 =	vbroadcast v17, $0x0;
	v12 =	vand.u32 $0xFFFFFFFD, v22;
	v7 =	vmul.f32 v23, v7;
	v17 =	vld [tilespmem:s16+$0xF0];
	[tilespmem:s7+$0x1E0] =	vst v10  }
0x72b: {  	p3 =	slt.u32 s8, $0x38;
	v10 =	vbroadcast v16, $0x0;
	v16 =	vmov s12;
	v6 =	vmul.f32 v18, v6;
	[tilespmem:s7+$0x170] =	vst v8;
	v8 =	vld [tilespmem:s16+$0x1F0]  }
0x72c: {  	v12 =	vbroadcast v12, $0x0;
	v16 =	vand.u32 $0xFFFFFFFE, v16;
	v15 =	vld.idx.msk [tilespmem:v15+s13+$0x0], $0xffff;
	[tilespmem:s7+$0xFFFFFE70] =	vst v7;
	v5 =	vmul.f32 v19, v5  }
0x72d: {  	v7 =	vld.idx.msk [tilespmem:v11+s13+$0x0], $0xffff;
	v11 =	vbroadcast v16, $0x0;
	[tilespmem:s7+$0xFFFFFEF0] =	vst v6;
	v4 =	vmul.f32 v20, v4  }
0x72e: {  	v6 =	vld.idx.msk [tilespmem:v14+s13+$0x0], $0xffff;
	[tilespmem:s7+$0xFFFFFF70] =	vst v5;
	v3 =	vmul.f32 v21, v3  }
0x72f: {  	v5 =	vld.idx.msk [tilespmem:v13+s13+$0x0], $0xffff;
	[tilespmem:s7+$0xFFFFFFF0] =	vst v4;
	v2 =	vmul.f32 v17, v2  }
0x730: {  	v4 =	vld.idx.msk [tilespmem:v9+s13+$0x0], $0xffff;
	[tilespmem:s7+$0x70] =	vst v3;
	v8 =	vmul.f32 v8, v1  }
0x731: {  	v3 =	vld.idx.msk [tilespmem:v10+s13+$0x0], $0xffff;
	[tilespmem:s7+$0xF0] =	vst v2  }
0x732: {  	v1 =	vmov v15;
	v2 =	vld.idx.msk [tilespmem:v12+s13+$0x0], $0xffff;
	[tilespmem:s7+$0x1F0] =	vst v8  }
0x733: {  	s16 =	sadd.s32 $0x400, s16;
	v8 =	vld.idx.msk [tilespmem:v11+s13+$0x0], $0xffff  }
0x734: {  	v9 =	vld [tilespmem:s16+$0x100]  }
0x735: {  	v10 =	vld [tilespmem:s16+$0xFFFFFE00]  }
0x736: {  	v11 =	vld [tilespmem:s16+$0xFFFFFE80]  }
0x737: {  	v12 =	vld [tilespmem:s16+$0xFFFFFF00]  }
0x738: {  	v13 =	vld [tilespmem:s16+$0xFFFFFF80]  }
0x739: {  	v14 =	vld [tilespmem:s16+$0x0];
	v9 =	vmul.f32 v9, v8  }
0x73a: {  	s7 =	sadd.s32 $0x400, s7;
	v10 =	vmul.f32 v10, v7;
	v15 =	vld [tilespmem:s16+$0x80]  }
0x73b: {  	v11 =	vmul.f32 v11, v6;
	[tilespmem:s7+$0x100] =	vst v9;
	v9 =	vld [tilespmem:s16+$0x180]  }
0x73c: {  	[tilespmem:s7+$0xFFFFFE00] =	vst v10;
	v10 =	vmul.f32 v12, v5;
	v12 =	vld [tilespmem:s16+$0x110]  }
0x73d: {  	v16 =	vld [tilespmem:s16+$0xFFFFFE10];
	[tilespmem:s7+$0xFFFFFE80] =	vst v11;
	v11 =	vmul.f32 v13, v4  }
0x73e: {  	v13 =	vld [tilespmem:s16+$0xFFFFFE90];
	[tilespmem:s7+$0xFFFFFF00] =	vst v10;
	v10 =	vmul.f32 v14, v3  }
0x73f: {  	v14 =	vld [tilespmem:s16+$0xFFFFFF10];
	[tilespmem:s7+$0xFFFFFF80] =	vst v11;
	v11 =	vmul.f32 v15, v2  }
0x740: {  	v15 =	vld [tilespmem:s16+$0xFFFFFF90];
	[tilespmem:s7+$0x0] =	vst v10;
	v9 =	vmul.f32 v9, v1  }
0x741: {  	v10 =	vld [tilespmem:s16+$0x10];
	[tilespmem:s7+$0x80] =	vst v11;
	v11 =	vmul.f32 v12, v8  }
0x742: {  	v12 =	vmul.f32 v16, v7;
	v16 =	vld [tilespmem:s16+$0x90];
	[tilespmem:s7+$0x180] =	vst v9  }
0x743: {  	v9 =	vmul.f32 v13, v6;
	[tilespmem:s7+$0x110] =	vst v11;
	v11 =	vld [tilespmem:s16+$0x190]  }
0x744: {  	[tilespmem:s7+$0xFFFFFE10] =	vst v12;
	v12 =	vmul.f32 v14, v5;
	v13 =	vld [tilespmem:s16+$0x120]  }
0x745: {  	v14 =	vld [tilespmem:s16+$0xFFFFFE20];
	[tilespmem:s7+$0xFFFFFE90] =	vst v9;
	v9 =	vmul.f32 v15, v4  }
0x746: {  	v15 =	vld [tilespmem:s16+$0xFFFFFEA0];
	[tilespmem:s7+$0xFFFFFF10] =	vst v12;
	v10 =	vmul.f32 v10, v3  }
0x747: {  	v12 =	vld [tilespmem:s16+$0xFFFFFF20];
	[tilespmem:s7+$0xFFFFFF90] =	vst v9;
	v9 =	vmul.f32 v16, v2  }
0x748: {  	v16 =	vld [tilespmem:s16+$0xFFFFFFA0];
	[tilespmem:s7+$0x10] =	vst v10;
	v10 =	vmul.f32 v11, v1  }
0x749: {  	v11 =	vld [tilespmem:s16+$0x20];
	[tilespmem:s7+$0x90] =	vst v9;
	v9 =	vmul.f32 v13, v8  }
0x74a: {  	v13 =	vmul.f32 v14, v7;
	v14 =	vld [tilespmem:s16+$0xA0];
	[tilespmem:s7+$0x190] =	vst v10  }
0x74b: {  	v10 =	vmul.f32 v15, v6;
	[tilespmem:s7+$0x120] =	vst v9;
	v9 =	vld [tilespmem:s16+$0x1A0]  }
0x74c: {  	[tilespmem:s7+$0xFFFFFE20] =	vst v13;
	v12 =	vmul.f32 v12, v5;
	v13 =	vld [tilespmem:s16+$0x130]  }
0x74d: {  	v15 =	vld [tilespmem:s16+$0xFFFFFE30];
	[tilespmem:s7+$0xFFFFFEA0] =	vst v10;
	v10 =	vmul.f32 v16, v4  }
0x74e: {  	v16 =	vld [tilespmem:s16+$0xFFFFFEB0];
	[tilespmem:s7+$0xFFFFFF20] =	vst v12;
	v11 =	vmul.f32 v11, v3  }
0x74f: {  	v12 =	vld [tilespmem:s16+$0xFFFFFF30];
	[tilespmem:s7+$0xFFFFFFA0] =	vst v10;
	v10 =	vmul.f32 v14, v2  }
0x750: {  	v14 =	vld [tilespmem:s16+$0xFFFFFFB0];
	[tilespmem:s7+$0x20] =	vst v11;
	v9 =	vmul.f32 v9, v1  }
0x751: {  	v11 =	vld [tilespmem:s16+$0x30];
	[tilespmem:s7+$0xA0] =	vst v10;
	v10 =	vmul.f32 v13, v8  }
0x752: {  	v13 =	vmul.f32 v15, v7;
	v15 =	vld [tilespmem:s16+$0xB0];
	[tilespmem:s7+$0x1A0] =	vst v9  }
0x753: {  	v9 =	vmul.f32 v16, v6;
	[tilespmem:s7+$0x130] =	vst v10;
	v10 =	vld [tilespmem:s16+$0x1B0]  }
0x754: {  	[tilespmem:s7+$0xFFFFFE30] =	vst v13;
	v12 =	vmul.f32 v12, v5;
	v13 =	vld [tilespmem:s16+$0x140]  }
0x755: {  	v16 =	vld [tilespmem:s16+$0xFFFFFE40];
	[tilespmem:s7+$0xFFFFFEB0] =	vst v9;
	v9 =	vmul.f32 v14, v4  }
0x756: {  	v14 =	vld [tilespmem:s16+$0xFFFFFEC0];
	[tilespmem:s7+$0xFFFFFF30] =	vst v12;
	v11 =	vmul.f32 v11, v3  }
0x757: {  	v12 =	vld [tilespmem:s16+$0xFFFFFF40];
	[tilespmem:s7+$0xFFFFFFB0] =	vst v9;
	v9 =	vmul.f32 v15, v2  }
0x758: {  	v15 =	vld [tilespmem:s16+$0xFFFFFFC0];
	[tilespmem:s7+$0x30] =	vst v11;
	v10 =	vmul.f32 v10, v1  }
0x759: {  	v11 =	vld [tilespmem:s16+$0x40];
	[tilespmem:s7+$0xB0] =	vst v9;
	v9 =	vmul.f32 v13, v8  }
0x75a: {  	v13 =	vmul.f32 v16, v7;
	v16 =	vld [tilespmem:s16+$0xC0];
	[tilespmem:s7+$0x1B0] =	vst v10  }
0x75b: {  	v10 =	vmul.f32 v14, v6;
	[tilespmem:s7+$0x140] =	vst v9;
	v9 =	vld [tilespmem:s16+$0x1C0]  }
0x75c: {  	[tilespmem:s7+$0xFFFFFE40] =	vst v13;
	v12 =	vmul.f32 v12, v5;
	v13 =	vld [tilespmem:s16+$0x150]  }
0x75d: {  	v14 =	vld [tilespmem:s16+$0xFFFFFE50];
	[tilespmem:s7+$0xFFFFFEC0] =	vst v10;
	v10 =	vmul.f32 v15, v4  }
0x75e: {  	v15 =	vld [tilespmem:s16+$0xFFFFFED0];
	[tilespmem:s7+$0xFFFFFF40] =	vst v12;
	v11 =	vmul.f32 v11, v3  }
0x75f: {  	v12 =	vld [tilespmem:s16+$0xFFFFFF50];
	[tilespmem:s7+$0xFFFFFFC0] =	vst v10;
	v10 =	vmul.f32 v16, v2  }
0x760: {  	v16 =	vld [tilespmem:s16+$0xFFFFFFD0];
	[tilespmem:s7+$0x40] =	vst v11;
	v9 =	vmul.f32 v9, v1  }
0x761: {  	v17 =	vld [tilespmem:s16+$0x50];
	[tilespmem:s7+$0xC0] =	vst v10;
	v10 =	vmul.f32 v13, v8  }
0x762: {  	v11 =	vmul.f32 v14, v7;
	v14 =	vld [tilespmem:s16+$0xD0];
	[tilespmem:s7+$0x1C0] =	vst v9  }
0x763: {  	v9 =	vmul.f32 v15, v6;
	[tilespmem:s7+$0x150] =	vst v10;
	v18 =	vld [tilespmem:s16+$0x1D0]  }
.Ltmp12:
0x764: {  	[tilespmem:s7+$0xFFFFFE50] =	vst v11;
	v10 =	vmul.f32 v12, v5;
	v13 =	vld [tilespmem:s16+$0x160];
	(pc) =	sbr.rel @p3 .LBB2_21-.Ltmp12, $4  }
0x765: {  	v12 =	vld [tilespmem:s16+$0xFFFFFE60];
	[tilespmem:s7+$0xFFFFFED0] =	vst v9;
	v9 =	vmul.f32 v16, v4  }
0x766: {  	v11 =	vld [tilespmem:s16+$0xFFFFFEE0];
	[tilespmem:s7+$0xFFFFFF50] =	vst v10;
	v16 =	vmul.f32 v17, v3  }
0x767: {  	v10 =	vld [tilespmem:s16+$0xFFFFFF60];
	[tilespmem:s7+$0xFFFFFFD0] =	vst v9;
	v15 =	vmul.f32 v14, v2  }
0x768: {  	v9 =	vld [tilespmem:s16+$0xFFFFFFE0];
	[tilespmem:s7+$0x50] =	vst v16;
	v14 =	vmul.f32 v18, v1  }
0x769: {  	v16 =	vld [tilespmem:s16+$0x60];
	[tilespmem:s7+$0xD0] =	vst v15;
	v13 =	vmul.f32 v13, v8  }
0x76a: {  	v12 =	vmul.f32 v12, v7;
	v15 =	vld [tilespmem:s16+$0xE0];
	[tilespmem:s7+$0x1D0] =	vst v14  }
0x76b: {  	v11 =	vmul.f32 v11, v6;
	[tilespmem:s7+$0x160] =	vst v13;
	v49 =	vld [tilespmem:s16+$0x1E0]  }
0x76c: {  	[tilespmem:s7+$0xFFFFFE60] =	vst v12;
	v10 =	vmul.f32 v10, v5;
	v50 =	vld [tilespmem:s16+$0x170]  }
0x76d: {  	v51 =	vld [tilespmem:s16+$0xFFFFFE70];
	[tilespmem:s7+$0xFFFFFEE0] =	vst v11;
	v9 =	vmul.f32 v9, v4  }
0x76e: {  	v11 =	vld [tilespmem:s16+$0xFFFFFEF0];
	[tilespmem:s7+$0xFFFFFF60] =	vst v10;
	v52 =	vmul.f32 v16, v3  }
0x76f: {  	v53 =	vld [tilespmem:s16+$0xFFFFFF70];
	[tilespmem:s7+$0xFFFFFFE0] =	vst v9;
	v54 =	vmul.f32 v15, v2  }
0x770: {  	v55 =	vld [tilespmem:s16+$0xFFFFFFF0];
	[tilespmem:s7+$0x60] =	vst v52;
	v56 =	vmul.f32 v49, v1  }
0x771: {  	v57 =	vld [tilespmem:s16+$0x70];
	[tilespmem:s7+$0xE0] =	vst v54;
	v58 =	vmul.f32 v50, v8  }
0x772: {  	v59 =	vmul.f32 v51, v7;
	v9 =	vld [tilespmem:s16+$0xF0];
	[tilespmem:s7+$0x1E0] =	vst v56  }
0x773: {  	v60 =	vmul.f32 v11, v6;
	[tilespmem:s7+$0x170] =	vst v58;
	v61 =	vld [tilespmem:s16+$0x1F0]  }
0x774: {  	[tilespmem:s7+$0xFFFFFE70] =	vst v59;
	v62 =	vmul.f32 v53, v5  }
0x775: {  	[tilespmem:s7+$0xFFFFFEF0] =	vst v60;
	v63 =	vmul.f32 v55, v4  }
0x776: {  	[tilespmem:s7+$0xFFFFFF70] =	vst v62;
	v3 =	vmul.f32 v57, v3  }
0x777: {  	[tilespmem:s7+$0xFFFFFFF0] =	vst v63;
	v2 =	vmul.f32 v9, v2  }
0x778: {  	[tilespmem:s7+$0x70] =	vst v3;
	v1 =	vmul.f32 v61, v1  }
0x779: {  	[tilespmem:s7+$0xF0] =	vst v2  }
0x77a: {  	s28 =	simm.s32 $0x13D80;
	s8 =	simm.s32 $0x1BE80;
	[tilespmem:s7+$0x1F0] =	vst v1  }
0x77b: {  	[spmem:s5] =	stream.indirect.scatter.add.f32 [tilespmem:s8], [sflag:$0xB], $0x80, s28, s23, $0xb8;
	[tilespmem:$0x1FE80] =	vst v63  }
0x77c: {  	_ =	swait.ge [sflag:s11], $0x2000  }
0x77d: {  	[sflag:s11] =	ssyncset.done $0x0  }
0x77e: {  	[sflag:s11] =	ssyncadd.s32 $0xFFFFE000  }
0x77f: {  	_ =	swait.ge [sflag:s20], $0x2000  }
0x780: {  	[sflag:s20] =	ssyncset.done $0x0  }
0x781: {  	[sflag:s20] =	ssyncadd.s32 $0xFFFFE000  }
0x782: {  	_ =	swait.ge [sflag:s26], $0x2000  }
0x783: {  	[sflag:s26] =	ssyncset.done $0x0  }
0x784: {  	[sflag:s26] =	ssyncadd.s32 $0xFFFFE000  }
0x785: {  	_ =	swait.ge [sflag:s31], $0x2000  }
0x786: {  	[sflag:s31] =	ssyncset.done $0x0  }
0x787: {  	[sflag:s31] =	ssyncadd.s32 $0xFFFFE000  }
0x788: {  	_ =	swait.ge [sflag:s9], $0x100  }
0x789: {  	[sflag:s9] =	ssyncset.done $0x0  }
0x78a: {  	[sflag:s9] =	ssyncadd.s32 $0xFFFFFF00  }
0x78b: {  	_ =	swait.ge [sflag:s14], $0x80  }
0x78c: {  	[sflag:s14] =	ssyncset.done $0x0  }
0x78d: {  	[sflag:s14] =	ssyncadd.s32 $0xFFFFFF80  }
.Ltmp13:
0x78e: {  	_ =	swait.ge [sflag:s19], $0x80;
	(pc) =	sbr.rel .LBB2_24-.Ltmp13, $3  }
0x78f: {  	[sflag:s19] =	ssyncset.done $0x0  }
0x790: {  	[sflag:s19] =	ssyncadd.s32 $0xFFFFFF80  }
0x791: {  	[bflag:$0x0] =	sbarrier.arrive $0xFFFF;
	_ =	sdelay $0x1  }
.LBB2_23:
0x792: {  	_ =	swait.ge [sflag:s10], $0x2000  }
0x793: {  	[sflag:s10] =	ssyncset.done $0x0  }
0x794: {  	[sflag:s10] =	ssyncadd.s32 $0xFFFFE000  }
0x795: {  	_ =	swait.ge [sflag:s31], $0x2000  }
0x796: {  	[sflag:s31] =	ssyncset.done $0x0  }
0x797: {  	[sflag:s31] =	ssyncadd.s32 $0xFFFFE000  }
0x798: {  	_ =	swait.ge [sflag:s11], $0x2000  }
0x799: {  	[sflag:s11] =	ssyncset.done $0x0  }
0x79a: {  	[sflag:s11] =	ssyncadd.s32 $0xFFFFE000  }
0x79b: {  	_ =	swait.ge [sflag:s20], $0x2000  }
0x79c: {  	[sflag:s20] =	ssyncset.done $0x0  }
0x79d: {  	[sflag:s20] =	ssyncadd.s32 $0xFFFFE000  }
0x79e: {  	_ =	swait.ge [sflag:s9], $0x100  }
0x79f: {  	[sflag:s9] =	ssyncset.done $0x0  }
0x7a0: {  	[sflag:s9] =	ssyncadd.s32 $0xFFFFFF00  }
0x7a1: {  	_ =	swait.ge [sflag:s4], $0x80  }
0x7a2: {  	[sflag:s4] =	ssyncset.done $0x0  }
0x7a3: {  	[sflag:s4] =	ssyncadd.s32 $0xFFFFFF80  }
0x7a4: {  	_ =	swait.ge [sflag:s14], $0x80  }
0x7a5: {  	[sflag:s14] =	ssyncset.done $0x0  }
0x7a6: {  	[sflag:s14] =	ssyncadd.s32 $0xFFFFFF80  }
.Ltmp14:
0x7a7: {  	_ =	swait.ge [sflag:s19], $0x80;
	(pc) =	sbr.rel @p1 .LBB2_25-.Ltmp14, $3  }
0x7a8: {  	[sflag:s19] =	ssyncset.done $0x0  }
0x7a9: {  	[sflag:s19] =	ssyncadd.s32 $0xFFFFFF80  }
0x7aa: {  	[bflag:$0x0] =	sbarrier.arrive $0xFFFF;
	_ =	sdelay $0x1  }
.LBB2_24:
0x7ab: {  	s12 =	stileid.u32  }
0x7ac: {  	s16 =	rddreg [dreg:$0xb];
	s7 =	sshll.u32 @p0 s12, $0x6  }
0x7ad: {  	s21 =	rddreg [dreg:$0x15];
	s8 =	sshrl.u32 @p0 s16, $0x3;
	s7 =	sor.u32 @p0 $0x1C0D, s7  }
0x7ae: {  	[hbm:s21], [sflag:s7] =	dma.local @p0 [spmem:s8], $0x2700  }
0x7af: {  	s7 =	simm.s32 @p0 $0xD  }
0x7b0: {  	_ =	swait.ge @p0 [sflag:s7], $0x2700  }
0x7b1: {  	s8 =	sshll.u32 @!p0 s12, $0x6;
	[sflag:s7] =	ssyncset.done @p0 $0x0;
	s12 =	rddreg [dreg:$0x14]  }
0x7b2: {  	[sflag:s7] =	ssyncadd.s32 @p0 $0xFFFFD900;
	s7 =	sor.u32 @!p0 $0x1C0D, s8;
	s8 =	sshrl.u32 @!p0 s16, $0x3  }
0x7b3: {  	[hbm:s12], [sflag:s7] =	dma.local @!p0 [spmem:s8], $0x2700  }
.Ltmp15:
0x7b4: {  	_ = 	snop;
	(pc) =	sbr.rel .LBB2_26-.Ltmp15, $4  }
0x7b5: {  	s7 =	simm.s32 @!p0 $0xD  }
0x7b6: {  	_ =	swait.ge @!p0 [sflag:s7], $0x2700  }
0x7b7: {  	[sflag:s7] =	ssyncset.done @!p0 $0x0  }
0x7b8: {  	s8 =	sld [smem:$0x7F5];
	[sflag:s7] =	ssyncadd.s32 @!p0 $0xFFFFD900  }
.LBB2_27:
0x7b9: {  	_ =	sfence.sel $0x180000  }
0x7ba: {  	[bflag:$0x0] =	sbarrier.arrive $0xFFFF  }
0x7bb: {  	_ =	strace $0x90000047  }
0x7bc: {  	s0 =	stileid.u32;
	[bflag:$0x2] =	sbarrier.arrive $0xFFFF  }
0x7bd: {  	p0 =	sne.s32 s0, $0x0;
	s0 =	rddreg [dreg:$0x5]  }
0x7be: {  	s0 =	sadd.s32 @!p0 $0x100000, s0  }
0x7bf: {  	[sflag:s0] =	ssyncadd.tile.s32 @!p0 $0x1;
	_ =	shalt  }
.Lfunc_end2:
_tile_overlayer_lowered:
.L_overlay_start_2:
0x7c0: {  	(tag) =	ssettag $0x2  }
0x7c1: {  	s0 =	rddreg [dreg:$0x0];
	s2 =	stileid.u32  }
0x7c2: {  	s1 =	rddreg [dreg:$0x1];
	p0 =	sne.s32 s2, $0x0  }
0x7c3: {  	s3 =	rddreg [dreg:$0x2];
	[bflag:$0x3] =	sbarrier.arrive $0xFFFF;
	s2 =	simm.s32 @!p0 $0x1C0D  }
0x7c4: {  	[timem:s3], [sflag:s2] =	dma.local @!p0 [hbm:s0], s1  }
0x7c5: {  	s0 =	simm.s32 @!p0 $0xD  }
0x7c6: {  	_ =	swait.ge @!p0 [sflag:s0], s1  }
0x7c7: {  	s1 =	ssub.s32 @!p0 $0x0, s1;
	[sflag:s0] =	ssyncset.done @!p0 $0x0  }
0x7c8: {  	[sflag:s0] =	ssyncadd.s32 @!p0 s1  }
0x7c9: {  	[bflag:$0x3] =	sbarrier.arrive $0xFFFF  }
0x7ca: {  	_ =	shalt  }

</sc_bundles>
